<compile_context>
chip_gen: v7x
topology: tpu7x:2x2x1
jax: 0.10.2.dev20260603
libtpu: 0.0.44.dev20260713+nightly
codegen_flags: <defaults>
</compile_context>

<pallas_src>
import functools
import math

import jax
import jax.numpy as jnp
from jax import lax
from jax.experimental import pallas as pl
from jax.experimental.pallas import tpu as pltpu
from jax.experimental.pallas import tpu_sc as plsc

N = 10000
NP = 10240
E = 320000
EPS = 1e-5
S_BN = 1.0 / math.sqrt(1.0 + EPS)

NC, NS = 2, 16
NW = NC * NS
CE = 8000
CED = 2000

BN = 2048
NB = NP // BN


def _mesh():
    return plsc.VectorSubcoreMesh(
        core_axis_name="c", subcore_axis_name="s", num_cores=NC, num_subcores=NS
    )



def _deg_body(eif_h, ew_h, out_h, rcp_h, wp_h,
              deg_v, rowb_v, colb_v, rcpb_v, ewb_v, wpb_v):
    c = lax.axis_index("c")
    s = lax.axis_index("s")
    wid = s * NC + c
    zeros = jnp.zeros((16,), jnp.float32)

    def zero_b(i, _):
        deg_v[pl.ds(i * 16, 16)] = zeros
        return 0

    lax.fori_loop(0, NP // 16, zero_b, 0)

    ones = jnp.ones((16,), jnp.float32)
    grp = CE // 16
    ncht = E // CE

    for t in range((ncht + NW - 1) // NW):
        ch = wid + t * NW

        @pl.when(ch < ncht)
        def _do():
            eb = ch * CE
            pltpu.sync_copy(eif_h.at[pl.ds(eb, CE)], rowb_v)
            pltpu.sync_copy(eif_h.at[pl.ds(E + eb, CE)], colb_v)
            pltpu.sync_copy(ew_h.at[pl.ds(eb, CE)], ewb_v)

            @plsc.parallel_loop(0, grp, 1, unroll=2)
            def grp_b(g):
                off = g * 16
                r = rowb_v[pl.ds(off, 16)]
                ci = colb_v[pl.ds(off, 16)]
                rcpb_v[pl.ds(off, 16)] = r | (ci << 14)
                plsc.addupdate_scatter(deg_v, [r], ones)

            @plsc.parallel_loop(0, grp // 2, 1, unroll=2)
            def wp_b(k):
                off = k * 16
                ua = plsc.bitcast(ewb_v[pl.ds(off, 16)], jnp.int32) + 0x8000
                ub = plsc.bitcast(ewb_v[pl.ds(CE // 2 + off, 16)],
                                  jnp.int32) + 0x8000
                wpb_v[pl.ds(off, 16)] = (
                    lax.shift_right_logical(ua, 16) | (ub & jnp.int32(-65536)))

            pltpu.sync_copy(rcpb_v, rcp_h.at[pl.ds(eb, CE)])
            pltpu.sync_copy(
                wpb_v, wp_h.at[pl.ds(pl.multiple_of(eb // 2, 8), CE // 2)])

    pltpu.sync_copy(deg_v, out_h.at[wid])


_SC_PARAMS = pltpu.CompilerParams(needs_layout_passes=False)

_deg_call = pl.kernel(
    _deg_body,
    out_type=[
        jax.ShapeDtypeStruct((NW, NP), jnp.float32),
        jax.ShapeDtypeStruct((E,), jnp.int32),
        jax.ShapeDtypeStruct((E // 2,), jnp.int32),
    ],
    mesh=_mesh(),
    compiler_params=_SC_PARAMS,
    scratch_types=[
        pltpu.VMEM((NP,), jnp.float32),
        pltpu.VMEM((CE,), jnp.int32),
        pltpu.VMEM((CE,), jnp.int32),
        pltpu.VMEM((CE,), jnp.int32),
        pltpu.VMEM((CE,), jnp.float32),
        pltpu.VMEM((CE // 2,), jnp.int32),
    ],
)



def _conv_body(C, ESPLIT, z_h, rcp_h, wp_h, out_h, zb, acc,
               rcb0, rcb1, wpb0, wpb1, zsem, rs0, rs1, es0, es1):
    NFG = NW // ESPLIT
    F = C // NFG
    F2 = F // 2
    half = C // 2
    FNP = F * NP
    c = lax.axis_index("c")
    s = lax.axis_index("s")
    if ESPLIT == 2:
        q, fg = c, s
    else:
        q = c * 2 + (s & 1)
        fg = lax.shift_right_logical(s, 1)
    epart = E // ESPLIT
    base = q * epart
    nch = epart // CE

    zdesc = pltpu.async_copy(z_h.at[pl.ds(fg * F2 * NP, F2 * NP)], zb, zsem)

    zeros = jnp.zeros((16,), jnp.float32)

    @plsc.parallel_loop(0, FNP // 16, 1, unroll=8)
    def zero_b(i):
        acc[pl.ds(i * 16, 16)] = zeros

    zdesc.wait()

    def start(rcb_s, wpb_s, rs, es, i):
        eb = base + i * CE
        pltpu.async_copy(rcp_h.at[pl.ds(eb, CE)], rcb_s, rs)
        pltpu.async_copy(
            wp_h.at[pl.ds(pl.multiple_of(eb // 2, 8), CE // 2)], wpb_s, es)

    def wait(rcb_s, wpb_s, rs, es):
        pltpu.make_async_copy(rcp_h.at[pl.ds(base, CE)], rcb_s, rs).wait()
        pltpu.make_async_copy(wp_h.at[pl.ds(base, CE // 2)], wpb_s, es).wait()

    grp = CE // 16

    def process(rcb_s, wpb_s):
        @plsc.parallel_loop(0, grp // 2, 1, unroll=2)
        def grp_b(k):
            off = k * 16
            wpv = wpb_s[pl.ds(off, 16)]
            wa = plsc.bitcast(jnp.left_shift(wpv, 16), jnp.float32)
            wb = plsc.bitcast(wpv & jnp.int32(-65536), jnp.float32)
            for off2, w in ((off, wa), (CE // 2 + off, wb)):
                rc = rcb_s[pl.ds(off2, 16)]
                r = rc & 0x3FFF
                ci = lax.shift_right_logical(rc, 14)
                for j in range(F2):
                    vp = plsc.load_gather(zb.at[pl.ds(j * NP, NP)], [r])
                    va = plsc.bitcast(jnp.left_shift(vp, 16), jnp.float32) * w
                    vb = plsc.bitcast(vp & jnp.int32(-65536), jnp.float32) * w
                    plsc.addupdate_scatter(acc.at[pl.ds(j * NP, NP)], [ci], va)
                    plsc.addupdate_scatter(
                        acc.at[pl.ds((F2 + j) * NP, NP)], [ci], vb)

    start(rcb0, wpb0, rs0, es0, 0)
    start(rcb1, wpb1, rs1, es1, 1)

    def pair_b(k, _):
        i0 = 2 * k
        wait(rcb0, wpb0, rs0, es0)
        process(rcb0, wpb0)

        @pl.when(i0 + 2 < nch)
        def _n0():
            start(rcb0, wpb0, rs0, es0, i0 + 2)

        wait(rcb1, wpb1, rs1, es1)
        process(rcb1, wpb1)

        @pl.when(i0 + 3 < nch)
        def _n1():
            start(rcb1, wpb1, rs1, es1, i0 + 3)

        return 0

    lax.fori_loop(0, nch // 2, pair_b, 0)
    pltpu.sync_copy(acc.at[pl.ds(0, F2 * NP)],
                    out_h.at[pl.ds(q * (C * NP) + fg * F2 * NP, F2 * NP)])
    pltpu.sync_copy(
        acc.at[pl.ds(F2 * NP, F2 * NP)],
        out_h.at[pl.ds(q * (C * NP) + (half + fg * F2) * NP, F2 * NP)])


def _make_conv(C, ESPLIT):
    F = C // (NW // ESPLIT)
    return pl.kernel(
        functools.partial(_conv_body, C, ESPLIT),
        out_type=jax.ShapeDtypeStruct((ESPLIT * C * NP,), jnp.float32),
        mesh=_mesh(),
        compiler_params=_SC_PARAMS,
        scratch_types=[
            pltpu.VMEM((F // 2 * NP,), jnp.int32),
            pltpu.VMEM((F * NP,), jnp.float32),
            pltpu.VMEM((CE,), jnp.int32),
            pltpu.VMEM((CE,), jnp.int32),
            pltpu.VMEM((CE // 2,), jnp.int32),
            pltpu.VMEM((CE // 2,), jnp.int32),
            pltpu.SemaphoreType.DMA,
            pltpu.SemaphoreType.DMA,
            pltpu.SemaphoreType.DMA,
            pltpu.SemaphoreType.DMA,
            pltpu.SemaphoreType.DMA,
        ],
    )


_conv64 = _make_conv(64, 2)
_conv32 = _make_conv(32, 4)



def _pack_pairs(z):
    half = z.shape[0] // 2
    au = lax.bitcast_convert_type(
        z[:half].astype(jnp.bfloat16), jnp.uint16).astype(jnp.uint32)
    bu = lax.bitcast_convert_type(
        z[half:].astype(jnp.bfloat16), jnp.uint16).astype(jnp.uint32)
    return lax.bitcast_convert_type(au | (bu << 16), jnp.int32)


def _prep_body(degp, xT, W0, g0, dinv_o, z0_o):
    deg = jnp.sum(degp[...], axis=0, keepdims=True)
    dinv = jnp.where(deg > 0, lax.rsqrt(jnp.maximum(deg, 1.0)), 0.0)
    dinv_o[...] = dinv
    Wf = (S_BN * g0[...]) * W0[...]
    mm = lax.dot_general(Wf, xT[...], (((1,), (0,)), ((), ())),
                         preferred_element_type=jnp.float32)
    z0_o[...] = _pack_pairs(mm * dinv)


def _full(shape):
    return pl.BlockSpec(shape, lambda i: tuple(0 for _ in shape))


_prep_call = pl.pallas_call(
    _prep_body,
    grid=(NB,),
    in_specs=[
        pl.BlockSpec((NW, BN), lambda i: (0, i)),
        pl.BlockSpec((128, BN), lambda i: (0, i)),
        _full((64, 128)),
        _full((64, 1)),
    ],
    out_specs=[
        pl.BlockSpec((1, BN), lambda i: (0, i)),
        pl.BlockSpec((32, BN), lambda i: (0, i)),
    ],
    out_shape=[
        jax.ShapeDtypeStruct((1, NP), jnp.float32),
        jax.ShapeDtypeStruct((32, NP), jnp.int32),
    ],
)


def _mid_body(scale_next, P, dinv, g, b, be, Wn, gn, z_o):
    Pb = P[...]
    ps = Pb[0] + Pb[1]
    dv = dinv[...]
    bf = S_BN * g[...] * b[...] + be[...]
    X = jnp.maximum(dv * ps + bf, 0.0)
    if scale_next:
        Wf = (S_BN * gn[...]) * Wn[...]
    else:
        Wf = Wn[...]
    mm = lax.dot_general(Wf, X, (((1,), (0,)), ((), ())),
                         preferred_element_type=jnp.float32)
    z_o[...] = _pack_pairs(mm * dv)


def _make_mid(C, C2, scale_next):
    return pl.pallas_call(
        functools.partial(_mid_body, scale_next),
        grid=(NB,),
        in_specs=[
            pl.BlockSpec((NC, C, BN), lambda i: (0, 0, i)),
            pl.BlockSpec((1, BN), lambda i: (0, i)),
            _full((C, 1)),
            _full((C, 1)),
            _full((C, 1)),
            _full((C2, C)),
            _full((C2, 1)),
        ],
        out_specs=pl.BlockSpec((C2 // 2, BN), lambda i: (0, i)),
        out_shape=jax.ShapeDtypeStruct((C2 // 2, NP), jnp.int32),
    )


_mid1 = _make_mid(64, 64, True)
_mid2 = _make_mid(64, 32, False)


def _final_body(P, dinv, b2, s_o):
    Pb = P[...]
    s_o[...] = dinv[...] * ((Pb[0] + Pb[1]) + (Pb[2] + Pb[3])) + b2[...]


_final_call = pl.pallas_call(
    _final_body,
    grid=(NB,),
    in_specs=[
        pl.BlockSpec((4, 32, BN), lambda i: (0, 0, i)),
        pl.BlockSpec((1, BN), lambda i: (0, i)),
        _full((32, 1)),
    ],
    out_specs=pl.BlockSpec((32, BN), lambda i: (0, i)),
    out_shape=jax.ShapeDtypeStruct((32, NP), jnp.float32),
)



def kernel(node_features, edge_index, edge_weights, W0, b0, g0, be0,
           W1, b1, g1, be1, W2, b2):
    ei = edge_index.astype(jnp.int32)
    ew = edge_weights
    xT = jnp.pad(node_features.T, ((0, 0), (0, NP - N)))

    degp, rcp, wp = _deg_call(ei.reshape(-1), ew)
    dinv, Z0 = _prep_call(degp, xT, W0, g0.reshape(64, 1))

    P = _conv64(Z0.reshape(-1), rcp, wp).reshape(NC, 64, NP)
    Z1 = _mid1(P, dinv, g0.reshape(64, 1), b0.reshape(64, 1),
               be0.reshape(64, 1), W1, g1.reshape(64, 1))
    P = _conv64(Z1.reshape(-1), rcp, wp).reshape(NC, 64, NP)
    Z2 = _mid2(P, dinv, g1.reshape(64, 1), b1.reshape(64, 1),
               be1.reshape(64, 1), W2, g1.reshape(64, 1))
    P = _conv32(Z2.reshape(-1), rcp, wp).reshape(4, 32, NP)
    S = _final_call(P, dinv, b2.reshape(32, 1))
    return S.T[:N]

# --- scband reference (transcript-rebuilt; emitter-appended) ---
"""Pipeline reference for scband-graph-neural-network-78314433675855 (READ-ONLY COPY).

The authoritative reference and input builder live on the scoring server;
editing this copy changes nothing except your own understanding.
"""

import jax, jax.numpy as jnp
import numpy as np

EPS = 1e-5

def setup_inputs(seed: int = 0) -> dict:
    key = jax.random.key(seed)
    ks = jax.random.split(key, 13)
    N, E = 10000, 320000
    node_features = jax.random.normal(ks[0], (N, 128), dtype=jnp.float32)
    edge_index = jax.random.randint(ks[1], (2, E), 0, N)
    edge_weights = jax.random.uniform(ks[2], (E,), dtype=jnp.float32)
    # Learned params sized per init_kwargs: input_dim=128, hidden_dim=64, output_dim=32, num_layers=3
    W0 = jax.random.normal(ks[3], (64, 128), dtype=jnp.float32) * 0.05
    b0 = jnp.zeros((64,), dtype=jnp.float32)
    g0 = jnp.ones((64,), dtype=jnp.float32)
    be0 = jnp.zeros((64,), dtype=jnp.float32)
    W1 = jax.random.normal(ks[4], (64, 64), dtype=jnp.float32) * 0.05
    b1 = jnp.zeros((64,), dtype=jnp.float32)
    g1 = jnp.ones((64,), dtype=jnp.float32)
    be1 = jnp.zeros((64,), dtype=jnp.float32)
    W2 = jax.random.normal(ks[5], (32, 64), dtype=jnp.float32) * 0.05
    b2 = jnp.zeros((32,), dtype=jnp.float32)
    return {"node_features": node_features, "edge_index": edge_index, "edge_weights": edge_weights,
            "W0": W0, "b0": b0, "g0": g0, "be0": be0,
            "W1": W1, "b1": b1, "g1": g1, "be1": be1,
            "W2": W2, "b2": b2}

def _graph_conv(x, row, col, edge_weights):
    # deg = bincount(row, minlength=N); deg_inv_sqrt with inf->0
    deg = jnp.bincount(row, length=x.shape[0]).astype(jnp.float32)
    deg_inv_sqrt = jnp.where(deg > 0, 1.0 / jnp.sqrt(jnp.maximum(deg, 1.0)), 0.0)
    w = deg_inv_sqrt[row] * edge_weights * deg_inv_sqrt[col]
    # out[dst] += w * x[src]  (src=row, dst=col)
    return jnp.zeros_like(x).at[col].add(w[:, None] * x[row])

def _bn_eval(x, gamma, beta):
    # BatchNorm1d in eval mode with running_mean=0, running_var=1
    return (x / jnp.sqrt(1.0 + EPS)) * gamma + beta

def reference(node_features, edge_index, edge_weights, W0, b0, g0, be0, W1, b1, g1, be1, W2, b2):
    row, col = edge_index[0], edge_index[1]
    x = node_features
    # layer 0
    x = _graph_conv(x, row, col, edge_weights)
    x = x @ W0.T + b0
    x = _bn_eval(x, g0, be0)
    x = jax.nn.relu(x)
    # dropout: identity in eval mode
    # layer 1
    x = _graph_conv(x, row, col, edge_weights)
    x = x @ W1.T + b1
    x = _bn_eval(x, g1, be1)
    x = jax.nn.relu(x)
    # final layer
    x = _graph_conv(x, row, col, edge_weights)
    x = x @ W2.T + b2
    return x

if __name__ == "__main__":
    import jax
    _d = setup_inputs()
    print(jax.jit(kernel)(*tuple(_d.values())))

</pallas_src>

<mosaic_0001>
#map = affine_map<(d0, d1) -> (0)>
#map1 = affine_map<(d0, d1) -> (0, 0)>
module attributes {stable_mosaic.version = 14 : i64} {
  func.func @_deg_body(%arg0: i32, %arg1: i32, %arg2: memref<640000xi32, #tpu.memory_space<hbm>>, %arg3: memref<320000xf32, #tpu.memory_space<hbm>>, %arg4: memref<32x10240xf32, #tpu.memory_space<hbm>>, %arg5: memref<320000xi32, #tpu.memory_space<hbm>>, %arg6: memref<160000xi32, #tpu.memory_space<hbm>>, %arg7: memref<10240xf32, #tpu.memory_space<vmem>>, %arg8: memref<8000xi32, #tpu.memory_space<vmem>>, %arg9: memref<8000xi32, #tpu.memory_space<vmem>>, %arg10: memref<8000xi32, #tpu.memory_space<vmem>>, %arg11: memref<8000xf32, #tpu.memory_space<vmem>>, %arg12: memref<4000xi32, #tpu.memory_space<vmem>>) attributes {dimension_semantics = [#tpu.dimension_semantics<core_parallel>, #tpu.dimension_semantics<subcore_parallel>], iteration_bounds = array<i64: 2, 16>, scalar_prefetch = 0 : i64, scratch_operands = 6 : i64, tpu.core_type = #tpu.core_type<sc_vector_subcore>, window_params = [{transform_indices = #map}, {transform_indices = #map}, {transform_indices = #map1}, {transform_indices = #map}, {transform_indices = #map}]} {
    %mul3A = arith.constant 2 : i32
    %mul3A_0 = arith.muli %arg1, %mul3A : i32
    %add3A = arith.addi %mul3A_0, %arg0 : i32
    %broadcast_in_dim3A = arith.constant 0.000000e+00 : f32
    %broadcast_in_dim3A_1 = vector.broadcast %broadcast_in_dim3A : f32 to vector<16xf32>
    %scan3A = arith.constant 0 : i32
    %scan3A_2 = arith.constant 0 : i32
    %scan3A_3 = arith.constant 640 : i32
    %scan3A_4 = arith.addi %scan3A_2, %scan3A_3 : i32
    %scan3A_5 = arith.constant 1 : i32
    %scan3A_6 = scf.for %scan3A_21 = %scan3A_2 to %scan3A_4 step %scan3A_5 iter_args(%scan3A_22 = %scan3A) -> (i32)  : i32 {
      %mul3A_23 = arith.constant 16 : i32
      %mul3A_24 = arith.muli %scan3A_21, %mul3A_23 : i32
      %swap3A = arith.index_cast %mul3A_24 : i32 to index
      %swap3A_25 = tpu.vector_load %arg7[%swap3A] {strides = array<i32>} : memref<10240xf32, #tpu.memory_space<vmem>>, vector<16xf32>,
      tpu.vector_store %arg7[%swap3A], %broadcast_in_dim3A_1 {strides = array<i32>} : memref<10240xf32, #tpu.memory_space<vmem>>, vector<16xf32>,
      %scan3A_26 = arith.constant 0 : i32
      scf.yield %scan3A_26 : i32
    }
    %scan3A_7 = arith.constant 640 : i32
    %broadcast_in_dim3A_8 = arith.constant 1.000000e+00 : f32
    %broadcast_in_dim3A_9 = vector.broadcast %broadcast_in_dim3A_8 : f32 to vector<16xf32>
    %add3A_10 = arith.constant 0 : i32
    %add3A_11 = arith.addi %add3A, %add3A_10 : i32
    %lt3A = arith.constant 40 : i32
    %lt3A_12 = arith.cmpi slt, %add3A_11, %lt3A : i32
    %convert_element_type3A = arith.extui %lt3A_12 : i1 to i32
    %cond3A = arith.constant 0 : i32
    %cond3A_13 = arith.cmpi ne, %convert_element_type3A, %cond3A : i32
    scf.if %cond3A_13 {
      %mul3A_21 = arith.constant 8000 : i32
      %mul3A_22 = arith.muli %add3A_11, %mul3A_21 : i32
      "tpu.region"() ({
        %run_scoped3A = tpu.sem_alloc : memref<!tpu.dma_semaphore, #tpu.memory_space<semaphore_mem>>
        %dma_start3A = tpu.memref_slice %arg2[%mul3A_22] : memref<640000xi32, #tpu.memory_space<hbm>> -> memref<8000xi32, #tpu.memory_space<hbm>>
        %dma_start3A_46 = tpu.memref_slice %arg2[%mul3A_22] : memref<640000xi32, #tpu.memory_space<hbm>> -> memref<8000xi32, #tpu.memory_space<hbm>>
        tpu.enqueue_dma source(%dma_start3A_46 : memref<8000xi32, #tpu.memory_space<hbm>>) target(%arg8 : memref<8000xi32, #tpu.memory_space<vmem>>) target_semaphore(%run_scoped3A : memref<!tpu.dma_semaphore, #tpu.memory_space<semaphore_mem>>)
        %dma_wait3A = tpu.memref_slice %arg2[%mul3A_22] : memref<640000xi32, #tpu.memory_space<hbm>> -> memref<8000xi32, #tpu.memory_space<hbm>>
        %dma_wait3A_47 = tpu.memref_slice %arg2[%mul3A_22] : memref<640000xi32, #tpu.memory_space<hbm>> -> memref<8000xi32, #tpu.memory_space<hbm>>
        tpu.wait_dma2 semaphore(%run_scoped3A : memref<!tpu.dma_semaphore, #tpu.memory_space<semaphore_mem>>) src(%dma_wait3A_47 : memref<8000xi32, #tpu.memory_space<hbm>>) dst(%arg8 : memref<8000xi32, #tpu.memory_space<vmem>>)
        tpu.yield
      }) : () -> ()
      %add3A_23 = arith.constant 320000 : i32
      %add3A_24 = arith.addi %add3A_23, %mul3A_22 : i32
      "tpu.region"() ({
        %run_scoped3A = tpu.sem_alloc : memref<!tpu.dma_semaphore, #tpu.memory_space<semaphore_mem>>
        %dma_start3A = tpu.memref_slice %arg2[%add3A_24] : memref<640000xi32, #tpu.memory_space<hbm>> -> memref<8000xi32, #tpu.memory_space<hbm>>
        %dma_start3A_46 = tpu.memref_slice %arg2[%add3A_24] : memref<640000xi32, #tpu.memory_space<hbm>> -> memref<8000xi32, #tpu.memory_space<hbm>>
        tpu.enqueue_dma source(%dma_start3A_46 : memref<8000xi32, #tpu.memory_space<hbm>>) target(%arg9 : memref<8000xi32, #tpu.memory_space<vmem>>) target_semaphore(%run_scoped3A : memref<!tpu.dma_semaphore, #tpu.memory_space<semaphore_mem>>)
        %dma_wait3A = tpu.memref_slice %arg2[%add3A_24] : memref<640000xi32, #tpu.memory_space<hbm>> -> memref<8000xi32, #tpu.memory_space<hbm>>
        %dma_wait3A_47 = tpu.memref_slice %arg2[%add3A_24] : memref<640000xi32, #tpu.memory_space<hbm>> -> memref<8000xi32, #tpu.memory_space<hbm>>
        tpu.wait_dma2 semaphore(%run_scoped3A : memref<!tpu.dma_semaphore, #tpu.memory_space<semaphore_mem>>) src(%dma_wait3A_47 : memref<8000xi32, #tpu.memory_space<hbm>>) dst(%arg9 : memref<8000xi32, #tpu.memory_space<vmem>>)
        tpu.yield
      }) : () -> ()
      "tpu.region"() ({
        %run_scoped3A = tpu.sem_alloc : memref<!tpu.dma_semaphore, #tpu.memory_space<semaphore_mem>>
        %dma_start3A = tpu.memref_slice %arg3[%mul3A_22] : memref<320000xf32, #tpu.memory_space<hbm>> -> memref<8000xf32, #tpu.memory_space<hbm>>
        %dma_start3A_46 = tpu.memref_slice %arg3[%mul3A_22] : memref<320000xf32, #tpu.memory_space<hbm>> -> memref<8000xf32, #tpu.memory_space<hbm>>
        tpu.enqueue_dma source(%dma_start3A_46 : memref<8000xf32, #tpu.memory_space<hbm>>) target(%arg11 : memref<8000xf32, #tpu.memory_space<vmem>>) target_semaphore(%run_scoped3A : memref<!tpu.dma_semaphore, #tpu.memory_space<semaphore_mem>>)
        %dma_wait3A = tpu.memref_slice %arg3[%mul3A_22] : memref<320000xf32, #tpu.memory_space<hbm>> -> memref<8000xf32, #tpu.memory_space<hbm>>
        %dma_wait3A_47 = tpu.memref_slice %arg3[%mul3A_22] : memref<320000xf32, #tpu.memory_space<hbm>> -> memref<8000xf32, #tpu.memory_space<hbm>>
        tpu.wait_dma2 semaphore(%run_scoped3A : memref<!tpu.dma_semaphore, #tpu.memory_space<semaphore_mem>>) src(%dma_wait3A_47 : memref<8000xf32, #tpu.memory_space<hbm>>) dst(%arg11 : memref<8000xf32, #tpu.memory_space<vmem>>)
        tpu.yield
      }) : () -> ()
      %parallel_loop3A = arith.constant 0 : i32
      %parallel_loop3A_25 = arith.constant 500 : i32
      %parallel_loop3A_26 = arith.constant 1 : i32
      scf.for %parallel_loop3A_46 = %parallel_loop3A to %parallel_loop3A_25 step %parallel_loop3A_26  : i32 {
        %parallel_loop3A_47 = arith.constant 16 : i32
        %parallel_loop3A_48 = arith.muli %parallel_loop3A_46, %parallel_loop3A_47 : i32
        %parallel_loop3A_49 = arith.index_cast %parallel_loop3A_48 : i32 to index
        %parallel_loop3A_50 = tpu.vector_load %arg8[%parallel_loop3A_49] {strides = array<i32>} : memref<8000xi32, #tpu.memory_space<vmem>>, vector<16xi32>,
        %parallel_loop3A_51 = arith.index_cast %parallel_loop3A_48 : i32 to index
        %parallel_loop3A_52 = tpu.vector_load %arg9[%parallel_loop3A_51] {strides = array<i32>} : memref<8000xi32, #tpu.memory_space<vmem>>, vector<16xi32>,
        %parallel_loop3A_53 = arith.constant 14 : i32
        %parallel_loop3A_54 = vector.broadcast %parallel_loop3A_53 : i32 to vector<16xi32>
        %parallel_loop3A_55 = arith.shli %parallel_loop3A_52, %parallel_loop3A_54 : vector<16xi32>
        %parallel_loop3A_56 = arith.ori %parallel_loop3A_50, %parallel_loop3A_55 : vector<16xi32>
        %parallel_loop3A_57 = arith.index_cast %parallel_loop3A_48 : i32 to index
        %parallel_loop3A_58 = tpu.vector_load %arg10[%parallel_loop3A_57] {strides = array<i32>} : memref<8000xi32, #tpu.memory_space<vmem>>, vector<16xi32>,
        tpu.vector_store %arg10[%parallel_loop3A_57], %parallel_loop3A_56 {strides = array<i32>} : memref<8000xi32, #tpu.memory_space<vmem>>, vector<16xi32>,
        tpu.vector_store_idx %arg7[%parallel_loop3A_50], %broadcast_in_dim3A_9 {add = true} : memref<10240xf32, #tpu.memory_space<vmem>>[vector<16xi32>], vector<16xf32>,
      } {sc.loop_unroll_factor = 2 : i64, sc.parallel_access}
      %parallel_loop3A_27 = arith.constant 0 : i32
      %parallel_loop3A_28 = arith.constant 250 : i32
      %parallel_loop3A_29 = arith.constant 1 : i32
      scf.for %parallel_loop3A_46 = %parallel_loop3A_27 to %parallel_loop3A_28 step %parallel_loop3A_29  : i32 {
        %parallel_loop3A_47 = arith.constant 16 : i32
        %parallel_loop3A_48 = arith.muli %parallel_loop3A_46, %parallel_loop3A_47 : i32
        %parallel_loop3A_49 = arith.index_cast %parallel_loop3A_48 : i32 to index
        %parallel_loop3A_50 = tpu.vector_load %arg11[%parallel_loop3A_49] {strides = array<i32>} : memref<8000xf32, #tpu.memory_space<vmem>>, vector<16xf32>,
        %parallel_loop3A_51 = vector.bitcast %parallel_loop3A_50 : vector<16xf32> to vector<16xi32>
        %parallel_loop3A_52 = arith.constant 32768 : i32
        %parallel_loop3A_53 = vector.broadcast %parallel_loop3A_52 : i32 to vector<16xi32>
        %parallel_loop3A_54 = arith.addi %parallel_loop3A_51, %parallel_loop3A_53 : vector<16xi32>
        %parallel_loop3A_55 = arith.constant 4000 : i32
        %parallel_loop3A_56 = arith.addi %parallel_loop3A_55, %parallel_loop3A_48 : i32
        %parallel_loop3A_57 = arith.index_cast %parallel_loop3A_56 : i32 to index
        %parallel_loop3A_58 = tpu.vector_load %arg11[%parallel_loop3A_57] {strides = array<i32>} : memref<8000xf32, #tpu.memory_space<vmem>>, vector<16xf32>,
        %parallel_loop3A_59 = vector.bitcast %parallel_loop3A_58 : vector<16xf32> to vector<16xi32>
        %parallel_loop3A_60 = arith.constant 32768 : i32
        %parallel_loop3A_61 = vector.broadcast %parallel_loop3A_60 : i32 to vector<16xi32>
        %parallel_loop3A_62 = arith.addi %parallel_loop3A_59, %parallel_loop3A_61 : vector<16xi32>
        %parallel_loop3A_63 = arith.constant 16 : i32
        %parallel_loop3A_64 = vector.broadcast %parallel_loop3A_63 : i32 to vector<16xi32>
        %parallel_loop3A_65 = arith.shrui %parallel_loop3A_54, %parallel_loop3A_64 : vector<16xi32>
        %parallel_loop3A_66 = arith.constant -65536 : i32
        %parallel_loop3A_67 = vector.broadcast %parallel_loop3A_66 : i32 to vector<16xi32>
        %parallel_loop3A_68 = arith.andi %parallel_loop3A_62, %parallel_loop3A_67 : vector<16xi32>
        %parallel_loop3A_69 = arith.ori %parallel_loop3A_65, %parallel_loop3A_68 : vector<16xi32>
        %parallel_loop3A_70 = arith.index_cast %parallel_loop3A_48 : i32 to index
        %parallel_loop3A_71 = tpu.vector_load %arg12[%parallel_loop3A_70] {strides = array<i32>} : memref<4000xi32, #tpu.memory_space<vmem>>, vector<16xi32>,
        tpu.vector_store %arg12[%parallel_loop3A_70], %parallel_loop3A_69 {strides = array<i32>} : memref<4000xi32, #tpu.memory_space<vmem>>, vector<16xi32>,
      } {sc.loop_unroll_factor = 2 : i64, sc.parallel_access}
      "tpu.region"() ({
        %run_scoped3A = tpu.sem_alloc : memref<!tpu.dma_semaphore, #tpu.memory_space<semaphore_mem>>
        %dma_start3A = tpu.memref_slice %arg5[%mul3A_22] : memref<320000xi32, #tpu.memory_space<hbm>> -> memref<8000xi32, #tpu.memory_space<hbm>>
        %dma_start3A_46 = tpu.memref_slice %arg5[%mul3A_22] : memref<320000xi32, #tpu.memory_space<hbm>> -> memref<8000xi32, #tpu.memory_space<hbm>>
        tpu.enqueue_dma source(%arg10 : memref<8000xi32, #tpu.memory_space<vmem>>) target(%dma_start3A_46 : memref<8000xi32, #tpu.memory_space<hbm>>) target_semaphore(%run_scoped3A : memref<!tpu.dma_semaphore, #tpu.memory_space<semaphore_mem>>)
        %dma_wait3A = tpu.memref_slice %arg5[%mul3A_22] : memref<320000xi32, #tpu.memory_space<hbm>> -> memref<8000xi32, #tpu.memory_space<hbm>>
        %dma_wait3A_47 = tpu.memref_slice %arg5[%mul3A_22] : memref<320000xi32, #tpu.memory_space<hbm>> -> memref<8000xi32, #tpu.memory_space<hbm>>
        tpu.wait_dma2 semaphore(%run_scoped3A : memref<!tpu.dma_semaphore, #tpu.memory_space<semaphore_mem>>) src(%arg10 : memref<8000xi32, #tpu.memory_space<vmem>>) dst(%dma_wait3A_47 : memref<8000xi32, #tpu.memory_space<hbm>>)
        tpu.yield
      }) : () -> ()
      %jit3A = arith.constant 2 : i32
      %div3A = arith.divsi %mul3A_22, %jit3A : i32
      %sign3A = arith.constant 0 : i32
      %sign3A_30 = arith.cmpi sgt, %mul3A_22, %sign3A : i32
      %sign3A_31 = arith.extui %sign3A_30 : i1 to i32
      %sign3A_32 = arith.constant 0 : i32
      %sign3A_33 = arith.cmpi slt, %mul3A_22, %sign3A_32 : i32
      %sign3A_34 = arith.extui %sign3A_33 : i1 to i32
      %sign3A_35 = arith.subi %sign3A_31, %sign3A_34 : i32
      %sign3A_36 = arith.constant 0 : i32
      %sign3A_37 = arith.cmpi sgt, %jit3A, %sign3A_36 : i32
      %sign3A_38 = arith.extui %sign3A_37 : i1 to i32
      %sign3A_39 = arith.constant 0 : i32
      %sign3A_40 = arith.cmpi slt, %jit3A, %sign3A_39 : i32
      %sign3A_41 = arith.extui %sign3A_40 : i1 to i32
      %sign3A_42 = arith.subi %sign3A_38, %sign3A_41 : i32
      %ne3A = arith.cmpi ne, %sign3A_35, %sign3A_42 : i32
      %rem3A = arith.remsi %mul3A_22, %jit3A : i32
      %ne3A_43 = arith.constant 0 : i32
      %ne3A_44 = arith.cmpi ne, %rem3A, %ne3A_43 : i32
      %and3A = arith.andi %ne3A, %ne3A_44 : i1
      %sub3A = arith.constant 1 : i32
      %sub3A_45 = arith.subi %div3A, %sub3A : i32
      %select_n3A = arith.select %and3A, %sub3A_45, %div3A : i32
      %multiple_of3A = tpu.assume_multiple %select_n3A, 8 : i32
      "tpu.region"() ({
        %run_scoped3A = tpu.sem_alloc : memref<!tpu.dma_semaphore, #tpu.memory_space<semaphore_mem>>
        %dma_start3A = tpu.memref_slice %arg6[%multiple_of3A] : memref<160000xi32, #tpu.memory_space<hbm>> -> memref<4000xi32, #tpu.memory_space<hbm>>
        %dma_start3A_46 = tpu.memref_slice %arg6[%multiple_of3A] : memref<160000xi32, #tpu.memory_space<hbm>> -> memref<4000xi32, #tpu.memory_space<hbm>>
        tpu.enqueue_dma source(%arg12 : memref<4000xi32, #tpu.memory_space<vmem>>) target(%dma_start3A_46 : memref<4000xi32, #tpu.memory_space<hbm>>) target_semaphore(%run_scoped3A : memref<!tpu.dma_semaphore, #tpu.memory_space<semaphore_mem>>)
        %dma_wait3A = tpu.memref_slice %arg6[%multiple_of3A] : memref<160000xi32, #tpu.memory_space<hbm>> -> memref<4000xi32, #tpu.memory_space<hbm>>
        %dma_wait3A_47 = tpu.memref_slice %arg6[%multiple_of3A] : memref<160000xi32, #tpu.memory_space<hbm>> -> memref<4000xi32, #tpu.memory_space<hbm>>
        tpu.wait_dma2 semaphore(%run_scoped3A : memref<!tpu.dma_semaphore, #tpu.memory_space<semaphore_mem>>) src(%arg12 : memref<4000xi32, #tpu.memory_space<vmem>>) dst(%dma_wait3A_47 : memref<4000xi32, #tpu.memory_space<hbm>>)
        tpu.yield
      }) : () -> ()
    } else {
    }
    %add3A_14 = arith.constant 32 : i32
    %add3A_15 = arith.addi %add3A, %add3A_14 : i32
    %lt3A_16 = arith.constant 40 : i32
    %lt3A_17 = arith.cmpi slt, %add3A_15, %lt3A_16 : i32
    %convert_element_type3A_18 = arith.extui %lt3A_17 : i1 to i32
    %cond3A_19 = arith.constant 0 : i32
    %cond3A_20 = arith.cmpi ne, %convert_element_type3A_18, %cond3A_19 : i32
    scf.if %cond3A_20 {
      %mul3A_21 = arith.constant 8000 : i32
      %mul3A_22 = arith.muli %add3A_15, %mul3A_21 : i32
      "tpu.region"() ({
        %run_scoped3A = tpu.sem_alloc : memref<!tpu.dma_semaphore, #tpu.memory_space<semaphore_mem>>
        %dma_start3A = tpu.memref_slice %arg2[%mul3A_22] : memref<640000xi32, #tpu.memory_space<hbm>> -> memref<8000xi32, #tpu.memory_space<hbm>>
        %dma_start3A_46 = tpu.memref_slice %arg2[%mul3A_22] : memref<640000xi32, #tpu.memory_space<hbm>> -> memref<8000xi32, #tpu.memory_space<hbm>>
        tpu.enqueue_dma source(%dma_start3A_46 : memref<8000xi32, #tpu.memory_space<hbm>>) target(%arg8 : memref<8000xi32, #tpu.memory_space<vmem>>) target_semaphore(%run_scoped3A : memref<!tpu.dma_semaphore, #tpu.memory_space<semaphore_mem>>)
        %dma_wait3A = tpu.memref_slice %arg2[%mul3A_22] : memref<640000xi32, #tpu.memory_space<hbm>> -> memref<8000xi32, #tpu.memory_space<hbm>>
        %dma_wait3A_47 = tpu.memref_slice %arg2[%mul3A_22] : memref<640000xi32, #tpu.memory_space<hbm>> -> memref<8000xi32, #tpu.memory_space<hbm>>
        tpu.wait_dma2 semaphore(%run_scoped3A : memref<!tpu.dma_semaphore, #tpu.memory_space<semaphore_mem>>) src(%dma_wait3A_47 : memref<8000xi32, #tpu.memory_space<hbm>>) dst(%arg8 : memref<8000xi32, #tpu.memory_space<vmem>>)
        tpu.yield
      }) : () -> ()
      %add3A_23 = arith.constant 320000 : i32
      %add3A_24 = arith.addi %add3A_23, %mul3A_22 : i32
      "tpu.region"() ({
        %run_scoped3A = tpu.sem_alloc : memref<!tpu.dma_semaphore, #tpu.memory_space<semaphore_mem>>
        %dma_start3A = tpu.memref_slice %arg2[%add3A_24] : memref<640000xi32, #tpu.memory_space<hbm>> -> memref<8000xi32, #tpu.memory_space<hbm>>
        %dma_start3A_46 = tpu.memref_slice %arg2[%add3A_24] : memref<640000xi32, #tpu.memory_space<hbm>> -> memref<8000xi32, #tpu.memory_space<hbm>>
        tpu.enqueue_dma source(%dma_start3A_46 : memref<8000xi32, #tpu.memory_space<hbm>>) target(%arg9 : memref<8000xi32, #tpu.memory_space<vmem>>) target_semaphore(%run_scoped3A : memref<!tpu.dma_semaphore, #tpu.memory_space<semaphore_mem>>)
        %dma_wait3A = tpu.memref_slice %arg2[%add3A_24] : memref<640000xi32, #tpu.memory_space<hbm>> -> memref<8000xi32, #tpu.memory_space<hbm>>
        %dma_wait3A_47 = tpu.memref_slice %arg2[%add3A_24] : memref<640000xi32, #tpu.memory_space<hbm>> -> memref<8000xi32, #tpu.memory_space<hbm>>
        tpu.wait_dma2 semaphore(%run_scoped3A : memref<!tpu.dma_semaphore, #tpu.memory_space<semaphore_mem>>) src(%dma_wait3A_47 : memref<8000xi32, #tpu.memory_space<hbm>>) dst(%arg9 : memref<8000xi32, #tpu.memory_space<vmem>>)
        tpu.yield
      }) : () -> ()
      "tpu.region"() ({
        %run_scoped3A = tpu.sem_alloc : memref<!tpu.dma_semaphore, #tpu.memory_space<semaphore_mem>>
        %dma_start3A = tpu.memref_slice %arg3[%mul3A_22] : memref<320000xf32, #tpu.memory_space<hbm>> -> memref<8000xf32, #tpu.memory_space<hbm>>
        %dma_start3A_46 = tpu.memref_slice %arg3[%mul3A_22] : memref<320000xf32, #tpu.memory_space<hbm>> -> memref<8000xf32, #tpu.memory_space<hbm>>
        tpu.enqueue_dma source(%dma_start3A_46 : memref<8000xf32, #tpu.memory_space<hbm>>) target(%arg11 : memref<8000xf32, #tpu.memory_space<vmem>>) target_semaphore(%run_scoped3A : memref<!tpu.dma_semaphore, #tpu.memory_space<semaphore_mem>>)
        %dma_wait3A = tpu.memref_slice %arg3[%mul3A_22] : memref<320000xf32, #tpu.memory_space<hbm>> -> memref<8000xf32, #tpu.memory_space<hbm>>
        %dma_wait3A_47 = tpu.memref_slice %arg3[%mul3A_22] : memref<320000xf32, #tpu.memory_space<hbm>> -> memref<8000xf32, #tpu.memory_space<hbm>>
        tpu.wait_dma2 semaphore(%run_scoped3A : memref<!tpu.dma_semaphore, #tpu.memory_space<semaphore_mem>>) src(%dma_wait3A_47 : memref<8000xf32, #tpu.memory_space<hbm>>) dst(%arg11 : memref<8000xf32, #tpu.memory_space<vmem>>)
        tpu.yield
      }) : () -> ()
      %parallel_loop3A = arith.constant 0 : i32
      %parallel_loop3A_25 = arith.constant 500 : i32
      %parallel_loop3A_26 = arith.constant 1 : i32
      scf.for %parallel_loop3A_46 = %parallel_loop3A to %parallel_loop3A_25 step %parallel_loop3A_26  : i32 {
        %parallel_loop3A_47 = arith.constant 16 : i32
        %parallel_loop3A_48 = arith.muli %parallel_loop3A_46, %parallel_loop3A_47 : i32
        %parallel_loop3A_49 = arith.index_cast %parallel_loop3A_48 : i32 to index
        %parallel_loop3A_50 = tpu.vector_load %arg8[%parallel_loop3A_49] {strides = array<i32>} : memref<8000xi32, #tpu.memory_space<vmem>>, vector<16xi32>,
        %parallel_loop3A_51 = arith.index_cast %parallel_loop3A_48 : i32 to index
        %parallel_loop3A_52 = tpu.vector_load %arg9[%parallel_loop3A_51] {strides = array<i32>} : memref<8000xi32, #tpu.memory_space<vmem>>, vector<16xi32>,
        %parallel_loop3A_53 = arith.constant 14 : i32
        %parallel_loop3A_54 = vector.broadcast %parallel_loop3A_53 : i32 to vector<16xi32>
        %parallel_loop3A_55 = arith.shli %parallel_loop3A_52, %parallel_loop3A_54 : vector<16xi32>
        %parallel_loop3A_56 = arith.ori %parallel_loop3A_50, %parallel_loop3A_55 : vector<16xi32>
        %parallel_loop3A_57 = arith.index_cast %parallel_loop3A_48 : i32 to index
        %parallel_loop3A_58 = tpu.vector_load %arg10[%parallel_loop3A_57] {strides = array<i32>} : memref<8000xi32, #tpu.memory_space<vmem>>, vector<16xi32>,
        tpu.vector_store %arg10[%parallel_loop3A_57], %parallel_loop3A_56 {strides = array<i32>} : memref<8000xi32, #tpu.memory_space<vmem>>, vector<16xi32>,
        tpu.vector_store_idx %arg7[%parallel_loop3A_50], %broadcast_in_dim3A_9 {add = true} : memref<10240xf32, #tpu.memory_space<vmem>>[vector<16xi32>], vector<16xf32>,
      } {sc.loop_unroll_factor = 2 : i64, sc.parallel_access}
      %parallel_loop3A_27 = arith.constant 0 : i32
      %parallel_loop3A_28 = arith.constant 250 : i32
      %parallel_loop3A_29 = arith.constant 1 : i32
      scf.for %parallel_loop3A_46 = %parallel_loop3A_27 to %parallel_loop3A_28 step %parallel_loop3A_29  : i32 {
        %parallel_loop3A_47 = arith.constant 16 : i32
        %parallel_loop3A_48 = arith.muli %parallel_loop3A_46, %parallel_loop3A_47 : i32
        %parallel_loop3A_49 = arith.index_cast %parallel_loop3A_48 : i32 to index
        %parallel_loop3A_50 = tpu.vector_load %arg11[%parallel_loop3A_49] {strides = array<i32>} : memref<8000xf32, #tpu.memory_space<vmem>>, vector<16xf32>,
        %parallel_loop3A_51 = vector.bitcast %parallel_loop3A_50 : vector<16xf32> to vector<16xi32>
        %parallel_loop3A_52 = arith.constant 32768 : i32
        %parallel_loop3A_53 = vector.broadcast %parallel_loop3A_52 : i32 to vector<16xi32>
        %parallel_loop3A_54 = arith.addi %parallel_loop3A_51, %parallel_loop3A_53 : vector<16xi32>
        %parallel_loop3A_55 = arith.constant 4000 : i32
        %parallel_loop3A_56 = arith.addi %parallel_loop3A_55, %parallel_loop3A_48 : i32
        %parallel_loop3A_57 = arith.index_cast %parallel_loop3A_56 : i32 to index
        %parallel_loop3A_58 = tpu.vector_load %arg11[%parallel_loop3A_57] {strides = array<i32>} : memref<8000xf32, #tpu.memory_space<vmem>>, vector<16xf32>,
        %parallel_loop3A_59 = vector.bitcast %parallel_loop3A_58 : vector<16xf32> to vector<16xi32>
        %parallel_loop3A_60 = arith.constant 32768 : i32
        %parallel_loop3A_61 = vector.broadcast %parallel_loop3A_60 : i32 to vector<16xi32>
        %parallel_loop3A_62 = arith.addi %parallel_loop3A_59, %parallel_loop3A_61 : vector<16xi32>
        %parallel_loop3A_63 = arith.constant 16 : i32
        %parallel_loop3A_64 = vector.broadcast %parallel_loop3A_63 : i32 to vector<16xi32>
        %parallel_loop3A_65 = arith.shrui %parallel_loop3A_54, %parallel_loop3A_64 : vector<16xi32>
        %parallel_loop3A_66 = arith.constant -65536 : i32
        %parallel_loop3A_67 = vector.broadcast %parallel_loop3A_66 : i32 to vector<16xi32>
        %parallel_loop3A_68 = arith.andi %parallel_loop3A_62, %parallel_loop3A_67 : vector<16xi32>
        %parallel_loop3A_69 = arith.ori %parallel_loop3A_65, %parallel_loop3A_68 : vector<16xi32>
        %parallel_loop3A_70 = arith.index_cast %parallel_loop3A_48 : i32 to index
        %parallel_loop3A_71 = tpu.vector_load %arg12[%parallel_loop3A_70] {strides = array<i32>} : memref<4000xi32, #tpu.memory_space<vmem>>, vector<16xi32>,
        tpu.vector_store %arg12[%parallel_loop3A_70], %parallel_loop3A_69 {strides = array<i32>} : memref<4000xi32, #tpu.memory_space<vmem>>, vector<16xi32>,
      } {sc.loop_unroll_factor = 2 : i64, sc.parallel_access}
      "tpu.region"() ({
        %run_scoped3A = tpu.sem_alloc : memref<!tpu.dma_semaphore, #tpu.memory_space<semaphore_mem>>
        %dma_start3A = tpu.memref_slice %arg5[%mul3A_22] : memref<320000xi32, #tpu.memory_space<hbm>> -> memref<8000xi32, #tpu.memory_space<hbm>>
        %dma_start3A_46 = tpu.memref_slice %arg5[%mul3A_22] : memref<320000xi32, #tpu.memory_space<hbm>> -> memref<8000xi32, #tpu.memory_space<hbm>>
        tpu.enqueue_dma source(%arg10 : memref<8000xi32, #tpu.memory_space<vmem>>) target(%dma_start3A_46 : memref<8000xi32, #tpu.memory_space<hbm>>) target_semaphore(%run_scoped3A : memref<!tpu.dma_semaphore, #tpu.memory_space<semaphore_mem>>)
        %dma_wait3A = tpu.memref_slice %arg5[%mul3A_22] : memref<320000xi32, #tpu.memory_space<hbm>> -> memref<8000xi32, #tpu.memory_space<hbm>>
        %dma_wait3A_47 = tpu.memref_slice %arg5[%mul3A_22] : memref<320000xi32, #tpu.memory_space<hbm>> -> memref<8000xi32, #tpu.memory_space<hbm>>
        tpu.wait_dma2 semaphore(%run_scoped3A : memref<!tpu.dma_semaphore, #tpu.memory_space<semaphore_mem>>) src(%arg10 : memref<8000xi32, #tpu.memory_space<vmem>>) dst(%dma_wait3A_47 : memref<8000xi32, #tpu.memory_space<hbm>>)
        tpu.yield
      }) : () -> ()
      %jit3A = arith.constant 2 : i32
      %div3A = arith.divsi %mul3A_22, %jit3A : i32
      %sign3A = arith.constant 0 : i32
      %sign3A_30 = arith.cmpi sgt, %mul3A_22, %sign3A : i32
      %sign3A_31 = arith.extui %sign3A_30 : i1 to i32
      %sign3A_32 = arith.constant 0 : i32
      %sign3A_33 = arith.cmpi slt, %mul3A_22, %sign3A_32 : i32
      %sign3A_34 = arith.extui %sign3A_33 : i1 to i32
      %sign3A_35 = arith.subi %sign3A_31, %sign3A_34 : i32
      %sign3A_36 = arith.constant 0 : i32
      %sign3A_37 = arith.cmpi sgt, %jit3A, %sign3A_36 : i32
      %sign3A_38 = arith.extui %sign3A_37 : i1 to i32
      %sign3A_39 = arith.constant 0 : i32
      %sign3A_40 = arith.cmpi slt, %jit3A, %sign3A_39 : i32
      %sign3A_41 = arith.extui %sign3A_40 : i1 to i32
      %sign3A_42 = arith.subi %sign3A_38, %sign3A_41 : i32
      %ne3A = arith.cmpi ne, %sign3A_35, %sign3A_42 : i32
      %rem3A = arith.remsi %mul3A_22, %jit3A : i32
      %ne3A_43 = arith.constant 0 : i32
      %ne3A_44 = arith.cmpi ne, %rem3A, %ne3A_43 : i32
      %and3A = arith.andi %ne3A, %ne3A_44 : i1
      %sub3A = arith.constant 1 : i32
      %sub3A_45 = arith.subi %div3A, %sub3A : i32
      %select_n3A = arith.select %and3A, %sub3A_45, %div3A : i32
      %multiple_of3A = tpu.assume_multiple %select_n3A, 8 : i32
      "tpu.region"() ({
        %run_scoped3A = tpu.sem_alloc : memref<!tpu.dma_semaphore, #tpu.memory_space<semaphore_mem>>
        %dma_start3A = tpu.memref_slice %arg6[%multiple_of3A] : memref<160000xi32, #tpu.memory_space<hbm>> -> memref<4000xi32, #tpu.memory_space<hbm>>
        %dma_start3A_46 = tpu.memref_slice %arg6[%multiple_of3A] : memref<160000xi32, #tpu.memory_space<hbm>> -> memref<4000xi32, #tpu.memory_space<hbm>>
        tpu.enqueue_dma source(%arg12 : memref<4000xi32, #tpu.memory_space<vmem>>) target(%dma_start3A_46 : memref<4000xi32, #tpu.memory_space<hbm>>) target_semaphore(%run_scoped3A : memref<!tpu.dma_semaphore, #tpu.memory_space<semaphore_mem>>)
        %dma_wait3A = tpu.memref_slice %arg6[%multiple_of3A] : memref<160000xi32, #tpu.memory_space<hbm>> -> memref<4000xi32, #tpu.memory_space<hbm>>
        %dma_wait3A_47 = tpu.memref_slice %arg6[%multiple_of3A] : memref<160000xi32, #tpu.memory_space<hbm>> -> memref<4000xi32, #tpu.memory_space<hbm>>
        tpu.wait_dma2 semaphore(%run_scoped3A : memref<!tpu.dma_semaphore, #tpu.memory_space<semaphore_mem>>) src(%arg12 : memref<4000xi32, #tpu.memory_space<vmem>>) dst(%dma_wait3A_47 : memref<4000xi32, #tpu.memory_space<hbm>>)
        tpu.yield
      }) : () -> ()
    } else {
    }
    "tpu.region"() ({
      %run_scoped3A = tpu.sem_alloc : memref<!tpu.dma_semaphore, #tpu.memory_space<semaphore_mem>>
      %dma_start3A = arith.constant 0 : i32
      %dma_start3A_21 = tpu.memref_slice %arg4[%add3A, %dma_start3A] : memref<32x10240xf32, #tpu.memory_space<hbm>> -> memref<1x10240xf32, #tpu.memory_space<hbm>>
      %dma_start3A_22 = tpu.memref_squeeze %dma_start3A_21 : memref<1x10240xf32, #tpu.memory_space<hbm>> -> memref<10240xf32, #tpu.memory_space<hbm>>
      %dma_start3A_23 = arith.constant 0 : i32
      %dma_start3A_24 = tpu.memref_slice %arg4[%add3A, %dma_start3A_23] : memref<32x10240xf32, #tpu.memory_space<hbm>> -> memref<1x10240xf32, #tpu.memory_space<hbm>>
      %dma_start3A_25 = tpu.memref_squeeze %dma_start3A_24 : memref<1x10240xf32, #tpu.memory_space<hbm>> -> memref<10240xf32, #tpu.memory_space<hbm>>
      tpu.enqueue_dma source(%arg7 : memref<10240xf32, #tpu.memory_space<vmem>>) target(%dma_start3A_25 : memref<10240xf32, #tpu.memory_space<hbm>>) target_semaphore(%run_scoped3A : memref<!tpu.dma_semaphore, #tpu.memory_space<semaphore_mem>>)
      %dma_wait3A = arith.constant 0 : i32
      %dma_wait3A_26 = tpu.memref_slice %arg4[%add3A, %dma_wait3A] : memref<32x10240xf32, #tpu.memory_space<hbm>> -> memref<1x10240xf32, #tpu.memory_space<hbm>>
      %dma_wait3A_27 = tpu.memref_squeeze %dma_wait3A_26 : memref<1x10240xf32, #tpu.memory_space<hbm>> -> memref<10240xf32, #tpu.memory_space<hbm>>
      %dma_wait3A_28 = arith.constant 0 : i32
      %dma_wait3A_29 = tpu.memref_slice %arg4[%add3A, %dma_wait3A_28] : memref<32x10240xf32, #tpu.memory_space<hbm>> -> memref<1x10240xf32, #tpu.memory_space<hbm>>
      %dma_wait3A_30 = tpu.memref_squeeze %dma_wait3A_29 : memref<1x10240xf32, #tpu.memory_space<hbm>> -> memref<10240xf32, #tpu.memory_space<hbm>>
      tpu.wait_dma2 semaphore(%run_scoped3A : memref<!tpu.dma_semaphore, #tpu.memory_space<semaphore_mem>>) src(%arg7 : memref<10240xf32, #tpu.memory_space<vmem>>) dst(%dma_wait3A_30 : memref<10240xf32, #tpu.memory_space<hbm>>)
      tpu.yield
    }) : () -> ()
    return
  }
}

#map = affine_map<(d0, d1) -> (0)>
module attributes {stable_mosaic.version = 14 : i64} {
  func.func @_conv_body(%arg0: i32, %arg1: i32, %arg2: memref<163840xi32, #tpu.memory_space<hbm>>, %arg3: memref<320000xi32, #tpu.memory_space<hbm>>, %arg4: memref<160000xi32, #tpu.memory_space<hbm>>, %arg5: memref<1310720xf32, #tpu.memory_space<hbm>>, %arg6: memref<20480xi32, #tpu.memory_space<vmem>>, %arg7: memref<40960xf32, #tpu.memory_space<vmem>>, %arg8: memref<8000xi32, #tpu.memory_space<vmem>>, %arg9: memref<8000xi32, #tpu.memory_space<vmem>>, %arg10: memref<4000xi32, #tpu.memory_space<vmem>>, %arg11: memref<4000xi32, #tpu.memory_space<vmem>>, %arg12: memref<!tpu.dma_semaphore, #tpu.memory_space<semaphore_mem>>, %arg13: memref<!tpu.dma_semaphore, #tpu.memory_space<semaphore_mem>>, %arg14: memref<!tpu.dma_semaphore, #tpu.memory_space<semaphore_mem>>, %arg15: memref<!tpu.dma_semaphore, #tpu.memory_space<semaphore_mem>>, %arg16: memref<!tpu.dma_semaphore, #tpu.memory_space<semaphore_mem>>) attributes {dimension_semantics = [#tpu.dimension_semantics<core_parallel>, #tpu.dimension_semantics<subcore_parallel>], iteration_bounds = array<i64: 2, 16>, scalar_prefetch = 0 : i64, scratch_operands = 11 : i64, tpu.core_type = #tpu.core_type<sc_vector_subcore>, window_params = [{transform_indices = #map}, {transform_indices = #map}, {transform_indices = #map}, {transform_indices = #map}]} {
    %mul3A = arith.constant 2 : i32
    %mul3A_0 = arith.muli %arg0, %mul3A : i32
    %and3A = arith.constant 1 : i32
    %and3A_1 = arith.andi %arg1, %and3A : i32
    %add3A = arith.addi %mul3A_0, %and3A_1 : i32
    %shift_right_logical3A = arith.constant 1 : i32
    %shift_right_logical3A_2 = arith.shrui %arg1, %shift_right_logical3A : i32
    %mul3A_3 = arith.constant 80000 : i32
    %mul3A_4 = arith.muli %add3A, %mul3A_3 : i32
    %mul3A_5 = arith.constant 2 : i32
    %mul3A_6 = arith.muli %shift_right_logical3A_2, %mul3A_5 : i32
    %mul3A_7 = arith.constant 10240 : i32
    %mul3A_8 = arith.muli %mul3A_6, %mul3A_7 : i32
    %dma_start3A = tpu.memref_slice %arg2[%mul3A_8] : memref<163840xi32, #tpu.memory_space<hbm>> -> memref<20480xi32, #tpu.memory_space<hbm>>
    %dma_start3A_9 = tpu.memref_slice %arg2[%mul3A_8] : memref<163840xi32, #tpu.memory_space<hbm>> -> memref<20480xi32, #tpu.memory_space<hbm>>
    tpu.enqueue_dma source(%dma_start3A_9 : memref<20480xi32, #tpu.memory_space<hbm>>) target(%arg6 : memref<20480xi32, #tpu.memory_space<vmem>>) target_semaphore(%arg12 : memref<!tpu.dma_semaphore, #tpu.memory_space<semaphore_mem>>)
    %broadcast_in_dim3A = arith.constant 0.000000e+00 : f32
    %broadcast_in_dim3A_10 = vector.broadcast %broadcast_in_dim3A : f32 to vector<16xf32>
    %parallel_loop3A = arith.constant 0 : i32
    %parallel_loop3A_11 = arith.constant 2560 : i32
    %parallel_loop3A_12 = arith.constant 1 : i32
    scf.for %parallel_loop3A_90 = %parallel_loop3A to %parallel_loop3A_11 step %parallel_loop3A_12  : i32 {
      %parallel_loop3A_91 = arith.constant 16 : i32
      %parallel_loop3A_92 = arith.muli %parallel_loop3A_90, %parallel_loop3A_91 : i32
      %parallel_loop3A_93 = arith.index_cast %parallel_loop3A_92 : i32 to index
      %parallel_loop3A_94 = tpu.vector_load %arg7[%parallel_loop3A_93] {strides = array<i32>} : memref<40960xf32, #tpu.memory_space<vmem>>, vector<16xf32>,
      tpu.vector_store %arg7[%parallel_loop3A_93], %broadcast_in_dim3A_10 {strides = array<i32>} : memref<40960xf32, #tpu.memory_space<vmem>>, vector<16xf32>,
    } {sc.loop_unroll_factor = 8 : i64, sc.parallel_access}
    %dma_wait3A = tpu.memref_slice %arg2[%mul3A_8] : memref<163840xi32, #tpu.memory_space<hbm>> -> memref<20480xi32, #tpu.memory_space<hbm>>
    %dma_wait3A_13 = tpu.memref_slice %arg2[%mul3A_8] : memref<163840xi32, #tpu.memory_space<hbm>> -> memref<20480xi32, #tpu.memory_space<hbm>>
    tpu.wait_dma2 semaphore(%arg12 : memref<!tpu.dma_semaphore, #tpu.memory_space<semaphore_mem>>) src(%dma_wait3A_13 : memref<20480xi32, #tpu.memory_space<hbm>>) dst(%arg6 : memref<20480xi32, #tpu.memory_space<vmem>>)
    %add3A_14 = arith.constant 0 : i32
    %add3A_15 = arith.addi %mul3A_4, %add3A_14 : i32
    %dma_start3A_16 = tpu.memref_slice %arg3[%add3A_15] : memref<320000xi32, #tpu.memory_space<hbm>> -> memref<8000xi32, #tpu.memory_space<hbm>>
    %dma_start3A_17 = tpu.memref_slice %arg3[%add3A_15] : memref<320000xi32, #tpu.memory_space<hbm>> -> memref<8000xi32, #tpu.memory_space<hbm>>
    tpu.enqueue_dma source(%dma_start3A_17 : memref<8000xi32, #tpu.memory_space<hbm>>) target(%arg8 : memref<8000xi32, #tpu.memory_space<vmem>>) target_semaphore(%arg13 : memref<!tpu.dma_semaphore, #tpu.memory_space<semaphore_mem>>)
    %jit3A = arith.constant 2 : i32
    %div3A = arith.divsi %add3A_15, %jit3A : i32
    %sign3A = arith.constant 0 : i32
    %sign3A_18 = arith.cmpi sgt, %add3A_15, %sign3A : i32
    %sign3A_19 = arith.extui %sign3A_18 : i1 to i32
    %sign3A_20 = arith.constant 0 : i32
    %sign3A_21 = arith.cmpi slt, %add3A_15, %sign3A_20 : i32
    %sign3A_22 = arith.extui %sign3A_21 : i1 to i32
    %sign3A_23 = arith.subi %sign3A_19, %sign3A_22 : i32
    %sign3A_24 = arith.constant 0 : i32
    %sign3A_25 = arith.cmpi sgt, %jit3A, %sign3A_24 : i32
    %sign3A_26 = arith.extui %sign3A_25 : i1 to i32
    %sign3A_27 = arith.constant 0 : i32
    %sign3A_28 = arith.cmpi slt, %jit3A, %sign3A_27 : i32
    %sign3A_29 = arith.extui %sign3A_28 : i1 to i32
    %sign3A_30 = arith.subi %sign3A_26, %sign3A_29 : i32
    %ne3A = arith.cmpi ne, %sign3A_23, %sign3A_30 : i32
    %rem3A = arith.remsi %add3A_15, %jit3A : i32
    %ne3A_31 = arith.constant 0 : i32
    %ne3A_32 = arith.cmpi ne, %rem3A, %ne3A_31 : i32
    %and3A_33 = arith.andi %ne3A, %ne3A_32 : i1
    %sub3A = arith.constant 1 : i32
    %sub3A_34 = arith.subi %div3A, %sub3A : i32
    %select_n3A = arith.select %and3A_33, %sub3A_34, %div3A : i32
    %multiple_of3A = tpu.assume_multiple %select_n3A, 8 : i32
    %dma_start3A_35 = tpu.memref_slice %arg4[%multiple_of3A] : memref<160000xi32, #tpu.memory_space<hbm>> -> memref<4000xi32, #tpu.memory_space<hbm>>
    %dma_start3A_36 = tpu.memref_slice %arg4[%multiple_of3A] : memref<160000xi32, #tpu.memory_space<hbm>> -> memref<4000xi32, #tpu.memory_space<hbm>>
    tpu.enqueue_dma source(%dma_start3A_36 : memref<4000xi32, #tpu.memory_space<hbm>>) target(%arg10 : memref<4000xi32, #tpu.memory_space<vmem>>) target_semaphore(%arg15 : memref<!tpu.dma_semaphore, #tpu.memory_space<semaphore_mem>>)
    %add3A_37 = arith.constant 8000 : i32
    %add3A_38 = arith.addi %mul3A_4, %add3A_37 : i32
    %dma_start3A_39 = tpu.memref_slice %arg3[%add3A_38] : memref<320000xi32, #tpu.memory_space<hbm>> -> memref<8000xi32, #tpu.memory_space<hbm>>
    %dma_start3A_40 = tpu.memref_slice %arg3[%add3A_38] : memref<320000xi32, #tpu.memory_space<hbm>> -> memref<8000xi32, #tpu.memory_space<hbm>>
    tpu.enqueue_dma source(%dma_start3A_40 : memref<8000xi32, #tpu.memory_space<hbm>>) target(%arg9 : memref<8000xi32, #tpu.memory_space<vmem>>) target_semaphore(%arg14 : memref<!tpu.dma_semaphore, #tpu.memory_space<semaphore_mem>>)
    %jit3A_41 = arith.constant 2 : i32
    %div3A_42 = arith.divsi %add3A_38, %jit3A_41 : i32
    %sign3A_43 = arith.constant 0 : i32
    %sign3A_44 = arith.cmpi sgt, %add3A_38, %sign3A_43 : i32
    %sign3A_45 = arith.extui %sign3A_44 : i1 to i32
    %sign3A_46 = arith.constant 0 : i32
    %sign3A_47 = arith.cmpi slt, %add3A_38, %sign3A_46 : i32
    %sign3A_48 = arith.extui %sign3A_47 : i1 to i32
    %sign3A_49 = arith.subi %sign3A_45, %sign3A_48 : i32
    %sign3A_50 = arith.constant 0 : i32
    %sign3A_51 = arith.cmpi sgt, %jit3A_41, %sign3A_50 : i32
    %sign3A_52 = arith.extui %sign3A_51 : i1 to i32
    %sign3A_53 = arith.constant 0 : i32
    %sign3A_54 = arith.cmpi slt, %jit3A_41, %sign3A_53 : i32
    %sign3A_55 = arith.extui %sign3A_54 : i1 to i32
    %sign3A_56 = arith.subi %sign3A_52, %sign3A_55 : i32
    %ne3A_57 = arith.cmpi ne, %sign3A_49, %sign3A_56 : i32
    %rem3A_58 = arith.remsi %add3A_38, %jit3A_41 : i32
    %ne3A_59 = arith.constant 0 : i32
    %ne3A_60 = arith.cmpi ne, %rem3A_58, %ne3A_59 : i32
    %and3A_61 = arith.andi %ne3A_57, %ne3A_60 : i1
    %sub3A_62 = arith.constant 1 : i32
    %sub3A_63 = arith.subi %div3A_42, %sub3A_62 : i32
    %select_n3A_64 = arith.select %and3A_61, %sub3A_63, %div3A_42 : i32
    %multiple_of3A_65 = tpu.assume_multiple %select_n3A_64, 8 : i32
    %dma_start3A_66 = tpu.memref_slice %arg4[%multiple_of3A_65] : memref<160000xi32, #tpu.memory_space<hbm>> -> memref<4000xi32, #tpu.memory_space<hbm>>
    %dma_start3A_67 = tpu.memref_slice %arg4[%multiple_of3A_65] : memref<160000xi32, #tpu.memory_space<hbm>> -> memref<4000xi32, #tpu.memory_space<hbm>>
    tpu.enqueue_dma source(%dma_start3A_67 : memref<4000xi32, #tpu.memory_space<hbm>>) target(%arg11 : memref<4000xi32, #tpu.memory_space<vmem>>) target_semaphore(%arg16 : memref<!tpu.dma_semaphore, #tpu.memory_space<semaphore_mem>>)
    %scan3A = arith.constant 0 : i32
    %scan3A_68 = arith.constant 0 : i32
    %scan3A_69 = arith.constant 5 : i32
    %scan3A_70 = arith.addi %scan3A_68, %scan3A_69 : i32
    %scan3A_71 = arith.constant 1 : i32
    %scan3A_72 = scf.for %scan3A_90 = %scan3A_68 to %scan3A_70 step %scan3A_71 iter_args(%scan3A_91 = %scan3A) -> (i32)  : i32 {
      %mul3A_92 = arith.constant 2 : i32
      %mul3A_93 = arith.muli %mul3A_92, %scan3A_90 : i32
      %dma_wait3A_94 = tpu.memref_slice %arg3[%mul3A_4] : memref<320000xi32, #tpu.memory_space<hbm>> -> memref<8000xi32, #tpu.memory_space<hbm>>
      %dma_wait3A_95 = tpu.memref_slice %arg3[%mul3A_4] : memref<320000xi32, #tpu.memory_space<hbm>> -> memref<8000xi32, #tpu.memory_space<hbm>>
      tpu.wait_dma2 semaphore(%arg13 : memref<!tpu.dma_semaphore, #tpu.memory_space<semaphore_mem>>) src(%dma_wait3A_95 : memref<8000xi32, #tpu.memory_space<hbm>>) dst(%arg8 : memref<8000xi32, #tpu.memory_space<vmem>>)
      %dma_wait3A_96 = tpu.memref_slice %arg4[%mul3A_4] : memref<160000xi32, #tpu.memory_space<hbm>> -> memref<4000xi32, #tpu.memory_space<hbm>>
      %dma_wait3A_97 = tpu.memref_slice %arg4[%mul3A_4] : memref<160000xi32, #tpu.memory_space<hbm>> -> memref<4000xi32, #tpu.memory_space<hbm>>
      tpu.wait_dma2 semaphore(%arg15 : memref<!tpu.dma_semaphore, #tpu.memory_space<semaphore_mem>>) src(%dma_wait3A_97 : memref<4000xi32, #tpu.memory_space<hbm>>) dst(%arg10 : memref<4000xi32, #tpu.memory_space<vmem>>)
      %parallel_loop3A_98 = arith.constant 0 : i32
      %parallel_loop3A_99 = arith.constant 250 : i32
      %parallel_loop3A_100 = arith.constant 1 : i32
      scf.for %parallel_loop3A_120 = %parallel_loop3A_98 to %parallel_loop3A_99 step %parallel_loop3A_100  : i32 {
        %parallel_loop3A_121 = arith.constant 16 : i32
        %parallel_loop3A_122 = arith.muli %parallel_loop3A_120, %parallel_loop3A_121 : i32
        %parallel_loop3A_123 = arith.index_cast %parallel_loop3A_122 : i32 to index
        %parallel_loop3A_124 = tpu.vector_load %arg10[%parallel_loop3A_123] {strides = array<i32>} : memref<4000xi32, #tpu.memory_space<vmem>>, vector<16xi32>,
        %parallel_loop3A_125 = arith.constant 16 : i32
        %parallel_loop3A_126 = vector.broadcast %parallel_loop3A_125 : i32 to vector<16xi32>
        %parallel_loop3A_127 = arith.shli %parallel_loop3A_124, %parallel_loop3A_126 : vector<16xi32>
        %parallel_loop3A_128 = vector.bitcast %parallel_loop3A_127 : vector<16xi32> to vector<16xf32>
        %parallel_loop3A_129 = arith.constant -65536 : i32
        %parallel_loop3A_130 = vector.broadcast %parallel_loop3A_129 : i32 to vector<16xi32>
        %parallel_loop3A_131 = arith.andi %parallel_loop3A_124, %parallel_loop3A_130 : vector<16xi32>
        %parallel_loop3A_132 = vector.bitcast %parallel_loop3A_131 : vector<16xi32> to vector<16xf32>
        %parallel_loop3A_133 = arith.constant 4000 : i32
        %parallel_loop3A_134 = arith.addi %parallel_loop3A_133, %parallel_loop3A_122 : i32
        %parallel_loop3A_135 = arith.index_cast %parallel_loop3A_122 : i32 to index
        %parallel_loop3A_136 = tpu.vector_load %arg8[%parallel_loop3A_135] {strides = array<i32>} : memref<8000xi32, #tpu.memory_space<vmem>>, vector<16xi32>,
        %parallel_loop3A_137 = arith.constant 16383 : i32
        %parallel_loop3A_138 = vector.broadcast %parallel_loop3A_137 : i32 to vector<16xi32>
        %parallel_loop3A_139 = arith.andi %parallel_loop3A_136, %parallel_loop3A_138 : vector<16xi32>
        %parallel_loop3A_140 = arith.constant 14 : i32
        %parallel_loop3A_141 = vector.broadcast %parallel_loop3A_140 : i32 to vector<16xi32>
        %parallel_loop3A_142 = arith.shrui %parallel_loop3A_136, %parallel_loop3A_141 : vector<16xi32>
        %parallel_loop3A_143 = arith.constant 0 : i32
        %parallel_loop3A_144 = tpu.memref_slice %arg6[%parallel_loop3A_143] : memref<20480xi32, #tpu.memory_space<vmem>> -> memref<10240xi32, #tpu.memory_space<vmem>>
        %parallel_loop3A_145 = tpu.vector_load_idx %parallel_loop3A_144[%parallel_loop3A_139] : memref<10240xi32, #tpu.memory_space<vmem>>[vector<16xi32>], vector<16xi32>,
        %parallel_loop3A_146 = arith.constant 16 : i32
        %parallel_loop3A_147 = vector.broadcast %parallel_loop3A_146 : i32 to vector<16xi32>
        %parallel_loop3A_148 = arith.shli %parallel_loop3A_145, %parallel_loop3A_147 : vector<16xi32>
        %parallel_loop3A_149 = vector.bitcast %parallel_loop3A_148 : vector<16xi32> to vector<16xf32>
        %parallel_loop3A_150 = arith.mulf %parallel_loop3A_149, %parallel_loop3A_128 : vector<16xf32>
        %parallel_loop3A_151 = arith.constant -65536 : i32
        %parallel_loop3A_152 = vector.broadcast %parallel_loop3A_151 : i32 to vector<16xi32>
        %parallel_loop3A_153 = arith.andi %parallel_loop3A_145, %parallel_loop3A_152 : vector<16xi32>
        %parallel_loop3A_154 = vector.bitcast %parallel_loop3A_153 : vector<16xi32> to vector<16xf32>
        %parallel_loop3A_155 = arith.mulf %parallel_loop3A_154, %parallel_loop3A_128 : vector<16xf32>
        %parallel_loop3A_156 = arith.constant 0 : i32
        %parallel_loop3A_157 = tpu.memref_slice %arg7[%parallel_loop3A_156] : memref<40960xf32, #tpu.memory_space<vmem>> -> memref<10240xf32, #tpu.memory_space<vmem>>
        tpu.vector_store_idx %parallel_loop3A_157[%parallel_loop3A_142], %parallel_loop3A_150 {add = true} : memref<10240xf32, #tpu.memory_space<vmem>>[vector<16xi32>], vector<16xf32>,
        %parallel_loop3A_158 = arith.constant 20480 : i32
        %parallel_loop3A_159 = tpu.memref_slice %arg7[%parallel_loop3A_158] : memref<40960xf32, #tpu.memory_space<vmem>> -> memref<10240xf32, #tpu.memory_space<vmem>>
        tpu.vector_store_idx %parallel_loop3A_159[%parallel_loop3A_142], %parallel_loop3A_155 {add = true} : memref<10240xf32, #tpu.memory_space<vmem>>[vector<16xi32>], vector<16xf32>,
        %parallel_loop3A_160 = arith.constant 10240 : i32
        %parallel_loop3A_161 = tpu.memref_slice %arg6[%parallel_loop3A_160] : memref<20480xi32, #tpu.memory_space<vmem>> -> memref<10240xi32, #tpu.memory_space<vmem>>
        %parallel_loop3A_162 = tpu.vector_load_idx %parallel_loop3A_161[%parallel_loop3A_139] : memref<10240xi32, #tpu.memory_space<vmem>>[vector<16xi32>], vector<16xi32>,
        %parallel_loop3A_163 = arith.constant 16 : i32
        %parallel_loop3A_164 = vector.broadcast %parallel_loop3A_163 : i32 to vector<16xi32>
        %parallel_loop3A_165 = arith.shli %parallel_loop3A_162, %parallel_loop3A_164 : vector<16xi32>
        %parallel_loop3A_166 = vector.bitcast %parallel_loop3A_165 : vector<16xi32> to vector<16xf32>
        %parallel_loop3A_167 = arith.mulf %parallel_loop3A_166, %parallel_loop3A_128 : vector<16xf32>
        %parallel_loop3A_168 = arith.constant -65536 : i32
        %parallel_loop3A_169 = vector.broadcast %parallel_loop3A_168 : i32 to vector<16xi32>
        %parallel_loop3A_170 = arith.andi %parallel_loop3A_162, %parallel_loop3A_169 : vector<16xi32>
        %parallel_loop3A_171 = vector.bitcast %parallel_loop3A_170 : vector<16xi32> to vector<16xf32>
        %parallel_loop3A_172 = arith.mulf %parallel_loop3A_171, %parallel_loop3A_128 : vector<16xf32>
        %parallel_loop3A_173 = arith.constant 10240 : i32
        %parallel_loop3A_174 = tpu.memref_slice %arg7[%parallel_loop3A_173] : memref<40960xf32, #tpu.memory_space<vmem>> -> memref<10240xf32, #tpu.memory_space<vmem>>
        tpu.vector_store_idx %parallel_loop3A_174[%parallel_loop3A_142], %parallel_loop3A_167 {add = true} : memref<10240xf32, #tpu.memory_space<vmem>>[vector<16xi32>], vector<16xf32>,
        %parallel_loop3A_175 = arith.constant 30720 : i32
        %parallel_loop3A_176 = tpu.memref_slice %arg7[%parallel_loop3A_175] : memref<40960xf32, #tpu.memory_space<vmem>> -> memref<10240xf32, #tpu.memory_space<vmem>>
        tpu.vector_store_idx %parallel_loop3A_176[%parallel_loop3A_142], %parallel_loop3A_172 {add = true} : memref<10240xf32, #tpu.memory_space<vmem>>[vector<16xi32>], vector<16xf32>,
        %parallel_loop3A_177 = arith.index_cast %parallel_loop3A_134 : i32 to index
        %parallel_loop3A_178 = tpu.vector_load %arg8[%parallel_loop3A_177] {strides = array<i32>} : memref<8000xi32, #tpu.memory_space<vmem>>, vector<16xi32>,
        %parallel_loop3A_179 = arith.constant 16383 : i32
        %parallel_loop3A_180 = vector.broadcast %parallel_loop3A_179 : i32 to vector<16xi32>
        %parallel_loop3A_181 = arith.andi %parallel_loop3A_178, %parallel_loop3A_180 : vector<16xi32>
        %parallel_loop3A_182 = arith.constant 14 : i32
        %parallel_loop3A_183 = vector.broadcast %parallel_loop3A_182 : i32 to vector<16xi32>
        %parallel_loop3A_184 = arith.shrui %parallel_loop3A_178, %parallel_loop3A_183 : vector<16xi32>
        %parallel_loop3A_185 = arith.constant 0 : i32
        %parallel_loop3A_186 = tpu.memref_slice %arg6[%parallel_loop3A_185] : memref<20480xi32, #tpu.memory_space<vmem>> -> memref<10240xi32, #tpu.memory_space<vmem>>
        %parallel_loop3A_187 = tpu.vector_load_idx %parallel_loop3A_186[%parallel_loop3A_181] : memref<10240xi32, #tpu.memory_space<vmem>>[vector<16xi32>], vector<16xi32>,
        %parallel_loop3A_188 = arith.constant 16 : i32
        %parallel_loop3A_189 = vector.broadcast %parallel_loop3A_188 : i32 to vector<16xi32>
        %parallel_loop3A_190 = arith.shli %parallel_loop3A_187, %parallel_loop3A_189 : vector<16xi32>
        %parallel_loop3A_191 = vector.bitcast %parallel_loop3A_190 : vector<16xi32> to vector<16xf32>
        %parallel_loop3A_192 = arith.mulf %parallel_loop3A_191, %parallel_loop3A_132 : vector<16xf32>
        %parallel_loop3A_193 = arith.constant -65536 : i32
        %parallel_loop3A_194 = vector.broadcast %parallel_loop3A_193 : i32 to vector<16xi32>
        %parallel_loop3A_195 = arith.andi %parallel_loop3A_187, %parallel_loop3A_194 : vector<16xi32>
        %parallel_loop3A_196 = vector.bitcast %parallel_loop3A_195 : vector<16xi32> to vector<16xf32>
        %parallel_loop3A_197 = arith.mulf %parallel_loop3A_196, %parallel_loop3A_132 : vector<16xf32>
        %parallel_loop3A_198 = arith.constant 0 : i32
        %parallel_loop3A_199 = tpu.memref_slice %arg7[%parallel_loop3A_198] : memref<40960xf32, #tpu.memory_space<vmem>> -> memref<10240xf32, #tpu.memory_space<vmem>>
        tpu.vector_store_idx %parallel_loop3A_199[%parallel_loop3A_184], %parallel_loop3A_192 {add = true} : memref<10240xf32, #tpu.memory_space<vmem>>[vector<16xi32>], vector<16xf32>,
        %parallel_loop3A_200 = arith.constant 20480 : i32
        %parallel_loop3A_201 = tpu.memref_slice %arg7[%parallel_loop3A_200] : memref<40960xf32, #tpu.memory_space<vmem>> -> memref<10240xf32, #tpu.memory_space<vmem>>
        tpu.vector_store_idx %parallel_loop3A_201[%parallel_loop3A_184], %parallel_loop3A_197 {add = true} : memref<10240xf32, #tpu.memory_space<vmem>>[vector<16xi32>], vector<16xf32>,
        %parallel_loop3A_202 = arith.constant 10240 : i32
        %parallel_loop3A_203 = tpu.memref_slice %arg6[%parallel_loop3A_202] : memref<20480xi32, #tpu.memory_space<vmem>> -> memref<10240xi32, #tpu.memory_space<vmem>>
        %parallel_loop3A_204 = tpu.vector_load_idx %parallel_loop3A_203[%parallel_loop3A_181] : memref<10240xi32, #tpu.memory_space<vmem>>[vector<16xi32>], vector<16xi32>,
        %parallel_loop3A_205 = arith.constant 16 : i32
        %parallel_loop3A_206 = vector.broadcast %parallel_loop3A_205 : i32 to vector<16xi32>
        %parallel_loop3A_207 = arith.shli %parallel_loop3A_204, %parallel_loop3A_206 : vector<16xi32>
        %parallel_loop3A_208 = vector.bitcast %parallel_loop3A_207 : vector<16xi32> to vector<16xf32>
        %parallel_loop3A_209 = arith.mulf %parallel_loop3A_208, %parallel_loop3A_132 : vector<16xf32>
        %parallel_loop3A_210 = arith.constant -65536 : i32
        %parallel_loop3A_211 = vector.broadcast %parallel_loop3A_210 : i32 to vector<16xi32>
        %parallel_loop3A_212 = arith.andi %parallel_loop3A_204, %parallel_loop3A_211 : vector<16xi32>
        %parallel_loop3A_213 = vector.bitcast %parallel_loop3A_212 : vector<16xi32> to vector<16xf32>
        %parallel_loop3A_214 = arith.mulf %parallel_loop3A_213, %parallel_loop3A_132 : vector<16xf32>
        %parallel_loop3A_215 = arith.constant 10240 : i32
        %parallel_loop3A_216 = tpu.memref_slice %arg7[%parallel_loop3A_215] : memref<40960xf32, #tpu.memory_space<vmem>> -> memref<10240xf32, #tpu.memory_space<vmem>>
        tpu.vector_store_idx %parallel_loop3A_216[%parallel_loop3A_184], %parallel_loop3A_209 {add = true} : memref<10240xf32, #tpu.memory_space<vmem>>[vector<16xi32>], vector<16xf32>,
        %parallel_loop3A_217 = arith.constant 30720 : i32
        %parallel_loop3A_218 = tpu.memref_slice %arg7[%parallel_loop3A_217] : memref<40960xf32, #tpu.memory_space<vmem>> -> memref<10240xf32, #tpu.memory_space<vmem>>
        tpu.vector_store_idx %parallel_loop3A_218[%parallel_loop3A_184], %parallel_loop3A_214 {add = true} : memref<10240xf32, #tpu.memory_space<vmem>>[vector<16xi32>], vector<16xf32>,
      } {sc.loop_unroll_factor = 2 : i64, sc.parallel_access}
      %add3A_101 = arith.constant 2 : i32
      %add3A_102 = arith.addi %mul3A_93, %add3A_101 : i32
      %lt3A = arith.constant 10 : i32
      %lt3A_103 = arith.cmpi slt, %add3A_102, %lt3A : i32
      %convert_element_type3A = arith.extui %lt3A_103 : i1 to i32
      %cond3A = arith.constant 0 : i32
      %cond3A_104 = arith.cmpi ne, %convert_element_type3A, %cond3A : i32
      scf.if %cond3A_104 {
        %add3A_120 = arith.constant 2 : i32
        %add3A_121 = arith.addi %mul3A_93, %add3A_120 : i32
        %mul3A_122 = arith.constant 8000 : i32
        %mul3A_123 = arith.muli %add3A_121, %mul3A_122 : i32
        %add3A_124 = arith.addi %mul3A_4, %mul3A_123 : i32
        %dma_start3A_125 = tpu.memref_slice %arg3[%add3A_124] : memref<320000xi32, #tpu.memory_space<hbm>> -> memref<8000xi32, #tpu.memory_space<hbm>>
        %dma_start3A_126 = tpu.memref_slice %arg3[%add3A_124] : memref<320000xi32, #tpu.memory_space<hbm>> -> memref<8000xi32, #tpu.memory_space<hbm>>
        tpu.enqueue_dma source(%dma_start3A_126 : memref<8000xi32, #tpu.memory_space<hbm>>) target(%arg8 : memref<8000xi32, #tpu.memory_space<vmem>>) target_semaphore(%arg13 : memref<!tpu.dma_semaphore, #tpu.memory_space<semaphore_mem>>)
        %jit3A_127 = arith.constant 2 : i32
        %div3A_128 = arith.divsi %add3A_124, %jit3A_127 : i32
        %sign3A_129 = arith.constant 0 : i32
        %sign3A_130 = arith.cmpi sgt, %add3A_124, %sign3A_129 : i32
        %sign3A_131 = arith.extui %sign3A_130 : i1 to i32
        %sign3A_132 = arith.constant 0 : i32
        %sign3A_133 = arith.cmpi slt, %add3A_124, %sign3A_132 : i32
        %sign3A_134 = arith.extui %sign3A_133 : i1 to i32
        %sign3A_135 = arith.subi %sign3A_131, %sign3A_134 : i32
        %sign3A_136 = arith.constant 0 : i32
        %sign3A_137 = arith.cmpi sgt, %jit3A_127, %sign3A_136 : i32
        %sign3A_138 = arith.extui %sign3A_137 : i1 to i32
        %sign3A_139 = arith.constant 0 : i32
        %sign3A_140 = arith.cmpi slt, %jit3A_127, %sign3A_139 : i32
        %sign3A_141 = arith.extui %sign3A_140 : i1 to i32
        %sign3A_142 = arith.subi %sign3A_138, %sign3A_141 : i32
        %ne3A_143 = arith.cmpi ne, %sign3A_135, %sign3A_142 : i32
        %rem3A_144 = arith.remsi %add3A_124, %jit3A_127 : i32
        %ne3A_145 = arith.constant 0 : i32
        %ne3A_146 = arith.cmpi ne, %rem3A_144, %ne3A_145 : i32
        %and3A_147 = arith.andi %ne3A_143, %ne3A_146 : i1
        %sub3A_148 = arith.constant 1 : i32
        %sub3A_149 = arith.subi %div3A_128, %sub3A_148 : i32
        %select_n3A_150 = arith.select %and3A_147, %sub3A_149, %div3A_128 : i32
        %multiple_of3A_151 = tpu.assume_multiple %select_n3A_150, 8 : i32
        %dma_start3A_152 = tpu.memref_slice %arg4[%multiple_of3A_151] : memref<160000xi32, #tpu.memory_space<hbm>> -> memref<4000xi32, #tpu.memory_space<hbm>>
        %dma_start3A_153 = tpu.memref_slice %arg4[%multiple_of3A_151] : memref<160000xi32, #tpu.memory_space<hbm>> -> memref<4000xi32, #tpu.memory_space<hbm>>
        tpu.enqueue_dma source(%dma_start3A_153 : memref<4000xi32, #tpu.memory_space<hbm>>) target(%arg10 : memref<4000xi32, #tpu.memory_space<vmem>>) target_semaphore(%arg15 : memref<!tpu.dma_semaphore, #tpu.memory_space<semaphore_mem>>)
      } else {
      }
      %dma_wait3A_105 = tpu.memref_slice %arg3[%mul3A_4] : memref<320000xi32, #tpu.memory_space<hbm>> -> memref<8000xi32, #tpu.memory_space<hbm>>
      %dma_wait3A_106 = tpu.memref_slice %arg3[%mul3A_4] : memref<320000xi32, #tpu.memory_space<hbm>> -> memref<8000xi32, #tpu.memory_space<hbm>>
      tpu.wait_dma2 semaphore(%arg14 : memref<!tpu.dma_semaphore, #tpu.memory_space<semaphore_mem>>) src(%dma_wait3A_106 : memref<8000xi32, #tpu.memory_space<hbm>>) dst(%arg9 : memref<8000xi32, #tpu.memory_space<vmem>>)
      %dma_wait3A_107 = tpu.memref_slice %arg4[%mul3A_4] : memref<160000xi32, #tpu.memory_space<hbm>> -> memref<4000xi32, #tpu.memory_space<hbm>>
      %dma_wait3A_108 = tpu.memref_slice %arg4[%mul3A_4] : memref<160000xi32, #tpu.memory_space<hbm>> -> memref<4000xi32, #tpu.memory_space<hbm>>
      tpu.wait_dma2 semaphore(%arg16 : memref<!tpu.dma_semaphore, #tpu.memory_space<semaphore_mem>>) src(%dma_wait3A_108 : memref<4000xi32, #tpu.memory_space<hbm>>) dst(%arg11 : memref<4000xi32, #tpu.memory_space<vmem>>)
      %parallel_loop3A_109 = arith.constant 0 : i32
      %parallel_loop3A_110 = arith.constant 250 : i32
      %parallel_loop3A_111 = arith.constant 1 : i32
      scf.for %parallel_loop3A_120 = %parallel_loop3A_109 to %parallel_loop3A_110 step %parallel_loop3A_111  : i32 {
        %parallel_loop3A_121 = arith.constant 16 : i32
        %parallel_loop3A_122 = arith.muli %parallel_loop3A_120, %parallel_loop3A_121 : i32
        %parallel_loop3A_123 = arith.index_cast %parallel_loop3A_122 : i32 to index
        %parallel_loop3A_124 = tpu.vector_load %arg11[%parallel_loop3A_123] {strides = array<i32>} : memref<4000xi32, #tpu.memory_space<vmem>>, vector<16xi32>,
        %parallel_loop3A_125 = arith.constant 16 : i32
        %parallel_loop3A_126 = vector.broadcast %parallel_loop3A_125 : i32 to vector<16xi32>
        %parallel_loop3A_127 = arith.shli %parallel_loop3A_124, %parallel_loop3A_126 : vector<16xi32>
        %parallel_loop3A_128 = vector.bitcast %parallel_loop3A_127 : vector<16xi32> to vector<16xf32>
        %parallel_loop3A_129 = arith.constant -65536 : i32
        %parallel_loop3A_130 = vector.broadcast %parallel_loop3A_129 : i32 to vector<16xi32>
        %parallel_loop3A_131 = arith.andi %parallel_loop3A_124, %parallel_loop3A_130 : vector<16xi32>
        %parallel_loop3A_132 = vector.bitcast %parallel_loop3A_131 : vector<16xi32> to vector<16xf32>
        %parallel_loop3A_133 = arith.constant 4000 : i32
        %parallel_loop3A_134 = arith.addi %parallel_loop3A_133, %parallel_loop3A_122 : i32
        %parallel_loop3A_135 = arith.index_cast %parallel_loop3A_122 : i32 to index
        %parallel_loop3A_136 = tpu.vector_load %arg9[%parallel_loop3A_135] {strides = array<i32>} : memref<8000xi32, #tpu.memory_space<vmem>>, vector<16xi32>,
        %parallel_loop3A_137 = arith.constant 16383 : i32
        %parallel_loop3A_138 = vector.broadcast %parallel_loop3A_137 : i32 to vector<16xi32>
        %parallel_loop3A_139 = arith.andi %parallel_loop3A_136, %parallel_loop3A_138 : vector<16xi32>
        %parallel_loop3A_140 = arith.constant 14 : i32
        %parallel_loop3A_141 = vector.broadcast %parallel_loop3A_140 : i32 to vector<16xi32>
        %parallel_loop3A_142 = arith.shrui %parallel_loop3A_136, %parallel_loop3A_141 : vector<16xi32>
        %parallel_loop3A_143 = arith.constant 0 : i32
        %parallel_loop3A_144 = tpu.memref_slice %arg6[%parallel_loop3A_143] : memref<20480xi32, #tpu.memory_space<vmem>> -> memref<10240xi32, #tpu.memory_space<vmem>>
        %parallel_loop3A_145 = tpu.vector_load_idx %parallel_loop3A_144[%parallel_loop3A_139] : memref<10240xi32, #tpu.memory_space<vmem>>[vector<16xi32>], vector<16xi32>,
        %parallel_loop3A_146 = arith.constant 16 : i32
        %parallel_loop3A_147 = vector.broadcast %parallel_loop3A_146 : i32 to vector<16xi32>
        %parallel_loop3A_148 = arith.shli %parallel_loop3A_145, %parallel_loop3A_147 : vector<16xi32>
        %parallel_loop3A_149 = vector.bitcast %parallel_loop3A_148 : vector<16xi32> to vector<16xf32>
        %parallel_loop3A_150 = arith.mulf %parallel_loop3A_149, %parallel_loop3A_128 : vector<16xf32>
        %parallel_loop3A_151 = arith.constant -65536 : i32
        %parallel_loop3A_152 = vector.broadcast %parallel_loop3A_151 : i32 to vector<16xi32>
        %parallel_loop3A_153 = arith.andi %parallel_loop3A_145, %parallel_loop3A_152 : vector<16xi32>
        %parallel_loop3A_154 = vector.bitcast %parallel_loop3A_153 : vector<16xi32> to vector<16xf32>
        %parallel_loop3A_155 = arith.mulf %parallel_loop3A_154, %parallel_loop3A_128 : vector<16xf32>
        %parallel_loop3A_156 = arith.constant 0 : i32
        %parallel_loop3A_157 = tpu.memref_slice %arg7[%parallel_loop3A_156] : memref<40960xf32, #tpu.memory_space<vmem>> -> memref<10240xf32, #tpu.memory_space<vmem>>
        tpu.vector_store_idx %parallel_loop3A_157[%parallel_loop3A_142], %parallel_loop3A_150 {add = true} : memref<10240xf32, #tpu.memory_space<vmem>>[vector<16xi32>], vector<16xf32>,
        %parallel_loop3A_158 = arith.constant 20480 : i32
        %parallel_loop3A_159 = tpu.memref_slice %arg7[%parallel_loop3A_158] : memref<40960xf32, #tpu.memory_space<vmem>> -> memref<10240xf32, #tpu.memory_space<vmem>>
        tpu.vector_store_idx %parallel_loop3A_159[%parallel_loop3A_142], %parallel_loop3A_155 {add = true} : memref<10240xf32, #tpu.memory_space<vmem>>[vector<16xi32>], vector<16xf32>,
        %parallel_loop3A_160 = arith.constant 10240 : i32
        %parallel_loop3A_161 = tpu.memref_slice %arg6[%parallel_loop3A_160] : memref<20480xi32, #tpu.memory_space<vmem>> -> memref<10240xi32, #tpu.memory_space<vmem>>
        %parallel_loop3A_162 = tpu.vector_load_idx %parallel_loop3A_161[%parallel_loop3A_139] : memref<10240xi32, #tpu.memory_space<vmem>>[vector<16xi32>], vector<16xi32>,
        %parallel_loop3A_163 = arith.constant 16 : i32
        %parallel_loop3A_164 = vector.broadcast %parallel_loop3A_163 : i32 to vector<16xi32>
        %parallel_loop3A_165 = arith.shli %parallel_loop3A_162, %parallel_loop3A_164 : vector<16xi32>
        %parallel_loop3A_166 = vector.bitcast %parallel_loop3A_165 : vector<16xi32> to vector<16xf32>
        %parallel_loop3A_167 = arith.mulf %parallel_loop3A_166, %parallel_loop3A_128 : vector<16xf32>
        %parallel_loop3A_168 = arith.constant -65536 : i32
        %parallel_loop3A_169 = vector.broadcast %parallel_loop3A_168 : i32 to vector<16xi32>
        %parallel_loop3A_170 = arith.andi %parallel_loop3A_162, %parallel_loop3A_169 : vector<16xi32>
        %parallel_loop3A_171 = vector.bitcast %parallel_loop3A_170 : vector<16xi32> to vector<16xf32>
        %parallel_loop3A_172 = arith.mulf %parallel_loop3A_171, %parallel_loop3A_128 : vector<16xf32>
        %parallel_loop3A_173 = arith.constant 10240 : i32
        %parallel_loop3A_174 = tpu.memref_slice %arg7[%parallel_loop3A_173] : memref<40960xf32, #tpu.memory_space<vmem>> -> memref<10240xf32, #tpu.memory_space<vmem>>
        tpu.vector_store_idx %parallel_loop3A_174[%parallel_loop3A_142], %parallel_loop3A_167 {add = true} : memref<10240xf32, #tpu.memory_space<vmem>>[vector<16xi32>], vector<16xf32>,
        %parallel_loop3A_175 = arith.constant 30720 : i32
        %parallel_loop3A_176 = tpu.memref_slice %arg7[%parallel_loop3A_175] : memref<40960xf32, #tpu.memory_space<vmem>> -> memref<10240xf32, #tpu.memory_space<vmem>>
        tpu.vector_store_idx %parallel_loop3A_176[%parallel_loop3A_142], %parallel_loop3A_172 {add = true} : memref<10240xf32, #tpu.memory_space<vmem>>[vector<16xi32>], vector<16xf32>,
        %parallel_loop3A_177 = arith.index_cast %parallel_loop3A_134 : i32 to index
        %parallel_loop3A_178 = tpu.vector_load %arg9[%parallel_loop3A_177] {strides = array<i32>} : memref<8000xi32, #tpu.memory_space<vmem>>, vector<16xi32>,
        %parallel_loop3A_179 = arith.constant 16383 : i32
        %parallel_loop3A_180 = vector.broadcast %parallel_loop3A_179 : i32 to vector<16xi32>
        %parallel_loop3A_181 = arith.andi %parallel_loop3A_178, %parallel_loop3A_180 : vector<16xi32>
        %parallel_loop3A_182 = arith.constant 14 : i32
        %parallel_loop3A_183 = vector.broadcast %parallel_loop3A_182 : i32 to vector<16xi32>
        %parallel_loop3A_184 = arith.shrui %parallel_loop3A_178, %parallel_loop3A_183 : vector<16xi32>
        %parallel_loop3A_185 = arith.constant 0 : i32
        %parallel_loop3A_186 = tpu.memref_slice %arg6[%parallel_loop3A_185] : memref<20480xi32, #tpu.memory_space<vmem>> -> memref<10240xi32, #tpu.memory_space<vmem>>
        %parallel_loop3A_187 = tpu.vector_load_idx %parallel_loop3A_186[%parallel_loop3A_181] : memref<10240xi32, #tpu.memory_space<vmem>>[vector<16xi32>], vector<16xi32>,
        %parallel_loop3A_188 = arith.constant 16 : i32
        %parallel_loop3A_189 = vector.broadcast %parallel_loop3A_188 : i32 to vector<16xi32>
        %parallel_loop3A_190 = arith.shli %parallel_loop3A_187, %parallel_loop3A_189 : vector<16xi32>
        %parallel_loop3A_191 = vector.bitcast %parallel_loop3A_190 : vector<16xi32> to vector<16xf32>
        %parallel_loop3A_192 = arith.mulf %parallel_loop3A_191, %parallel_loop3A_132 : vector<16xf32>
        %parallel_loop3A_193 = arith.constant -65536 : i32
        %parallel_loop3A_194 = vector.broadcast %parallel_loop3A_193 : i32 to vector<16xi32>
        %parallel_loop3A_195 = arith.andi %parallel_loop3A_187, %parallel_loop3A_194 : vector<16xi32>
        %parallel_loop3A_196 = vector.bitcast %parallel_loop3A_195 : vector<16xi32> to vector<16xf32>
        %parallel_loop3A_197 = arith.mulf %parallel_loop3A_196, %parallel_loop3A_132 : vector<16xf32>
        %parallel_loop3A_198 = arith.constant 0 : i32
        %parallel_loop3A_199 = tpu.memref_slice %arg7[%parallel_loop3A_198] : memref<40960xf32, #tpu.memory_space<vmem>> -> memref<10240xf32, #tpu.memory_space<vmem>>
        tpu.vector_store_idx %parallel_loop3A_199[%parallel_loop3A_184], %parallel_loop3A_192 {add = true} : memref<10240xf32, #tpu.memory_space<vmem>>[vector<16xi32>], vector<16xf32>,
        %parallel_loop3A_200 = arith.constant 20480 : i32
        %parallel_loop3A_201 = tpu.memref_slice %arg7[%parallel_loop3A_200] : memref<40960xf32, #tpu.memory_space<vmem>> -> memref<10240xf32, #tpu.memory_space<vmem>>
        tpu.vector_store_idx %parallel_loop3A_201[%parallel_loop3A_184], %parallel_loop3A_197 {add = true} : memref<10240xf32, #tpu.memory_space<vmem>>[vector<16xi32>], vector<16xf32>,
        %parallel_loop3A_202 = arith.constant 10240 : i32
        %parallel_loop3A_203 = tpu.memref_slice %arg6[%parallel_loop3A_202] : memref<20480xi32, #tpu.memory_space<vmem>> -> memref<10240xi32, #tpu.memory_space<vmem>>
        %parallel_loop3A_204 = tpu.vector_load_idx %parallel_loop3A_203[%parallel_loop3A_181] : memref<10240xi32, #tpu.memory_space<vmem>>[vector<16xi32>], vector<16xi32>,
        %parallel_loop3A_205 = arith.constant 16 : i32
        %parallel_loop3A_206 = vector.broadcast %parallel_loop3A_205 : i32 to vector<16xi32>
        %parallel_loop3A_207 = arith.shli %parallel_loop3A_204, %parallel_loop3A_206 : vector<16xi32>
        %parallel_loop3A_208 = vector.bitcast %parallel_loop3A_207 : vector<16xi32> to vector<16xf32>
        %parallel_loop3A_209 = arith.mulf %parallel_loop3A_208, %parallel_loop3A_132 : vector<16xf32>
        %parallel_loop3A_210 = arith.constant -65536 : i32
        %parallel_loop3A_211 = vector.broadcast %parallel_loop3A_210 : i32 to vector<16xi32>
        %parallel_loop3A_212 = arith.andi %parallel_loop3A_204, %parallel_loop3A_211 : vector<16xi32>
        %parallel_loop3A_213 = vector.bitcast %parallel_loop3A_212 : vector<16xi32> to vector<16xf32>
        %parallel_loop3A_214 = arith.mulf %parallel_loop3A_213, %parallel_loop3A_132 : vector<16xf32>
        %parallel_loop3A_215 = arith.constant 10240 : i32
        %parallel_loop3A_216 = tpu.memref_slice %arg7[%parallel_loop3A_215] : memref<40960xf32, #tpu.memory_space<vmem>> -> memref<10240xf32, #tpu.memory_space<vmem>>
        tpu.vector_store_idx %parallel_loop3A_216[%parallel_loop3A_184], %parallel_loop3A_209 {add = true} : memref<10240xf32, #tpu.memory_space<vmem>>[vector<16xi32>], vector<16xf32>,
        %parallel_loop3A_217 = arith.constant 30720 : i32
        %parallel_loop3A_218 = tpu.memref_slice %arg7[%parallel_loop3A_217] : memref<40960xf32, #tpu.memory_space<vmem>> -> memref<10240xf32, #tpu.memory_space<vmem>>
        tpu.vector_store_idx %parallel_loop3A_218[%parallel_loop3A_184], %parallel_loop3A_214 {add = true} : memref<10240xf32, #tpu.memory_space<vmem>>[vector<16xi32>], vector<16xf32>,
      } {sc.loop_unroll_factor = 2 : i64, sc.parallel_access}
      %add3A_112 = arith.constant 3 : i32
      %add3A_113 = arith.addi %mul3A_93, %add3A_112 : i32
      %lt3A_114 = arith.constant 10 : i32
      %lt3A_115 = arith.cmpi slt, %add3A_113, %lt3A_114 : i32
      %convert_element_type3A_116 = arith.extui %lt3A_115 : i1 to i32
      %cond3A_117 = arith.constant 0 : i32
      %cond3A_118 = arith.cmpi ne, %convert_element_type3A_116, %cond3A_117 : i32
      scf.if %cond3A_118 {
        %add3A_120 = arith.constant 3 : i32
        %add3A_121 = arith.addi %mul3A_93, %add3A_120 : i32
        %mul3A_122 = arith.constant 8000 : i32
        %mul3A_123 = arith.muli %add3A_121, %mul3A_122 : i32
        %add3A_124 = arith.addi %mul3A_4, %mul3A_123 : i32
        %dma_start3A_125 = tpu.memref_slice %arg3[%add3A_124] : memref<320000xi32, #tpu.memory_space<hbm>> -> memref<8000xi32, #tpu.memory_space<hbm>>
        %dma_start3A_126 = tpu.memref_slice %arg3[%add3A_124] : memref<320000xi32, #tpu.memory_space<hbm>> -> memref<8000xi32, #tpu.memory_space<hbm>>
        tpu.enqueue_dma source(%dma_start3A_126 : memref<8000xi32, #tpu.memory_space<hbm>>) target(%arg9 : memref<8000xi32, #tpu.memory_space<vmem>>) target_semaphore(%arg14 : memref<!tpu.dma_semaphore, #tpu.memory_space<semaphore_mem>>)
        %jit3A_127 = arith.constant 2 : i32
        %div3A_128 = arith.divsi %add3A_124, %jit3A_127 : i32
        %sign3A_129 = arith.constant 0 : i32
        %sign3A_130 = arith.cmpi sgt, %add3A_124, %sign3A_129 : i32
        %sign3A_131 = arith.extui %sign3A_130 : i1 to i32
        %sign3A_132 = arith.constant 0 : i32
        %sign3A_133 = arith.cmpi slt, %add3A_124, %sign3A_132 : i32
        %sign3A_134 = arith.extui %sign3A_133 : i1 to i32
        %sign3A_135 = arith.subi %sign3A_131, %sign3A_134 : i32
        %sign3A_136 = arith.constant 0 : i32
        %sign3A_137 = arith.cmpi sgt, %jit3A_127, %sign3A_136 : i32
        %sign3A_138 = arith.extui %sign3A_137 : i1 to i32
        %sign3A_139 = arith.constant 0 : i32
        %sign3A_140 = arith.cmpi slt, %jit3A_127, %sign3A_139 : i32
        %sign3A_141 = arith.extui %sign3A_140 : i1 to i32
        %sign3A_142 = arith.subi %sign3A_138, %sign3A_141 : i32
        %ne3A_143 = arith.cmpi ne, %sign3A_135, %sign3A_142 : i32
        %rem3A_144 = arith.remsi %add3A_124, %jit3A_127 : i32
        %ne3A_145 = arith.constant 0 : i32
        %ne3A_146 = arith.cmpi ne, %rem3A_144, %ne3A_145 : i32
        %and3A_147 = arith.andi %ne3A_143, %ne3A_146 : i1
        %sub3A_148 = arith.constant 1 : i32
        %sub3A_149 = arith.subi %div3A_128, %sub3A_148 : i32
        %select_n3A_150 = arith.select %and3A_147, %sub3A_149, %div3A_128 : i32
        %multiple_of3A_151 = tpu.assume_multiple %select_n3A_150, 8 : i32
        %dma_start3A_152 = tpu.memref_slice %arg4[%multiple_of3A_151] : memref<160000xi32, #tpu.memory_space<hbm>> -> memref<4000xi32, #tpu.memory_space<hbm>>
        %dma_start3A_153 = tpu.memref_slice %arg4[%multiple_of3A_151] : memref<160000xi32, #tpu.memory_space<hbm>> -> memref<4000xi32, #tpu.memory_space<hbm>>
        tpu.enqueue_dma source(%dma_start3A_153 : memref<4000xi32, #tpu.memory_space<hbm>>) target(%arg11 : memref<4000xi32, #tpu.memory_space<vmem>>) target_semaphore(%arg16 : memref<!tpu.dma_semaphore, #tpu.memory_space<semaphore_mem>>)
      } else {
      }
      %scan3A_119 = arith.constant 0 : i32
      scf.yield %scan3A_119 : i32
    }
    %scan3A_73 = arith.constant 5 : i32
    %mul3A_74 = arith.constant 327680 : i32
    %mul3A_75 = arith.muli %add3A, %mul3A_74 : i32
    %mul3A_76 = arith.constant 2 : i32
    %mul3A_77 = arith.muli %shift_right_logical3A_2, %mul3A_76 : i32
    %mul3A_78 = arith.constant 10240 : i32
    %mul3A_79 = arith.muli %mul3A_77, %mul3A_78 : i32
    %add3A_80 = arith.addi %mul3A_75, %mul3A_79 : i32
    "tpu.region"() ({
      %run_scoped3A = tpu.sem_alloc : memref<!tpu.dma_semaphore, #tpu.memory_space<semaphore_mem>>
      %dma_start3A_90 = arith.constant 0 : i32
      %dma_start3A_91 = tpu.memref_slice %arg7[%dma_start3A_90] : memref<40960xf32, #tpu.memory_space<vmem>> -> memref<20480xf32, #tpu.memory_space<vmem>>
      %dma_start3A_92 = tpu.memref_slice %arg5[%add3A_80] : memref<1310720xf32, #tpu.memory_space<hbm>> -> memref<20480xf32, #tpu.memory_space<hbm>>
      %dma_start3A_93 = tpu.memref_slice %arg5[%add3A_80] : memref<1310720xf32, #tpu.memory_space<hbm>> -> memref<20480xf32, #tpu.memory_space<hbm>>
      %dma_start3A_94 = arith.constant 0 : i32
      %dma_start3A_95 = tpu.memref_slice %arg7[%dma_start3A_94] : memref<40960xf32, #tpu.memory_space<vmem>> -> memref<20480xf32, #tpu.memory_space<vmem>>
      tpu.enqueue_dma source(%dma_start3A_95 : memref<20480xf32, #tpu.memory_space<vmem>>) target(%dma_start3A_93 : memref<20480xf32, #tpu.memory_space<hbm>>) target_semaphore(%run_scoped3A : memref<!tpu.dma_semaphore, #tpu.memory_space<semaphore_mem>>)
      %dma_wait3A_96 = arith.constant 0 : i32
      %dma_wait3A_97 = tpu.memref_slice %arg7[%dma_wait3A_96] : memref<40960xf32, #tpu.memory_space<vmem>> -> memref<20480xf32, #tpu.memory_space<vmem>>
      %dma_wait3A_98 = tpu.memref_slice %arg5[%add3A_80] : memref<1310720xf32, #tpu.memory_space<hbm>> -> memref<20480xf32, #tpu.memory_space<hbm>>
      %dma_wait3A_99 = tpu.memref_slice %arg5[%add3A_80] : memref<1310720xf32, #tpu.memory_space<hbm>> -> memref<20480xf32, #tpu.memory_space<hbm>>
      %dma_wait3A_100 = arith.constant 0 : i32
      %dma_wait3A_101 = tpu.memref_slice %arg7[%dma_wait3A_100] : memref<40960xf32, #tpu.memory_space<vmem>> -> memref<20480xf32, #tpu.memory_space<vmem>>
      tpu.wait_dma2 semaphore(%run_scoped3A : memref<!tpu.dma_semaphore, #tpu.memory_space<semaphore_mem>>) src(%dma_wait3A_101 : memref<20480xf32, #tpu.memory_space<vmem>>) dst(%dma_wait3A_99 : memref<20480xf32, #tpu.memory_space<hbm>>)
      tpu.yield
    }) : () -> ()
    %mul3A_81 = arith.constant 327680 : i32
    %mul3A_82 = arith.muli %add3A, %mul3A_81 : i32
    %mul3A_83 = arith.constant 2 : i32
    %mul3A_84 = arith.muli %shift_right_logical3A_2, %mul3A_83 : i32
    %add3A_85 = arith.constant 16 : i32
    %add3A_86 = arith.addi %add3A_85, %mul3A_84 : i32
    %mul3A_87 = arith.constant 10240 : i32
    %mul3A_88 = arith.muli %add3A_86, %mul3A_87 : i32
    %add3A_89 = arith.addi %mul3A_82, %mul3A_88 : i32
    "tpu.region"() ({
      %run_scoped3A = tpu.sem_alloc : memref<!tpu.dma_semaphore, #tpu.memory_space<semaphore_mem>>
      %dma_start3A_90 = arith.constant 20480 : i32
      %dma_start3A_91 = tpu.memref_slice %arg7[%dma_start3A_90] : memref<40960xf32, #tpu.memory_space<vmem>> -> memref<20480xf32, #tpu.memory_space<vmem>>
      %dma_start3A_92 = tpu.memref_slice %arg5[%add3A_89] : memref<1310720xf32, #tpu.memory_space<hbm>> -> memref<20480xf32, #tpu.memory_space<hbm>>
      %dma_start3A_93 = tpu.memref_slice %arg5[%add3A_89] : memref<1310720xf32, #tpu.memory_space<hbm>> -> memref<20480xf32, #tpu.memory_space<hbm>>
      %dma_start3A_94 = arith.constant 20480 : i32
      %dma_start3A_95 = tpu.memref_slice %arg7[%dma_start3A_94] : memref<40960xf32, #tpu.memory_space<vmem>> -> memref<20480xf32, #tpu.memory_space<vmem>>
      tpu.enqueue_dma source(%dma_start3A_95 : memref<20480xf32, #tpu.memory_space<vmem>>) target(%dma_start3A_93 : memref<20480xf32, #tpu.memory_space<hbm>>) target_semaphore(%run_scoped3A : memref<!tpu.dma_semaphore, #tpu.memory_space<semaphore_mem>>)
      %dma_wait3A_96 = arith.constant 20480 : i32
      %dma_wait3A_97 = tpu.memref_slice %arg7[%dma_wait3A_96] : memref<40960xf32, #tpu.memory_space<vmem>> -> memref<20480xf32, #tpu.memory_space<vmem>>
      %dma_wait3A_98 = tpu.memref_slice %arg5[%add3A_89] : memref<1310720xf32, #tpu.memory_space<hbm>> -> memref<20480xf32, #tpu.memory_space<hbm>>
      %dma_wait3A_99 = tpu.memref_slice %arg5[%add3A_89] : memref<1310720xf32, #tpu.memory_space<hbm>> -> memref<20480xf32, #tpu.memory_space<hbm>>
      %dma_wait3A_100 = arith.constant 20480 : i32
      %dma_wait3A_101 = tpu.memref_slice %arg7[%dma_wait3A_100] : memref<40960xf32, #tpu.memory_space<vmem>> -> memref<20480xf32, #tpu.memory_space<vmem>>
      tpu.wait_dma2 semaphore(%run_scoped3A : memref<!tpu.dma_semaphore, #tpu.memory_space<semaphore_mem>>) src(%dma_wait3A_101 : memref<20480xf32, #tpu.memory_space<vmem>>) dst(%dma_wait3A_99 : memref<20480xf32, #tpu.memory_space<hbm>>)
      tpu.yield
    }) : () -> ()
    return
  }
}

#map = affine_map<(d0, d1) -> (0)>
module attributes {stable_mosaic.version = 14 : i64} {
  func.func @_conv_body(%arg0: i32, %arg1: i32, %arg2: memref<327680xi32, #tpu.memory_space<hbm>>, %arg3: memref<320000xi32, #tpu.memory_space<hbm>>, %arg4: memref<160000xi32, #tpu.memory_space<hbm>>, %arg5: memref<1310720xf32, #tpu.memory_space<hbm>>, %arg6: memref<20480xi32, #tpu.memory_space<vmem>>, %arg7: memref<40960xf32, #tpu.memory_space<vmem>>, %arg8: memref<8000xi32, #tpu.memory_space<vmem>>, %arg9: memref<8000xi32, #tpu.memory_space<vmem>>, %arg10: memref<4000xi32, #tpu.memory_space<vmem>>, %arg11: memref<4000xi32, #tpu.memory_space<vmem>>, %arg12: memref<!tpu.dma_semaphore, #tpu.memory_space<semaphore_mem>>, %arg13: memref<!tpu.dma_semaphore, #tpu.memory_space<semaphore_mem>>, %arg14: memref<!tpu.dma_semaphore, #tpu.memory_space<semaphore_mem>>, %arg15: memref<!tpu.dma_semaphore, #tpu.memory_space<semaphore_mem>>, %arg16: memref<!tpu.dma_semaphore, #tpu.memory_space<semaphore_mem>>) attributes {dimension_semantics = [#tpu.dimension_semantics<core_parallel>, #tpu.dimension_semantics<subcore_parallel>], iteration_bounds = array<i64: 2, 16>, scalar_prefetch = 0 : i64, scratch_operands = 11 : i64, tpu.core_type = #tpu.core_type<sc_vector_subcore>, window_params = [{transform_indices = #map}, {transform_indices = #map}, {transform_indices = #map}, {transform_indices = #map}]} {
    %mul3A = arith.constant 160000 : i32
    %mul3A_0 = arith.muli %arg0, %mul3A : i32
    %mul3A_1 = arith.constant 2 : i32
    %mul3A_2 = arith.muli %arg1, %mul3A_1 : i32
    %mul3A_3 = arith.constant 10240 : i32
    %mul3A_4 = arith.muli %mul3A_2, %mul3A_3 : i32
    %dma_start3A = tpu.memref_slice %arg2[%mul3A_4] : memref<327680xi32, #tpu.memory_space<hbm>> -> memref<20480xi32, #tpu.memory_space<hbm>>
    %dma_start3A_5 = tpu.memref_slice %arg2[%mul3A_4] : memref<327680xi32, #tpu.memory_space<hbm>> -> memref<20480xi32, #tpu.memory_space<hbm>>
    tpu.enqueue_dma source(%dma_start3A_5 : memref<20480xi32, #tpu.memory_space<hbm>>) target(%arg6 : memref<20480xi32, #tpu.memory_space<vmem>>) target_semaphore(%arg12 : memref<!tpu.dma_semaphore, #tpu.memory_space<semaphore_mem>>)
    %broadcast_in_dim3A = arith.constant 0.000000e+00 : f32
    %broadcast_in_dim3A_6 = vector.broadcast %broadcast_in_dim3A : f32 to vector<16xf32>
    %parallel_loop3A = arith.constant 0 : i32
    %parallel_loop3A_7 = arith.constant 2560 : i32
    %parallel_loop3A_8 = arith.constant 1 : i32
    scf.for %parallel_loop3A_84 = %parallel_loop3A to %parallel_loop3A_7 step %parallel_loop3A_8  : i32 {
      %parallel_loop3A_85 = arith.constant 16 : i32
      %parallel_loop3A_86 = arith.muli %parallel_loop3A_84, %parallel_loop3A_85 : i32
      %parallel_loop3A_87 = arith.index_cast %parallel_loop3A_86 : i32 to index
      %parallel_loop3A_88 = tpu.vector_load %arg7[%parallel_loop3A_87] {strides = array<i32>} : memref<40960xf32, #tpu.memory_space<vmem>>, vector<16xf32>,
      tpu.vector_store %arg7[%parallel_loop3A_87], %broadcast_in_dim3A_6 {strides = array<i32>} : memref<40960xf32, #tpu.memory_space<vmem>>, vector<16xf32>,
    } {sc.loop_unroll_factor = 8 : i64, sc.parallel_access}
    %dma_wait3A = tpu.memref_slice %arg2[%mul3A_4] : memref<327680xi32, #tpu.memory_space<hbm>> -> memref<20480xi32, #tpu.memory_space<hbm>>
    %dma_wait3A_9 = tpu.memref_slice %arg2[%mul3A_4] : memref<327680xi32, #tpu.memory_space<hbm>> -> memref<20480xi32, #tpu.memory_space<hbm>>
    tpu.wait_dma2 semaphore(%arg12 : memref<!tpu.dma_semaphore, #tpu.memory_space<semaphore_mem>>) src(%dma_wait3A_9 : memref<20480xi32, #tpu.memory_space<hbm>>) dst(%arg6 : memref<20480xi32, #tpu.memory_space<vmem>>)
    %add3A = arith.constant 0 : i32
    %add3A_10 = arith.addi %mul3A_0, %add3A : i32
    %dma_start3A_11 = tpu.memref_slice %arg3[%add3A_10] : memref<320000xi32, #tpu.memory_space<hbm>> -> memref<8000xi32, #tpu.memory_space<hbm>>
    %dma_start3A_12 = tpu.memref_slice %arg3[%add3A_10] : memref<320000xi32, #tpu.memory_space<hbm>> -> memref<8000xi32, #tpu.memory_space<hbm>>
    tpu.enqueue_dma source(%dma_start3A_12 : memref<8000xi32, #tpu.memory_space<hbm>>) target(%arg8 : memref<8000xi32, #tpu.memory_space<vmem>>) target_semaphore(%arg13 : memref<!tpu.dma_semaphore, #tpu.memory_space<semaphore_mem>>)
    %jit3A = arith.constant 2 : i32
    %div3A = arith.divsi %add3A_10, %jit3A : i32
    %sign3A = arith.constant 0 : i32
    %sign3A_13 = arith.cmpi sgt, %add3A_10, %sign3A : i32
    %sign3A_14 = arith.extui %sign3A_13 : i1 to i32
    %sign3A_15 = arith.constant 0 : i32
    %sign3A_16 = arith.cmpi slt, %add3A_10, %sign3A_15 : i32
    %sign3A_17 = arith.extui %sign3A_16 : i1 to i32
    %sign3A_18 = arith.subi %sign3A_14, %sign3A_17 : i32
    %sign3A_19 = arith.constant 0 : i32
    %sign3A_20 = arith.cmpi sgt, %jit3A, %sign3A_19 : i32
    %sign3A_21 = arith.extui %sign3A_20 : i1 to i32
    %sign3A_22 = arith.constant 0 : i32
    %sign3A_23 = arith.cmpi slt, %jit3A, %sign3A_22 : i32
    %sign3A_24 = arith.extui %sign3A_23 : i1 to i32
    %sign3A_25 = arith.subi %sign3A_21, %sign3A_24 : i32
    %ne3A = arith.cmpi ne, %sign3A_18, %sign3A_25 : i32
    %rem3A = arith.remsi %add3A_10, %jit3A : i32
    %ne3A_26 = arith.constant 0 : i32
    %ne3A_27 = arith.cmpi ne, %rem3A, %ne3A_26 : i32
    %and3A = arith.andi %ne3A, %ne3A_27 : i1
    %sub3A = arith.constant 1 : i32
    %sub3A_28 = arith.subi %div3A, %sub3A : i32
    %select_n3A = arith.select %and3A, %sub3A_28, %div3A : i32
    %multiple_of3A = tpu.assume_multiple %select_n3A, 8 : i32
    %dma_start3A_29 = tpu.memref_slice %arg4[%multiple_of3A] : memref<160000xi32, #tpu.memory_space<hbm>> -> memref<4000xi32, #tpu.memory_space<hbm>>
    %dma_start3A_30 = tpu.memref_slice %arg4[%multiple_of3A] : memref<160000xi32, #tpu.memory_space<hbm>> -> memref<4000xi32, #tpu.memory_space<hbm>>
    tpu.enqueue_dma source(%dma_start3A_30 : memref<4000xi32, #tpu.memory_space<hbm>>) target(%arg10 : memref<4000xi32, #tpu.memory_space<vmem>>) target_semaphore(%arg15 : memref<!tpu.dma_semaphore, #tpu.memory_space<semaphore_mem>>)
    %add3A_31 = arith.constant 8000 : i32
    %add3A_32 = arith.addi %mul3A_0, %add3A_31 : i32
    %dma_start3A_33 = tpu.memref_slice %arg3[%add3A_32] : memref<320000xi32, #tpu.memory_space<hbm>> -> memref<8000xi32, #tpu.memory_space<hbm>>
    %dma_start3A_34 = tpu.memref_slice %arg3[%add3A_32] : memref<320000xi32, #tpu.memory_space<hbm>> -> memref<8000xi32, #tpu.memory_space<hbm>>
    tpu.enqueue_dma source(%dma_start3A_34 : memref<8000xi32, #tpu.memory_space<hbm>>) target(%arg9 : memref<8000xi32, #tpu.memory_space<vmem>>) target_semaphore(%arg14 : memref<!tpu.dma_semaphore, #tpu.memory_space<semaphore_mem>>)
    %jit3A_35 = arith.constant 2 : i32
    %div3A_36 = arith.divsi %add3A_32, %jit3A_35 : i32
    %sign3A_37 = arith.constant 0 : i32
    %sign3A_38 = arith.cmpi sgt, %add3A_32, %sign3A_37 : i32
    %sign3A_39 = arith.extui %sign3A_38 : i1 to i32
    %sign3A_40 = arith.constant 0 : i32
    %sign3A_41 = arith.cmpi slt, %add3A_32, %sign3A_40 : i32
    %sign3A_42 = arith.extui %sign3A_41 : i1 to i32
    %sign3A_43 = arith.subi %sign3A_39, %sign3A_42 : i32
    %sign3A_44 = arith.constant 0 : i32
    %sign3A_45 = arith.cmpi sgt, %jit3A_35, %sign3A_44 : i32
    %sign3A_46 = arith.extui %sign3A_45 : i1 to i32
    %sign3A_47 = arith.constant 0 : i32
    %sign3A_48 = arith.cmpi slt, %jit3A_35, %sign3A_47 : i32
    %sign3A_49 = arith.extui %sign3A_48 : i1 to i32
    %sign3A_50 = arith.subi %sign3A_46, %sign3A_49 : i32
    %ne3A_51 = arith.cmpi ne, %sign3A_43, %sign3A_50 : i32
    %rem3A_52 = arith.remsi %add3A_32, %jit3A_35 : i32
    %ne3A_53 = arith.constant 0 : i32
    %ne3A_54 = arith.cmpi ne, %rem3A_52, %ne3A_53 : i32
    %and3A_55 = arith.andi %ne3A_51, %ne3A_54 : i1
    %sub3A_56 = arith.constant 1 : i32
    %sub3A_57 = arith.subi %div3A_36, %sub3A_56 : i32
    %select_n3A_58 = arith.select %and3A_55, %sub3A_57, %div3A_36 : i32
    %multiple_of3A_59 = tpu.assume_multiple %select_n3A_58, 8 : i32
    %dma_start3A_60 = tpu.memref_slice %arg4[%multiple_of3A_59] : memref<160000xi32, #tpu.memory_space<hbm>> -> memref<4000xi32, #tpu.memory_space<hbm>>
    %dma_start3A_61 = tpu.memref_slice %arg4[%multiple_of3A_59] : memref<160000xi32, #tpu.memory_space<hbm>> -> memref<4000xi32, #tpu.memory_space<hbm>>
    tpu.enqueue_dma source(%dma_start3A_61 : memref<4000xi32, #tpu.memory_space<hbm>>) target(%arg11 : memref<4000xi32, #tpu.memory_space<vmem>>) target_semaphore(%arg16 : memref<!tpu.dma_semaphore, #tpu.memory_space<semaphore_mem>>)
    %scan3A = arith.constant 0 : i32
    %scan3A_62 = arith.constant 0 : i32
    %scan3A_63 = arith.constant 10 : i32
    %scan3A_64 = arith.addi %scan3A_62, %scan3A_63 : i32
    %scan3A_65 = arith.constant 1 : i32
    %scan3A_66 = scf.for %scan3A_84 = %scan3A_62 to %scan3A_64 step %scan3A_65 iter_args(%scan3A_85 = %scan3A) -> (i32)  : i32 {
      %mul3A_86 = arith.constant 2 : i32
      %mul3A_87 = arith.muli %mul3A_86, %scan3A_84 : i32
      %dma_wait3A_88 = tpu.memref_slice %arg3[%mul3A_0] : memref<320000xi32, #tpu.memory_space<hbm>> -> memref<8000xi32, #tpu.memory_space<hbm>>
      %dma_wait3A_89 = tpu.memref_slice %arg3[%mul3A_0] : memref<320000xi32, #tpu.memory_space<hbm>> -> memref<8000xi32, #tpu.memory_space<hbm>>
      tpu.wait_dma2 semaphore(%arg13 : memref<!tpu.dma_semaphore, #tpu.memory_space<semaphore_mem>>) src(%dma_wait3A_89 : memref<8000xi32, #tpu.memory_space<hbm>>) dst(%arg8 : memref<8000xi32, #tpu.memory_space<vmem>>)
      %dma_wait3A_90 = tpu.memref_slice %arg4[%mul3A_0] : memref<160000xi32, #tpu.memory_space<hbm>> -> memref<4000xi32, #tpu.memory_space<hbm>>
      %dma_wait3A_91 = tpu.memref_slice %arg4[%mul3A_0] : memref<160000xi32, #tpu.memory_space<hbm>> -> memref<4000xi32, #tpu.memory_space<hbm>>
      tpu.wait_dma2 semaphore(%arg15 : memref<!tpu.dma_semaphore, #tpu.memory_space<semaphore_mem>>) src(%dma_wait3A_91 : memref<4000xi32, #tpu.memory_space<hbm>>) dst(%arg10 : memref<4000xi32, #tpu.memory_space<vmem>>)
      %parallel_loop3A_92 = arith.constant 0 : i32
      %parallel_loop3A_93 = arith.constant 250 : i32
      %parallel_loop3A_94 = arith.constant 1 : i32
      scf.for %parallel_loop3A_114 = %parallel_loop3A_92 to %parallel_loop3A_93 step %parallel_loop3A_94  : i32 {
        %parallel_loop3A_115 = arith.constant 16 : i32
        %parallel_loop3A_116 = arith.muli %parallel_loop3A_114, %parallel_loop3A_115 : i32
        %parallel_loop3A_117 = arith.index_cast %parallel_loop3A_116 : i32 to index
        %parallel_loop3A_118 = tpu.vector_load %arg10[%parallel_loop3A_117] {strides = array<i32>} : memref<4000xi32, #tpu.memory_space<vmem>>, vector<16xi32>,
        %parallel_loop3A_119 = arith.constant 16 : i32
        %parallel_loop3A_120 = vector.broadcast %parallel_loop3A_119 : i32 to vector<16xi32>
        %parallel_loop3A_121 = arith.shli %parallel_loop3A_118, %parallel_loop3A_120 : vector<16xi32>
        %parallel_loop3A_122 = vector.bitcast %parallel_loop3A_121 : vector<16xi32> to vector<16xf32>
        %parallel_loop3A_123 = arith.constant -65536 : i32
        %parallel_loop3A_124 = vector.broadcast %parallel_loop3A_123 : i32 to vector<16xi32>
        %parallel_loop3A_125 = arith.andi %parallel_loop3A_118, %parallel_loop3A_124 : vector<16xi32>
        %parallel_loop3A_126 = vector.bitcast %parallel_loop3A_125 : vector<16xi32> to vector<16xf32>
        %parallel_loop3A_127 = arith.constant 4000 : i32
        %parallel_loop3A_128 = arith.addi %parallel_loop3A_127, %parallel_loop3A_116 : i32
        %parallel_loop3A_129 = arith.index_cast %parallel_loop3A_116 : i32 to index
        %parallel_loop3A_130 = tpu.vector_load %arg8[%parallel_loop3A_129] {strides = array<i32>} : memref<8000xi32, #tpu.memory_space<vmem>>, vector<16xi32>,
        %parallel_loop3A_131 = arith.constant 16383 : i32
        %parallel_loop3A_132 = vector.broadcast %parallel_loop3A_131 : i32 to vector<16xi32>
        %parallel_loop3A_133 = arith.andi %parallel_loop3A_130, %parallel_loop3A_132 : vector<16xi32>
        %parallel_loop3A_134 = arith.constant 14 : i32
        %parallel_loop3A_135 = vector.broadcast %parallel_loop3A_134 : i32 to vector<16xi32>
        %parallel_loop3A_136 = arith.shrui %parallel_loop3A_130, %parallel_loop3A_135 : vector<16xi32>
        %parallel_loop3A_137 = arith.constant 0 : i32
        %parallel_loop3A_138 = tpu.memref_slice %arg6[%parallel_loop3A_137] : memref<20480xi32, #tpu.memory_space<vmem>> -> memref<10240xi32, #tpu.memory_space<vmem>>
        %parallel_loop3A_139 = tpu.vector_load_idx %parallel_loop3A_138[%parallel_loop3A_133] : memref<10240xi32, #tpu.memory_space<vmem>>[vector<16xi32>], vector<16xi32>,
        %parallel_loop3A_140 = arith.constant 16 : i32
        %parallel_loop3A_141 = vector.broadcast %parallel_loop3A_140 : i32 to vector<16xi32>
        %parallel_loop3A_142 = arith.shli %parallel_loop3A_139, %parallel_loop3A_141 : vector<16xi32>
        %parallel_loop3A_143 = vector.bitcast %parallel_loop3A_142 : vector<16xi32> to vector<16xf32>
        %parallel_loop3A_144 = arith.mulf %parallel_loop3A_143, %parallel_loop3A_122 : vector<16xf32>
        %parallel_loop3A_145 = arith.constant -65536 : i32
        %parallel_loop3A_146 = vector.broadcast %parallel_loop3A_145 : i32 to vector<16xi32>
        %parallel_loop3A_147 = arith.andi %parallel_loop3A_139, %parallel_loop3A_146 : vector<16xi32>
        %parallel_loop3A_148 = vector.bitcast %parallel_loop3A_147 : vector<16xi32> to vector<16xf32>
        %parallel_loop3A_149 = arith.mulf %parallel_loop3A_148, %parallel_loop3A_122 : vector<16xf32>
        %parallel_loop3A_150 = arith.constant 0 : i32
        %parallel_loop3A_151 = tpu.memref_slice %arg7[%parallel_loop3A_150] : memref<40960xf32, #tpu.memory_space<vmem>> -> memref<10240xf32, #tpu.memory_space<vmem>>
        tpu.vector_store_idx %parallel_loop3A_151[%parallel_loop3A_136], %parallel_loop3A_144 {add = true} : memref<10240xf32, #tpu.memory_space<vmem>>[vector<16xi32>], vector<16xf32>,
        %parallel_loop3A_152 = arith.constant 20480 : i32
        %parallel_loop3A_153 = tpu.memref_slice %arg7[%parallel_loop3A_152] : memref<40960xf32, #tpu.memory_space<vmem>> -> memref<10240xf32, #tpu.memory_space<vmem>>
        tpu.vector_store_idx %parallel_loop3A_153[%parallel_loop3A_136], %parallel_loop3A_149 {add = true} : memref<10240xf32, #tpu.memory_space<vmem>>[vector<16xi32>], vector<16xf32>,
        %parallel_loop3A_154 = arith.constant 10240 : i32
        %parallel_loop3A_155 = tpu.memref_slice %arg6[%parallel_loop3A_154] : memref<20480xi32, #tpu.memory_space<vmem>> -> memref<10240xi32, #tpu.memory_space<vmem>>
        %parallel_loop3A_156 = tpu.vector_load_idx %parallel_loop3A_155[%parallel_loop3A_133] : memref<10240xi32, #tpu.memory_space<vmem>>[vector<16xi32>], vector<16xi32>,
        %parallel_loop3A_157 = arith.constant 16 : i32
        %parallel_loop3A_158 = vector.broadcast %parallel_loop3A_157 : i32 to vector<16xi32>
        %parallel_loop3A_159 = arith.shli %parallel_loop3A_156, %parallel_loop3A_158 : vector<16xi32>
        %parallel_loop3A_160 = vector.bitcast %parallel_loop3A_159 : vector<16xi32> to vector<16xf32>
        %parallel_loop3A_161 = arith.mulf %parallel_loop3A_160, %parallel_loop3A_122 : vector<16xf32>
        %parallel_loop3A_162 = arith.constant -65536 : i32
        %parallel_loop3A_163 = vector.broadcast %parallel_loop3A_162 : i32 to vector<16xi32>
        %parallel_loop3A_164 = arith.andi %parallel_loop3A_156, %parallel_loop3A_163 : vector<16xi32>
        %parallel_loop3A_165 = vector.bitcast %parallel_loop3A_164 : vector<16xi32> to vector<16xf32>
        %parallel_loop3A_166 = arith.mulf %parallel_loop3A_165, %parallel_loop3A_122 : vector<16xf32>
        %parallel_loop3A_167 = arith.constant 10240 : i32
        %parallel_loop3A_168 = tpu.memref_slice %arg7[%parallel_loop3A_167] : memref<40960xf32, #tpu.memory_space<vmem>> -> memref<10240xf32, #tpu.memory_space<vmem>>
        tpu.vector_store_idx %parallel_loop3A_168[%parallel_loop3A_136], %parallel_loop3A_161 {add = true} : memref<10240xf32, #tpu.memory_space<vmem>>[vector<16xi32>], vector<16xf32>,
        %parallel_loop3A_169 = arith.constant 30720 : i32
        %parallel_loop3A_170 = tpu.memref_slice %arg7[%parallel_loop3A_169] : memref<40960xf32, #tpu.memory_space<vmem>> -> memref<10240xf32, #tpu.memory_space<vmem>>
        tpu.vector_store_idx %parallel_loop3A_170[%parallel_loop3A_136], %parallel_loop3A_166 {add = true} : memref<10240xf32, #tpu.memory_space<vmem>>[vector<16xi32>], vector<16xf32>,
        %parallel_loop3A_171 = arith.index_cast %parallel_loop3A_128 : i32 to index
        %parallel_loop3A_172 = tpu.vector_load %arg8[%parallel_loop3A_171] {strides = array<i32>} : memref<8000xi32, #tpu.memory_space<vmem>>, vector<16xi32>,
        %parallel_loop3A_173 = arith.constant 16383 : i32
        %parallel_loop3A_174 = vector.broadcast %parallel_loop3A_173 : i32 to vector<16xi32>
        %parallel_loop3A_175 = arith.andi %parallel_loop3A_172, %parallel_loop3A_174 : vector<16xi32>
        %parallel_loop3A_176 = arith.constant 14 : i32
        %parallel_loop3A_177 = vector.broadcast %parallel_loop3A_176 : i32 to vector<16xi32>
        %parallel_loop3A_178 = arith.shrui %parallel_loop3A_172, %parallel_loop3A_177 : vector<16xi32>
        %parallel_loop3A_179 = arith.constant 0 : i32
        %parallel_loop3A_180 = tpu.memref_slice %arg6[%parallel_loop3A_179] : memref<20480xi32, #tpu.memory_space<vmem>> -> memref<10240xi32, #tpu.memory_space<vmem>>
        %parallel_loop3A_181 = tpu.vector_load_idx %parallel_loop3A_180[%parallel_loop3A_175] : memref<10240xi32, #tpu.memory_space<vmem>>[vector<16xi32>], vector<16xi32>,
        %parallel_loop3A_182 = arith.constant 16 : i32
        %parallel_loop3A_183 = vector.broadcast %parallel_loop3A_182 : i32 to vector<16xi32>
        %parallel_loop3A_184 = arith.shli %parallel_loop3A_181, %parallel_loop3A_183 : vector<16xi32>
        %parallel_loop3A_185 = vector.bitcast %parallel_loop3A_184 : vector<16xi32> to vector<16xf32>
        %parallel_loop3A_186 = arith.mulf %parallel_loop3A_185, %parallel_loop3A_126 : vector<16xf32>
        %parallel_loop3A_187 = arith.constant -65536 : i32
        %parallel_loop3A_188 = vector.broadcast %parallel_loop3A_187 : i32 to vector<16xi32>
        %parallel_loop3A_189 = arith.andi %parallel_loop3A_181, %parallel_loop3A_188 : vector<16xi32>
        %parallel_loop3A_190 = vector.bitcast %parallel_loop3A_189 : vector<16xi32> to vector<16xf32>
        %parallel_loop3A_191 = arith.mulf %parallel_loop3A_190, %parallel_loop3A_126 : vector<16xf32>
        %parallel_loop3A_192 = arith.constant 0 : i32
        %parallel_loop3A_193 = tpu.memref_slice %arg7[%parallel_loop3A_192] : memref<40960xf32, #tpu.memory_space<vmem>> -> memref<10240xf32, #tpu.memory_space<vmem>>
        tpu.vector_store_idx %parallel_loop3A_193[%parallel_loop3A_178], %parallel_loop3A_186 {add = true} : memref<10240xf32, #tpu.memory_space<vmem>>[vector<16xi32>], vector<16xf32>,
        %parallel_loop3A_194 = arith.constant 20480 : i32
        %parallel_loop3A_195 = tpu.memref_slice %arg7[%parallel_loop3A_194] : memref<40960xf32, #tpu.memory_space<vmem>> -> memref<10240xf32, #tpu.memory_space<vmem>>
        tpu.vector_store_idx %parallel_loop3A_195[%parallel_loop3A_178], %parallel_loop3A_191 {add = true} : memref<10240xf32, #tpu.memory_space<vmem>>[vector<16xi32>], vector<16xf32>,
        %parallel_loop3A_196 = arith.constant 10240 : i32
        %parallel_loop3A_197 = tpu.memref_slice %arg6[%parallel_loop3A_196] : memref<20480xi32, #tpu.memory_space<vmem>> -> memref<10240xi32, #tpu.memory_space<vmem>>
        %parallel_loop3A_198 = tpu.vector_load_idx %parallel_loop3A_197[%parallel_loop3A_175] : memref<10240xi32, #tpu.memory_space<vmem>>[vector<16xi32>], vector<16xi32>,
        %parallel_loop3A_199 = arith.constant 16 : i32
        %parallel_loop3A_200 = vector.broadcast %parallel_loop3A_199 : i32 to vector<16xi32>
        %parallel_loop3A_201 = arith.shli %parallel_loop3A_198, %parallel_loop3A_200 : vector<16xi32>
        %parallel_loop3A_202 = vector.bitcast %parallel_loop3A_201 : vector<16xi32> to vector<16xf32>
        %parallel_loop3A_203 = arith.mulf %parallel_loop3A_202, %parallel_loop3A_126 : vector<16xf32>
        %parallel_loop3A_204 = arith.constant -65536 : i32
        %parallel_loop3A_205 = vector.broadcast %parallel_loop3A_204 : i32 to vector<16xi32>
        %parallel_loop3A_206 = arith.andi %parallel_loop3A_198, %parallel_loop3A_205 : vector<16xi32>
        %parallel_loop3A_207 = vector.bitcast %parallel_loop3A_206 : vector<16xi32> to vector<16xf32>
        %parallel_loop3A_208 = arith.mulf %parallel_loop3A_207, %parallel_loop3A_126 : vector<16xf32>
        %parallel_loop3A_209 = arith.constant 10240 : i32
        %parallel_loop3A_210 = tpu.memref_slice %arg7[%parallel_loop3A_209] : memref<40960xf32, #tpu.memory_space<vmem>> -> memref<10240xf32, #tpu.memory_space<vmem>>
        tpu.vector_store_idx %parallel_loop3A_210[%parallel_loop3A_178], %parallel_loop3A_203 {add = true} : memref<10240xf32, #tpu.memory_space<vmem>>[vector<16xi32>], vector<16xf32>,
        %parallel_loop3A_211 = arith.constant 30720 : i32
        %parallel_loop3A_212 = tpu.memref_slice %arg7[%parallel_loop3A_211] : memref<40960xf32, #tpu.memory_space<vmem>> -> memref<10240xf32, #tpu.memory_space<vmem>>
        tpu.vector_store_idx %parallel_loop3A_212[%parallel_loop3A_178], %parallel_loop3A_208 {add = true} : memref<10240xf32, #tpu.memory_space<vmem>>[vector<16xi32>], vector<16xf32>,
      } {sc.loop_unroll_factor = 2 : i64, sc.parallel_access}
      %add3A_95 = arith.constant 2 : i32
      %add3A_96 = arith.addi %mul3A_87, %add3A_95 : i32
      %lt3A = arith.constant 20 : i32
      %lt3A_97 = arith.cmpi slt, %add3A_96, %lt3A : i32
      %convert_element_type3A = arith.extui %lt3A_97 : i1 to i32
      %cond3A = arith.constant 0 : i32
      %cond3A_98 = arith.cmpi ne, %convert_element_type3A, %cond3A : i32
      scf.if %cond3A_98 {
        %add3A_114 = arith.constant 2 : i32
        %add3A_115 = arith.addi %mul3A_87, %add3A_114 : i32
        %mul3A_116 = arith.constant 8000 : i32
        %mul3A_117 = arith.muli %add3A_115, %mul3A_116 : i32
        %add3A_118 = arith.addi %mul3A_0, %mul3A_117 : i32
        %dma_start3A_119 = tpu.memref_slice %arg3[%add3A_118] : memref<320000xi32, #tpu.memory_space<hbm>> -> memref<8000xi32, #tpu.memory_space<hbm>>
        %dma_start3A_120 = tpu.memref_slice %arg3[%add3A_118] : memref<320000xi32, #tpu.memory_space<hbm>> -> memref<8000xi32, #tpu.memory_space<hbm>>
        tpu.enqueue_dma source(%dma_start3A_120 : memref<8000xi32, #tpu.memory_space<hbm>>) target(%arg8 : memref<8000xi32, #tpu.memory_space<vmem>>) target_semaphore(%arg13 : memref<!tpu.dma_semaphore, #tpu.memory_space<semaphore_mem>>)
        %jit3A_121 = arith.constant 2 : i32
        %div3A_122 = arith.divsi %add3A_118, %jit3A_121 : i32
        %sign3A_123 = arith.constant 0 : i32
        %sign3A_124 = arith.cmpi sgt, %add3A_118, %sign3A_123 : i32
        %sign3A_125 = arith.extui %sign3A_124 : i1 to i32
        %sign3A_126 = arith.constant 0 : i32
        %sign3A_127 = arith.cmpi slt, %add3A_118, %sign3A_126 : i32
        %sign3A_128 = arith.extui %sign3A_127 : i1 to i32
        %sign3A_129 = arith.subi %sign3A_125, %sign3A_128 : i32
        %sign3A_130 = arith.constant 0 : i32
        %sign3A_131 = arith.cmpi sgt, %jit3A_121, %sign3A_130 : i32
        %sign3A_132 = arith.extui %sign3A_131 : i1 to i32
        %sign3A_133 = arith.constant 0 : i32
        %sign3A_134 = arith.cmpi slt, %jit3A_121, %sign3A_133 : i32
        %sign3A_135 = arith.extui %sign3A_134 : i1 to i32
        %sign3A_136 = arith.subi %sign3A_132, %sign3A_135 : i32
        %ne3A_137 = arith.cmpi ne, %sign3A_129, %sign3A_136 : i32
        %rem3A_138 = arith.remsi %add3A_118, %jit3A_121 : i32
        %ne3A_139 = arith.constant 0 : i32
        %ne3A_140 = arith.cmpi ne, %rem3A_138, %ne3A_139 : i32
        %and3A_141 = arith.andi %ne3A_137, %ne3A_140 : i1
        %sub3A_142 = arith.constant 1 : i32
        %sub3A_143 = arith.subi %div3A_122, %sub3A_142 : i32
        %select_n3A_144 = arith.select %and3A_141, %sub3A_143, %div3A_122 : i32
        %multiple_of3A_145 = tpu.assume_multiple %select_n3A_144, 8 : i32
        %dma_start3A_146 = tpu.memref_slice %arg4[%multiple_of3A_145] : memref<160000xi32, #tpu.memory_space<hbm>> -> memref<4000xi32, #tpu.memory_space<hbm>>
        %dma_start3A_147 = tpu.memref_slice %arg4[%multiple_of3A_145] : memref<160000xi32, #tpu.memory_space<hbm>> -> memref<4000xi32, #tpu.memory_space<hbm>>
        tpu.enqueue_dma source(%dma_start3A_147 : memref<4000xi32, #tpu.memory_space<hbm>>) target(%arg10 : memref<4000xi32, #tpu.memory_space<vmem>>) target_semaphore(%arg15 : memref<!tpu.dma_semaphore, #tpu.memory_space<semaphore_mem>>)
      } else {
      }
      %dma_wait3A_99 = tpu.memref_slice %arg3[%mul3A_0] : memref<320000xi32, #tpu.memory_space<hbm>> -> memref<8000xi32, #tpu.memory_space<hbm>>
      %dma_wait3A_100 = tpu.memref_slice %arg3[%mul3A_0] : memref<320000xi32, #tpu.memory_space<hbm>> -> memref<8000xi32, #tpu.memory_space<hbm>>
      tpu.wait_dma2 semaphore(%arg14 : memref<!tpu.dma_semaphore, #tpu.memory_space<semaphore_mem>>) src(%dma_wait3A_100 : memref<8000xi32, #tpu.memory_space<hbm>>) dst(%arg9 : memref<8000xi32, #tpu.memory_space<vmem>>)
      %dma_wait3A_101 = tpu.memref_slice %arg4[%mul3A_0] : memref<160000xi32, #tpu.memory_space<hbm>> -> memref<4000xi32, #tpu.memory_space<hbm>>
      %dma_wait3A_102 = tpu.memref_slice %arg4[%mul3A_0] : memref<160000xi32, #tpu.memory_space<hbm>> -> memref<4000xi32, #tpu.memory_space<hbm>>
      tpu.wait_dma2 semaphore(%arg16 : memref<!tpu.dma_semaphore, #tpu.memory_space<semaphore_mem>>) src(%dma_wait3A_102 : memref<4000xi32, #tpu.memory_space<hbm>>) dst(%arg11 : memref<4000xi32, #tpu.memory_space<vmem>>)
      %parallel_loop3A_103 = arith.constant 0 : i32
      %parallel_loop3A_104 = arith.constant 250 : i32
      %parallel_loop3A_105 = arith.constant 1 : i32
      scf.for %parallel_loop3A_114 = %parallel_loop3A_103 to %parallel_loop3A_104 step %parallel_loop3A_105  : i32 {
        %parallel_loop3A_115 = arith.constant 16 : i32
        %parallel_loop3A_116 = arith.muli %parallel_loop3A_114, %parallel_loop3A_115 : i32
        %parallel_loop3A_117 = arith.index_cast %parallel_loop3A_116 : i32 to index
        %parallel_loop3A_118 = tpu.vector_load %arg11[%parallel_loop3A_117] {strides = array<i32>} : memref<4000xi32, #tpu.memory_space<vmem>>, vector<16xi32>,
        %parallel_loop3A_119 = arith.constant 16 : i32
        %parallel_loop3A_120 = vector.broadcast %parallel_loop3A_119 : i32 to vector<16xi32>
        %parallel_loop3A_121 = arith.shli %parallel_loop3A_118, %parallel_loop3A_120 : vector<16xi32>
        %parallel_loop3A_122 = vector.bitcast %parallel_loop3A_121 : vector<16xi32> to vector<16xf32>
        %parallel_loop3A_123 = arith.constant -65536 : i32
        %parallel_loop3A_124 = vector.broadcast %parallel_loop3A_123 : i32 to vector<16xi32>
        %parallel_loop3A_125 = arith.andi %parallel_loop3A_118, %parallel_loop3A_124 : vector<16xi32>
        %parallel_loop3A_126 = vector.bitcast %parallel_loop3A_125 : vector<16xi32> to vector<16xf32>
        %parallel_loop3A_127 = arith.constant 4000 : i32
        %parallel_loop3A_128 = arith.addi %parallel_loop3A_127, %parallel_loop3A_116 : i32
        %parallel_loop3A_129 = arith.index_cast %parallel_loop3A_116 : i32 to index
        %parallel_loop3A_130 = tpu.vector_load %arg9[%parallel_loop3A_129] {strides = array<i32>} : memref<8000xi32, #tpu.memory_space<vmem>>, vector<16xi32>,
        %parallel_loop3A_131 = arith.constant 16383 : i32
        %parallel_loop3A_132 = vector.broadcast %parallel_loop3A_131 : i32 to vector<16xi32>
        %parallel_loop3A_133 = arith.andi %parallel_loop3A_130, %parallel_loop3A_132 : vector<16xi32>
        %parallel_loop3A_134 = arith.constant 14 : i32
        %parallel_loop3A_135 = vector.broadcast %parallel_loop3A_134 : i32 to vector<16xi32>
        %parallel_loop3A_136 = arith.shrui %parallel_loop3A_130, %parallel_loop3A_135 : vector<16xi32>
        %parallel_loop3A_137 = arith.constant 0 : i32
        %parallel_loop3A_138 = tpu.memref_slice %arg6[%parallel_loop3A_137] : memref<20480xi32, #tpu.memory_space<vmem>> -> memref<10240xi32, #tpu.memory_space<vmem>>
        %parallel_loop3A_139 = tpu.vector_load_idx %parallel_loop3A_138[%parallel_loop3A_133] : memref<10240xi32, #tpu.memory_space<vmem>>[vector<16xi32>], vector<16xi32>,
        %parallel_loop3A_140 = arith.constant 16 : i32
        %parallel_loop3A_141 = vector.broadcast %parallel_loop3A_140 : i32 to vector<16xi32>
        %parallel_loop3A_142 = arith.shli %parallel_loop3A_139, %parallel_loop3A_141 : vector<16xi32>
        %parallel_loop3A_143 = vector.bitcast %parallel_loop3A_142 : vector<16xi32> to vector<16xf32>
        %parallel_loop3A_144 = arith.mulf %parallel_loop3A_143, %parallel_loop3A_122 : vector<16xf32>
        %parallel_loop3A_145 = arith.constant -65536 : i32
        %parallel_loop3A_146 = vector.broadcast %parallel_loop3A_145 : i32 to vector<16xi32>
        %parallel_loop3A_147 = arith.andi %parallel_loop3A_139, %parallel_loop3A_146 : vector<16xi32>
        %parallel_loop3A_148 = vector.bitcast %parallel_loop3A_147 : vector<16xi32> to vector<16xf32>
        %parallel_loop3A_149 = arith.mulf %parallel_loop3A_148, %parallel_loop3A_122 : vector<16xf32>
        %parallel_loop3A_150 = arith.constant 0 : i32
        %parallel_loop3A_151 = tpu.memref_slice %arg7[%parallel_loop3A_150] : memref<40960xf32, #tpu.memory_space<vmem>> -> memref<10240xf32, #tpu.memory_space<vmem>>
        tpu.vector_store_idx %parallel_loop3A_151[%parallel_loop3A_136], %parallel_loop3A_144 {add = true} : memref<10240xf32, #tpu.memory_space<vmem>>[vector<16xi32>], vector<16xf32>,
        %parallel_loop3A_152 = arith.constant 20480 : i32
        %parallel_loop3A_153 = tpu.memref_slice %arg7[%parallel_loop3A_152] : memref<40960xf32, #tpu.memory_space<vmem>> -> memref<10240xf32, #tpu.memory_space<vmem>>
        tpu.vector_store_idx %parallel_loop3A_153[%parallel_loop3A_136], %parallel_loop3A_149 {add = true} : memref<10240xf32, #tpu.memory_space<vmem>>[vector<16xi32>], vector<16xf32>,
        %parallel_loop3A_154 = arith.constant 10240 : i32
        %parallel_loop3A_155 = tpu.memref_slice %arg6[%parallel_loop3A_154] : memref<20480xi32, #tpu.memory_space<vmem>> -> memref<10240xi32, #tpu.memory_space<vmem>>
        %parallel_loop3A_156 = tpu.vector_load_idx %parallel_loop3A_155[%parallel_loop3A_133] : memref<10240xi32, #tpu.memory_space<vmem>>[vector<16xi32>], vector<16xi32>,
        %parallel_loop3A_157 = arith.constant 16 : i32
        %parallel_loop3A_158 = vector.broadcast %parallel_loop3A_157 : i32 to vector<16xi32>
        %parallel_loop3A_159 = arith.shli %parallel_loop3A_156, %parallel_loop3A_158 : vector<16xi32>
        %parallel_loop3A_160 = vector.bitcast %parallel_loop3A_159 : vector<16xi32> to vector<16xf32>
        %parallel_loop3A_161 = arith.mulf %parallel_loop3A_160, %parallel_loop3A_122 : vector<16xf32>
        %parallel_loop3A_162 = arith.constant -65536 : i32
        %parallel_loop3A_163 = vector.broadcast %parallel_loop3A_162 : i32 to vector<16xi32>
        %parallel_loop3A_164 = arith.andi %parallel_loop3A_156, %parallel_loop3A_163 : vector<16xi32>
        %parallel_loop3A_165 = vector.bitcast %parallel_loop3A_164 : vector<16xi32> to vector<16xf32>
        %parallel_loop3A_166 = arith.mulf %parallel_loop3A_165, %parallel_loop3A_122 : vector<16xf32>
        %parallel_loop3A_167 = arith.constant 10240 : i32
        %parallel_loop3A_168 = tpu.memref_slice %arg7[%parallel_loop3A_167] : memref<40960xf32, #tpu.memory_space<vmem>> -> memref<10240xf32, #tpu.memory_space<vmem>>
        tpu.vector_store_idx %parallel_loop3A_168[%parallel_loop3A_136], %parallel_loop3A_161 {add = true} : memref<10240xf32, #tpu.memory_space<vmem>>[vector<16xi32>], vector<16xf32>,
        %parallel_loop3A_169 = arith.constant 30720 : i32
        %parallel_loop3A_170 = tpu.memref_slice %arg7[%parallel_loop3A_169] : memref<40960xf32, #tpu.memory_space<vmem>> -> memref<10240xf32, #tpu.memory_space<vmem>>
        tpu.vector_store_idx %parallel_loop3A_170[%parallel_loop3A_136], %parallel_loop3A_166 {add = true} : memref<10240xf32, #tpu.memory_space<vmem>>[vector<16xi32>], vector<16xf32>,
        %parallel_loop3A_171 = arith.index_cast %parallel_loop3A_128 : i32 to index
        %parallel_loop3A_172 = tpu.vector_load %arg9[%parallel_loop3A_171] {strides = array<i32>} : memref<8000xi32, #tpu.memory_space<vmem>>, vector<16xi32>,
        %parallel_loop3A_173 = arith.constant 16383 : i32
        %parallel_loop3A_174 = vector.broadcast %parallel_loop3A_173 : i32 to vector<16xi32>
        %parallel_loop3A_175 = arith.andi %parallel_loop3A_172, %parallel_loop3A_174 : vector<16xi32>
        %parallel_loop3A_176 = arith.constant 14 : i32
        %parallel_loop3A_177 = vector.broadcast %parallel_loop3A_176 : i32 to vector<16xi32>
        %parallel_loop3A_178 = arith.shrui %parallel_loop3A_172, %parallel_loop3A_177 : vector<16xi32>
        %parallel_loop3A_179 = arith.constant 0 : i32
        %parallel_loop3A_180 = tpu.memref_slice %arg6[%parallel_loop3A_179] : memref<20480xi32, #tpu.memory_space<vmem>> -> memref<10240xi32, #tpu.memory_space<vmem>>
        %parallel_loop3A_181 = tpu.vector_load_idx %parallel_loop3A_180[%parallel_loop3A_175] : memref<10240xi32, #tpu.memory_space<vmem>>[vector<16xi32>], vector<16xi32>,
        %parallel_loop3A_182 = arith.constant 16 : i32
        %parallel_loop3A_183 = vector.broadcast %parallel_loop3A_182 : i32 to vector<16xi32>
        %parallel_loop3A_184 = arith.shli %parallel_loop3A_181, %parallel_loop3A_183 : vector<16xi32>
        %parallel_loop3A_185 = vector.bitcast %parallel_loop3A_184 : vector<16xi32> to vector<16xf32>
        %parallel_loop3A_186 = arith.mulf %parallel_loop3A_185, %parallel_loop3A_126 : vector<16xf32>
        %parallel_loop3A_187 = arith.constant -65536 : i32
        %parallel_loop3A_188 = vector.broadcast %parallel_loop3A_187 : i32 to vector<16xi32>
        %parallel_loop3A_189 = arith.andi %parallel_loop3A_181, %parallel_loop3A_188 : vector<16xi32>
        %parallel_loop3A_190 = vector.bitcast %parallel_loop3A_189 : vector<16xi32> to vector<16xf32>
        %parallel_loop3A_191 = arith.mulf %parallel_loop3A_190, %parallel_loop3A_126 : vector<16xf32>
        %parallel_loop3A_192 = arith.constant 0 : i32
        %parallel_loop3A_193 = tpu.memref_slice %arg7[%parallel_loop3A_192] : memref<40960xf32, #tpu.memory_space<vmem>> -> memref<10240xf32, #tpu.memory_space<vmem>>
        tpu.vector_store_idx %parallel_loop3A_193[%parallel_loop3A_178], %parallel_loop3A_186 {add = true} : memref<10240xf32, #tpu.memory_space<vmem>>[vector<16xi32>], vector<16xf32>,
        %parallel_loop3A_194 = arith.constant 20480 : i32
        %parallel_loop3A_195 = tpu.memref_slice %arg7[%parallel_loop3A_194] : memref<40960xf32, #tpu.memory_space<vmem>> -> memref<10240xf32, #tpu.memory_space<vmem>>
        tpu.vector_store_idx %parallel_loop3A_195[%parallel_loop3A_178], %parallel_loop3A_191 {add = true} : memref<10240xf32, #tpu.memory_space<vmem>>[vector<16xi32>], vector<16xf32>,
        %parallel_loop3A_196 = arith.constant 10240 : i32
        %parallel_loop3A_197 = tpu.memref_slice %arg6[%parallel_loop3A_196] : memref<20480xi32, #tpu.memory_space<vmem>> -> memref<10240xi32, #tpu.memory_space<vmem>>
        %parallel_loop3A_198 = tpu.vector_load_idx %parallel_loop3A_197[%parallel_loop3A_175] : memref<10240xi32, #tpu.memory_space<vmem>>[vector<16xi32>], vector<16xi32>,
        %parallel_loop3A_199 = arith.constant 16 : i32
        %parallel_loop3A_200 = vector.broadcast %parallel_loop3A_199 : i32 to vector<16xi32>
        %parallel_loop3A_201 = arith.shli %parallel_loop3A_198, %parallel_loop3A_200 : vector<16xi32>
        %parallel_loop3A_202 = vector.bitcast %parallel_loop3A_201 : vector<16xi32> to vector<16xf32>
        %parallel_loop3A_203 = arith.mulf %parallel_loop3A_202, %parallel_loop3A_126 : vector<16xf32>
        %parallel_loop3A_204 = arith.constant -65536 : i32
        %parallel_loop3A_205 = vector.broadcast %parallel_loop3A_204 : i32 to vector<16xi32>
        %parallel_loop3A_206 = arith.andi %parallel_loop3A_198, %parallel_loop3A_205 : vector<16xi32>
        %parallel_loop3A_207 = vector.bitcast %parallel_loop3A_206 : vector<16xi32> to vector<16xf32>
        %parallel_loop3A_208 = arith.mulf %parallel_loop3A_207, %parallel_loop3A_126 : vector<16xf32>
        %parallel_loop3A_209 = arith.constant 10240 : i32
        %parallel_loop3A_210 = tpu.memref_slice %arg7[%parallel_loop3A_209] : memref<40960xf32, #tpu.memory_space<vmem>> -> memref<10240xf32, #tpu.memory_space<vmem>>
        tpu.vector_store_idx %parallel_loop3A_210[%parallel_loop3A_178], %parallel_loop3A_203 {add = true} : memref<10240xf32, #tpu.memory_space<vmem>>[vector<16xi32>], vector<16xf32>,
        %parallel_loop3A_211 = arith.constant 30720 : i32
        %parallel_loop3A_212 = tpu.memref_slice %arg7[%parallel_loop3A_211] : memref<40960xf32, #tpu.memory_space<vmem>> -> memref<10240xf32, #tpu.memory_space<vmem>>
        tpu.vector_store_idx %parallel_loop3A_212[%parallel_loop3A_178], %parallel_loop3A_208 {add = true} : memref<10240xf32, #tpu.memory_space<vmem>>[vector<16xi32>], vector<16xf32>,
      } {sc.loop_unroll_factor = 2 : i64, sc.parallel_access}
      %add3A_106 = arith.constant 3 : i32
      %add3A_107 = arith.addi %mul3A_87, %add3A_106 : i32
      %lt3A_108 = arith.constant 20 : i32
      %lt3A_109 = arith.cmpi slt, %add3A_107, %lt3A_108 : i32
      %convert_element_type3A_110 = arith.extui %lt3A_109 : i1 to i32
      %cond3A_111 = arith.constant 0 : i32
      %cond3A_112 = arith.cmpi ne, %convert_element_type3A_110, %cond3A_111 : i32
      scf.if %cond3A_112 {
        %add3A_114 = arith.constant 3 : i32
        %add3A_115 = arith.addi %mul3A_87, %add3A_114 : i32
        %mul3A_116 = arith.constant 8000 : i32
        %mul3A_117 = arith.muli %add3A_115, %mul3A_116 : i32
        %add3A_118 = arith.addi %mul3A_0, %mul3A_117 : i32
        %dma_start3A_119 = tpu.memref_slice %arg3[%add3A_118] : memref<320000xi32, #tpu.memory_space<hbm>> -> memref<8000xi32, #tpu.memory_space<hbm>>
        %dma_start3A_120 = tpu.memref_slice %arg3[%add3A_118] : memref<320000xi32, #tpu.memory_space<hbm>> -> memref<8000xi32, #tpu.memory_space<hbm>>
        tpu.enqueue_dma source(%dma_start3A_120 : memref<8000xi32, #tpu.memory_space<hbm>>) target(%arg9 : memref<8000xi32, #tpu.memory_space<vmem>>) target_semaphore(%arg14 : memref<!tpu.dma_semaphore, #tpu.memory_space<semaphore_mem>>)
        %jit3A_121 = arith.constant 2 : i32
        %div3A_122 = arith.divsi %add3A_118, %jit3A_121 : i32
        %sign3A_123 = arith.constant 0 : i32
        %sign3A_124 = arith.cmpi sgt, %add3A_118, %sign3A_123 : i32
        %sign3A_125 = arith.extui %sign3A_124 : i1 to i32
        %sign3A_126 = arith.constant 0 : i32
        %sign3A_127 = arith.cmpi slt, %add3A_118, %sign3A_126 : i32
        %sign3A_128 = arith.extui %sign3A_127 : i1 to i32
        %sign3A_129 = arith.subi %sign3A_125, %sign3A_128 : i32
        %sign3A_130 = arith.constant 0 : i32
        %sign3A_131 = arith.cmpi sgt, %jit3A_121, %sign3A_130 : i32
        %sign3A_132 = arith.extui %sign3A_131 : i1 to i32
        %sign3A_133 = arith.constant 0 : i32
        %sign3A_134 = arith.cmpi slt, %jit3A_121, %sign3A_133 : i32
        %sign3A_135 = arith.extui %sign3A_134 : i1 to i32
        %sign3A_136 = arith.subi %sign3A_132, %sign3A_135 : i32
        %ne3A_137 = arith.cmpi ne, %sign3A_129, %sign3A_136 : i32
        %rem3A_138 = arith.remsi %add3A_118, %jit3A_121 : i32
        %ne3A_139 = arith.constant 0 : i32
        %ne3A_140 = arith.cmpi ne, %rem3A_138, %ne3A_139 : i32
        %and3A_141 = arith.andi %ne3A_137, %ne3A_140 : i1
        %sub3A_142 = arith.constant 1 : i32
        %sub3A_143 = arith.subi %div3A_122, %sub3A_142 : i32
        %select_n3A_144 = arith.select %and3A_141, %sub3A_143, %div3A_122 : i32
        %multiple_of3A_145 = tpu.assume_multiple %select_n3A_144, 8 : i32
        %dma_start3A_146 = tpu.memref_slice %arg4[%multiple_of3A_145] : memref<160000xi32, #tpu.memory_space<hbm>> -> memref<4000xi32, #tpu.memory_space<hbm>>
        %dma_start3A_147 = tpu.memref_slice %arg4[%multiple_of3A_145] : memref<160000xi32, #tpu.memory_space<hbm>> -> memref<4000xi32, #tpu.memory_space<hbm>>
        tpu.enqueue_dma source(%dma_start3A_147 : memref<4000xi32, #tpu.memory_space<hbm>>) target(%arg11 : memref<4000xi32, #tpu.memory_space<vmem>>) target_semaphore(%arg16 : memref<!tpu.dma_semaphore, #tpu.memory_space<semaphore_mem>>)
      } else {
      }
      %scan3A_113 = arith.constant 0 : i32
      scf.yield %scan3A_113 : i32
    }
    %scan3A_67 = arith.constant 10 : i32
    %mul3A_68 = arith.constant 655360 : i32
    %mul3A_69 = arith.muli %arg0, %mul3A_68 : i32
    %mul3A_70 = arith.constant 2 : i32
    %mul3A_71 = arith.muli %arg1, %mul3A_70 : i32
    %mul3A_72 = arith.constant 10240 : i32
    %mul3A_73 = arith.muli %mul3A_71, %mul3A_72 : i32
    %add3A_74 = arith.addi %mul3A_69, %mul3A_73 : i32
    "tpu.region"() ({
      %run_scoped3A = tpu.sem_alloc : memref<!tpu.dma_semaphore, #tpu.memory_space<semaphore_mem>>
      %dma_start3A_84 = arith.constant 0 : i32
      %dma_start3A_85 = tpu.memref_slice %arg7[%dma_start3A_84] : memref<40960xf32, #tpu.memory_space<vmem>> -> memref<20480xf32, #tpu.memory_space<vmem>>
      %dma_start3A_86 = tpu.memref_slice %arg5[%add3A_74] : memref<1310720xf32, #tpu.memory_space<hbm>> -> memref<20480xf32, #tpu.memory_space<hbm>>
      %dma_start3A_87 = tpu.memref_slice %arg5[%add3A_74] : memref<1310720xf32, #tpu.memory_space<hbm>> -> memref<20480xf32, #tpu.memory_space<hbm>>
      %dma_start3A_88 = arith.constant 0 : i32
      %dma_start3A_89 = tpu.memref_slice %arg7[%dma_start3A_88] : memref<40960xf32, #tpu.memory_space<vmem>> -> memref<20480xf32, #tpu.memory_space<vmem>>
      tpu.enqueue_dma source(%dma_start3A_89 : memref<20480xf32, #tpu.memory_space<vmem>>) target(%dma_start3A_87 : memref<20480xf32, #tpu.memory_space<hbm>>) target_semaphore(%run_scoped3A : memref<!tpu.dma_semaphore, #tpu.memory_space<semaphore_mem>>)
      %dma_wait3A_90 = arith.constant 0 : i32
      %dma_wait3A_91 = tpu.memref_slice %arg7[%dma_wait3A_90] : memref<40960xf32, #tpu.memory_space<vmem>> -> memref<20480xf32, #tpu.memory_space<vmem>>
      %dma_wait3A_92 = tpu.memref_slice %arg5[%add3A_74] : memref<1310720xf32, #tpu.memory_space<hbm>> -> memref<20480xf32, #tpu.memory_space<hbm>>
      %dma_wait3A_93 = tpu.memref_slice %arg5[%add3A_74] : memref<1310720xf32, #tpu.memory_space<hbm>> -> memref<20480xf32, #tpu.memory_space<hbm>>
      %dma_wait3A_94 = arith.constant 0 : i32
      %dma_wait3A_95 = tpu.memref_slice %arg7[%dma_wait3A_94] : memref<40960xf32, #tpu.memory_space<vmem>> -> memref<20480xf32, #tpu.memory_space<vmem>>
      tpu.wait_dma2 semaphore(%run_scoped3A : memref<!tpu.dma_semaphore, #tpu.memory_space<semaphore_mem>>) src(%dma_wait3A_95 : memref<20480xf32, #tpu.memory_space<vmem>>) dst(%dma_wait3A_93 : memref<20480xf32, #tpu.memory_space<hbm>>)
      tpu.yield
    }) : () -> ()
    %mul3A_75 = arith.constant 655360 : i32
    %mul3A_76 = arith.muli %arg0, %mul3A_75 : i32
    %mul3A_77 = arith.constant 2 : i32
    %mul3A_78 = arith.muli %arg1, %mul3A_77 : i32
    %add3A_79 = arith.constant 32 : i32
    %add3A_80 = arith.addi %add3A_79, %mul3A_78 : i32
    %mul3A_81 = arith.constant 10240 : i32
    %mul3A_82 = arith.muli %add3A_80, %mul3A_81 : i32
    %add3A_83 = arith.addi %mul3A_76, %mul3A_82 : i32
    "tpu.region"() ({
      %run_scoped3A = tpu.sem_alloc : memref<!tpu.dma_semaphore, #tpu.memory_space<semaphore_mem>>
      %dma_start3A_84 = arith.constant 20480 : i32
      %dma_start3A_85 = tpu.memref_slice %arg7[%dma_start3A_84] : memref<40960xf32, #tpu.memory_space<vmem>> -> memref<20480xf32, #tpu.memory_space<vmem>>
      %dma_start3A_86 = tpu.memref_slice %arg5[%add3A_83] : memref<1310720xf32, #tpu.memory_space<hbm>> -> memref<20480xf32, #tpu.memory_space<hbm>>
      %dma_start3A_87 = tpu.memref_slice %arg5[%add3A_83] : memref<1310720xf32, #tpu.memory_space<hbm>> -> memref<20480xf32, #tpu.memory_space<hbm>>
      %dma_start3A_88 = arith.constant 20480 : i32
      %dma_start3A_89 = tpu.memref_slice %arg7[%dma_start3A_88] : memref<40960xf32, #tpu.memory_space<vmem>> -> memref<20480xf32, #tpu.memory_space<vmem>>
      tpu.enqueue_dma source(%dma_start3A_89 : memref<20480xf32, #tpu.memory_space<vmem>>) target(%dma_start3A_87 : memref<20480xf32, #tpu.memory_space<hbm>>) target_semaphore(%run_scoped3A : memref<!tpu.dma_semaphore, #tpu.memory_space<semaphore_mem>>)
      %dma_wait3A_90 = arith.constant 20480 : i32
      %dma_wait3A_91 = tpu.memref_slice %arg7[%dma_wait3A_90] : memref<40960xf32, #tpu.memory_space<vmem>> -> memref<20480xf32, #tpu.memory_space<vmem>>
      %dma_wait3A_92 = tpu.memref_slice %arg5[%add3A_83] : memref<1310720xf32, #tpu.memory_space<hbm>> -> memref<20480xf32, #tpu.memory_space<hbm>>
      %dma_wait3A_93 = tpu.memref_slice %arg5[%add3A_83] : memref<1310720xf32, #tpu.memory_space<hbm>> -> memref<20480xf32, #tpu.memory_space<hbm>>
      %dma_wait3A_94 = arith.constant 20480 : i32
      %dma_wait3A_95 = tpu.memref_slice %arg7[%dma_wait3A_94] : memref<40960xf32, #tpu.memory_space<vmem>> -> memref<20480xf32, #tpu.memory_space<vmem>>
      tpu.wait_dma2 semaphore(%run_scoped3A : memref<!tpu.dma_semaphore, #tpu.memory_space<semaphore_mem>>) src(%dma_wait3A_95 : memref<20480xf32, #tpu.memory_space<vmem>>) dst(%dma_wait3A_93 : memref<20480xf32, #tpu.memory_space<hbm>>)
      tpu.yield
    }) : () -> ()
    return
  }
}

#map = affine_map<(d0, d1) -> (0)>
module attributes {stable_mosaic.version = 14 : i64} {
  func.func @_conv_body(%arg0: i32, %arg1: i32, %arg2: memref<327680xi32, #tpu.memory_space<hbm>>, %arg3: memref<320000xi32, #tpu.memory_space<hbm>>, %arg4: memref<160000xi32, #tpu.memory_space<hbm>>, %arg5: memref<1310720xf32, #tpu.memory_space<hbm>>, %arg6: memref<20480xi32, #tpu.memory_space<vmem>>, %arg7: memref<40960xf32, #tpu.memory_space<vmem>>, %arg8: memref<8000xi32, #tpu.memory_space<vmem>>, %arg9: memref<8000xi32, #tpu.memory_space<vmem>>, %arg10: memref<4000xi32, #tpu.memory_space<vmem>>, %arg11: memref<4000xi32, #tpu.memory_space<vmem>>, %arg12: memref<!tpu.dma_semaphore, #tpu.memory_space<semaphore_mem>>, %arg13: memref<!tpu.dma_semaphore, #tpu.memory_space<semaphore_mem>>, %arg14: memref<!tpu.dma_semaphore, #tpu.memory_space<semaphore_mem>>, %arg15: memref<!tpu.dma_semaphore, #tpu.memory_space<semaphore_mem>>, %arg16: memref<!tpu.dma_semaphore, #tpu.memory_space<semaphore_mem>>) attributes {dimension_semantics = [#tpu.dimension_semantics<core_parallel>, #tpu.dimension_semantics<subcore_parallel>], iteration_bounds = array<i64: 2, 16>, scalar_prefetch = 0 : i64, scratch_operands = 11 : i64, tpu.core_type = #tpu.core_type<sc_vector_subcore>, window_params = [{transform_indices = #map}, {transform_indices = #map}, {transform_indices = #map}, {transform_indices = #map}]} {
    %mul3A = arith.constant 160000 : i32
    %mul3A_0 = arith.muli %arg0, %mul3A : i32
    %mul3A_1 = arith.constant 2 : i32
    %mul3A_2 = arith.muli %arg1, %mul3A_1 : i32
    %mul3A_3 = arith.constant 10240 : i32
    %mul3A_4 = arith.muli %mul3A_2, %mul3A_3 : i32
    %dma_start3A = tpu.memref_slice %arg2[%mul3A_4] : memref<327680xi32, #tpu.memory_space<hbm>> -> memref<20480xi32, #tpu.memory_space<hbm>>
    %dma_start3A_5 = tpu.memref_slice %arg2[%mul3A_4] : memref<327680xi32, #tpu.memory_space<hbm>> -> memref<20480xi32, #tpu.memory_space<hbm>>
    tpu.enqueue_dma source(%dma_start3A_5 : memref<20480xi32, #tpu.memory_space<hbm>>) target(%arg6 : memref<20480xi32, #tpu.memory_space<vmem>>) target_semaphore(%arg12 : memref<!tpu.dma_semaphore, #tpu.memory_space<semaphore_mem>>)
    %broadcast_in_dim3A = arith.constant 0.000000e+00 : f32
    %broadcast_in_dim3A_6 = vector.broadcast %broadcast_in_dim3A : f32 to vector<16xf32>
    %parallel_loop3A = arith.constant 0 : i32
    %parallel_loop3A_7 = arith.constant 2560 : i32
    %parallel_loop3A_8 = arith.constant 1 : i32
    scf.for %parallel_loop3A_84 = %parallel_loop3A to %parallel_loop3A_7 step %parallel_loop3A_8  : i32 {
      %parallel_loop3A_85 = arith.constant 16 : i32
      %parallel_loop3A_86 = arith.muli %parallel_loop3A_84, %parallel_loop3A_85 : i32
      %parallel_loop3A_87 = arith.index_cast %parallel_loop3A_86 : i32 to index
      %parallel_loop3A_88 = tpu.vector_load %arg7[%parallel_loop3A_87] {strides = array<i32>} : memref<40960xf32, #tpu.memory_space<vmem>>, vector<16xf32>,
      tpu.vector_store %arg7[%parallel_loop3A_87], %broadcast_in_dim3A_6 {strides = array<i32>} : memref<40960xf32, #tpu.memory_space<vmem>>, vector<16xf32>,
    } {sc.loop_unroll_factor = 8 : i64, sc.parallel_access}
    %dma_wait3A = tpu.memref_slice %arg2[%mul3A_4] : memref<327680xi32, #tpu.memory_space<hbm>> -> memref<20480xi32, #tpu.memory_space<hbm>>
    %dma_wait3A_9 = tpu.memref_slice %arg2[%mul3A_4] : memref<327680xi32, #tpu.memory_space<hbm>> -> memref<20480xi32, #tpu.memory_space<hbm>>
    tpu.wait_dma2 semaphore(%arg12 : memref<!tpu.dma_semaphore, #tpu.memory_space<semaphore_mem>>) src(%dma_wait3A_9 : memref<20480xi32, #tpu.memory_space<hbm>>) dst(%arg6 : memref<20480xi32, #tpu.memory_space<vmem>>)
    %add3A = arith.constant 0 : i32
    %add3A_10 = arith.addi %mul3A_0, %add3A : i32
    %dma_start3A_11 = tpu.memref_slice %arg3[%add3A_10] : memref<320000xi32, #tpu.memory_space<hbm>> -> memref<8000xi32, #tpu.memory_space<hbm>>
    %dma_start3A_12 = tpu.memref_slice %arg3[%add3A_10] : memref<320000xi32, #tpu.memory_space<hbm>> -> memref<8000xi32, #tpu.memory_space<hbm>>
    tpu.enqueue_dma source(%dma_start3A_12 : memref<8000xi32, #tpu.memory_space<hbm>>) target(%arg8 : memref<8000xi32, #tpu.memory_space<vmem>>) target_semaphore(%arg13 : memref<!tpu.dma_semaphore, #tpu.memory_space<semaphore_mem>>)
    %jit3A = arith.constant 2 : i32
    %div3A = arith.divsi %add3A_10, %jit3A : i32
    %sign3A = arith.constant 0 : i32
    %sign3A_13 = arith.cmpi sgt, %add3A_10, %sign3A : i32
    %sign3A_14 = arith.extui %sign3A_13 : i1 to i32
    %sign3A_15 = arith.constant 0 : i32
    %sign3A_16 = arith.cmpi slt, %add3A_10, %sign3A_15 : i32
    %sign3A_17 = arith.extui %sign3A_16 : i1 to i32
    %sign3A_18 = arith.subi %sign3A_14, %sign3A_17 : i32
    %sign3A_19 = arith.constant 0 : i32
    %sign3A_20 = arith.cmpi sgt, %jit3A, %sign3A_19 : i32
    %sign3A_21 = arith.extui %sign3A_20 : i1 to i32
    %sign3A_22 = arith.constant 0 : i32
    %sign3A_23 = arith.cmpi slt, %jit3A, %sign3A_22 : i32
    %sign3A_24 = arith.extui %sign3A_23 : i1 to i32
    %sign3A_25 = arith.subi %sign3A_21, %sign3A_24 : i32
    %ne3A = arith.cmpi ne, %sign3A_18, %sign3A_25 : i32
    %rem3A = arith.remsi %add3A_10, %jit3A : i32
    %ne3A_26 = arith.constant 0 : i32
    %ne3A_27 = arith.cmpi ne, %rem3A, %ne3A_26 : i32
    %and3A = arith.andi %ne3A, %ne3A_27 : i1
    %sub3A = arith.constant 1 : i32
    %sub3A_28 = arith.subi %div3A, %sub3A : i32
    %select_n3A = arith.select %and3A, %sub3A_28, %div3A : i32
    %multiple_of3A = tpu.assume_multiple %select_n3A, 8 : i32
    %dma_start3A_29 = tpu.memref_slice %arg4[%multiple_of3A] : memref<160000xi32, #tpu.memory_space<hbm>> -> memref<4000xi32, #tpu.memory_space<hbm>>
    %dma_start3A_30 = tpu.memref_slice %arg4[%multiple_of3A] : memref<160000xi32, #tpu.memory_space<hbm>> -> memref<4000xi32, #tpu.memory_space<hbm>>
    tpu.enqueue_dma source(%dma_start3A_30 : memref<4000xi32, #tpu.memory_space<hbm>>) target(%arg10 : memref<4000xi32, #tpu.memory_space<vmem>>) target_semaphore(%arg15 : memref<!tpu.dma_semaphore, #tpu.memory_space<semaphore_mem>>)
    %add3A_31 = arith.constant 8000 : i32
    %add3A_32 = arith.addi %mul3A_0, %add3A_31 : i32
    %dma_start3A_33 = tpu.memref_slice %arg3[%add3A_32] : memref<320000xi32, #tpu.memory_space<hbm>> -> memref<8000xi32, #tpu.memory_space<hbm>>
    %dma_start3A_34 = tpu.memref_slice %arg3[%add3A_32] : memref<320000xi32, #tpu.memory_space<hbm>> -> memref<8000xi32, #tpu.memory_space<hbm>>
    tpu.enqueue_dma source(%dma_start3A_34 : memref<8000xi32, #tpu.memory_space<hbm>>) target(%arg9 : memref<8000xi32, #tpu.memory_space<vmem>>) target_semaphore(%arg14 : memref<!tpu.dma_semaphore, #tpu.memory_space<semaphore_mem>>)
    %jit3A_35 = arith.constant 2 : i32
    %div3A_36 = arith.divsi %add3A_32, %jit3A_35 : i32
    %sign3A_37 = arith.constant 0 : i32
    %sign3A_38 = arith.cmpi sgt, %add3A_32, %sign3A_37 : i32
    %sign3A_39 = arith.extui %sign3A_38 : i1 to i32
    %sign3A_40 = arith.constant 0 : i32
    %sign3A_41 = arith.cmpi slt, %add3A_32, %sign3A_40 : i32
    %sign3A_42 = arith.extui %sign3A_41 : i1 to i32
    %sign3A_43 = arith.subi %sign3A_39, %sign3A_42 : i32
    %sign3A_44 = arith.constant 0 : i32
    %sign3A_45 = arith.cmpi sgt, %jit3A_35, %sign3A_44 : i32
    %sign3A_46 = arith.extui %sign3A_45 : i1 to i32
    %sign3A_47 = arith.constant 0 : i32
    %sign3A_48 = arith.cmpi slt, %jit3A_35, %sign3A_47 : i32
    %sign3A_49 = arith.extui %sign3A_48 : i1 to i32
    %sign3A_50 = arith.subi %sign3A_46, %sign3A_49 : i32
    %ne3A_51 = arith.cmpi ne, %sign3A_43, %sign3A_50 : i32
    %rem3A_52 = arith.remsi %add3A_32, %jit3A_35 : i32
    %ne3A_53 = arith.constant 0 : i32
    %ne3A_54 = arith.cmpi ne, %rem3A_52, %ne3A_53 : i32
    %and3A_55 = arith.andi %ne3A_51, %ne3A_54 : i1
    %sub3A_56 = arith.constant 1 : i32
    %sub3A_57 = arith.subi %div3A_36, %sub3A_56 : i32
    %select_n3A_58 = arith.select %and3A_55, %sub3A_57, %div3A_36 : i32
    %multiple_of3A_59 = tpu.assume_multiple %select_n3A_58, 8 : i32
    %dma_start3A_60 = tpu.memref_slice %arg4[%multiple_of3A_59] : memref<160000xi32, #tpu.memory_space<hbm>> -> memref<4000xi32, #tpu.memory_space<hbm>>
    %dma_start3A_61 = tpu.memref_slice %arg4[%multiple_of3A_59] : memref<160000xi32, #tpu.memory_space<hbm>> -> memref<4000xi32, #tpu.memory_space<hbm>>
    tpu.enqueue_dma source(%dma_start3A_61 : memref<4000xi32, #tpu.memory_space<hbm>>) target(%arg11 : memref<4000xi32, #tpu.memory_space<vmem>>) target_semaphore(%arg16 : memref<!tpu.dma_semaphore, #tpu.memory_space<semaphore_mem>>)
    %scan3A = arith.constant 0 : i32
    %scan3A_62 = arith.constant 0 : i32
    %scan3A_63 = arith.constant 10 : i32
    %scan3A_64 = arith.addi %scan3A_62, %scan3A_63 : i32
    %scan3A_65 = arith.constant 1 : i32
    %scan3A_66 = scf.for %scan3A_84 = %scan3A_62 to %scan3A_64 step %scan3A_65 iter_args(%scan3A_85 = %scan3A) -> (i32)  : i32 {
      %mul3A_86 = arith.constant 2 : i32
      %mul3A_87 = arith.muli %mul3A_86, %scan3A_84 : i32
      %dma_wait3A_88 = tpu.memref_slice %arg3[%mul3A_0] : memref<320000xi32, #tpu.memory_space<hbm>> -> memref<8000xi32, #tpu.memory_space<hbm>>
      %dma_wait3A_89 = tpu.memref_slice %arg3[%mul3A_0] : memref<320000xi32, #tpu.memory_space<hbm>> -> memref<8000xi32, #tpu.memory_space<hbm>>
      tpu.wait_dma2 semaphore(%arg13 : memref<!tpu.dma_semaphore, #tpu.memory_space<semaphore_mem>>) src(%dma_wait3A_89 : memref<8000xi32, #tpu.memory_space<hbm>>) dst(%arg8 : memref<8000xi32, #tpu.memory_space<vmem>>)
      %dma_wait3A_90 = tpu.memref_slice %arg4[%mul3A_0] : memref<160000xi32, #tpu.memory_space<hbm>> -> memref<4000xi32, #tpu.memory_space<hbm>>
      %dma_wait3A_91 = tpu.memref_slice %arg4[%mul3A_0] : memref<160000xi32, #tpu.memory_space<hbm>> -> memref<4000xi32, #tpu.memory_space<hbm>>
      tpu.wait_dma2 semaphore(%arg15 : memref<!tpu.dma_semaphore, #tpu.memory_space<semaphore_mem>>) src(%dma_wait3A_91 : memref<4000xi32, #tpu.memory_space<hbm>>) dst(%arg10 : memref<4000xi32, #tpu.memory_space<vmem>>)
      %parallel_loop3A_92 = arith.constant 0 : i32
      %parallel_loop3A_93 = arith.constant 250 : i32
      %parallel_loop3A_94 = arith.constant 1 : i32
      scf.for %parallel_loop3A_114 = %parallel_loop3A_92 to %parallel_loop3A_93 step %parallel_loop3A_94  : i32 {
        %parallel_loop3A_115 = arith.constant 16 : i32
        %parallel_loop3A_116 = arith.muli %parallel_loop3A_114, %parallel_loop3A_115 : i32
        %parallel_loop3A_117 = arith.index_cast %parallel_loop3A_116 : i32 to index
        %parallel_loop3A_118 = tpu.vector_load %arg10[%parallel_loop3A_117] {strides = array<i32>} : memref<4000xi32, #tpu.memory_space<vmem>>, vector<16xi32>,
        %parallel_loop3A_119 = arith.constant 16 : i32
        %parallel_loop3A_120 = vector.broadcast %parallel_loop3A_119 : i32 to vector<16xi32>
        %parallel_loop3A_121 = arith.shli %parallel_loop3A_118, %parallel_loop3A_120 : vector<16xi32>
        %parallel_loop3A_122 = vector.bitcast %parallel_loop3A_121 : vector<16xi32> to vector<16xf32>
        %parallel_loop3A_123 = arith.constant -65536 : i32
        %parallel_loop3A_124 = vector.broadcast %parallel_loop3A_123 : i32 to vector<16xi32>
        %parallel_loop3A_125 = arith.andi %parallel_loop3A_118, %parallel_loop3A_124 : vector<16xi32>
        %parallel_loop3A_126 = vector.bitcast %parallel_loop3A_125 : vector<16xi32> to vector<16xf32>
        %parallel_loop3A_127 = arith.constant 4000 : i32
        %parallel_loop3A_128 = arith.addi %parallel_loop3A_127, %parallel_loop3A_116 : i32
        %parallel_loop3A_129 = arith.index_cast %parallel_loop3A_116 : i32 to index
        %parallel_loop3A_130 = tpu.vector_load %arg8[%parallel_loop3A_129] {strides = array<i32>} : memref<8000xi32, #tpu.memory_space<vmem>>, vector<16xi32>,
        %parallel_loop3A_131 = arith.constant 16383 : i32
        %parallel_loop3A_132 = vector.broadcast %parallel_loop3A_131 : i32 to vector<16xi32>
        %parallel_loop3A_133 = arith.andi %parallel_loop3A_130, %parallel_loop3A_132 : vector<16xi32>
        %parallel_loop3A_134 = arith.constant 14 : i32
        %parallel_loop3A_135 = vector.broadcast %parallel_loop3A_134 : i32 to vector<16xi32>
        %parallel_loop3A_136 = arith.shrui %parallel_loop3A_130, %parallel_loop3A_135 : vector<16xi32>
        %parallel_loop3A_137 = arith.constant 0 : i32
        %parallel_loop3A_138 = tpu.memref_slice %arg6[%parallel_loop3A_137] : memref<20480xi32, #tpu.memory_space<vmem>> -> memref<10240xi32, #tpu.memory_space<vmem>>
        %parallel_loop3A_139 = tpu.vector_load_idx %parallel_loop3A_138[%parallel_loop3A_133] : memref<10240xi32, #tpu.memory_space<vmem>>[vector<16xi32>], vector<16xi32>,
        %parallel_loop3A_140 = arith.constant 16 : i32
        %parallel_loop3A_141 = vector.broadcast %parallel_loop3A_140 : i32 to vector<16xi32>
        %parallel_loop3A_142 = arith.shli %parallel_loop3A_139, %parallel_loop3A_141 : vector<16xi32>
        %parallel_loop3A_143 = vector.bitcast %parallel_loop3A_142 : vector<16xi32> to vector<16xf32>
        %parallel_loop3A_144 = arith.mulf %parallel_loop3A_143, %parallel_loop3A_122 : vector<16xf32>
        %parallel_loop3A_145 = arith.constant -65536 : i32
        %parallel_loop3A_146 = vector.broadcast %parallel_loop3A_145 : i32 to vector<16xi32>
        %parallel_loop3A_147 = arith.andi %parallel_loop3A_139, %parallel_loop3A_146 : vector<16xi32>
        %parallel_loop3A_148 = vector.bitcast %parallel_loop3A_147 : vector<16xi32> to vector<16xf32>
        %parallel_loop3A_149 = arith.mulf %parallel_loop3A_148, %parallel_loop3A_122 : vector<16xf32>
        %parallel_loop3A_150 = arith.constant 0 : i32
        %parallel_loop3A_151 = tpu.memref_slice %arg7[%parallel_loop3A_150] : memref<40960xf32, #tpu.memory_space<vmem>> -> memref<10240xf32, #tpu.memory_space<vmem>>
        tpu.vector_store_idx %parallel_loop3A_151[%parallel_loop3A_136], %parallel_loop3A_144 {add = true} : memref<10240xf32, #tpu.memory_space<vmem>>[vector<16xi32>], vector<16xf32>,
        %parallel_loop3A_152 = arith.constant 20480 : i32
        %parallel_loop3A_153 = tpu.memref_slice %arg7[%parallel_loop3A_152] : memref<40960xf32, #tpu.memory_space<vmem>> -> memref<10240xf32, #tpu.memory_space<vmem>>
        tpu.vector_store_idx %parallel_loop3A_153[%parallel_loop3A_136], %parallel_loop3A_149 {add = true} : memref<10240xf32, #tpu.memory_space<vmem>>[vector<16xi32>], vector<16xf32>,
        %parallel_loop3A_154 = arith.constant 10240 : i32
        %parallel_loop3A_155 = tpu.memref_slice %arg6[%parallel_loop3A_154] : memref<20480xi32, #tpu.memory_space<vmem>> -> memref<10240xi32, #tpu.memory_space<vmem>>
        %parallel_loop3A_156 = tpu.vector_load_idx %parallel_loop3A_155[%parallel_loop3A_133] : memref<10240xi32, #tpu.memory_space<vmem>>[vector<16xi32>], vector<16xi32>,
        %parallel_loop3A_157 = arith.constant 16 : i32
        %parallel_loop3A_158 = vector.broadcast %parallel_loop3A_157 : i32 to vector<16xi32>
        %parallel_loop3A_159 = arith.shli %parallel_loop3A_156, %parallel_loop3A_158 : vector<16xi32>
        %parallel_loop3A_160 = vector.bitcast %parallel_loop3A_159 : vector<16xi32> to vector<16xf32>
        %parallel_loop3A_161 = arith.mulf %parallel_loop3A_160, %parallel_loop3A_122 : vector<16xf32>
        %parallel_loop3A_162 = arith.constant -65536 : i32
        %parallel_loop3A_163 = vector.broadcast %parallel_loop3A_162 : i32 to vector<16xi32>
        %parallel_loop3A_164 = arith.andi %parallel_loop3A_156, %parallel_loop3A_163 : vector<16xi32>
        %parallel_loop3A_165 = vector.bitcast %parallel_loop3A_164 : vector<16xi32> to vector<16xf32>
        %parallel_loop3A_166 = arith.mulf %parallel_loop3A_165, %parallel_loop3A_122 : vector<16xf32>
        %parallel_loop3A_167 = arith.constant 10240 : i32
        %parallel_loop3A_168 = tpu.memref_slice %arg7[%parallel_loop3A_167] : memref<40960xf32, #tpu.memory_space<vmem>> -> memref<10240xf32, #tpu.memory_space<vmem>>
        tpu.vector_store_idx %parallel_loop3A_168[%parallel_loop3A_136], %parallel_loop3A_161 {add = true} : memref<10240xf32, #tpu.memory_space<vmem>>[vector<16xi32>], vector<16xf32>,
        %parallel_loop3A_169 = arith.constant 30720 : i32
        %parallel_loop3A_170 = tpu.memref_slice %arg7[%parallel_loop3A_169] : memref<40960xf32, #tpu.memory_space<vmem>> -> memref<10240xf32, #tpu.memory_space<vmem>>
        tpu.vector_store_idx %parallel_loop3A_170[%parallel_loop3A_136], %parallel_loop3A_166 {add = true} : memref<10240xf32, #tpu.memory_space<vmem>>[vector<16xi32>], vector<16xf32>,
        %parallel_loop3A_171 = arith.index_cast %parallel_loop3A_128 : i32 to index
        %parallel_loop3A_172 = tpu.vector_load %arg8[%parallel_loop3A_171] {strides = array<i32>} : memref<8000xi32, #tpu.memory_space<vmem>>, vector<16xi32>,
        %parallel_loop3A_173 = arith.constant 16383 : i32
        %parallel_loop3A_174 = vector.broadcast %parallel_loop3A_173 : i32 to vector<16xi32>
        %parallel_loop3A_175 = arith.andi %parallel_loop3A_172, %parallel_loop3A_174 : vector<16xi32>
        %parallel_loop3A_176 = arith.constant 14 : i32
        %parallel_loop3A_177 = vector.broadcast %parallel_loop3A_176 : i32 to vector<16xi32>
        %parallel_loop3A_178 = arith.shrui %parallel_loop3A_172, %parallel_loop3A_177 : vector<16xi32>
        %parallel_loop3A_179 = arith.constant 0 : i32
        %parallel_loop3A_180 = tpu.memref_slice %arg6[%parallel_loop3A_179] : memref<20480xi32, #tpu.memory_space<vmem>> -> memref<10240xi32, #tpu.memory_space<vmem>>
        %parallel_loop3A_181 = tpu.vector_load_idx %parallel_loop3A_180[%parallel_loop3A_175] : memref<10240xi32, #tpu.memory_space<vmem>>[vector<16xi32>], vector<16xi32>,
        %parallel_loop3A_182 = arith.constant 16 : i32
        %parallel_loop3A_183 = vector.broadcast %parallel_loop3A_182 : i32 to vector<16xi32>
        %parallel_loop3A_184 = arith.shli %parallel_loop3A_181, %parallel_loop3A_183 : vector<16xi32>
        %parallel_loop3A_185 = vector.bitcast %parallel_loop3A_184 : vector<16xi32> to vector<16xf32>
        %parallel_loop3A_186 = arith.mulf %parallel_loop3A_185, %parallel_loop3A_126 : vector<16xf32>
        %parallel_loop3A_187 = arith.constant -65536 : i32
        %parallel_loop3A_188 = vector.broadcast %parallel_loop3A_187 : i32 to vector<16xi32>
        %parallel_loop3A_189 = arith.andi %parallel_loop3A_181, %parallel_loop3A_188 : vector<16xi32>
        %parallel_loop3A_190 = vector.bitcast %parallel_loop3A_189 : vector<16xi32> to vector<16xf32>
        %parallel_loop3A_191 = arith.mulf %parallel_loop3A_190, %parallel_loop3A_126 : vector<16xf32>
        %parallel_loop3A_192 = arith.constant 0 : i32
        %parallel_loop3A_193 = tpu.memref_slice %arg7[%parallel_loop3A_192] : memref<40960xf32, #tpu.memory_space<vmem>> -> memref<10240xf32, #tpu.memory_space<vmem>>
        tpu.vector_store_idx %parallel_loop3A_193[%parallel_loop3A_178], %parallel_loop3A_186 {add = true} : memref<10240xf32, #tpu.memory_space<vmem>>[vector<16xi32>], vector<16xf32>,
        %parallel_loop3A_194 = arith.constant 20480 : i32
        %parallel_loop3A_195 = tpu.memref_slice %arg7[%parallel_loop3A_194] : memref<40960xf32, #tpu.memory_space<vmem>> -> memref<10240xf32, #tpu.memory_space<vmem>>
        tpu.vector_store_idx %parallel_loop3A_195[%parallel_loop3A_178], %parallel_loop3A_191 {add = true} : memref<10240xf32, #tpu.memory_space<vmem>>[vector<16xi32>], vector<16xf32>,
        %parallel_loop3A_196 = arith.constant 10240 : i32
        %parallel_loop3A_197 = tpu.memref_slice %arg6[%parallel_loop3A_196] : memref<20480xi32, #tpu.memory_space<vmem>> -> memref<10240xi32, #tpu.memory_space<vmem>>
        %parallel_loop3A_198 = tpu.vector_load_idx %parallel_loop3A_197[%parallel_loop3A_175] : memref<10240xi32, #tpu.memory_space<vmem>>[vector<16xi32>], vector<16xi32>,
        %parallel_loop3A_199 = arith.constant 16 : i32
        %parallel_loop3A_200 = vector.broadcast %parallel_loop3A_199 : i32 to vector<16xi32>
        %parallel_loop3A_201 = arith.shli %parallel_loop3A_198, %parallel_loop3A_200 : vector<16xi32>
        %parallel_loop3A_202 = vector.bitcast %parallel_loop3A_201 : vector<16xi32> to vector<16xf32>
        %parallel_loop3A_203 = arith.mulf %parallel_loop3A_202, %parallel_loop3A_126 : vector<16xf32>
        %parallel_loop3A_204 = arith.constant -65536 : i32
        %parallel_loop3A_205 = vector.broadcast %parallel_loop3A_204 : i32 to vector<16xi32>
        %parallel_loop3A_206 = arith.andi %parallel_loop3A_198, %parallel_loop3A_205 : vector<16xi32>
        %parallel_loop3A_207 = vector.bitcast %parallel_loop3A_206 : vector<16xi32> to vector<16xf32>
        %parallel_loop3A_208 = arith.mulf %parallel_loop3A_207, %parallel_loop3A_126 : vector<16xf32>
        %parallel_loop3A_209 = arith.constant 10240 : i32
        %parallel_loop3A_210 = tpu.memref_slice %arg7[%parallel_loop3A_209] : memref<40960xf32, #tpu.memory_space<vmem>> -> memref<10240xf32, #tpu.memory_space<vmem>>
        tpu.vector_store_idx %parallel_loop3A_210[%parallel_loop3A_178], %parallel_loop3A_203 {add = true} : memref<10240xf32, #tpu.memory_space<vmem>>[vector<16xi32>], vector<16xf32>,
        %parallel_loop3A_211 = arith.constant 30720 : i32
        %parallel_loop3A_212 = tpu.memref_slice %arg7[%parallel_loop3A_211] : memref<40960xf32, #tpu.memory_space<vmem>> -> memref<10240xf32, #tpu.memory_space<vmem>>
        tpu.vector_store_idx %parallel_loop3A_212[%parallel_loop3A_178], %parallel_loop3A_208 {add = true} : memref<10240xf32, #tpu.memory_space<vmem>>[vector<16xi32>], vector<16xf32>,
      } {sc.loop_unroll_factor = 2 : i64, sc.parallel_access}
      %add3A_95 = arith.constant 2 : i32
      %add3A_96 = arith.addi %mul3A_87, %add3A_95 : i32
      %lt3A = arith.constant 20 : i32
      %lt3A_97 = arith.cmpi slt, %add3A_96, %lt3A : i32
      %convert_element_type3A = arith.extui %lt3A_97 : i1 to i32
      %cond3A = arith.constant 0 : i32
      %cond3A_98 = arith.cmpi ne, %convert_element_type3A, %cond3A : i32
      scf.if %cond3A_98 {
        %add3A_114 = arith.constant 2 : i32
        %add3A_115 = arith.addi %mul3A_87, %add3A_114 : i32
        %mul3A_116 = arith.constant 8000 : i32
        %mul3A_117 = arith.muli %add3A_115, %mul3A_116 : i32
        %add3A_118 = arith.addi %mul3A_0, %mul3A_117 : i32
        %dma_start3A_119 = tpu.memref_slice %arg3[%add3A_118] : memref<320000xi32, #tpu.memory_space<hbm>> -> memref<8000xi32, #tpu.memory_space<hbm>>
        %dma_start3A_120 = tpu.memref_slice %arg3[%add3A_118] : memref<320000xi32, #tpu.memory_space<hbm>> -> memref<8000xi32, #tpu.memory_space<hbm>>
        tpu.enqueue_dma source(%dma_start3A_120 : memref<8000xi32, #tpu.memory_space<hbm>>) target(%arg8 : memref<8000xi32, #tpu.memory_space<vmem>>) target_semaphore(%arg13 : memref<!tpu.dma_semaphore, #tpu.memory_space<semaphore_mem>>)
        %jit3A_121 = arith.constant 2 : i32
        %div3A_122 = arith.divsi %add3A_118, %jit3A_121 : i32
        %sign3A_123 = arith.constant 0 : i32
        %sign3A_124 = arith.cmpi sgt, %add3A_118, %sign3A_123 : i32
        %sign3A_125 = arith.extui %sign3A_124 : i1 to i32
        %sign3A_126 = arith.constant 0 : i32
        %sign3A_127 = arith.cmpi slt, %add3A_118, %sign3A_126 : i32
        %sign3A_128 = arith.extui %sign3A_127 : i1 to i32
        %sign3A_129 = arith.subi %sign3A_125, %sign3A_128 : i32
        %sign3A_130 = arith.constant 0 : i32
        %sign3A_131 = arith.cmpi sgt, %jit3A_121, %sign3A_130 : i32
        %sign3A_132 = arith.extui %sign3A_131 : i1 to i32
        %sign3A_133 = arith.constant 0 : i32
        %sign3A_134 = arith.cmpi slt, %jit3A_121, %sign3A_133 : i32
        %sign3A_135 = arith.extui %sign3A_134 : i1 to i32
        %sign3A_136 = arith.subi %sign3A_132, %sign3A_135 : i32
        %ne3A_137 = arith.cmpi ne, %sign3A_129, %sign3A_136 : i32
        %rem3A_138 = arith.remsi %add3A_118, %jit3A_121 : i32
        %ne3A_139 = arith.constant 0 : i32
        %ne3A_140 = arith.cmpi ne, %rem3A_138, %ne3A_139 : i32
        %and3A_141 = arith.andi %ne3A_137, %ne3A_140 : i1
        %sub3A_142 = arith.constant 1 : i32
        %sub3A_143 = arith.subi %div3A_122, %sub3A_142 : i32
        %select_n3A_144 = arith.select %and3A_141, %sub3A_143, %div3A_122 : i32
        %multiple_of3A_145 = tpu.assume_multiple %select_n3A_144, 8 : i32
        %dma_start3A_146 = tpu.memref_slice %arg4[%multiple_of3A_145] : memref<160000xi32, #tpu.memory_space<hbm>> -> memref<4000xi32, #tpu.memory_space<hbm>>
        %dma_start3A_147 = tpu.memref_slice %arg4[%multiple_of3A_145] : memref<160000xi32, #tpu.memory_space<hbm>> -> memref<4000xi32, #tpu.memory_space<hbm>>
        tpu.enqueue_dma source(%dma_start3A_147 : memref<4000xi32, #tpu.memory_space<hbm>>) target(%arg10 : memref<4000xi32, #tpu.memory_space<vmem>>) target_semaphore(%arg15 : memref<!tpu.dma_semaphore, #tpu.memory_space<semaphore_mem>>)
      } else {
      }
      %dma_wait3A_99 = tpu.memref_slice %arg3[%mul3A_0] : memref<320000xi32, #tpu.memory_space<hbm>> -> memref<8000xi32, #tpu.memory_space<hbm>>
      %dma_wait3A_100 = tpu.memref_slice %arg3[%mul3A_0] : memref<320000xi32, #tpu.memory_space<hbm>> -> memref<8000xi32, #tpu.memory_space<hbm>>
      tpu.wait_dma2 semaphore(%arg14 : memref<!tpu.dma_semaphore, #tpu.memory_space<semaphore_mem>>) src(%dma_wait3A_100 : memref<8000xi32, #tpu.memory_space<hbm>>) dst(%arg9 : memref<8000xi32, #tpu.memory_space<vmem>>)
      %dma_wait3A_101 = tpu.memref_slice %arg4[%mul3A_0] : memref<160000xi32, #tpu.memory_space<hbm>> -> memref<4000xi32, #tpu.memory_space<hbm>>
      %dma_wait3A_102 = tpu.memref_slice %arg4[%mul3A_0] : memref<160000xi32, #tpu.memory_space<hbm>> -> memref<4000xi32, #tpu.memory_space<hbm>>
      tpu.wait_dma2 semaphore(%arg16 : memref<!tpu.dma_semaphore, #tpu.memory_space<semaphore_mem>>) src(%dma_wait3A_102 : memref<4000xi32, #tpu.memory_space<hbm>>) dst(%arg11 : memref<4000xi32, #tpu.memory_space<vmem>>)
      %parallel_loop3A_103 = arith.constant 0 : i32
      %parallel_loop3A_104 = arith.constant 250 : i32
      %parallel_loop3A_105 = arith.constant 1 : i32
      scf.for %parallel_loop3A_114 = %parallel_loop3A_103 to %parallel_loop3A_104 step %parallel_loop3A_105  : i32 {
        %parallel_loop3A_115 = arith.constant 16 : i32
        %parallel_loop3A_116 = arith.muli %parallel_loop3A_114, %parallel_loop3A_115 : i32
        %parallel_loop3A_117 = arith.index_cast %parallel_loop3A_116 : i32 to index
        %parallel_loop3A_118 = tpu.vector_load %arg11[%parallel_loop3A_117] {strides = array<i32>} : memref<4000xi32, #tpu.memory_space<vmem>>, vector<16xi32>,
        %parallel_loop3A_119 = arith.constant 16 : i32
        %parallel_loop3A_120 = vector.broadcast %parallel_loop3A_119 : i32 to vector<16xi32>
        %parallel_loop3A_121 = arith.shli %parallel_loop3A_118, %parallel_loop3A_120 : vector<16xi32>
        %parallel_loop3A_122 = vector.bitcast %parallel_loop3A_121 : vector<16xi32> to vector<16xf32>
        %parallel_loop3A_123 = arith.constant -65536 : i32
        %parallel_loop3A_124 = vector.broadcast %parallel_loop3A_123 : i32 to vector<16xi32>
        %parallel_loop3A_125 = arith.andi %parallel_loop3A_118, %parallel_loop3A_124 : vector<16xi32>
        %parallel_loop3A_126 = vector.bitcast %parallel_loop3A_125 : vector<16xi32> to vector<16xf32>
        %parallel_loop3A_127 = arith.constant 4000 : i32
        %parallel_loop3A_128 = arith.addi %parallel_loop3A_127, %parallel_loop3A_116 : i32
        %parallel_loop3A_129 = arith.index_cast %parallel_loop3A_116 : i32 to index
        %parallel_loop3A_130 = tpu.vector_load %arg9[%parallel_loop3A_129] {strides = array<i32>} : memref<8000xi32, #tpu.memory_space<vmem>>, vector<16xi32>,
        %parallel_loop3A_131 = arith.constant 16383 : i32
        %parallel_loop3A_132 = vector.broadcast %parallel_loop3A_131 : i32 to vector<16xi32>
        %parallel_loop3A_133 = arith.andi %parallel_loop3A_130, %parallel_loop3A_132 : vector<16xi32>
        %parallel_loop3A_134 = arith.constant 14 : i32
        %parallel_loop3A_135 = vector.broadcast %parallel_loop3A_134 : i32 to vector<16xi32>
        %parallel_loop3A_136 = arith.shrui %parallel_loop3A_130, %parallel_loop3A_135 : vector<16xi32>
        %parallel_loop3A_137 = arith.constant 0 : i32
        %parallel_loop3A_138 = tpu.memref_slice %arg6[%parallel_loop3A_137] : memref<20480xi32, #tpu.memory_space<vmem>> -> memref<10240xi32, #tpu.memory_space<vmem>>
        %parallel_loop3A_139 = tpu.vector_load_idx %parallel_loop3A_138[%parallel_loop3A_133] : memref<10240xi32, #tpu.memory_space<vmem>>[vector<16xi32>], vector<16xi32>,
        %parallel_loop3A_140 = arith.constant 16 : i32
        %parallel_loop3A_141 = vector.broadcast %parallel_loop3A_140 : i32 to vector<16xi32>
        %parallel_loop3A_142 = arith.shli %parallel_loop3A_139, %parallel_loop3A_141 : vector<16xi32>
        %parallel_loop3A_143 = vector.bitcast %parallel_loop3A_142 : vector<16xi32> to vector<16xf32>
        %parallel_loop3A_144 = arith.mulf %parallel_loop3A_143, %parallel_loop3A_122 : vector<16xf32>
        %parallel_loop3A_145 = arith.constant -65536 : i32
        %parallel_loop3A_146 = vector.broadcast %parallel_loop3A_145 : i32 to vector<16xi32>
        %parallel_loop3A_147 = arith.andi %parallel_loop3A_139, %parallel_loop3A_146 : vector<16xi32>
        %parallel_loop3A_148 = vector.bitcast %parallel_loop3A_147 : vector<16xi32> to vector<16xf32>
        %parallel_loop3A_149 = arith.mulf %parallel_loop3A_148, %parallel_loop3A_122 : vector<16xf32>
        %parallel_loop3A_150 = arith.constant 0 : i32
        %parallel_loop3A_151 = tpu.memref_slice %arg7[%parallel_loop3A_150] : memref<40960xf32, #tpu.memory_space<vmem>> -> memref<10240xf32, #tpu.memory_space<vmem>>
        tpu.vector_store_idx %parallel_loop3A_151[%parallel_loop3A_136], %parallel_loop3A_144 {add = true} : memref<10240xf32, #tpu.memory_space<vmem>>[vector<16xi32>], vector<16xf32>,
        %parallel_loop3A_152 = arith.constant 20480 : i32
        %parallel_loop3A_153 = tpu.memref_slice %arg7[%parallel_loop3A_152] : memref<40960xf32, #tpu.memory_space<vmem>> -> memref<10240xf32, #tpu.memory_space<vmem>>
        tpu.vector_store_idx %parallel_loop3A_153[%parallel_loop3A_136], %parallel_loop3A_149 {add = true} : memref<10240xf32, #tpu.memory_space<vmem>>[vector<16xi32>], vector<16xf32>,
        %parallel_loop3A_154 = arith.constant 10240 : i32
        %parallel_loop3A_155 = tpu.memref_slice %arg6[%parallel_loop3A_154] : memref<20480xi32, #tpu.memory_space<vmem>> -> memref<10240xi32, #tpu.memory_space<vmem>>
        %parallel_loop3A_156 = tpu.vector_load_idx %parallel_loop3A_155[%parallel_loop3A_133] : memref<10240xi32, #tpu.memory_space<vmem>>[vector<16xi32>], vector<16xi32>,
        %parallel_loop3A_157 = arith.constant 16 : i32
        %parallel_loop3A_158 = vector.broadcast %parallel_loop3A_157 : i32 to vector<16xi32>
        %parallel_loop3A_159 = arith.shli %parallel_loop3A_156, %parallel_loop3A_158 : vector<16xi32>
        %parallel_loop3A_160 = vector.bitcast %parallel_loop3A_159 : vector<16xi32> to vector<16xf32>
        %parallel_loop3A_161 = arith.mulf %parallel_loop3A_160, %parallel_loop3A_122 : vector<16xf32>
        %parallel_loop3A_162 = arith.constant -65536 : i32
        %parallel_loop3A_163 = vector.broadcast %parallel_loop3A_162 : i32 to vector<16xi32>
        %parallel_loop3A_164 = arith.andi %parallel_loop3A_156, %parallel_loop3A_163 : vector<16xi32>
        %parallel_loop3A_165 = vector.bitcast %parallel_loop3A_164 : vector<16xi32> to vector<16xf32>
        %parallel_loop3A_166 = arith.mulf %parallel_loop3A_165, %parallel_loop3A_122 : vector<16xf32>
        %parallel_loop3A_167 = arith.constant 10240 : i32
        %parallel_loop3A_168 = tpu.memref_slice %arg7[%parallel_loop3A_167] : memref<40960xf32, #tpu.memory_space<vmem>> -> memref<10240xf32, #tpu.memory_space<vmem>>
        tpu.vector_store_idx %parallel_loop3A_168[%parallel_loop3A_136], %parallel_loop3A_161 {add = true} : memref<10240xf32, #tpu.memory_space<vmem>>[vector<16xi32>], vector<16xf32>,
        %parallel_loop3A_169 = arith.constant 30720 : i32
        %parallel_loop3A_170 = tpu.memref_slice %arg7[%parallel_loop3A_169] : memref<40960xf32, #tpu.memory_space<vmem>> -> memref<10240xf32, #tpu.memory_space<vmem>>
        tpu.vector_store_idx %parallel_loop3A_170[%parallel_loop3A_136], %parallel_loop3A_166 {add = true} : memref<10240xf32, #tpu.memory_space<vmem>>[vector<16xi32>], vector<16xf32>,
        %parallel_loop3A_171 = arith.index_cast %parallel_loop3A_128 : i32 to index
        %parallel_loop3A_172 = tpu.vector_load %arg9[%parallel_loop3A_171] {strides = array<i32>} : memref<8000xi32, #tpu.memory_space<vmem>>, vector<16xi32>,
        %parallel_loop3A_173 = arith.constant 16383 : i32
        %parallel_loop3A_174 = vector.broadcast %parallel_loop3A_173 : i32 to vector<16xi32>
        %parallel_loop3A_175 = arith.andi %parallel_loop3A_172, %parallel_loop3A_174 : vector<16xi32>
        %parallel_loop3A_176 = arith.constant 14 : i32
        %parallel_loop3A_177 = vector.broadcast %parallel_loop3A_176 : i32 to vector<16xi32>
        %parallel_loop3A_178 = arith.shrui %parallel_loop3A_172, %parallel_loop3A_177 : vector<16xi32>
        %parallel_loop3A_179 = arith.constant 0 : i32
        %parallel_loop3A_180 = tpu.memref_slice %arg6[%parallel_loop3A_179] : memref<20480xi32, #tpu.memory_space<vmem>> -> memref<10240xi32, #tpu.memory_space<vmem>>
        %parallel_loop3A_181 = tpu.vector_load_idx %parallel_loop3A_180[%parallel_loop3A_175] : memref<10240xi32, #tpu.memory_space<vmem>>[vector<16xi32>], vector<16xi32>,
        %parallel_loop3A_182 = arith.constant 16 : i32
        %parallel_loop3A_183 = vector.broadcast %parallel_loop3A_182 : i32 to vector<16xi32>
        %parallel_loop3A_184 = arith.shli %parallel_loop3A_181, %parallel_loop3A_183 : vector<16xi32>
        %parallel_loop3A_185 = vector.bitcast %parallel_loop3A_184 : vector<16xi32> to vector<16xf32>
        %parallel_loop3A_186 = arith.mulf %parallel_loop3A_185, %parallel_loop3A_126 : vector<16xf32>
        %parallel_loop3A_187 = arith.constant -65536 : i32
        %parallel_loop3A_188 = vector.broadcast %parallel_loop3A_187 : i32 to vector<16xi32>
        %parallel_loop3A_189 = arith.andi %parallel_loop3A_181, %parallel_loop3A_188 : vector<16xi32>
        %parallel_loop3A_190 = vector.bitcast %parallel_loop3A_189 : vector<16xi32> to vector<16xf32>
        %parallel_loop3A_191 = arith.mulf %parallel_loop3A_190, %parallel_loop3A_126 : vector<16xf32>
        %parallel_loop3A_192 = arith.constant 0 : i32
        %parallel_loop3A_193 = tpu.memref_slice %arg7[%parallel_loop3A_192] : memref<40960xf32, #tpu.memory_space<vmem>> -> memref<10240xf32, #tpu.memory_space<vmem>>
        tpu.vector_store_idx %parallel_loop3A_193[%parallel_loop3A_178], %parallel_loop3A_186 {add = true} : memref<10240xf32, #tpu.memory_space<vmem>>[vector<16xi32>], vector<16xf32>,
        %parallel_loop3A_194 = arith.constant 20480 : i32
        %parallel_loop3A_195 = tpu.memref_slice %arg7[%parallel_loop3A_194] : memref<40960xf32, #tpu.memory_space<vmem>> -> memref<10240xf32, #tpu.memory_space<vmem>>
        tpu.vector_store_idx %parallel_loop3A_195[%parallel_loop3A_178], %parallel_loop3A_191 {add = true} : memref<10240xf32, #tpu.memory_space<vmem>>[vector<16xi32>], vector<16xf32>,
        %parallel_loop3A_196 = arith.constant 10240 : i32
        %parallel_loop3A_197 = tpu.memref_slice %arg6[%parallel_loop3A_196] : memref<20480xi32, #tpu.memory_space<vmem>> -> memref<10240xi32, #tpu.memory_space<vmem>>
        %parallel_loop3A_198 = tpu.vector_load_idx %parallel_loop3A_197[%parallel_loop3A_175] : memref<10240xi32, #tpu.memory_space<vmem>>[vector<16xi32>], vector<16xi32>,
        %parallel_loop3A_199 = arith.constant 16 : i32
        %parallel_loop3A_200 = vector.broadcast %parallel_loop3A_199 : i32 to vector<16xi32>
        %parallel_loop3A_201 = arith.shli %parallel_loop3A_198, %parallel_loop3A_200 : vector<16xi32>
        %parallel_loop3A_202 = vector.bitcast %parallel_loop3A_201 : vector<16xi32> to vector<16xf32>
        %parallel_loop3A_203 = arith.mulf %parallel_loop3A_202, %parallel_loop3A_126 : vector<16xf32>
        %parallel_loop3A_204 = arith.constant -65536 : i32
        %parallel_loop3A_205 = vector.broadcast %parallel_loop3A_204 : i32 to vector<16xi32>
        %parallel_loop3A_206 = arith.andi %parallel_loop3A_198, %parallel_loop3A_205 : vector<16xi32>
        %parallel_loop3A_207 = vector.bitcast %parallel_loop3A_206 : vector<16xi32> to vector<16xf32>
        %parallel_loop3A_208 = arith.mulf %parallel_loop3A_207, %parallel_loop3A_126 : vector<16xf32>
        %parallel_loop3A_209 = arith.constant 10240 : i32
        %parallel_loop3A_210 = tpu.memref_slice %arg7[%parallel_loop3A_209] : memref<40960xf32, #tpu.memory_space<vmem>> -> memref<10240xf32, #tpu.memory_space<vmem>>
        tpu.vector_store_idx %parallel_loop3A_210[%parallel_loop3A_178], %parallel_loop3A_203 {add = true} : memref<10240xf32, #tpu.memory_space<vmem>>[vector<16xi32>], vector<16xf32>,
        %parallel_loop3A_211 = arith.constant 30720 : i32
        %parallel_loop3A_212 = tpu.memref_slice %arg7[%parallel_loop3A_211] : memref<40960xf32, #tpu.memory_space<vmem>> -> memref<10240xf32, #tpu.memory_space<vmem>>
        tpu.vector_store_idx %parallel_loop3A_212[%parallel_loop3A_178], %parallel_loop3A_208 {add = true} : memref<10240xf32, #tpu.memory_space<vmem>>[vector<16xi32>], vector<16xf32>,
      } {sc.loop_unroll_factor = 2 : i64, sc.parallel_access}
      %add3A_106 = arith.constant 3 : i32
      %add3A_107 = arith.addi %mul3A_87, %add3A_106 : i32
      %lt3A_108 = arith.constant 20 : i32
      %lt3A_109 = arith.cmpi slt, %add3A_107, %lt3A_108 : i32
      %convert_element_type3A_110 = arith.extui %lt3A_109 : i1 to i32
      %cond3A_111 = arith.constant 0 : i32
      %cond3A_112 = arith.cmpi ne, %convert_element_type3A_110, %cond3A_111 : i32
      scf.if %cond3A_112 {
        %add3A_114 = arith.constant 3 : i32
        %add3A_115 = arith.addi %mul3A_87, %add3A_114 : i32
        %mul3A_116 = arith.constant 8000 : i32
        %mul3A_117 = arith.muli %add3A_115, %mul3A_116 : i32
        %add3A_118 = arith.addi %mul3A_0, %mul3A_117 : i32
        %dma_start3A_119 = tpu.memref_slice %arg3[%add3A_118] : memref<320000xi32, #tpu.memory_space<hbm>> -> memref<8000xi32, #tpu.memory_space<hbm>>
        %dma_start3A_120 = tpu.memref_slice %arg3[%add3A_118] : memref<320000xi32, #tpu.memory_space<hbm>> -> memref<8000xi32, #tpu.memory_space<hbm>>
        tpu.enqueue_dma source(%dma_start3A_120 : memref<8000xi32, #tpu.memory_space<hbm>>) target(%arg9 : memref<8000xi32, #tpu.memory_space<vmem>>) target_semaphore(%arg14 : memref<!tpu.dma_semaphore, #tpu.memory_space<semaphore_mem>>)
        %jit3A_121 = arith.constant 2 : i32
        %div3A_122 = arith.divsi %add3A_118, %jit3A_121 : i32
        %sign3A_123 = arith.constant 0 : i32
        %sign3A_124 = arith.cmpi sgt, %add3A_118, %sign3A_123 : i32
        %sign3A_125 = arith.extui %sign3A_124 : i1 to i32
        %sign3A_126 = arith.constant 0 : i32
        %sign3A_127 = arith.cmpi slt, %add3A_118, %sign3A_126 : i32
        %sign3A_128 = arith.extui %sign3A_127 : i1 to i32
        %sign3A_129 = arith.subi %sign3A_125, %sign3A_128 : i32
        %sign3A_130 = arith.constant 0 : i32
        %sign3A_131 = arith.cmpi sgt, %jit3A_121, %sign3A_130 : i32
        %sign3A_132 = arith.extui %sign3A_131 : i1 to i32
        %sign3A_133 = arith.constant 0 : i32
        %sign3A_134 = arith.cmpi slt, %jit3A_121, %sign3A_133 : i32
        %sign3A_135 = arith.extui %sign3A_134 : i1 to i32
        %sign3A_136 = arith.subi %sign3A_132, %sign3A_135 : i32
        %ne3A_137 = arith.cmpi ne, %sign3A_129, %sign3A_136 : i32
        %rem3A_138 = arith.remsi %add3A_118, %jit3A_121 : i32
        %ne3A_139 = arith.constant 0 : i32
        %ne3A_140 = arith.cmpi ne, %rem3A_138, %ne3A_139 : i32
        %and3A_141 = arith.andi %ne3A_137, %ne3A_140 : i1
        %sub3A_142 = arith.constant 1 : i32
        %sub3A_143 = arith.subi %div3A_122, %sub3A_142 : i32
        %select_n3A_144 = arith.select %and3A_141, %sub3A_143, %div3A_122 : i32
        %multiple_of3A_145 = tpu.assume_multiple %select_n3A_144, 8 : i32
        %dma_start3A_146 = tpu.memref_slice %arg4[%multiple_of3A_145] : memref<160000xi32, #tpu.memory_space<hbm>> -> memref<4000xi32, #tpu.memory_space<hbm>>
        %dma_start3A_147 = tpu.memref_slice %arg4[%multiple_of3A_145] : memref<160000xi32, #tpu.memory_space<hbm>> -> memref<4000xi32, #tpu.memory_space<hbm>>
        tpu.enqueue_dma source(%dma_start3A_147 : memref<4000xi32, #tpu.memory_space<hbm>>) target(%arg11 : memref<4000xi32, #tpu.memory_space<vmem>>) target_semaphore(%arg16 : memref<!tpu.dma_semaphore, #tpu.memory_space<semaphore_mem>>)
      } else {
      }
      %scan3A_113 = arith.constant 0 : i32
      scf.yield %scan3A_113 : i32
    }
    %scan3A_67 = arith.constant 10 : i32
    %mul3A_68 = arith.constant 655360 : i32
    %mul3A_69 = arith.muli %arg0, %mul3A_68 : i32
    %mul3A_70 = arith.constant 2 : i32
    %mul3A_71 = arith.muli %arg1, %mul3A_70 : i32
    %mul3A_72 = arith.constant 10240 : i32
    %mul3A_73 = arith.muli %mul3A_71, %mul3A_72 : i32
    %add3A_74 = arith.addi %mul3A_69, %mul3A_73 : i32
    "tpu.region"() ({
      %run_scoped3A = tpu.sem_alloc : memref<!tpu.dma_semaphore, #tpu.memory_space<semaphore_mem>>
      %dma_start3A_84 = arith.constant 0 : i32
      %dma_start3A_85 = tpu.memref_slice %arg7[%dma_start3A_84] : memref<40960xf32, #tpu.memory_space<vmem>> -> memref<20480xf32, #tpu.memory_space<vmem>>
      %dma_start3A_86 = tpu.memref_slice %arg5[%add3A_74] : memref<1310720xf32, #tpu.memory_space<hbm>> -> memref<20480xf32, #tpu.memory_space<hbm>>
      %dma_start3A_87 = tpu.memref_slice %arg5[%add3A_74] : memref<1310720xf32, #tpu.memory_space<hbm>> -> memref<20480xf32, #tpu.memory_space<hbm>>
      %dma_start3A_88 = arith.constant 0 : i32
      %dma_start3A_89 = tpu.memref_slice %arg7[%dma_start3A_88] : memref<40960xf32, #tpu.memory_space<vmem>> -> memref<20480xf32, #tpu.memory_space<vmem>>
      tpu.enqueue_dma source(%dma_start3A_89 : memref<20480xf32, #tpu.memory_space<vmem>>) target(%dma_start3A_87 : memref<20480xf32, #tpu.memory_space<hbm>>) target_semaphore(%run_scoped3A : memref<!tpu.dma_semaphore, #tpu.memory_space<semaphore_mem>>)
      %dma_wait3A_90 = arith.constant 0 : i32
      %dma_wait3A_91 = tpu.memref_slice %arg7[%dma_wait3A_90] : memref<40960xf32, #tpu.memory_space<vmem>> -> memref<20480xf32, #tpu.memory_space<vmem>>
      %dma_wait3A_92 = tpu.memref_slice %arg5[%add3A_74] : memref<1310720xf32, #tpu.memory_space<hbm>> -> memref<20480xf32, #tpu.memory_space<hbm>>
      %dma_wait3A_93 = tpu.memref_slice %arg5[%add3A_74] : memref<1310720xf32, #tpu.memory_space<hbm>> -> memref<20480xf32, #tpu.memory_space<hbm>>
      %dma_wait3A_94 = arith.constant 0 : i32
      %dma_wait3A_95 = tpu.memref_slice %arg7[%dma_wait3A_94] : memref<40960xf32, #tpu.memory_space<vmem>> -> memref<20480xf32, #tpu.memory_space<vmem>>
      tpu.wait_dma2 semaphore(%run_scoped3A : memref<!tpu.dma_semaphore, #tpu.memory_space<semaphore_mem>>) src(%dma_wait3A_95 : memref<20480xf32, #tpu.memory_space<vmem>>) dst(%dma_wait3A_93 : memref<20480xf32, #tpu.memory_space<hbm>>)
      tpu.yield
    }) : () -> ()
    %mul3A_75 = arith.constant 655360 : i32
    %mul3A_76 = arith.muli %arg0, %mul3A_75 : i32
    %mul3A_77 = arith.constant 2 : i32
    %mul3A_78 = arith.muli %arg1, %mul3A_77 : i32
    %add3A_79 = arith.constant 32 : i32
    %add3A_80 = arith.addi %add3A_79, %mul3A_78 : i32
    %mul3A_81 = arith.constant 10240 : i32
    %mul3A_82 = arith.muli %add3A_80, %mul3A_81 : i32
    %add3A_83 = arith.addi %mul3A_76, %mul3A_82 : i32
    "tpu.region"() ({
      %run_scoped3A = tpu.sem_alloc : memref<!tpu.dma_semaphore, #tpu.memory_space<semaphore_mem>>
      %dma_start3A_84 = arith.constant 20480 : i32
      %dma_start3A_85 = tpu.memref_slice %arg7[%dma_start3A_84] : memref<40960xf32, #tpu.memory_space<vmem>> -> memref<20480xf32, #tpu.memory_space<vmem>>
      %dma_start3A_86 = tpu.memref_slice %arg5[%add3A_83] : memref<1310720xf32, #tpu.memory_space<hbm>> -> memref<20480xf32, #tpu.memory_space<hbm>>
      %dma_start3A_87 = tpu.memref_slice %arg5[%add3A_83] : memref<1310720xf32, #tpu.memory_space<hbm>> -> memref<20480xf32, #tpu.memory_space<hbm>>
      %dma_start3A_88 = arith.constant 20480 : i32
      %dma_start3A_89 = tpu.memref_slice %arg7[%dma_start3A_88] : memref<40960xf32, #tpu.memory_space<vmem>> -> memref<20480xf32, #tpu.memory_space<vmem>>
      tpu.enqueue_dma source(%dma_start3A_89 : memref<20480xf32, #tpu.memory_space<vmem>>) target(%dma_start3A_87 : memref<20480xf32, #tpu.memory_space<hbm>>) target_semaphore(%run_scoped3A : memref<!tpu.dma_semaphore, #tpu.memory_space<semaphore_mem>>)
      %dma_wait3A_90 = arith.constant 20480 : i32
      %dma_wait3A_91 = tpu.memref_slice %arg7[%dma_wait3A_90] : memref<40960xf32, #tpu.memory_space<vmem>> -> memref<20480xf32, #tpu.memory_space<vmem>>
      %dma_wait3A_92 = tpu.memref_slice %arg5[%add3A_83] : memref<1310720xf32, #tpu.memory_space<hbm>> -> memref<20480xf32, #tpu.memory_space<hbm>>
      %dma_wait3A_93 = tpu.memref_slice %arg5[%add3A_83] : memref<1310720xf32, #tpu.memory_space<hbm>> -> memref<20480xf32, #tpu.memory_space<hbm>>
      %dma_wait3A_94 = arith.constant 20480 : i32
      %dma_wait3A_95 = tpu.memref_slice %arg7[%dma_wait3A_94] : memref<40960xf32, #tpu.memory_space<vmem>> -> memref<20480xf32, #tpu.memory_space<vmem>>
      tpu.wait_dma2 semaphore(%run_scoped3A : memref<!tpu.dma_semaphore, #tpu.memory_space<semaphore_mem>>) src(%dma_wait3A_95 : memref<20480xf32, #tpu.memory_space<vmem>>) dst(%dma_wait3A_93 : memref<20480xf32, #tpu.memory_space<hbm>>)
      tpu.yield
    }) : () -> ()
    return
  }
}

module attributes {stable_mosaic.version = 14 : i64} {
  func.func @_prep_body(%arg0: i32, %arg1: memref<32x2048xf32, #tpu.memory_space<vmem>>, %arg2: memref<128x2048xf32, #tpu.memory_space<vmem>>, %arg3: memref<64x128xf32, #tpu.memory_space<vmem>>, %arg4: memref<64x1xf32, #tpu.memory_space<vmem>>, %arg5: memref<1x2048xf32, #tpu.memory_space<vmem>>, %arg6: memref<32x2048xi32, #tpu.memory_space<vmem>>) attributes {dimension_semantics = [#tpu.dimension_semantics<arbitrary>], iteration_bounds = array<i64: 5>, scalar_prefetch = 0 : i64, scratch_operands = 0 : i64, tpu.core_type = #tpu.core_type<tc>, window_params = [{transform_indices = @transform_0, window_bounds = array<i64: 32, 2048>}, {transform_indices = @transform_1, window_bounds = array<i64: 128, 2048>}, {pipeline_mode = #tpu.pipeline_mode<synchronous>, transform_indices = @transform_2, window_bounds = array<i64: 64, 128>}, {pipeline_mode = #tpu.pipeline_mode<synchronous>, transform_indices = @transform_3, window_bounds = array<i64: 64, 1>}, {transform_indices = @transform_4, window_bounds = array<i64: 1, 2048>}, {transform_indices = @transform_5, window_bounds = array<i64: 32, 2048>}]} {
    %get3A = arith.constant 0 : index
    %get3A_0 = arith.constant 0 : index
    %get3A_1 = vector.load %arg1[%get3A, %get3A_0] : memref<32x2048xf32, #tpu.memory_space<vmem>>, vector<32x2048xf32>
    %reduce_sum3A = arith.constant dense<0.000000e+00> : vector<2048xf32>
    %reduce_sum3A_2 = vector.multi_reduction <add>, %get3A_1, %reduce_sum3A [0] : vector<32x2048xf32> to vector<2048xf32>
    %broadcast_in_dim3A = vector.shape_cast %reduce_sum3A_2 : vector<2048xf32> to vector<1x2048xf32>
    %gt3A = arith.constant 0.000000e+00 : f32
    %gt3A_3 = vector.broadcast %gt3A : f32 to vector<1x2048xf32>
    %gt3A_4 = arith.cmpf ogt, %broadcast_in_dim3A, %gt3A_3 : vector<1x2048xf32>
    %max3A = arith.constant 1.000000e+00 : f32
    %max3A_5 = vector.broadcast %max3A : f32 to vector<1x2048xf32>
    %max3A_6 = arith.maximumf %broadcast_in_dim3A, %max3A_5 : vector<1x2048xf32>
    %rsqrt3A = math.rsqrt %max3A_6 : vector<1x2048xf32>
    %jit3A = arith.constant 0.000000e+00 : f32
    %broadcast_in_dim3A_7 = vector.broadcast %jit3A : f32 to vector<1x2048xf32>
    %select_n3A = arith.select %gt3A_4, %rsqrt3A, %broadcast_in_dim3A_7 : vector<1x2048xi1>, vector<1x2048xf32>
    %swap3A = arith.constant 0 : index
    %swap3A_8 = arith.constant 0 : index
    %swap3A_9 = vector.load %arg5[%swap3A, %swap3A_8] : memref<1x2048xf32, #tpu.memory_space<vmem>>, vector<1x2048xf32>
    tpu.vector_store %arg5[%swap3A, %swap3A_8], %select_n3A {strides = array<i32>} : memref<1x2048xf32, #tpu.memory_space<vmem>>, vector<1x2048xf32>,
    %get3A_10 = arith.constant 0 : index
    %get3A_11 = arith.constant 0 : index
    %get3A_12 = vector.load %arg4[%get3A_10, %get3A_11] : memref<64x1xf32, #tpu.memory_space<vmem>>, vector<64x1xf32>
    %mul3A = arith.constant 0.999994993 : f32
    %mul3A_13 = vector.broadcast %mul3A : f32 to vector<64x1xf32>
    %mul3A_14 = arith.mulf %mul3A_13, %get3A_12 : vector<64x1xf32>
    %get3A_15 = arith.constant 0 : index
    %get3A_16 = arith.constant 0 : index
    %get3A_17 = vector.load %arg3[%get3A_15, %get3A_16] : memref<64x128xf32, #tpu.memory_space<vmem>>, vector<64x128xf32>
    %mul3A_18 = vector.broadcast %mul3A_14 : vector<64x1xf32> to vector<64x128xf32>
    %mul3A_19 = arith.mulf %mul3A_18, %get3A_17 : vector<64x128xf32>
    %get3A_20 = arith.constant 0 : index
    %get3A_21 = arith.constant 0 : index
    %get3A_22 = vector.load %arg2[%get3A_20, %get3A_21] : memref<128x2048xf32, #tpu.memory_space<vmem>>, vector<128x2048xf32>
    %dot_general3A = arith.constant dense<0.000000e+00> : vector<64x2048xf32>
    %dot_general3A_23 = tpu.matmul %mul3A_19, %get3A_22, %dot_general3A {dimension_numbers = #tpu.dot_dimension_numbers<[1], [0], [0], [1], [0, 0, 1, 1], [], []>, transpose_lhs_hint = false} : vector<64x128xf32>, vector<128x2048xf32>, vector<64x2048xf32> -> vector<64x2048xf32>
    %mul3A_24 = vector.broadcast %select_n3A : vector<1x2048xf32> to vector<64x2048xf32>
    %mul3A_25 = arith.mulf %dot_general3A_23, %mul3A_24 : vector<64x2048xf32>
    %slice3A = vector.extract_strided_slice %mul3A_25 {offsets = [0, 0], sizes = [32, 2048], strides = [1, 1]} : vector<64x2048xf32> to vector<32x2048xf32>
    %convert_element_type3A = arith.truncf %slice3A : vector<32x2048xf32> to vector<32x2048xbf16>
    %bitcast_convert_type3A = tpu.bitcast %convert_element_type3A : vector<32x2048xbf16> -> vector<32x2048xi16>
    %convert_element_type3A_26 = arith.extui %bitcast_convert_type3A : vector<32x2048xi16> to vector<32x2048xi32>
    %slice3A_27 = vector.extract_strided_slice %mul3A_25 {offsets = [32, 0], sizes = [32, 2048], strides = [1, 1]} : vector<64x2048xf32> to vector<32x2048xf32>
    %convert_element_type3A_28 = arith.truncf %slice3A_27 : vector<32x2048xf32> to vector<32x2048xbf16>
    %bitcast_convert_type3A_29 = tpu.bitcast %convert_element_type3A_28 : vector<32x2048xbf16> -> vector<32x2048xi16>
    %convert_element_type3A_30 = arith.extui %bitcast_convert_type3A_29 : vector<32x2048xi16> to vector<32x2048xi32>
    %shift_left3A = arith.constant 16 : i32
    %shift_left3A_31 = vector.broadcast %shift_left3A : i32 to vector<32x2048xi32>
    %shift_left3A_32 = arith.shli %convert_element_type3A_30, %shift_left3A_31 : vector<32x2048xi32>
    %or3A = arith.ori %convert_element_type3A_26, %shift_left3A_32 : vector<32x2048xi32>
    %bitcast_convert_type3A_33 = tpu.bitcast %or3A : vector<32x2048xi32> -> vector<32x2048xi32>
    %swap3A_34 = arith.constant 0 : index
    %swap3A_35 = arith.constant 0 : index
    %swap3A_36 = vector.load %arg6[%swap3A_34, %swap3A_35] : memref<32x2048xi32, #tpu.memory_space<vmem>>, vector<32x2048xi32>
    tpu.vector_store %arg6[%swap3A_34, %swap3A_35], %bitcast_convert_type3A_33 {strides = array<i32>} : memref<32x2048xi32, #tpu.memory_space<vmem>>, vector<32x2048xi32>,
    return
  }
  func.func @transform_0(%arg0: i32) -> (i32, i32) {
    %c0_i32 = arith.constant 0 : i32
    %c0_i32_0 = arith.constant 0 : i32
    return %c0_i32, %arg0 : i32, i32
  }
  func.func @transform_1(%arg0: i32) -> (i32, i32) {
    %c0_i32 = arith.constant 0 : i32
    %c0_i32_0 = arith.constant 0 : i32
    return %c0_i32, %arg0 : i32, i32
  }
  func.func @transform_2(%arg0: i32) -> (i32, i32) {
    %c0_i32 = arith.constant 0 : i32
    %c0_i32_0 = arith.constant 0 : i32
    %c0_i32_1 = arith.constant 0 : i32
    return %c0_i32, %c0_i32_0 : i32, i32
  }
  func.func @transform_3(%arg0: i32) -> (i32, i32) {
    %c0_i32 = arith.constant 0 : i32
    %c0_i32_0 = arith.constant 0 : i32
    %c0_i32_1 = arith.constant 0 : i32
    return %c0_i32, %c0_i32_0 : i32, i32
  }
  func.func @transform_4(%arg0: i32) -> (i32, i32) {
    %c0_i32 = arith.constant 0 : i32
    %c0_i32_0 = arith.constant 0 : i32
    return %c0_i32, %arg0 : i32, i32
  }
  func.func @transform_5(%arg0: i32) -> (i32, i32) {
    %c0_i32 = arith.constant 0 : i32
    %c0_i32_0 = arith.constant 0 : i32
    return %c0_i32, %arg0 : i32, i32
  }
}

module attributes {stable_mosaic.version = 14 : i64} {
  func.func @_mid_body(%arg0: i32, %arg1: memref<2x64x2048xf32, #tpu.memory_space<vmem>>, %arg2: memref<1x2048xf32, #tpu.memory_space<vmem>>, %arg3: memref<64x1xf32, #tpu.memory_space<vmem>>, %arg4: memref<64x1xf32, #tpu.memory_space<vmem>>, %arg5: memref<64x1xf32, #tpu.memory_space<vmem>>, %arg6: memref<64x64xf32, #tpu.memory_space<vmem>>, %arg7: memref<64x1xf32, #tpu.memory_space<vmem>>, %arg8: memref<32x2048xi32, #tpu.memory_space<vmem>>) attributes {dimension_semantics = [#tpu.dimension_semantics<arbitrary>], iteration_bounds = array<i64: 5>, scalar_prefetch = 0 : i64, scratch_operands = 0 : i64, tpu.core_type = #tpu.core_type<tc>, window_params = [{transform_indices = @transform_0, window_bounds = array<i64: 2, 64, 2048>}, {transform_indices = @transform_1, window_bounds = array<i64: 1, 2048>}, {pipeline_mode = #tpu.pipeline_mode<synchronous>, transform_indices = @transform_2, window_bounds = array<i64: 64, 1>}, {pipeline_mode = #tpu.pipeline_mode<synchronous>, transform_indices = @transform_3, window_bounds = array<i64: 64, 1>}, {pipeline_mode = #tpu.pipeline_mode<synchronous>, transform_indices = @transform_4, window_bounds = array<i64: 64, 1>}, {pipeline_mode = #tpu.pipeline_mode<synchronous>, transform_indices = @transform_5, window_bounds = array<i64: 64, 64>}, {pipeline_mode = #tpu.pipeline_mode<synchronous>, transform_indices = @transform_6, window_bounds = array<i64: 64, 1>}, {transform_indices = @transform_7, window_bounds = array<i64: 32, 2048>}]} {
    %get3A = arith.constant 0 : index
    %get3A_0 = arith.constant 0 : index
    %get3A_1 = arith.constant 0 : index
    %get3A_2 = vector.load %arg1[%get3A, %get3A_0, %get3A_1] : memref<2x64x2048xf32, #tpu.memory_space<vmem>>, vector<2x64x2048xf32>
    %slice3A = vector.extract_strided_slice %get3A_2 {offsets = [0, 0, 0], sizes = [1, 64, 2048], strides = [1, 1, 1]} : vector<2x64x2048xf32> to vector<1x64x2048xf32>
    %squeeze3A = vector.shape_cast %slice3A : vector<1x64x2048xf32> to vector<64x2048xf32>
    %slice3A_3 = vector.extract_strided_slice %get3A_2 {offsets = [1, 0, 0], sizes = [1, 64, 2048], strides = [1, 1, 1]} : vector<2x64x2048xf32> to vector<1x64x2048xf32>
    %squeeze3A_4 = vector.shape_cast %slice3A_3 : vector<1x64x2048xf32> to vector<64x2048xf32>
    %add3A = arith.addf %squeeze3A, %squeeze3A_4 : vector<64x2048xf32>
    %get3A_5 = arith.constant 0 : index
    %get3A_6 = arith.constant 0 : index
    %get3A_7 = vector.load %arg2[%get3A_5, %get3A_6] : memref<1x2048xf32, #tpu.memory_space<vmem>>, vector<1x2048xf32>
    %get3A_8 = arith.constant 0 : index
    %get3A_9 = arith.constant 0 : index
    %get3A_10 = vector.load %arg3[%get3A_8, %get3A_9] : memref<64x1xf32, #tpu.memory_space<vmem>>, vector<64x1xf32>
    %mul3A = arith.constant 0.999994993 : f32
    %mul3A_11 = vector.broadcast %mul3A : f32 to vector<64x1xf32>
    %mul3A_12 = arith.mulf %mul3A_11, %get3A_10 : vector<64x1xf32>
    %get3A_13 = arith.constant 0 : index
    %get3A_14 = arith.constant 0 : index
    %get3A_15 = vector.load %arg4[%get3A_13, %get3A_14] : memref<64x1xf32, #tpu.memory_space<vmem>>, vector<64x1xf32>
    %mul3A_16 = arith.mulf %mul3A_12, %get3A_15 : vector<64x1xf32>
    %get3A_17 = arith.constant 0 : index
    %get3A_18 = arith.constant 0 : index
    %get3A_19 = vector.load %arg5[%get3A_17, %get3A_18] : memref<64x1xf32, #tpu.memory_space<vmem>>, vector<64x1xf32>
    %add3A_20 = arith.addf %mul3A_16, %get3A_19 : vector<64x1xf32>
    %mul3A_21 = vector.broadcast %get3A_7 : vector<1x2048xf32> to vector<64x2048xf32>
    %mul3A_22 = arith.mulf %mul3A_21, %add3A : vector<64x2048xf32>
    %add3A_23 = vector.broadcast %add3A_20 : vector<64x1xf32> to vector<64x2048xf32>
    %add3A_24 = arith.addf %mul3A_22, %add3A_23 : vector<64x2048xf32>
    %max3A = arith.constant 0.000000e+00 : f32
    %max3A_25 = vector.broadcast %max3A : f32 to vector<64x2048xf32>
    %max3A_26 = arith.maximumf %add3A_24, %max3A_25 : vector<64x2048xf32>
    %get3A_27 = arith.constant 0 : index
    %get3A_28 = arith.constant 0 : index
    %get3A_29 = vector.load %arg7[%get3A_27, %get3A_28] : memref<64x1xf32, #tpu.memory_space<vmem>>, vector<64x1xf32>
    %mul3A_30 = arith.constant 0.999994993 : f32
    %mul3A_31 = vector.broadcast %mul3A_30 : f32 to vector<64x1xf32>
    %mul3A_32 = arith.mulf %mul3A_31, %get3A_29 : vector<64x1xf32>
    %get3A_33 = arith.constant 0 : index
    %get3A_34 = arith.constant 0 : index
    %get3A_35 = vector.load %arg6[%get3A_33, %get3A_34] : memref<64x64xf32, #tpu.memory_space<vmem>>, vector<64x64xf32>
    %mul3A_36 = vector.broadcast %mul3A_32 : vector<64x1xf32> to vector<64x64xf32>
    %mul3A_37 = arith.mulf %mul3A_36, %get3A_35 : vector<64x64xf32>
    %dot_general3A = arith.constant dense<0.000000e+00> : vector<64x2048xf32>
    %dot_general3A_38 = tpu.matmul %mul3A_37, %max3A_26, %dot_general3A {dimension_numbers = #tpu.dot_dimension_numbers<[1], [0], [0], [1], [0, 0, 1, 1], [], []>, transpose_lhs_hint = false} : vector<64x64xf32>, vector<64x2048xf32>, vector<64x2048xf32> -> vector<64x2048xf32>
    %mul3A_39 = vector.broadcast %get3A_7 : vector<1x2048xf32> to vector<64x2048xf32>
    %mul3A_40 = arith.mulf %dot_general3A_38, %mul3A_39 : vector<64x2048xf32>
    %slice3A_41 = vector.extract_strided_slice %mul3A_40 {offsets = [0, 0], sizes = [32, 2048], strides = [1, 1]} : vector<64x2048xf32> to vector<32x2048xf32>
    %convert_element_type3A = arith.truncf %slice3A_41 : vector<32x2048xf32> to vector<32x2048xbf16>
    %bitcast_convert_type3A = tpu.bitcast %convert_element_type3A : vector<32x2048xbf16> -> vector<32x2048xi16>
    %convert_element_type3A_42 = arith.extui %bitcast_convert_type3A : vector<32x2048xi16> to vector<32x2048xi32>
    %slice3A_43 = vector.extract_strided_slice %mul3A_40 {offsets = [32, 0], sizes = [32, 2048], strides = [1, 1]} : vector<64x2048xf32> to vector<32x2048xf32>
    %convert_element_type3A_44 = arith.truncf %slice3A_43 : vector<32x2048xf32> to vector<32x2048xbf16>
    %bitcast_convert_type3A_45 = tpu.bitcast %convert_element_type3A_44 : vector<32x2048xbf16> -> vector<32x2048xi16>
    %convert_element_type3A_46 = arith.extui %bitcast_convert_type3A_45 : vector<32x2048xi16> to vector<32x2048xi32>
    %shift_left3A = arith.constant 16 : i32
    %shift_left3A_47 = vector.broadcast %shift_left3A : i32 to vector<32x2048xi32>
    %shift_left3A_48 = arith.shli %convert_element_type3A_46, %shift_left3A_47 : vector<32x2048xi32>
    %or3A = arith.ori %convert_element_type3A_42, %shift_left3A_48 : vector<32x2048xi32>
    %bitcast_convert_type3A_49 = tpu.bitcast %or3A : vector<32x2048xi32> -> vector<32x2048xi32>
    %swap3A = arith.constant 0 : index
    %swap3A_50 = arith.constant 0 : index
    %swap3A_51 = vector.load %arg8[%swap3A, %swap3A_50] : memref<32x2048xi32, #tpu.memory_space<vmem>>, vector<32x2048xi32>
    tpu.vector_store %arg8[%swap3A, %swap3A_50], %bitcast_convert_type3A_49 {strides = array<i32>} : memref<32x2048xi32, #tpu.memory_space<vmem>>, vector<32x2048xi32>,
    return
  }
  func.func @transform_0(%arg0: i32) -> (i32, i32, i32) {
    %c0_i32 = arith.constant 0 : i32
    %c0_i32_0 = arith.constant 0 : i32
    %c0_i32_1 = arith.constant 0 : i32
    return %c0_i32, %c0_i32_0, %arg0 : i32, i32, i32
  }
  func.func @transform_1(%arg0: i32) -> (i32, i32) {
    %c0_i32 = arith.constant 0 : i32
    %c0_i32_0 = arith.constant 0 : i32
    return %c0_i32, %arg0 : i32, i32
  }
  func.func @transform_2(%arg0: i32) -> (i32, i32) {
    %c0_i32 = arith.constant 0 : i32
    %c0_i32_0 = arith.constant 0 : i32
    %c0_i32_1 = arith.constant 0 : i32
    return %c0_i32, %c0_i32_0 : i32, i32
  }
  func.func @transform_3(%arg0: i32) -> (i32, i32) {
    %c0_i32 = arith.constant 0 : i32
    %c0_i32_0 = arith.constant 0 : i32
    %c0_i32_1 = arith.constant 0 : i32
    return %c0_i32, %c0_i32_0 : i32, i32
  }
  func.func @transform_4(%arg0: i32) -> (i32, i32) {
    %c0_i32 = arith.constant 0 : i32
    %c0_i32_0 = arith.constant 0 : i32
    %c0_i32_1 = arith.constant 0 : i32
    return %c0_i32, %c0_i32_0 : i32, i32
  }
  func.func @transform_5(%arg0: i32) -> (i32, i32) {
    %c0_i32 = arith.constant 0 : i32
    %c0_i32_0 = arith.constant 0 : i32
    %c0_i32_1 = arith.constant 0 : i32
    return %c0_i32, %c0_i32_0 : i32, i32
  }
  func.func @transform_6(%arg0: i32) -> (i32, i32) {
    %c0_i32 = arith.constant 0 : i32
    %c0_i32_0 = arith.constant 0 : i32
    %c0_i32_1 = arith.constant 0 : i32
    return %c0_i32, %c0_i32_0 : i32, i32
  }
  func.func @transform_7(%arg0: i32) -> (i32, i32) {
    %c0_i32 = arith.constant 0 : i32
    %c0_i32_0 = arith.constant 0 : i32
    return %c0_i32, %arg0 : i32, i32
  }
}

module attributes {stable_mosaic.version = 14 : i64} {
  func.func @_mid_body(%arg0: i32, %arg1: memref<2x64x2048xf32, #tpu.memory_space<vmem>>, %arg2: memref<1x2048xf32, #tpu.memory_space<vmem>>, %arg3: memref<64x1xf32, #tpu.memory_space<vmem>>, %arg4: memref<64x1xf32, #tpu.memory_space<vmem>>, %arg5: memref<64x1xf32, #tpu.memory_space<vmem>>, %arg6: memref<32x64xf32, #tpu.memory_space<vmem>>, %arg7: memref<32x1xf32, #tpu.memory_space<vmem>>, %arg8: memref<16x2048xi32, #tpu.memory_space<vmem>>) attributes {dimension_semantics = [#tpu.dimension_semantics<arbitrary>], iteration_bounds = array<i64: 5>, scalar_prefetch = 0 : i64, scratch_operands = 0 : i64, tpu.core_type = #tpu.core_type<tc>, window_params = [{transform_indices = @transform_0, window_bounds = array<i64: 2, 64, 2048>}, {transform_indices = @transform_1, window_bounds = array<i64: 1, 2048>}, {pipeline_mode = #tpu.pipeline_mode<synchronous>, transform_indices = @transform_2, window_bounds = array<i64: 64, 1>}, {pipeline_mode = #tpu.pipeline_mode<synchronous>, transform_indices = @transform_3, window_bounds = array<i64: 64, 1>}, {pipeline_mode = #tpu.pipeline_mode<synchronous>, transform_indices = @transform_4, window_bounds = array<i64: 64, 1>}, {pipeline_mode = #tpu.pipeline_mode<synchronous>, transform_indices = @transform_5, window_bounds = array<i64: 32, 64>}, {transform_indices = @transform_6, window_bounds = array<i64: 32, 1>}, {transform_indices = @transform_7, window_bounds = array<i64: 16, 2048>}]} {
    %get3A = arith.constant 0 : index
    %get3A_0 = arith.constant 0 : index
    %get3A_1 = arith.constant 0 : index
    %get3A_2 = vector.load %arg1[%get3A, %get3A_0, %get3A_1] : memref<2x64x2048xf32, #tpu.memory_space<vmem>>, vector<2x64x2048xf32>
    %slice3A = vector.extract_strided_slice %get3A_2 {offsets = [0, 0, 0], sizes = [1, 64, 2048], strides = [1, 1, 1]} : vector<2x64x2048xf32> to vector<1x64x2048xf32>
    %squeeze3A = vector.shape_cast %slice3A : vector<1x64x2048xf32> to vector<64x2048xf32>
    %slice3A_3 = vector.extract_strided_slice %get3A_2 {offsets = [1, 0, 0], sizes = [1, 64, 2048], strides = [1, 1, 1]} : vector<2x64x2048xf32> to vector<1x64x2048xf32>
    %squeeze3A_4 = vector.shape_cast %slice3A_3 : vector<1x64x2048xf32> to vector<64x2048xf32>
    %add3A = arith.addf %squeeze3A, %squeeze3A_4 : vector<64x2048xf32>
    %get3A_5 = arith.constant 0 : index
    %get3A_6 = arith.constant 0 : index
    %get3A_7 = vector.load %arg2[%get3A_5, %get3A_6] : memref<1x2048xf32, #tpu.memory_space<vmem>>, vector<1x2048xf32>
    %get3A_8 = arith.constant 0 : index
    %get3A_9 = arith.constant 0 : index
    %get3A_10 = vector.load %arg3[%get3A_8, %get3A_9] : memref<64x1xf32, #tpu.memory_space<vmem>>, vector<64x1xf32>
    %mul3A = arith.constant 0.999994993 : f32
    %mul3A_11 = vector.broadcast %mul3A : f32 to vector<64x1xf32>
    %mul3A_12 = arith.mulf %mul3A_11, %get3A_10 : vector<64x1xf32>
    %get3A_13 = arith.constant 0 : index
    %get3A_14 = arith.constant 0 : index
    %get3A_15 = vector.load %arg4[%get3A_13, %get3A_14] : memref<64x1xf32, #tpu.memory_space<vmem>>, vector<64x1xf32>
    %mul3A_16 = arith.mulf %mul3A_12, %get3A_15 : vector<64x1xf32>
    %get3A_17 = arith.constant 0 : index
    %get3A_18 = arith.constant 0 : index
    %get3A_19 = vector.load %arg5[%get3A_17, %get3A_18] : memref<64x1xf32, #tpu.memory_space<vmem>>, vector<64x1xf32>
    %add3A_20 = arith.addf %mul3A_16, %get3A_19 : vector<64x1xf32>
    %mul3A_21 = vector.broadcast %get3A_7 : vector<1x2048xf32> to vector<64x2048xf32>
    %mul3A_22 = arith.mulf %mul3A_21, %add3A : vector<64x2048xf32>
    %add3A_23 = vector.broadcast %add3A_20 : vector<64x1xf32> to vector<64x2048xf32>
    %add3A_24 = arith.addf %mul3A_22, %add3A_23 : vector<64x2048xf32>
    %max3A = arith.constant 0.000000e+00 : f32
    %max3A_25 = vector.broadcast %max3A : f32 to vector<64x2048xf32>
    %max3A_26 = arith.maximumf %add3A_24, %max3A_25 : vector<64x2048xf32>
    %get3A_27 = arith.constant 0 : index
    %get3A_28 = arith.constant 0 : index
    %get3A_29 = vector.load %arg6[%get3A_27, %get3A_28] : memref<32x64xf32, #tpu.memory_space<vmem>>, vector<32x64xf32>
    %dot_general3A = arith.constant dense<0.000000e+00> : vector<32x2048xf32>
    %dot_general3A_30 = tpu.matmul %get3A_29, %max3A_26, %dot_general3A {dimension_numbers = #tpu.dot_dimension_numbers<[1], [0], [0], [1], [0, 0, 1, 1], [], []>, transpose_lhs_hint = false} : vector<32x64xf32>, vector<64x2048xf32>, vector<32x2048xf32> -> vector<32x2048xf32>
    %mul3A_31 = vector.broadcast %get3A_7 : vector<1x2048xf32> to vector<32x2048xf32>
    %mul3A_32 = arith.mulf %dot_general3A_30, %mul3A_31 : vector<32x2048xf32>
    %slice3A_33 = vector.extract_strided_slice %mul3A_32 {offsets = [0, 0], sizes = [16, 2048], strides = [1, 1]} : vector<32x2048xf32> to vector<16x2048xf32>
    %convert_element_type3A = arith.truncf %slice3A_33 : vector<16x2048xf32> to vector<16x2048xbf16>
    %bitcast_convert_type3A = tpu.bitcast %convert_element_type3A : vector<16x2048xbf16> -> vector<16x2048xi16>
    %convert_element_type3A_34 = arith.extui %bitcast_convert_type3A : vector<16x2048xi16> to vector<16x2048xi32>
    %slice3A_35 = vector.extract_strided_slice %mul3A_32 {offsets = [16, 0], sizes = [16, 2048], strides = [1, 1]} : vector<32x2048xf32> to vector<16x2048xf32>
    %convert_element_type3A_36 = arith.truncf %slice3A_35 : vector<16x2048xf32> to vector<16x2048xbf16>
    %bitcast_convert_type3A_37 = tpu.bitcast %convert_element_type3A_36 : vector<16x2048xbf16> -> vector<16x2048xi16>
    %convert_element_type3A_38 = arith.extui %bitcast_convert_type3A_37 : vector<16x2048xi16> to vector<16x2048xi32>
    %shift_left3A = arith.constant 16 : i32
    %shift_left3A_39 = vector.broadcast %shift_left3A : i32 to vector<16x2048xi32>
    %shift_left3A_40 = arith.shli %convert_element_type3A_38, %shift_left3A_39 : vector<16x2048xi32>
    %or3A = arith.ori %convert_element_type3A_34, %shift_left3A_40 : vector<16x2048xi32>
    %bitcast_convert_type3A_41 = tpu.bitcast %or3A : vector<16x2048xi32> -> vector<16x2048xi32>
    %swap3A = arith.constant 0 : index
    %swap3A_42 = arith.constant 0 : index
    %swap3A_43 = vector.load %arg8[%swap3A, %swap3A_42] : memref<16x2048xi32, #tpu.memory_space<vmem>>, vector<16x2048xi32>
    tpu.vector_store %arg8[%swap3A, %swap3A_42], %bitcast_convert_type3A_41 {strides = array<i32>} : memref<16x2048xi32, #tpu.memory_space<vmem>>, vector<16x2048xi32>,
    return
  }
  func.func @transform_0(%arg0: i32) -> (i32, i32, i32) {
    %c0_i32 = arith.constant 0 : i32
    %c0_i32_0 = arith.constant 0 : i32
    %c0_i32_1 = arith.constant 0 : i32
    return %c0_i32, %c0_i32_0, %arg0 : i32, i32, i32
  }
  func.func @transform_1(%arg0: i32) -> (i32, i32) {
    %c0_i32 = arith.constant 0 : i32
    %c0_i32_0 = arith.constant 0 : i32
    return %c0_i32, %arg0 : i32, i32
  }
  func.func @transform_2(%arg0: i32) -> (i32, i32) {
    %c0_i32 = arith.constant 0 : i32
    %c0_i32_0 = arith.constant 0 : i32
    %c0_i32_1 = arith.constant 0 : i32
    return %c0_i32, %c0_i32_0 : i32, i32
  }
  func.func @transform_3(%arg0: i32) -> (i32, i32) {
    %c0_i32 = arith.constant 0 : i32
    %c0_i32_0 = arith.constant 0 : i32
    %c0_i32_1 = arith.constant 0 : i32
    return %c0_i32, %c0_i32_0 : i32, i32
  }
  func.func @transform_4(%arg0: i32) -> (i32, i32) {
    %c0_i32 = arith.constant 0 : i32
    %c0_i32_0 = arith.constant 0 : i32
    %c0_i32_1 = arith.constant 0 : i32
    return %c0_i32, %c0_i32_0 : i32, i32
  }
  func.func @transform_5(%arg0: i32) -> (i32, i32) {
    %c0_i32 = arith.constant 0 : i32
    %c0_i32_0 = arith.constant 0 : i32
    %c0_i32_1 = arith.constant 0 : i32
    return %c0_i32, %c0_i32_0 : i32, i32
  }
  func.func @transform_6(%arg0: i32) -> (i32, i32) {
    %c0_i32 = arith.constant 0 : i32
    %c0_i32_0 = arith.constant 0 : i32
    %c0_i32_1 = arith.constant 0 : i32
    return %c0_i32, %c0_i32_0 : i32, i32
  }
  func.func @transform_7(%arg0: i32) -> (i32, i32) {
    %c0_i32 = arith.constant 0 : i32
    %c0_i32_0 = arith.constant 0 : i32
    return %c0_i32, %arg0 : i32, i32
  }
}

module attributes {stable_mosaic.version = 14 : i64} {
  func.func @_final_body(%arg0: i32, %arg1: memref<4x32x2048xf32, #tpu.memory_space<vmem>>, %arg2: memref<1x2048xf32, #tpu.memory_space<vmem>>, %arg3: memref<32x1xf32, #tpu.memory_space<vmem>>, %arg4: memref<32x2048xf32, #tpu.memory_space<vmem>>) attributes {dimension_semantics = [#tpu.dimension_semantics<arbitrary>], iteration_bounds = array<i64: 5>, scalar_prefetch = 0 : i64, scratch_operands = 0 : i64, tpu.core_type = #tpu.core_type<tc>, window_params = [{transform_indices = @transform_0, window_bounds = array<i64: 4, 32, 2048>}, {transform_indices = @transform_1, window_bounds = array<i64: 1, 2048>}, {pipeline_mode = #tpu.pipeline_mode<synchronous>, transform_indices = @transform_2, window_bounds = array<i64: 32, 1>}, {transform_indices = @transform_3, window_bounds = array<i64: 32, 2048>}]} {
    %get3A = arith.constant 0 : index
    %get3A_0 = arith.constant 0 : index
    %get3A_1 = arith.constant 0 : index
    %get3A_2 = vector.load %arg1[%get3A, %get3A_0, %get3A_1] : memref<4x32x2048xf32, #tpu.memory_space<vmem>>, vector<4x32x2048xf32>
    %get3A_3 = arith.constant 0 : index
    %get3A_4 = arith.constant 0 : index
    %get3A_5 = vector.load %arg2[%get3A_3, %get3A_4] : memref<1x2048xf32, #tpu.memory_space<vmem>>, vector<1x2048xf32>
    %slice3A = vector.extract_strided_slice %get3A_2 {offsets = [0, 0, 0], sizes = [1, 32, 2048], strides = [1, 1, 1]} : vector<4x32x2048xf32> to vector<1x32x2048xf32>
    %squeeze3A = vector.shape_cast %slice3A : vector<1x32x2048xf32> to vector<32x2048xf32>
    %slice3A_6 = vector.extract_strided_slice %get3A_2 {offsets = [1, 0, 0], sizes = [1, 32, 2048], strides = [1, 1, 1]} : vector<4x32x2048xf32> to vector<1x32x2048xf32>
    %squeeze3A_7 = vector.shape_cast %slice3A_6 : vector<1x32x2048xf32> to vector<32x2048xf32>
    %add3A = arith.addf %squeeze3A, %squeeze3A_7 : vector<32x2048xf32>
    %slice3A_8 = vector.extract_strided_slice %get3A_2 {offsets = [2, 0, 0], sizes = [1, 32, 2048], strides = [1, 1, 1]} : vector<4x32x2048xf32> to vector<1x32x2048xf32>
    %squeeze3A_9 = vector.shape_cast %slice3A_8 : vector<1x32x2048xf32> to vector<32x2048xf32>
    %slice3A_10 = vector.extract_strided_slice %get3A_2 {offsets = [3, 0, 0], sizes = [1, 32, 2048], strides = [1, 1, 1]} : vector<4x32x2048xf32> to vector<1x32x2048xf32>
    %squeeze3A_11 = vector.shape_cast %slice3A_10 : vector<1x32x2048xf32> to vector<32x2048xf32>
    %add3A_12 = arith.addf %squeeze3A_9, %squeeze3A_11 : vector<32x2048xf32>
    %add3A_13 = arith.addf %add3A, %add3A_12 : vector<32x2048xf32>
    %mul3A = vector.broadcast %get3A_5 : vector<1x2048xf32> to vector<32x2048xf32>
    %mul3A_14 = arith.mulf %mul3A, %add3A_13 : vector<32x2048xf32>
    %get3A_15 = arith.constant 0 : index
    %get3A_16 = arith.constant 0 : index
    %get3A_17 = vector.load %arg3[%get3A_15, %get3A_16] : memref<32x1xf32, #tpu.memory_space<vmem>>, vector<32x1xf32>
    %add3A_18 = vector.broadcast %get3A_17 : vector<32x1xf32> to vector<32x2048xf32>
    %add3A_19 = arith.addf %mul3A_14, %add3A_18 : vector<32x2048xf32>
    %swap3A = arith.constant 0 : index
    %swap3A_20 = arith.constant 0 : index
    %swap3A_21 = vector.load %arg4[%swap3A, %swap3A_20] : memref<32x2048xf32, #tpu.memory_space<vmem>>, vector<32x2048xf32>
    tpu.vector_store %arg4[%swap3A, %swap3A_20], %add3A_19 {strides = array<i32>} : memref<32x2048xf32, #tpu.memory_space<vmem>>, vector<32x2048xf32>,
    return
  }
  func.func @transform_0(%arg0: i32) -> (i32, i32, i32) {
    %c0_i32 = arith.constant 0 : i32
    %c0_i32_0 = arith.constant 0 : i32
    %c0_i32_1 = arith.constant 0 : i32
    return %c0_i32, %c0_i32_0, %arg0 : i32, i32, i32
  }
  func.func @transform_1(%arg0: i32) -> (i32, i32) {
    %c0_i32 = arith.constant 0 : i32
    %c0_i32_0 = arith.constant 0 : i32
    return %c0_i32, %arg0 : i32, i32
  }
  func.func @transform_2(%arg0: i32) -> (i32, i32) {
    %c0_i32 = arith.constant 0 : i32
    %c0_i32_0 = arith.constant 0 : i32
    %c0_i32_1 = arith.constant 0 : i32
    return %c0_i32, %c0_i32_0 : i32, i32
  }
  func.func @transform_3(%arg0: i32) -> (i32, i32) {
    %c0_i32 = arith.constant 0 : i32
    %c0_i32_0 = arith.constant 0 : i32
    return %c0_i32, %arg0 : i32, i32
  }
}

</mosaic_0001>

<sc_bundles>
// kernel: kernel.10.cloned.1.call-start
scs
__scs_entry_jumppad:
0x0: {  	(pc) =	sbr.rel $0x88, $3  }
0x1: {  	(tag) =	ssettag $0x0;
	lr =	simm.s32 $0x1  }
0x2: {  	[smem:$0x3F94] =	sst lr;
	_ =	strace $0xD0000000  }
0x3: {  	_ = 	snop  }
0x4: {  	_ = 	snop  }
0x5: {  	_ = 	snop  }
0x6: {  	_ = 	snop  }
0x7: {  	_ = 	snop  }
__scs_overlays_trampoline_lowered:
0x8: {  	[smem:$0x3FA3] =	sst s0  }
0x9: {  	[smem:$0x3FA4] =	sst s1  }
0xa: {  	[smem:$0x3FA5] =	sst s2  }
0xb: {  	[smem:$0x3FA6] =	sst s3  }
0xc: {  	[smem:$0x3FA7] =	sst s4  }
0xd: {  	[smem:$0x3FA8] =	sst s5  }
0xe: {  	[smem:$0x3FA9] =	sst s6  }
0xf: {  	[smem:$0x3FAA] =	sst s7  }
0x10: {  	[smem:$0x3FAB] =	sst s8  }
0x11: {  	[smem:$0x3FAC] =	sst s9;
	s0 =	simm.s32 @!p0 $0x0  }
0x12: {  	s1 =	sld [smem:$0x3F92];
	s0 =	simm.s32 @p0 $0x1  }
0x13: {  	[smem:$0x3FAD] =	sst s0;
	s0 =	simm.s32 @!p1 $0x0  }
0x14: {  	s2 =	sld [smem:$0x3F91];
	s0 =	simm.s32 @p1 $0x1  }
0x15: {  	[smem:$0x3FAE] =	sst s0;
	s0 =	simm.s32 @!p2 $0x0  }
0x16: {  	s3 =	sld [smem:$0x3FDB];
	s0 =	simm.s32 @p2 $0x1  }
0x17: {  	s4 =	simm.s32 $0x1BF5;
	[smem:$0x3FB0] =	sst s0  }
0x18: {  	s0 =	sld [smem:$0x3F93];
	_ =	swait.ge [sflag:s4], $0x0  }
0x19: {  	s7 =	sld [smem:$0x3F94]  }
0x1a: {  	s8 =	sadd.s32 $0xFFFFE003, lr  }
0x1b: {  	s9 =	sadd.s32 $0xFFFFFEF7, lr;
	s5 =	simm.s32 $0xFFFFFFFF;
	p2 =	slt.u32 s8, $0xFFFFF086  }
0x1c: {  	p1 =	slt.u32 s9, $0xF7A;
	s5 =	simm.s32 @!p2 $0x0  }
0x1d: {  	s5 =	simm.s32 @p1 $0x1;
	p0 =	seq.s32 s7, s2  }
0x1e: {  	s7 =	smul.u32 @!p0 $0xF7A, s2;
	p2 =	seq.s32 @!p0 s5, $0x0  }
0x1f: {  	s9 =	smul.u32 $0xF7A, s1;
	s8 =	simm.s32 @!p0 $0x1BF5;
	p2 =	por !p2, p0  }
0x20: {  	[sflag:s8] =	ssyncset.s32 @!p0 $0xFFFFF086;
	s6 =	sadd.s32 @!p0 s3, s7;
	s7 =	simm.s32 @!p0 $0x108  }
0x21: {  	s3 =	sadd.s32 s3, s9;
	s6 =	sadd.s32 @!p0 $0x88, s6;
	s7 =	simm.s32 @p2 $0x1082  }
0x22: {  	[simem:s7], [sflag:s8] =	dma.local @!p0 [hbm:s6], $0xF7A  }
0x23: {  	s9 =	sor.u32 $0xD0000000, s2;
	s6 =	simm.s32 $0x108;
	_ =	swait.ge @!p0 [sflag:s8], $0x0  }
0x24: {  	s3 =	sadd.s32 $0x88, s3;
	s6 =	simm.s32 @!p1 $0x1082;
	[sflag:s4] =	ssyncset.s32 $0xFFFFF086  }
0x25: {  	[simem:s6], [sflag:s4] =	dma.local [hbm:s3], $0xF7A  }
0x26: {  	[smem:$0x3F94] =	sst s1;
	(tag) =	ssettag s2;
	_ =	strace s9  }
0x27: {  	s1 =	sld [smem:$0x3FA4]  }
0x28: {  	s2 =	sld [smem:$0x3FA5]  }
0x29: {  	s4 =	sld [smem:$0x3FA7]  }
0x2a: {  	p0 =	seq.s32 s5, $0x0;
	s5 =	sld [smem:$0x3FA8]  }
0x2b: {  	s6 =	sld [smem:$0x3FA9]  }
0x2c: {  	s7 =	sld [smem:$0x3FAA]  }
0x2d: {  	s3 =	simm.s32 $0x108;
	s8 =	sld [smem:$0x3FAB]  }
0x2e: {  	s3 =	simm.s32 @!p0 $0x1082;
	s9 =	sld [smem:$0x3FAC]  }
0x2f: {  	lr =	sadd.s32 s0, s3;
	s0 =	sld [smem:$0x3FA3]  }
0x30: {  	s3 =	sld [smem:$0x3FA6]  }
0x31: {  	[smem:$0x3FAF] =	sst s10  }
0x32: {  	s10 =	sld [smem:$0x3FAD];
	_ =	sdelay $0x3  }
0x33: {  	p0 =	seq.s32 s10, $0x1;
	s10 =	sld [smem:$0x3FAF];
	_ =	sdelay $0x3  }
0x34: {  	[smem:$0x3FAF] =	sst s10  }
0x35: {  	s10 =	sld [smem:$0x3FAE];
	_ =	sdelay $0x3  }
0x36: {  	p1 =	seq.s32 s10, $0x1;
	s10 =	sld [smem:$0x3FAF];
	_ =	sdelay $0x3  }
0x37: {  	[smem:$0x3FAF] =	sst s10  }
0x38: {  	s10 =	sld [smem:$0x3FB0]  }
0x39: {  	_ = 	snop;
	(pc) =	sbr.ind lr, $3  }
0x3a: {  	_ = 	snop  }
0x3b: {  	_ = 	snop  }
0x3c: {  	p2 =	seq.s32 s10, $0x1;
	s10 =	sld [smem:$0x3FAF]  }
0x3d: {  	_ =	shalt  }
0x3e: {  	_ =	shalt  }
0x3f: {  	_ =	shalt  }
0x40: {  	_ =	shalt  }
0x41: {  	_ =	shalt  }
0x42: {  	_ =	shalt  }
0x43: {  	_ =	shalt  }
0x44: {  	_ =	shalt  }
0x45: {  	_ =	shalt  }
0x46: {  	_ =	shalt  }
0x47: {  	_ =	shalt  }
0x48: {  	_ =	shalt  }
0x49: {  	_ =	shalt  }
0x4a: {  	_ =	shalt  }
0x4b: {  	_ =	shalt  }
0x4c: {  	_ =	shalt  }
0x4d: {  	_ =	shalt  }
0x4e: {  	_ =	shalt  }
0x4f: {  	_ =	shalt  }
0x50: {  	_ =	shalt  }
0x51: {  	_ =	shalt  }
0x52: {  	_ =	shalt  }
0x53: {  	_ =	shalt  }
0x54: {  	_ =	shalt  }
0x55: {  	_ =	shalt  }
0x56: {  	_ =	shalt  }
0x57: {  	_ =	shalt  }
0x58: {  	_ =	shalt  }
0x59: {  	_ =	shalt  }
0x5a: {  	_ =	shalt  }
0x5b: {  	_ =	shalt  }
0x5c: {  	_ =	shalt  }
0x5d: {  	_ =	shalt  }
0x5e: {  	_ =	shalt  }
0x5f: {  	_ =	shalt  }
0x60: {  	_ =	shalt  }
0x61: {  	_ =	shalt  }
0x62: {  	_ =	shalt  }
0x63: {  	_ =	shalt  }
0x64: {  	_ =	shalt  }
0x65: {  	_ =	shalt  }
0x66: {  	_ =	shalt  }
0x67: {  	_ =	shalt  }
0x68: {  	_ =	shalt  }
0x69: {  	_ =	shalt  }
0x6a: {  	_ =	shalt  }
0x6b: {  	_ =	shalt  }
0x6c: {  	_ =	shalt  }
0x6d: {  	_ =	shalt  }
0x6e: {  	_ =	shalt  }
0x6f: {  	_ =	shalt  }
0x70: {  	_ =	shalt  }
0x71: {  	_ =	shalt  }
0x72: {  	_ =	shalt  }
0x73: {  	_ =	shalt  }
0x74: {  	_ =	shalt  }
0x75: {  	_ =	shalt  }
0x76: {  	_ =	shalt  }
0x77: {  	_ =	shalt  }
0x78: {  	_ =	shalt  }
0x79: {  	_ =	shalt  }
0x7a: {  	_ =	shalt  }
0x7b: {  	_ =	shalt  }
0x7c: {  	_ =	shalt  }
0x7d: {  	_ =	shalt  }
0x7e: {  	_ =	shalt  }
0x7f: {  	_ =	shalt  }
0x80: {  	_ =	shalt  }
0x81: {  	_ =	shalt  }
0x82: {  	_ =	shalt  }
0x83: {  	_ =	shalt  }
0x84: {  	_ =	shalt  }
0x85: {  	_ =	shalt  }
0x86: {  	_ =	shalt  }
0x87: {  	_ =	shalt  }
.Lfunc_end0:
.L_simem_size_0:
called_computation_lowered:
.L_overlay_start_0:
0x88: {  	s2 =	sld [smem:$0x3FD9]  }
0x89: {  	s3 =	sld [smem:$0x3FFE];
	_ =	sdelay $0x1  }
0x8a: {  	s1 =	srdreg.scid  }
0x8b: {  	s0 =	sand.u32 $0x1, s1  }
0x8c: {  	s17 =	sshll.u32 s0, $0xA;
	s2 =	sadd.s32 s3, s2  }
0x8d: {  	s2 =	sadd.s32 s2, s17  }
0x8e: {  	[smem:$0x3FBB] =	sst s2  }
0x8f: {  	_ = 	snop  }
0x90: {  	s2 =	sld [smem:$0x3FC7]  }
0x91: {  	s18 =	sld [smem:$0x3FD0];
	(tm) =	ssettm $0x1  }
0x92: {  	s4 =	sld [smem:$0x3FFB];
	_ =	sdelay $0x3  }
0x93: {  	_ =	strace s4  }
0x94: {  	s4 =	sld [smem:$0x3FFC];
	_ =	sdelay $0x3  }
0x95: {  	_ =	strace s4  }
0x96: {  	s4 =	sld [smem:$0x3FFD];
	_ =	sdelay $0x3  }
0x97: {  	_ =	strace s4  }
0x98: {  	_ =	strace $0x8FFFFFFF  }
0x99: {  	s19 =	sld [smem:$0x3FDB];
	_ =	sdelay $0x1  }
0x9a: {  	s5 =	simm.s32 $_scs_section_size  }
0x9b: {  	s6 =	simm.s32 $_size__tile_overlayer_lowered;
	s7 =	simm.s32 $_tile_overlayer_lowered  }
0x9c: {  	s22 =	simm.s32 $0x1BFF;
	s21 =	sshll.u32 s7, $0x1;
	s4 =	sadd.s32 s5, s19  }
0x9d: {  	s8 =	simm.s32 $0x0;
	s20 =	sshll.u32 s6, $0x1;
	s6 =	sadd.s32 s21, s4  }
0x9e: {  	[timem:s8], [sflag:s22] =	dma.local [hbm:s6], s20  }
0x9f: {  	_ =	swait.ge [sflag:s22], s20  }
0xa0: {  	s5 =	ssub.s32 $0x0, s20;
	[sflag:s22] =	ssyncset.done $0x0  }
0xa1: {  	[sflag:s22] =	ssyncadd.s32 s5;
	_ =	sdelay $0x1  }
0xa2: {  	s23 =	simm.s32 $0x1B8B  }
0xa3: {  	_ =	swait.ge [sflag:s23], $0x1  }
0xa4: {  	[sflag:s23] =	ssyncset.done $0x0  }
0xa5: {  	s25 =	simm.s32 $0x1B8E;
	s24 =	sld [smem:$0x3FFE];
	[sflag:s23] =	ssyncadd.s32 $0xFFFFFFFF  }
0xa6: {  	s26 =	simm.s32 $execute0_lowered;
	[smem:$0x3FD2] =	sst s25  }
0xa7: {  	s6 =	sshll.u32 s26, $0x1;
	_ =	strace $0x80000046;
	[dreg:$0x1] =	wrdreg $0xFFFFFFFF  }
0xa8: {  	s28 =	simm.s32 $_size_execute0_lowered;
	s4 =	sadd.s32 s4, s6;
	[dreg:$0x0] =	wrdreg $0x0  }
0xa9: {  	s6 =	sshll.u32 s28, $0x1;
	[dreg:$0x2] =	wrdreg s4  }
0xaa: {  	[dreg:$0x3] =	wrdreg s6  }
0xab: {  	[dreg:$0x4] =	wrdreg $0xC0  }
0xac: {  	_ =	task [dreg:s8], $0x5FFFF  }
0xad: {  	[dreg:$0x1] =	wrdreg $0xFFFFFFFF  }
0xae: {  	[dreg:$0x0] =	wrdreg $0x60  }
0xaf: {  	[dreg:$0x2] =	wrdreg s24  }
0xb0: {  	[dreg:$0x3] =	wrdreg s2  }
0xb1: {  	[dreg:$0x4] =	wrdreg s18  }
0xb2: {  	[dreg:$0x5] =	wrdreg $0x9  }
0xb3: {  	_ =	task.clear_ibuf [dreg:s8], $0x6FFFF;
	_ =	strace $0x90000046  }
0xb4: {  	s29 =	simm.s32 $0x9;
	_ =	strace $0x80000048  }
0xb5: {  	_ =	swait.ge [sflag:s29], $0x1  }
0xb6: {  	[sflag:s29] =	ssyncadd.s32 $0xFFFFFFFF  }
0xb7: {  	_ =	strace $0x90000048  }
0xb8: {  	_ =	sfence  }
0xb9: {  	s30 =	sld [smem:$0x0];
	_ =	sdelay $0x2  }
0xba: {  	s31 =	sshll.u32 s1, $0xD;
	s1 =	sshrl.u32 s1, $0x2  }
0xbb: {  	s3 =	sand.u32 $0x4000, s31;
	s1 =	sadd.s32 s1, s30  }
0xbc: {  	s0 =	sor.u32 s3, s0;
	s1 =	sshll.u32 s1, $0x11  }
0xbd: {  	s0 =	sor.u32 s1, s0  }
0xbe: {  	s0 =	sadd.s32 $0x8F2B, s0  }
0xbf: {  	[sflag:s0] =	ssyncadd.remote.s32 $0x1  }
0xc0: {  	_ =	sfence.sel $0xFFFF  }
0xc1: {  	[dreg:$0x0] =	wrdreg $0xFFFFFFFF;
	(pc) =	sbr.abs _section_cstart, $3  }
0xc2: {  	[dreg:$0x1] =	wrdreg $0xFFFFFFFF  }
0xc3: {  	_ =	task.clear_ibuf [dreg:s8], $0x2FFFF;
	_ =	strace $0x9FFFFFFF  }
0xc4: {  	(tm) =	ssettm $0x7FFFFFFF  }
0xc5: {  	_ =	shalt  }
tec
execute0_lowered:
.L_overlay_start_1:
0x0: {  	(tag) =	ssettag $0x1  }
0x1: {  	s4 =	rddreg [dreg:$0x0]  }
0x2: {  	s10 =	rddreg [dreg:$0x1];
	s1 =	srdreg.scid  }
0x3: {  	s0 =	stileid.u32;
	s11 =	rddreg [dreg:$0x2];
	s17 =	simm.s32 $0x4780  }
0x4: {  	s18 =	simm.s32 $0x8680;
	s19 =	simm.s32 $0x6700;
	s20 =	simm.s32 $0xA600  }
0x5: {  	s21 =	simm.s32 $0x80;
	s22 =	simm.s32 $0x400;
	s23 =	simm.s32 $0x0  }
0x6: {  	s30 =	simm.s32 $0x9630;
	s3 =	sand.u32 $0x1, s1;
	s2 =	sshll.u32 s0, $0x1  }
0x7: {  	s1 =	rddreg [dreg:$0x3];
	s6 =	sshrl.u32 s0, $0x2;
	s9 =	sadd.s32 $0x3400, s4  }
0x8: {  	s12 =	sadd.s32 $0x20E00, s4;
	p0 =	sgt.u32 s0, $0x3;
	s5 =	sor.u32 s3, s2  }
0x9: {  	s2 =	simm.s32 $0x0;
	s6 =	smul.u32 $0x14000, s6;
	s26 =	ssub.s32 $0x2, s3  }
0xa: {  	s7 =	sshll.u32 s5, $0x7;
	[smem:$0x7FF] =	sst s2;
	s8 =	smul.u32 $0x1F40, s5  }
0xb: {  	s29 =	sshrl.u32 s26, $0x1;
	s7 =	sand.u32 $0x380, s7;
	_ =	strace $0x80000047  }
0xc: {  	s14 =	ssub.s32 s26, s29;
	s25 =	sor.u32 s6, s7;
	s28 =	sshrl.u32 s8, $0x3  }
0xd: {  	s15 =	sshrl.u32 s8, $0x4;
	s16 =	sadd.s32 $0x3E800, s8;
	s14 =	smax.u32 s14, $0x1  }
0xe: {  	s5 =	sshrl.u32 s25, $0x3;
	s3 =	sadd.s32 s9, s28;
	s6 =	sadd.s32 s11, s28  }
.Ltmp0:
0xf: {  	s7 =	sadd.s32 s12, s15;
	s31 =	sshrl.u32 s16, $0x3;
	(pc) =	sbr.rel .LBB2_1-.Ltmp0, $4  }
0x10: {  	s16 =	sshrl.u32 s16, $0x4;
	s15 =	simm.s32 $0x2800;
	s13 =	sadd.s32 s5, s4  }
0x11: {  	s4 =	sadd.s32 $0x9C40, s3;
	s5 =	sadd.s32 s10, s28;
	s8 =	sadd.s32 s9, s31  }
0x12: {  	s9 =	sadd.s32 $0x11940, s3;
	s10 =	sadd.s32 s10, s31;
	s11 =	sadd.s32 s11, s31  }
0x13: {  	v0 =	vimm.f32 $0.0e+00;
	v1 =	vimm.f32 $1.000000000e+00;
	s12 =	sadd.s32 s12, s16;
	s16 =	simm.s32 $0x1;
	s13 =	sadd.s32 $0x16E00, s13  }
.LBB2_12:
0x14: {  	v3 =	vadd.s32 $0x8000, v3;
	v2 =	vadd.s32 $0x8000, v2;
	v4 =	vadd.s32 $0x8000, v4  }
0x15: {  	v5 =	vadd.s32 $0x8000, v5;
	v4 =	vshrl.u32 v4, $0x10;
	v3 =	vand.u32 $0xFFFF0000, v3  }
0x16: {  	[tilespmem:s25+$0xFFFFFFF0] =	vst v6;
	s24 =	sadd.s32 $0x20, s25;
	v2 =	vshrl.u32 v2, $0x10;
	v5 =	vand.u32 $0xFFFF0000, v5;
	v3 =	vor.u32 v4, v3  }
0x17: {  	v2 =	vor.u32 v2, v5;
	[tilespmem:s24+$0x0] =	vst v3  }
0x18: {  	[tilespmem:s24+$0xFFFFFFF0] =	vst v2  }
0x19: {  	[hbm4b:s11+s2] =	stream.linear.scatter [tilespmem:s19], [sflag:$0x1], $0x1F40, $0x38;
	[tilespmem:$0xB600] =	vst v63  }
0x1a: {  	_ =	swait.ge [sflag:s16], $0x1F40  }
0x1b: {  	[sflag:s16] =	ssyncset.done $0x0  }
0x1c: {  	[sflag:s16] =	ssyncadd.s32 $0xFFFFE0C0  }
0x1d: {  	[hbm4b:s12+s2] =	stream.linear.scatter [tilespmem:s20], [sflag:$0x1], $0xFA0, $0x38;
	[tilespmem:$0xB600] =	vst v63  }
0x1e: {  	_ =	swait.ge [sflag:s16], $0xFA0  }
0x1f: {  	[sflag:s16] =	ssyncset.done $0x0  }
0x20: {  	[sflag:s16] =	ssyncadd.s32 $0xFFFFF060  }
.LBB2_13:
0x21: {  	s23 =	sadd.s32 $0x1, s23  }
0x22: {  	p1 =	sne.s32 s23, s14  }
.Ltmp1:
0x23: {  	_ = 	snop;
	(pc) =	sbr.rel @!p1 .LBB2_14-.Ltmp1, $4  }
0x24: {  	[hbm4b:s13+s21] =	stream.strided.scatter [tilespmem:s2], [sflag:$0x1], $0x2800, s22, s21, $0x38;
	[tilespmem:$0xB600] =	vst v63  }
0x25: {  	_ =	swait.ge [sflag:s16], $0x2800  }
0x26: {  	[sflag:s16] =	ssyncset.done $0x0  }
0x27: {  	[sflag:s16] =	ssyncadd.s32 $0xFFFFD800  }
.LBB2_1:
0x28: {  	s24 =	simm.s32 $0x40;
	s25 =	simm.s32 $0x0  }
.LBB2_2:
0x29: {  	p1 =	sne.s32 s24, $0x9FC0;
	[tilespmem:s25+$0x0] =	vst v0;
	s25 =	smov.u32 s24;
	s24 =	sadd.s32 $0x40, s24  }
.Ltmp2:
0x2a: {  	(pc) =	sbr.rel @p1 .LBB2_2-.Ltmp2, $2  }
0x2b: {  	_ =	sdelay $0x2  }
0x2c: {  	s25 =	sshra.s32 s25, $0x2  }
0x2d: {  	[tilespmem:s25+$0x0] =	vst v0  }
0x2e: {  	[tilespmem:s15], [sflag:$0x1] =	stream.linear.gather [hbm4b:s3+s2], $0x1F40, $0x38;
	[tilespmem:$0xB600] =	vst v63  }
0x2f: {  	_ =	swait.ge [sflag:s16], $0x1F40  }
0x30: {  	[sflag:s16] =	ssyncset.done $0x0  }
0x31: {  	[sflag:s16] =	ssyncadd.s32 $0xFFFFE0C0  }
0x32: {  	[tilespmem:s17], [sflag:$0x1] =	stream.linear.gather [hbm4b:s4+s2], $0x1F40, $0x38;
	[tilespmem:$0xB600] =	vst v63  }
0x33: {  	_ =	swait.ge [sflag:s16], $0x1F40  }
0x34: {  	[sflag:s16] =	ssyncset.done $0x0  }
0x35: {  	[sflag:s16] =	ssyncadd.s32 $0xFFFFE0C0  }
0x36: {  	[tilespmem:s18], [sflag:$0x1] =	stream.linear.gather [hbm4b:s5+s2], $0x1F40, $0x38;
	[tilespmem:$0xB600] =	vst v63  }
0x37: {  	_ =	swait.ge [sflag:s16], $0x1F40  }
0x38: {  	[sflag:s16] =	ssyncset.done $0x0  }
0x39: {  	s24 =	simm.s32 $0x4790;
	[sflag:s16] =	ssyncadd.s32 $0xFFFFE0C0  }
0x3a: {  	v3 =	vld [tilespmem:s24+$0x0];
	_ =	sdelay $0x1  }
0x3b: {  	s25 =	simm.s32 $0x2810  }
0x3c: {  	v2 =	vld [tilespmem:s25+$0x0]  }
0x3d: {  	v4 =	vld [tilespmem:s24+$0xFFFFFFF0]  }
0x3e: {  	v5 =	vshll.u32 v3, $0xE;
	v3 =	vld [tilespmem:s25+$0xFFFFFFF0];
	_ =	sdelay $0x3  }
0x3f: {  	s26 =	simm.s32 $0x6710;
	s28 =	simm.s32 $0x0;
	s29 =	simm.s32 $0x47B0;
	v4 =	vshll.u32 v4, $0xE;
	v5 =	vor.u32 v2, v5  }
.LBB2_4:
0x40: {  	v6 =	vld [tilespmem:s29+$0x0];
	v4 =	vor.u32 v3, v4;
	[tilespmem:s26+$0x0] =	vst v5;
	v5 =	vmov v3  }
0x41: {  	s25 =	sadd.s32 $0x20, s25;
	s24 =	simm.s32 $0xA610;
	[tilespmem:v2+s2+$0x0] =	vst.idx.add.f32.msk $0xffff, v1  }
0x42: {  	s28 =	sadd.s32 $0x2, s28;
	v2 =	vld [tilespmem:s25+$0x0];
	[tilespmem:s26+$0xFFFFFFF0] =	vst v4  }
0x43: {  	p1 =	slt.u32 s28, $0x1F2;
	v4 =	vld [tilespmem:s29+$0xFFFFFFF0]  }
.Ltmp3:
0x44: {  	v3 =	vld [tilespmem:s25+$0xFFFFFFF0];
	(pc) =	sbr.rel @p1 .LBB2_4-.Ltmp3, $3  }
0x45: {  	[tilespmem:v5+s2+$0x0] =	vst.idx.add.f32.msk $0xffff, v1;
	_ =	sdelay $0x1  }
0x46: {  	v5 =	vshll.u32 v6, $0xE  }
0x47: {  	s26 =	sadd.s32 $0x20, s26;
	s29 =	sadd.s32 $0x20, s29;
	v5 =	vor.u32 v2, v5;
	v4 =	vshll.u32 v4, $0xE  }
0x48: {  	_ =	sdelay $0x2  }
0x49: {  	[tilespmem:s26+$0x0] =	vst v5  }
0x4a: {  	v4 =	vor.u32 v3, v4;
	[tilespmem:v2+s2+$0x0] =	vst.idx.add.f32.msk $0xffff, v1  }
0x4b: {  	[tilespmem:s26+$0xFFFFFFF0] =	vst v4  }
0x4c: {  	[tilespmem:v3+s2+$0x0] =	vst.idx.add.f32.msk $0xffff, v1  }
0x4d: {  	v3 =	vld [tilespmem:s30+$0xFFFFF050]  }
0x4e: {  	v4 =	vld [tilespmem:s30+$0x0]  }
0x4f: {  	v5 =	vld [tilespmem:s30+$0xFFFFF060]  }
0x50: {  	v6 =	vld [tilespmem:s30+$0xFFFFFFF0];
	_ =	sdelay $0x2  }
0x51: {  	s25 =	simm.s32 $0x9650  }
0x52: {  	v2 =	vld [tilespmem:s25+$0xFFFFF050];
	v4 =	vadd.s32 $0x8000, v4;
	v7 =	vadd.s32 $0x8000, v3;
	v5 =	vadd.s32 $0x8000, v5  }
0x53: {  	v3 =	vld [tilespmem:s25+$0x0];
	v6 =	vadd.s32 $0x8000, v6;
	v5 =	vshrl.u32 v5, $0x10;
	v8 =	vand.u32 $0xFFFF0000, v4  }
0x54: {  	v4 =	vld [tilespmem:s25+$0xFFFFF060];
	v7 =	vshrl.u32 v7, $0x10;
	v6 =	vand.u32 $0xFFFF0000, v6;
	v8 =	vor.u32 v5, v8  }
0x55: {  	s26 =	simm.s32 $0x2;
	v5 =	vld [tilespmem:s25+$0xFFFFFFF0];
	v6 =	vor.u32 v7, v6;
	[tilespmem:s24+$0x0] =	vst v8  }
.LBB2_6:
0x56: {  	s26 =	sadd.s32 $0x2, s26  }
0x57: {  	s25 =	sadd.s32 $0x20, s25;
	[tilespmem:s24+$0xFFFFFFF0] =	vst v6;
	s24 =	sadd.s32 $0x20, s24;
	v6 =	vmov v2;
	p1 =	slt.u32 s26, $0xF8  }
.Ltmp4:
0x58: {  	v2 =	vld [tilespmem:s25+$0xFFFFF050];
	v7 =	vadd.s32 $0x8000, v3;
	(pc) =	sbr.rel @p1 .LBB2_6-.Ltmp4, $4  }
0x59: {  	v6 =	vadd.s32 $0x8000, v6;
	v3 =	vld [tilespmem:s25+$0x0];
	v8 =	vadd.s32 $0x8000, v4  }
0x5a: {  	v7 =	vand.u32 $0xFFFF0000, v7;
	v4 =	vld [tilespmem:s25+$0xFFFFF060];
	v9 =	vadd.s32 $0x8000, v5;
	v8 =	vshrl.u32 v8, $0x10  }
0x5b: {  	v6 =	vshrl.u32 v6, $0x10;
	v5 =	vld [tilespmem:s25+$0xFFFFFFF0];
	v9 =	vand.u32 $0xFFFF0000, v9;
	v7 =	vor.u32 v8, v7  }
0x5c: {  	v6 =	vor.u32 v6, v9;
	[tilespmem:s24+$0x0] =	vst v7  }
0x5d: {  	_ =	sdelay $0x1  }
0x5e: {  	v2 =	vadd.s32 $0x8000, v2;
	v3 =	vadd.s32 $0x8000, v3;
	v4 =	vadd.s32 $0x8000, v4  }
0x5f: {  	v3 =	vand.u32 $0xFFFF0000, v3;
	v5 =	vadd.s32 $0x8000, v5;
	v4 =	vshrl.u32 v4, $0x10  }
0x60: {  	[tilespmem:s24+$0xFFFFFFF0] =	vst v6;
	s31 =	sadd.s32 $0x20, s24;
	v2 =	vshrl.u32 v2, $0x10;
	v5 =	vand.u32 $0xFFFF0000, v5;
	v3 =	vor.u32 v4, v3  }
0x61: {  	v2 =	vor.u32 v2, v5;
	[tilespmem:s31+$0x0] =	vst v3  }
0x62: {  	[tilespmem:s31+$0xFFFFFFF0] =	vst v2  }
0x63: {  	[hbm4b:s6+s2] =	stream.linear.scatter [tilespmem:s19], [sflag:$0x1], $0x1F40, $0x38;
	[tilespmem:$0xB600] =	vst v63  }
0x64: {  	_ =	swait.ge [sflag:s16], $0x1F40  }
0x65: {  	[sflag:s16] =	ssyncset.done $0x0  }
.Ltmp5:
0x66: {  	[sflag:s16] =	ssyncadd.s32 $0xFFFFE0C0;
	(pc) =	sbr.rel @p0 .LBB2_13-.Ltmp5, $4  }
0x67: {  	[hbm4b:s7+s2] =	stream.linear.scatter [tilespmem:s20], [sflag:$0x1], $0xFA0, $0x38;
	[tilespmem:$0xB600] =	vst v63  }
0x68: {  	_ =	swait.ge [sflag:s16], $0xFA0  }
0x69: {  	[sflag:s16] =	ssyncset.done $0x0  }
0x6a: {  	[sflag:s16] =	ssyncadd.s32 $0xFFFFF060  }
0x6b: {  	[tilespmem:s15], [sflag:$0x1] =	stream.linear.gather [hbm4b:s8+s2], $0x1F40, $0x38;
	[tilespmem:$0xB600] =	vst v63  }
0x6c: {  	_ =	swait.ge [sflag:s16], $0x1F40  }
0x6d: {  	[sflag:s16] =	ssyncset.done $0x0  }
0x6e: {  	[sflag:s16] =	ssyncadd.s32 $0xFFFFE0C0  }
0x6f: {  	[tilespmem:s17], [sflag:$0x1] =	stream.linear.gather [hbm4b:s9+s2], $0x1F40, $0x38;
	[tilespmem:$0xB600] =	vst v63  }
0x70: {  	_ =	swait.ge [sflag:s16], $0x1F40  }
0x71: {  	[sflag:s16] =	ssyncset.done $0x0  }
0x72: {  	[sflag:s16] =	ssyncadd.s32 $0xFFFFE0C0  }
0x73: {  	[tilespmem:s18], [sflag:$0x1] =	stream.linear.gather [hbm4b:s10+s2], $0x1F40, $0x38;
	[tilespmem:$0xB600] =	vst v63  }
0x74: {  	_ =	swait.ge [sflag:s16], $0x1F40  }
0x75: {  	[sflag:s16] =	ssyncset.done $0x0  }
0x76: {  	s25 =	simm.s32 $0x4790;
	[sflag:s16] =	ssyncadd.s32 $0xFFFFE0C0  }
0x77: {  	v3 =	vld [tilespmem:s25+$0x0];
	_ =	sdelay $0x1  }
0x78: {  	s24 =	simm.s32 $0x2810  }
0x79: {  	v2 =	vld [tilespmem:s24+$0x0]  }
0x7a: {  	v4 =	vld [tilespmem:s25+$0xFFFFFFF0]  }
0x7b: {  	v5 =	vshll.u32 v3, $0xE;
	v3 =	vld [tilespmem:s24+$0xFFFFFFF0];
	_ =	sdelay $0x3  }
0x7c: {  	s26 =	simm.s32 $0x0;
	s28 =	simm.s32 $0x47B0;
	s25 =	simm.s32 $0x6710;
	v4 =	vshll.u32 v4, $0xE;
	v5 =	vor.u32 v2, v5  }
.LBB2_9:
0x7d: {  	v6 =	vld [tilespmem:s28+$0x0];
	v4 =	vor.u32 v3, v4;
	[tilespmem:s25+$0x0] =	vst v5;
	v5 =	vmov v3  }
0x7e: {  	s24 =	sadd.s32 $0x20, s24;
	[tilespmem:v2+s2+$0x0] =	vst.idx.add.f32.msk $0xffff, v1  }
0x7f: {  	s26 =	sadd.s32 $0x2, s26;
	v2 =	vld [tilespmem:s24+$0x0];
	[tilespmem:s25+$0xFFFFFFF0] =	vst v4  }
0x80: {  	p1 =	slt.u32 s26, $0x1F2;
	v4 =	vld [tilespmem:s28+$0xFFFFFFF0]  }
.Ltmp6:
0x81: {  	v3 =	vld [tilespmem:s24+$0xFFFFFFF0];
	(pc) =	sbr.rel @p1 .LBB2_9-.Ltmp6, $3  }
0x82: {  	[tilespmem:v5+s2+$0x0] =	vst.idx.add.f32.msk $0xffff, v1;
	_ =	sdelay $0x1  }
0x83: {  	v5 =	vshll.u32 v6, $0xE  }
0x84: {  	s25 =	sadd.s32 $0x20, s25;
	s28 =	sadd.s32 $0x20, s28;
	v5 =	vor.u32 v2, v5;
	v4 =	vshll.u32 v4, $0xE  }
0x85: {  	_ =	sdelay $0x2  }
0x86: {  	[tilespmem:s25+$0x0] =	vst v5  }
0x87: {  	v4 =	vor.u32 v3, v4;
	[tilespmem:v2+s2+$0x0] =	vst.idx.add.f32.msk $0xffff, v1  }
0x88: {  	[tilespmem:s25+$0xFFFFFFF0] =	vst v4  }
0x89: {  	s24 =	simm.s32 $0x9630;
	[tilespmem:v3+s2+$0x0] =	vst.idx.add.f32.msk $0xffff, v1  }
0x8a: {  	v3 =	vld [tilespmem:s24+$0xFFFFF050]  }
0x8b: {  	v4 =	vld [tilespmem:s24+$0x0]  }
0x8c: {  	v5 =	vld [tilespmem:s24+$0xFFFFF060]  }
0x8d: {  	v6 =	vld [tilespmem:s24+$0xFFFFFFF0];
	_ =	sdelay $0x2  }
0x8e: {  	s24 =	simm.s32 $0x9650  }
0x8f: {  	v2 =	vld [tilespmem:s24+$0xFFFFF050];
	v4 =	vadd.s32 $0x8000, v4;
	v7 =	vadd.s32 $0x8000, v3;
	v5 =	vadd.s32 $0x8000, v5  }
0x90: {  	v3 =	vld [tilespmem:s24+$0x0];
	v6 =	vadd.s32 $0x8000, v6;
	v5 =	vshrl.u32 v5, $0x10;
	v8 =	vand.u32 $0xFFFF0000, v4  }
0x91: {  	s25 =	simm.s32 $0xA610;
	v4 =	vld [tilespmem:s24+$0xFFFFF060];
	v7 =	vshrl.u32 v7, $0x10;
	v6 =	vand.u32 $0xFFFF0000, v6;
	v8 =	vor.u32 v5, v8  }
0x92: {  	s26 =	simm.s32 $0x2;
	v5 =	vld [tilespmem:s24+$0xFFFFFFF0];
	v6 =	vor.u32 v7, v6;
	[tilespmem:s25+$0x0] =	vst v8  }
.LBB2_11:
0x93: {  	s26 =	sadd.s32 $0x2, s26  }
0x94: {  	s24 =	sadd.s32 $0x20, s24;
	[tilespmem:s25+$0xFFFFFFF0] =	vst v6;
	s25 =	sadd.s32 $0x20, s25;
	v6 =	vmov v2;
	p1 =	slt.u32 s26, $0xF8  }
.Ltmp7:
0x95: {  	v7 =	vadd.s32 $0x8000, v3;
	v2 =	vld [tilespmem:s24+$0xFFFFF050];
	(pc) =	sbr.rel @p1 .LBB2_11-.Ltmp7, $4  }
0x96: {  	v8 =	vadd.s32 $0x8000, v4;
	v6 =	vadd.s32 $0x8000, v6;
	v3 =	vld [tilespmem:s24+$0x0]  }
0x97: {  	v9 =	vadd.s32 $0x8000, v5;
	v8 =	vshrl.u32 v8, $0x10;
	v7 =	vand.u32 $0xFFFF0000, v7;
	v4 =	vld [tilespmem:s24+$0xFFFFF060]  }
0x98: {  	v9 =	vand.u32 $0xFFFF0000, v9;
	v6 =	vshrl.u32 v6, $0x10;
	v7 =	vor.u32 v8, v7;
	v5 =	vld [tilespmem:s24+$0xFFFFFFF0]  }
0x99: {  	v6 =	vor.u32 v6, v9;
	[tilespmem:s25+$0x0] =	vst v7  }
.Ltmp8:
0x9a: {  	_ = 	snop;
	(pc) =	sbr.rel .LBB2_12-.Ltmp8, $1  }
0x9b: {  	_ =	sdelay $0x3  }
.LBB2_14:
0x9c: {  	_ =	sfence.sel $0x180000  }
0x9d: {  	[bflag:$0x0] =	sbarrier.arrive $0xFFFF  }
0x9e: {  	p0 =	sne.s32 s0, $0x0;
	_ =	strace $0x90000047  }
0x9f: {  	s0 =	sadd.s32 @!p0 $0x100000, s1;
	[bflag:$0x2] =	sbarrier.arrive $0xFFFF  }
0xa0: {  	[sflag:s0] =	ssyncadd.tile.s32 @!p0 $0x1;
	_ =	shalt  }
.Lfunc_end2:
_tile_overlayer_lowered:
.L_overlay_start_2:
0xa1: {  	(tag) =	ssettag $0x2  }
0xa2: {  	s0 =	rddreg [dreg:$0x0];
	s2 =	stileid.u32  }
0xa3: {  	s1 =	rddreg [dreg:$0x1];
	p0 =	sne.s32 s2, $0x0  }
0xa4: {  	s3 =	rddreg [dreg:$0x2];
	[bflag:$0x3] =	sbarrier.arrive $0xFFFF;
	s2 =	simm.s32 @!p0 $0x1C01  }
0xa5: {  	[timem:s3], [sflag:s2] =	dma.local @!p0 [hbm:s0], s1  }
0xa6: {  	s0 =	simm.s32 @!p0 $0x1  }
0xa7: {  	_ =	swait.ge @!p0 [sflag:s0], s1  }
0xa8: {  	s1 =	ssub.s32 @!p0 $0x0, s1;
	[sflag:s0] =	ssyncset.done @!p0 $0x0  }
0xa9: {  	[sflag:s0] =	ssyncadd.s32 @!p0 s1  }
0xaa: {  	[bflag:$0x3] =	sbarrier.arrive $0xFFFF  }
0xab: {  	_ =	shalt  }

// kernel: kernel.13.cloned.1.call-start
scs
__scs_entry_jumppad:
0x0: {  	(pc) =	sbr.rel $0x88, $3  }
0x1: {  	(tag) =	ssettag $0x0;
	lr =	simm.s32 $0x1  }
0x2: {  	[smem:$0x3F94] =	sst lr;
	_ =	strace $0xD0000000  }
0x3: {  	_ = 	snop  }
0x4: {  	_ = 	snop  }
0x5: {  	_ = 	snop  }
0x6: {  	_ = 	snop  }
0x7: {  	_ = 	snop  }
__scs_overlays_trampoline_lowered:
0x8: {  	[smem:$0x3FA3] =	sst s0  }
0x9: {  	[smem:$0x3FA4] =	sst s1  }
0xa: {  	[smem:$0x3FA5] =	sst s2  }
0xb: {  	[smem:$0x3FA6] =	sst s3  }
0xc: {  	[smem:$0x3FA7] =	sst s4  }
0xd: {  	[smem:$0x3FA8] =	sst s5  }
0xe: {  	[smem:$0x3FA9] =	sst s6  }
0xf: {  	[smem:$0x3FAA] =	sst s7  }
0x10: {  	[smem:$0x3FAB] =	sst s8  }
0x11: {  	[smem:$0x3FAC] =	sst s9;
	s0 =	simm.s32 @!p0 $0x0  }
0x12: {  	s1 =	sld [smem:$0x3F92];
	s0 =	simm.s32 @p0 $0x1  }
0x13: {  	[smem:$0x3FAD] =	sst s0;
	s0 =	simm.s32 @!p1 $0x0  }
0x14: {  	s2 =	sld [smem:$0x3F91];
	s0 =	simm.s32 @p1 $0x1  }
0x15: {  	[smem:$0x3FAE] =	sst s0;
	s0 =	simm.s32 @!p2 $0x0  }
0x16: {  	s3 =	sld [smem:$0x3FDB];
	s0 =	simm.s32 @p2 $0x1  }
0x17: {  	s4 =	simm.s32 $0x1BF5;
	[smem:$0x3FB0] =	sst s0  }
0x18: {  	s0 =	sld [smem:$0x3F93];
	_ =	swait.ge [sflag:s4], $0x0  }
0x19: {  	s7 =	sld [smem:$0x3F94]  }
0x1a: {  	s8 =	sadd.s32 $0xFFFFE003, lr  }
0x1b: {  	s9 =	sadd.s32 $0xFFFFFEF7, lr;
	s5 =	simm.s32 $0xFFFFFFFF;
	p2 =	slt.u32 s8, $0xFFFFF086  }
0x1c: {  	p1 =	slt.u32 s9, $0xF7A;
	s5 =	simm.s32 @!p2 $0x0  }
0x1d: {  	s5 =	simm.s32 @p1 $0x1;
	p0 =	seq.s32 s7, s2  }
0x1e: {  	s7 =	smul.u32 @!p0 $0xF7A, s2;
	p2 =	seq.s32 @!p0 s5, $0x0  }
0x1f: {  	s9 =	smul.u32 $0xF7A, s1;
	s8 =	simm.s32 @!p0 $0x1BF5;
	p2 =	por !p2, p0  }
0x20: {  	[sflag:s8] =	ssyncset.s32 @!p0 $0xFFFFF086;
	s6 =	sadd.s32 @!p0 s3, s7;
	s7 =	simm.s32 @!p0 $0x108  }
0x21: {  	s3 =	sadd.s32 s3, s9;
	s6 =	sadd.s32 @!p0 $0x88, s6;
	s7 =	simm.s32 @p2 $0x1082  }
0x22: {  	[simem:s7], [sflag:s8] =	dma.local @!p0 [hbm:s6], $0xF7A  }
0x23: {  	s9 =	sor.u32 $0xD0000000, s2;
	s6 =	simm.s32 $0x108;
	_ =	swait.ge @!p0 [sflag:s8], $0x0  }
0x24: {  	s3 =	sadd.s32 $0x88, s3;
	s6 =	simm.s32 @!p1 $0x1082;
	[sflag:s4] =	ssyncset.s32 $0xFFFFF086  }
0x25: {  	[simem:s6], [sflag:s4] =	dma.local [hbm:s3], $0xF7A  }
0x26: {  	[smem:$0x3F94] =	sst s1;
	(tag) =	ssettag s2;
	_ =	strace s9  }
0x27: {  	s1 =	sld [smem:$0x3FA4]  }
0x28: {  	s2 =	sld [smem:$0x3FA5]  }
0x29: {  	s4 =	sld [smem:$0x3FA7]  }
0x2a: {  	p0 =	seq.s32 s5, $0x0;
	s5 =	sld [smem:$0x3FA8]  }
0x2b: {  	s6 =	sld [smem:$0x3FA9]  }
0x2c: {  	s7 =	sld [smem:$0x3FAA]  }
0x2d: {  	s3 =	simm.s32 $0x108;
	s8 =	sld [smem:$0x3FAB]  }
0x2e: {  	s3 =	simm.s32 @!p0 $0x1082;
	s9 =	sld [smem:$0x3FAC]  }
0x2f: {  	lr =	sadd.s32 s0, s3;
	s0 =	sld [smem:$0x3FA3]  }
0x30: {  	s3 =	sld [smem:$0x3FA6]  }
0x31: {  	[smem:$0x3FAF] =	sst s10  }
0x32: {  	s10 =	sld [smem:$0x3FAD];
	_ =	sdelay $0x3  }
0x33: {  	p0 =	seq.s32 s10, $0x1;
	s10 =	sld [smem:$0x3FAF];
	_ =	sdelay $0x3  }
0x34: {  	[smem:$0x3FAF] =	sst s10  }
0x35: {  	s10 =	sld [smem:$0x3FAE];
	_ =	sdelay $0x3  }
0x36: {  	p1 =	seq.s32 s10, $0x1;
	s10 =	sld [smem:$0x3FAF];
	_ =	sdelay $0x3  }
0x37: {  	[smem:$0x3FAF] =	sst s10  }
0x38: {  	s10 =	sld [smem:$0x3FB0]  }
0x39: {  	_ = 	snop;
	(pc) =	sbr.ind lr, $3  }
0x3a: {  	_ = 	snop  }
0x3b: {  	_ = 	snop  }
0x3c: {  	p2 =	seq.s32 s10, $0x1;
	s10 =	sld [smem:$0x3FAF]  }
0x3d: {  	_ =	shalt  }
0x3e: {  	_ =	shalt  }
0x3f: {  	_ =	shalt  }
0x40: {  	_ =	shalt  }
0x41: {  	_ =	shalt  }
0x42: {  	_ =	shalt  }
0x43: {  	_ =	shalt  }
0x44: {  	_ =	shalt  }
0x45: {  	_ =	shalt  }
0x46: {  	_ =	shalt  }
0x47: {  	_ =	shalt  }
0x48: {  	_ =	shalt  }
0x49: {  	_ =	shalt  }
0x4a: {  	_ =	shalt  }
0x4b: {  	_ =	shalt  }
0x4c: {  	_ =	shalt  }
0x4d: {  	_ =	shalt  }
0x4e: {  	_ =	shalt  }
0x4f: {  	_ =	shalt  }
0x50: {  	_ =	shalt  }
0x51: {  	_ =	shalt  }
0x52: {  	_ =	shalt  }
0x53: {  	_ =	shalt  }
0x54: {  	_ =	shalt  }
0x55: {  	_ =	shalt  }
0x56: {  	_ =	shalt  }
0x57: {  	_ =	shalt  }
0x58: {  	_ =	shalt  }
0x59: {  	_ =	shalt  }
0x5a: {  	_ =	shalt  }
0x5b: {  	_ =	shalt  }
0x5c: {  	_ =	shalt  }
0x5d: {  	_ =	shalt  }
0x5e: {  	_ =	shalt  }
0x5f: {  	_ =	shalt  }
0x60: {  	_ =	shalt  }
0x61: {  	_ =	shalt  }
0x62: {  	_ =	shalt  }
0x63: {  	_ =	shalt  }
0x64: {  	_ =	shalt  }
0x65: {  	_ =	shalt  }
0x66: {  	_ =	shalt  }
0x67: {  	_ =	shalt  }
0x68: {  	_ =	shalt  }
0x69: {  	_ =	shalt  }
0x6a: {  	_ =	shalt  }
0x6b: {  	_ =	shalt  }
0x6c: {  	_ =	shalt  }
0x6d: {  	_ =	shalt  }
0x6e: {  	_ =	shalt  }
0x6f: {  	_ =	shalt  }
0x70: {  	_ =	shalt  }
0x71: {  	_ =	shalt  }
0x72: {  	_ =	shalt  }
0x73: {  	_ =	shalt  }
0x74: {  	_ =	shalt  }
0x75: {  	_ =	shalt  }
0x76: {  	_ =	shalt  }
0x77: {  	_ =	shalt  }
0x78: {  	_ =	shalt  }
0x79: {  	_ =	shalt  }
0x7a: {  	_ =	shalt  }
0x7b: {  	_ =	shalt  }
0x7c: {  	_ =	shalt  }
0x7d: {  	_ =	shalt  }
0x7e: {  	_ =	shalt  }
0x7f: {  	_ =	shalt  }
0x80: {  	_ =	shalt  }
0x81: {  	_ =	shalt  }
0x82: {  	_ =	shalt  }
0x83: {  	_ =	shalt  }
0x84: {  	_ =	shalt  }
0x85: {  	_ =	shalt  }
0x86: {  	_ =	shalt  }
0x87: {  	_ =	shalt  }
.Lfunc_end0:
.L_simem_size_0:
called_computation.1_lowered:
.L_overlay_start_0:
0x88: {  	s2 =	sld [smem:$0x3FD9]  }
0x89: {  	s3 =	sld [smem:$0x3FFE];
	_ =	sdelay $0x1  }
0x8a: {  	s1 =	srdreg.scid  }
0x8b: {  	s0 =	sand.u32 $0x1, s1  }
0x8c: {  	s17 =	sshll.u32 s0, $0xA;
	s2 =	sadd.s32 s3, s2  }
0x8d: {  	s2 =	sadd.s32 s2, s17  }
0x8e: {  	[smem:$0x3FBB] =	sst s2  }
0x8f: {  	_ = 	snop  }
0x90: {  	s2 =	sld [smem:$0x3FD0];
	(tm) =	ssettm $0x1  }
0x91: {  	s18 =	sld [smem:$0x3FFB];
	_ =	sdelay $0x3  }
0x92: {  	_ =	strace s18  }
0x93: {  	s3 =	sld [smem:$0x3FFC];
	_ =	sdelay $0x3  }
0x94: {  	_ =	strace s3  }
0x95: {  	s3 =	sld [smem:$0x3FFD];
	_ =	sdelay $0x3  }
0x96: {  	_ =	strace s3  }
0x97: {  	_ =	strace $0x8FFFFFFF  }
0x98: {  	s19 =	sld [smem:$0x3FDB];
	_ =	sdelay $0x1  }
0x99: {  	s4 =	simm.s32 $_scs_section_size  }
0x9a: {  	s5 =	simm.s32 $_size__tile_overlayer_lowered;
	s6 =	simm.s32 $_tile_overlayer_lowered  }
0x9b: {  	s22 =	simm.s32 $0x1BFF;
	s21 =	sshll.u32 s6, $0x1;
	s3 =	sadd.s32 s4, s19  }
0x9c: {  	s7 =	simm.s32 $0x0;
	s20 =	sshll.u32 s5, $0x1;
	s5 =	sadd.s32 s21, s3  }
0x9d: {  	[timem:s7], [sflag:s22] =	dma.local [hbm:s5], s20  }
0x9e: {  	_ =	swait.ge [sflag:s22], s20  }
0x9f: {  	s4 =	ssub.s32 $0x0, s20;
	[sflag:s22] =	ssyncset.done $0x0  }
0xa0: {  	[sflag:s22] =	ssyncadd.s32 s4;
	_ =	sdelay $0x1  }
0xa1: {  	s23 =	simm.s32 $0x1B8B  }
0xa2: {  	_ =	swait.ge [sflag:s23], $0x1  }
0xa3: {  	[sflag:s23] =	ssyncset.done $0x0  }
0xa4: {  	s25 =	simm.s32 $0x1B8E;
	s24 =	sld [smem:$0x3FFE];
	[sflag:s23] =	ssyncadd.s32 $0xFFFFFFFF  }
0xa5: {  	s26 =	simm.s32 $execute0_lowered;
	[smem:$0x3FD2] =	sst s25  }
0xa6: {  	s5 =	sshll.u32 s26, $0x1;
	_ =	strace $0x80000049;
	[dreg:$0x1] =	wrdreg $0xFFFFFFFF  }
0xa7: {  	s28 =	simm.s32 $_size_execute0_lowered;
	s3 =	sadd.s32 s3, s5;
	[dreg:$0x0] =	wrdreg $0x0  }
0xa8: {  	s5 =	sshll.u32 s28, $0x1;
	[dreg:$0x2] =	wrdreg s3  }
0xa9: {  	[dreg:$0x3] =	wrdreg s5  }
0xaa: {  	[dreg:$0x4] =	wrdreg $0xC0  }
0xab: {  	_ =	task [dreg:s7], $0x5FFFF  }
0xac: {  	[dreg:$0x1] =	wrdreg $0xFFFFFFFF  }
0xad: {  	[dreg:$0x0] =	wrdreg $0x60  }
0xae: {  	[dreg:$0x2] =	wrdreg s24  }
0xaf: {  	[dreg:$0x3] =	wrdreg s2  }
0xb0: {  	[dreg:$0x4] =	wrdreg $0x9  }
0xb1: {  	_ =	task.clear_ibuf [dreg:s7], $0x5FFFF;
	_ =	strace $0x90000049  }
0xb2: {  	s29 =	simm.s32 $0x9;
	_ =	strace $0x8000004B  }
0xb3: {  	_ =	swait.ge [sflag:s29], $0x1  }
0xb4: {  	[sflag:s29] =	ssyncadd.s32 $0xFFFFFFFF  }
0xb5: {  	_ =	strace $0x9000004B  }
0xb6: {  	_ =	sfence  }
0xb7: {  	s30 =	sld [smem:$0x0];
	_ =	sdelay $0x2  }
0xb8: {  	s31 =	sshll.u32 s1, $0xD;
	s1 =	sshrl.u32 s1, $0x2  }
0xb9: {  	s3 =	sand.u32 $0x4000, s31;
	s1 =	sadd.s32 s1, s30  }
0xba: {  	s0 =	sor.u32 s3, s0;
	s1 =	sshll.u32 s1, $0x11  }
0xbb: {  	s0 =	sor.u32 s1, s0  }
0xbc: {  	s0 =	sadd.s32 $0x8F2B, s0  }
0xbd: {  	[sflag:s0] =	ssyncadd.remote.s32 $0x1  }
0xbe: {  	_ =	sfence.sel $0xFFFF  }
0xbf: {  	[dreg:$0x0] =	wrdreg $0xFFFFFFFF;
	(pc) =	sbr.abs _section_cstart, $3  }
0xc0: {  	[dreg:$0x1] =	wrdreg $0xFFFFFFFF  }
0xc1: {  	_ =	task.clear_ibuf [dreg:s7], $0x2FFFF;
	_ =	strace $0x9FFFFFFF  }
0xc2: {  	(tm) =	ssettm $0x7FFFFFFF  }
0xc3: {  	_ =	shalt  }
tec
execute0_lowered:
.L_overlay_start_1:
0x0: {  	(tag) =	ssettag $0x1  }
0x1: {  	s0 =	rddreg [dreg:$0x0]  }
0x2: {  	s2 =	rddreg [dreg:$0x1];
	s1 =	stileid.u32  }
0x3: {  	s4 =	srdreg.scid;
	s3 =	simm.s32 $0x0;
	s15 =	simm.s32 $0x1  }
0x4: {  	s18 =	simm.s32 $0x10F80;
	s19 =	simm.s32 $0x13F00;
	s20 =	simm.s32 $0x2  }
0x5: {  	s21 =	simm.s32 $0x4;
	s28 =	simm.s32 $0x3;
	s29 =	simm.s32 $0x5  }
0x6: {  	s30 =	simm.s32 $0x6;
	s1 =	smul.u32 $0x5000, s1;
	s4 =	sand.u32 $0x1, s4  }
0x7: {  	s31 =	simm.s32 $0x0;
	[smem:$0x7FF] =	sst s3;
	s6 =	smul.u32 $0xA0000, s4  }
0x8: {  	_ =	strace $0x8000004A;
	s22 =	ssub.s32 $0x2, s4;
	s11 =	smul.u32 $0x27100, s4  }
0x9: {  	s4 =	sadd.s32 $0x20E00, s0;
	s5 =	sshrl.u32 s1, $0x3;
	s7 =	sshrl.u32 s22, $0x1  }
0xa: {  	s5 =	sadd.s32 s5, s0;
	s1 =	sadd.s32 s1, s6;
	s23 =	ssub.s32 s22, s7  }
0xb: {  	s24 =	sshrl.u32 s11, $0x3;
	s25 =	sadd.s32 $0x1F40, s11;
	s26 =	sshrl.u32 s11, $0x4  }
0xc: {  	s10 =	sadd.s32 $0x3E80, s11;
	s11 =	sadd.s32 $0x5DC0, s11;
	s22 =	simm.s32 $0x5000  }
0xd: {  	s1 =	sshrl.u32 s1, $0x3;
	s5 =	sadd.s32 $0x3400, s5;
	s6 =	sadd.s32 s2, s24  }
.Ltmp0:
0xe: {  	s8 =	sshrl.u32 s25, $0x3;
	s7 =	sadd.s32 s4, s26;
	(pc) =	sbr.rel .LBB2_1-.Ltmp0, $4  }
0xf: {  	s14 =	smax.u32 s23, $0x1;
	s23 =	simm.s32 $0xA000;
	s24 =	simm.s32 $0x2800  }
0x10: {  	s26 =	simm.s32 $0xC800;
	s0 =	sadd.s32 s1, s0;
	[dreg:$0x3] =	wrdreg s5  }
0x11: {  	s5 =	sshrl.u32 s25, $0x4;
	s8 =	sadd.s32 s2, s8;
	s25 =	simm.s32 $0x7800  }
0x12: {  	v0 =	vimm.f32 $0.0e+00;
	s9 =	sadd.s32 s4, s5;
	s12 =	sadd.s32 $0x25E00, s0;
	s13 =	sadd.s32 $0x2FE00, s0  }
.LBB2_10:
0x13: {  	[hbm4b:s12+s3] =	stream.linear.scatter [tilespmem:s22], [sflag:$0x6], $0x5000, $0x38;
	[tilespmem:$0x14F00] =	vst v63  }
0x14: {  	s31 =	sadd.s32 $0x1, s31;
	_ =	swait.ge [sflag:s30], $0x5000  }
0x15: {  	p0 =	sne.s32 s31, s14;
	[sflag:s30] =	ssyncset.done $0x0  }
.Ltmp1:
0x16: {  	[sflag:s30] =	ssyncadd.s32 $0xFFFFB000;
	(pc) =	sbr.rel @!p0 .LBB2_11-.Ltmp1, $4  }
0x17: {  	[hbm4b:s13+s3] =	stream.linear.scatter [tilespmem:s23], [sflag:$0x6], $0x5000, $0x38;
	[tilespmem:$0x14F00] =	vst v63  }
0x18: {  	_ =	swait.ge [sflag:s30], $0x5000  }
0x19: {  	[sflag:s30] =	ssyncset.done $0x0  }
0x1a: {  	[sflag:s30] =	ssyncadd.s32 $0xFFFFB000  }
.LBB2_1:
0x1b: {  	s0 =	rddreg [dreg:$0x3]  }
0x1c: {  	[tilespmem:s3], [sflag:$0x1] =	stream.linear.gather [hbm4b:s0+s3], $0x5000, $0x38;
	[tilespmem:$0x14F00] =	vst v63  }
0x1d: {  	s0 =	simm.s32 $0x5040  }
0x1e: {  	[tilespmem:s0+$0xFFFFFFC0] =	vst v0  }
0x1f: {  	[tilespmem:s0+$0x30] =	vst v0  }
0x20: {  	[tilespmem:s0+$0x20] =	vst v0  }
0x21: {  	[tilespmem:s0+$0x10] =	vst v0  }
0x22: {  	[tilespmem:s0+$0x0] =	vst v0  }
0x23: {  	[tilespmem:s0+$0xFFFFFFF0] =	vst v0  }
0x24: {  	s1 =	simm.s32 $0x0;
	[tilespmem:s0+$0xFFFFFFE0] =	vst v0  }
.LBB2_2:
0x25: {  	s1 =	sadd.s32 $0x8, s1;
	[tilespmem:s0+$0xFFFFFFD0] =	vst v0;
	s0 =	sadd.s32 $0x80, s0  }
0x26: {  	[tilespmem:s0+$0xFFFFFFC0] =	vst v0;
	p0 =	slt.u32 s1, $0x9F8  }
0x27: {  	[tilespmem:s0+$0x30] =	vst v0  }
.Ltmp2:
0x28: {  	[tilespmem:s0+$0x20] =	vst v0;
	(pc) =	sbr.rel @p0 .LBB2_2-.Ltmp2, $4  }
0x29: {  	[tilespmem:s0+$0x10] =	vst v0  }
0x2a: {  	[tilespmem:s0+$0x0] =	vst v0  }
0x2b: {  	[tilespmem:s0+$0xFFFFFFF0] =	vst v0  }
0x2c: {  	[tilespmem:s0+$0xFFFFFFE0] =	vst v0  }
0x2d: {  	[tilespmem:s0+$0xFFFFFFD0] =	vst v0  }
0x2e: {  	_ =	swait.ge [sflag:s15], $0x5000  }
0x2f: {  	[sflag:s15] =	ssyncset.done $0x0  }
0x30: {  	s1 =	simm.s32 $0x0;
	s16 =	simm.s32 $0xF000;
	[sflag:s15] =	ssyncadd.s32 $0xFFFFB000  }
0x31: {  	[tilespmem:s16], [sflag:$0x2] =	stream.linear.gather [hbm4b:s6+s1], $0x1F40, $0x38;
	[tilespmem:$0x14F00] =	vst v63  }
0x32: {  	s17 =	simm.s32 $0x12F00  }
0x33: {  	[tilespmem:s17], [sflag:$0x4] =	stream.linear.gather [hbm4b:s7+s1], $0xFA0, $0x38;
	[tilespmem:$0x14F00] =	vst v63  }
0x34: {  	_ = 	snop  }
0x35: {  	[tilespmem:s18], [sflag:$0x3] =	stream.linear.gather [hbm4b:s8+s1], $0x1F40, $0x38;
	[tilespmem:$0x14F00] =	vst v63  }
0x36: {  	_ = 	snop  }
0x37: {  	[tilespmem:s19], [sflag:$0x5] =	stream.linear.gather [hbm4b:s9+s1], $0xFA0, $0x38;
	[tilespmem:$0x14F00] =	vst v63  }
.LBB2_4:
0x38: {  	_ =	swait.ge [sflag:s20], $0x1F40  }
0x39: {  	[sflag:s20] =	ssyncset.done $0x0  }
0x3a: {  	[sflag:s20] =	ssyncadd.s32 $0xFFFFE0C0  }
0x3b: {  	_ =	swait.ge [sflag:s21], $0xFA0  }
0x3c: {  	[sflag:s21] =	ssyncset.done $0x0  }
0x3d: {  	s0 =	simm.s32 $0xFFB0;
	[sflag:s21] =	ssyncadd.s32 $0xFFFFF060  }
0x3e: {  	v1 =	vld [tilespmem:s0+$0xFFFFF060];
	_ =	sdelay $0x4  }
0x3f: {  	v2 =	vld [tilespmem:s0+$0xFFFFF050];
	v3 =	vand.u32 $0x3FFF, v1;
	_ =	sdelay $0x2  }
0x40: {  	s5 =	simm.s32 $0x12F10  }
0x41: {  	v6 =	vld [tilespmem:s5+$0x0]  }
0x42: {  	v4 =	vand.u32 $0x3FFF, v2;
	v5 =	vld.idx.msk [tilespmem:v3+s3+$0x0], $0xffff;
	_ =	sdelay $0x2  }
0x43: {  	v1 =	vshrl.u32 v1, $0xE  }
0x44: {  	v7 =	vld [tilespmem:s5+$0xFFFFFFF0]  }
0x45: {  	v9 =	vshll.u32 v6, $0x10;
	v8 =	vld.idx.msk [tilespmem:v4+s3+$0x0], $0xffff;
	v10 =	vshll.u32 v5, $0x10  }
0x46: {  	v5 =	vand.u32 $0xFFFF0000, v5;
	v10 =	vmul.f32 v10, v9  }
0x47: {  	v5 =	vmul.f32 v5, v9  }
0x48: {  	v2 =	vshrl.u32 v2, $0xE;
	[tilespmem:v1+s22+$0x0] =	vst.idx.add.f32.msk $0xffff, v10  }
0x49: {  	[tilespmem:v1+s23+$0x0] =	vst.idx.add.f32.msk $0xffff, v5  }
0x4a: {  	v10 =	vshll.u32 v7, $0x10;
	v5 =	vshll.u32 v8, $0x10;
	v3 =	vld.idx.msk [tilespmem:v3+s24+$0x0], $0xffff  }
0x4b: {  	v8 =	vand.u32 $0xFFFF0000, v8;
	v5 =	vmul.f32 v5, v10  }
0x4c: {  	v8 =	vmul.f32 v8, v10  }
0x4d: {  	[tilespmem:v2+s22+$0x0] =	vst.idx.add.f32.msk $0xffff, v5  }
0x4e: {  	s16 =	simm.s32 $0xFFD0;
	[tilespmem:v2+s23+$0x0] =	vst.idx.add.f32.msk $0xffff, v8  }
0x4f: {  	v8 =	vld [tilespmem:s16+$0xFFFFF060];
	v5 =	vshll.u32 v3, $0x10  }
0x50: {  	v4 =	vld.idx.msk [tilespmem:v4+s24+$0x0], $0xffff;
	v3 =	vand.u32 $0xFFFF0000, v3;
	v5 =	vmul.f32 v5, v9  }
0x51: {  	v3 =	vmul.f32 v3, v9  }
0x52: {  	[tilespmem:v1+s25+$0x0] =	vst.idx.add.f32.msk $0xffff, v5  }
0x53: {  	[tilespmem:v1+s26+$0x0] =	vst.idx.add.f32.msk $0xffff, v3  }
0x54: {  	v3 =	vld [tilespmem:s0+$0x0]  }
0x55: {  	v9 =	vand.u32 $0x3FFF, v8;
	v1 =	vshll.u32 v4, $0x10  }
0x56: {  	s17 =	simm.s32 $0x12F30;
	v5 =	vld [tilespmem:s16+$0xFFFFF050];
	v4 =	vand.u32 $0xFFFF0000, v4;
	v1 =	vmul.f32 v1, v10  }
0x57: {  	v11 =	vld [tilespmem:s17+$0x0];
	v4 =	vmul.f32 v4, v10  }
0x58: {  	[tilespmem:v2+s25+$0x0] =	vst.idx.add.f32.msk $0xffff, v1  }
0x59: {  	[tilespmem:v2+s26+$0x0] =	vst.idx.add.f32.msk $0xffff, v4;
	v2 =	vand.u32 $0x3FFF, v3  }
0x5a: {  	v4 =	vld.idx.msk [tilespmem:v9+s3+$0x0], $0xffff  }
0x5b: {  	v10 =	vand.u32 $0x3FFF, v5;
	v1 =	vld [tilespmem:s0+$0xFFFFFFF0];
	_ =	sdelay $0x1  }
0x5c: {  	v8 =	vshrl.u32 v8, $0xE  }
0x5d: {  	v12 =	vld.idx.msk [tilespmem:v2+s3+$0x0], $0xffff  }
0x5e: {  	v15 =	vld [tilespmem:s17+$0xFFFFFFF0];
	v16 =	vshll.u32 v11, $0x10;
	v17 =	vshll.u32 v4, $0x10  }
0x5f: {  	v14 =	vld.idx.msk [tilespmem:v10+s3+$0x0], $0xffff;
	v4 =	vand.u32 $0xFFFF0000, v4;
	v13 =	vand.u32 $0x3FFF, v1;
	v17 =	vmul.f32 v17, v16  }
0x60: {  	v3 =	vshrl.u32 v3, $0xE;
	v4 =	vmul.f32 v4, v16  }
0x61: {  	[tilespmem:v8+s22+$0x0] =	vst.idx.add.f32.msk $0xffff, v17  }
0x62: {  	v6 =	vand.u32 $0xFFFF0000, v6;
	v5 =	vshrl.u32 v5, $0xE;
	[tilespmem:v8+s23+$0x0] =	vst.idx.add.f32.msk $0xffff, v4;
	v17 =	vshll.u32 v12, $0x10  }
0x63: {  	v9 =	vld.idx.msk [tilespmem:v9+s24+$0x0], $0xffff;
	v12 =	vand.u32 $0xFFFF0000, v12;
	v4 =	vmul.f32 v17, v6  }
0x64: {  	v19 =	vshll.u32 v14, $0x10;
	v18 =	vld.idx.msk [tilespmem:v13+s3+$0x0], $0xffff;
	v17 =	vshll.u32 v15, $0x10;
	v12 =	vmul.f32 v12, v6  }
0x65: {  	v19 =	vmul.f32 v19, v17;
	[tilespmem:v3+s22+$0x0] =	vst.idx.add.f32.msk $0xffff, v4  }
0x66: {  	v14 =	vand.u32 $0xFFFF0000, v14;
	[tilespmem:v3+s23+$0x0] =	vst.idx.add.f32.msk $0xffff, v12  }
0x67: {  	s0 =	simm.s32 $0xFFF0;
	v4 =	vmul.f32 v14, v17;
	[tilespmem:v5+s22+$0x0] =	vst.idx.add.f32.msk $0xffff, v19  }
0x68: {  	v1 =	vshrl.u32 v1, $0xE;
	v12 =	vld [tilespmem:s0+$0xFFFFF060]  }
0x69: {  	[tilespmem:v5+s23+$0x0] =	vst.idx.add.f32.msk $0xffff, v4  }
0x6a: {  	v19 =	vand.u32 $0xFFFF0000, v7;
	v4 =	vshll.u32 v18, $0x10;
	v7 =	vld.idx.msk [tilespmem:v10+s24+$0x0], $0xffff  }
0x6b: {  	v4 =	vmul.f32 v4, v19;
	v10 =	vshll.u32 v9, $0x10  }
0x6c: {  	v2 =	vld.idx.msk [tilespmem:v2+s24+$0x0], $0xffff;
	v9 =	vand.u32 $0xFFFF0000, v9;
	v10 =	vmul.f32 v10, v16  }
0x6d: {  	[tilespmem:v1+s22+$0x0] =	vst.idx.add.f32.msk $0xffff, v4;
	v4 =	vmul.f32 v9, v16  }
0x6e: {  	[tilespmem:v8+s25+$0x0] =	vst.idx.add.f32.msk $0xffff, v10;
	v10 =	vand.u32 $0x3FFF, v12  }
0x6f: {  	[tilespmem:v8+s26+$0x0] =	vst.idx.add.f32.msk $0xffff, v4;
	v4 =	vshll.u32 v7, $0x10  }
0x70: {  	v9 =	vld [tilespmem:s0+$0xFFFFF050];
	v4 =	vmul.f32 v4, v17  }
0x71: {  	v8 =	vld [tilespmem:s16+$0x0];
	v7 =	vand.u32 $0xFFFF0000, v7  }
0x72: {  	v14 =	vshll.u32 v2, $0x10;
	v7 =	vmul.f32 v7, v17;
	[tilespmem:v5+s25+$0x0] =	vst.idx.add.f32.msk $0xffff, v4  }
0x73: {  	v4 =	vmul.f32 v14, v6;
	v14 =	vld.idx.msk [tilespmem:v10+s3+$0x0], $0xffff  }
0x74: {  	[tilespmem:v5+s26+$0x0] =	vst.idx.add.f32.msk $0xffff, v7  }
0x75: {  	v5 =	vld [tilespmem:s16+$0xFFFFFFF0]  }
0x76: {  	v2 =	vand.u32 $0xFFFF0000, v2;
	[tilespmem:v3+s25+$0x0] =	vst.idx.add.f32.msk $0xffff, v4;
	v4 =	vand.u32 $0x3FFF, v8;
	s16 =	simm.s32 $0x12F50  }
0x77: {  	v2 =	vmul.f32 v2, v6;
	v7 =	vand.u32 $0xFFFF0000, v18;
	v6 =	vld [tilespmem:s16+$0x0]  }
0x78: {  	v7 =	vmul.f32 v7, v19  }
0x79: {  	v16 =	vand.u32 $0x3FFF, v9;
	[tilespmem:v3+s26+$0x0] =	vst.idx.add.f32.msk $0xffff, v2  }
0x7a: {  	v12 =	vshrl.u32 v12, $0xE;
	[tilespmem:v1+s23+$0x0] =	vst.idx.add.f32.msk $0xffff, v7  }
0x7b: {  	v2 =	vand.u32 $0x3FFF, v5;
	v3 =	vld.idx.msk [tilespmem:v4+s3+$0x0], $0xffff  }
0x7c: {  	v18 =	vld.idx.msk [tilespmem:v13+s24+$0x0], $0xffff;
	v7 =	vshll.u32 v14, $0x10;
	v13 =	vshll.u32 v6, $0x10  }
0x7d: {  	v17 =	vld [tilespmem:s16+$0xFFFFFFF0];
	v21 =	vmul.f32 v7, v13  }
0x7e: {  	v20 =	vld.idx.msk [tilespmem:v16+s3+$0x0], $0xffff;
	v14 =	vand.u32 $0xFFFF0000, v14;
	v7 =	vshrl.u32 v8, $0xE  }
0x7f: {  	v14 =	vmul.f32 v14, v13;
	[tilespmem:v12+s22+$0x0] =	vst.idx.add.f32.msk $0xffff, v21  }
0x80: {  	v11 =	vand.u32 $0xFFFF0000, v11;
	v22 =	vld.idx.msk [tilespmem:v2+s3+$0x0], $0xffff;
	v62 =	vshll.u32 v3, $0x10  }
0x81: {  	v8 =	vshrl.u32 v9, $0xE;
	[tilespmem:v12+s23+$0x0] =	vst.idx.add.f32.msk $0xffff, v14;
	v3 =	vand.u32 $0xFFFF0000, v3;
	v9 =	vmul.f32 v62, v11  }
0x82: {  	v63 =	vld.idx.msk [tilespmem:v10+s24+$0x0], $0xffff;
	v10 =	vmul.f32 v3, v11  }
0x83: {  	v23 =	vshll.u32 v20, $0x10;
	v14 =	vshll.u32 v17, $0x10;
	[tilespmem:v7+s22+$0x0] =	vst.idx.add.f32.msk $0xffff, v9  }
0x84: {  	v3 =	vshrl.u32 v5, $0xE;
	v9 =	vand.u32 $0xFFFF0000, v20;
	v20 =	vmul.f32 v23, v14;
	[tilespmem:v7+s23+$0x0] =	vst.idx.add.f32.msk $0xffff, v10  }
0x85: {  	v5 =	vand.u32 $0xFFFF0000, v15;
	v9 =	vmul.f32 v9, v14;
	v15 =	vld.idx.msk [tilespmem:v4+s24+$0x0], $0xffff  }
0x86: {  	v10 =	vshll.u32 v18, $0x10;
	v4 =	vand.u32 $0xFFFF0000, v17;
	v17 =	vshll.u32 v22, $0x10;
	[tilespmem:v8+s22+$0x0] =	vst.idx.add.f32.msk $0xffff, v20  }
0x87: {  	v18 =	vand.u32 $0xFFFF0000, v18;
	v10 =	vmul.f32 v10, v19;
	v20 =	vmul.f32 v17, v5;
	[tilespmem:v8+s23+$0x0] =	vst.idx.add.f32.msk $0xffff, v9  }
0x88: {  	v9 =	vmul.f32 v18, v19;
	v18 =	vand.u32 $0xFFFF0000, v22;
	v19 =	vshll.u32 v63, $0x10;
	v17 =	vld.idx.msk [tilespmem:v16+s24+$0x0], $0xffff  }
0x89: {  	s17 =	simm.s32 $0x4;
	s5 =	simm.s32 $0x10010;
	v16 =	vmul.f32 v18, v5;
	v18 =	vmul.f32 v19, v13;
	v19 =	vand.u32 $0xFFFF0000, v63;
	[tilespmem:v3+s22+$0x0] =	vst.idx.add.f32.msk $0xffff, v20  }
.LBB2_5:
0x8a: {  	v20 =	vld [tilespmem:s5+$0xFFFFF060];
	v13 =	vmul.f32 v19, v13  }
0x8b: {  	[tilespmem:v12+s25+$0x0] =	vst.idx.add.f32.msk $0xffff, v18;
	v18 =	vshll.u32 v15, $0x10  }
0x8c: {  	[tilespmem:v12+s26+$0x0] =	vst.idx.add.f32.msk $0xffff, v13;
	v12 =	vmul.f32 v18, v11;
	v13 =	vand.u32 $0xFFFF0000, v15  }
0x8d: {  	v15 =	vld [tilespmem:s0+$0x0];
	v11 =	vmul.f32 v13, v11  }
0x8e: {  	v13 =	vshll.u32 v17, $0x10;
	v17 =	vand.u32 $0xFFFF0000, v17;
	[tilespmem:v7+s25+$0x0] =	vst.idx.add.f32.msk $0xffff, v12  }
0x8f: {  	v12 =	vmul.f32 v13, v14;
	v13 =	vmul.f32 v17, v14;
	[tilespmem:v7+s26+$0x0] =	vst.idx.add.f32.msk $0xffff, v11  }
0x90: {  	s17 =	sadd.s32 $0x2, s17;
	v17 =	vand.u32 $0x3FFF, v20;
	v7 =	vld [tilespmem:s5+$0xFFFFF050]  }
0x91: {  	p0 =	slt.u32 s17, $0xF8;
	[tilespmem:v8+s25+$0x0] =	vst.idx.add.f32.msk $0xffff, v12  }
0x92: {  	[tilespmem:v8+s26+$0x0] =	vst.idx.add.f32.msk $0xffff, v13  }
0x93: {  	v18 =	vand.u32 $0x3FFF, v15;
	v11 =	vld [tilespmem:s0+$0xFFFFFFF0];
	s0 =	smov.u32 s5  }
0x94: {  	[tilespmem:v3+s23+$0x0] =	vst.idx.add.f32.msk $0xffff, v16  }
0x95: {  	s16 =	sadd.s32 $0x20, s16;
	v8 =	vshrl.u32 v7, $0xE;
	v19 =	vand.u32 $0x3FFF, v7;
	v7 =	vld.idx.msk [tilespmem:v17+s3+$0x0], $0xffff  }
0x96: {  	v16 =	vld [tilespmem:s16+$0x0]  }
0x97: {  	v21 =	vld [tilespmem:s16+$0xFFFFFFF0]  }
0x98: {  	v22 =	vshrl.u32 v11, $0xE;
	v11 =	vand.u32 $0x3FFF, v11;
	v23 =	vld.idx.msk [tilespmem:v18+s3+$0x0], $0xffff  }
0x99: {  	v12 =	vshrl.u32 v20, $0xE;
	v20 =	vld.idx.msk [tilespmem:v2+s24+$0x0], $0xffff;
	v2 =	vmov v11  }
0x9a: {  	v24 =	vld.idx.msk [tilespmem:v19+s3+$0x0], $0xffff  }
0x9b: {  	v14 =	vshll.u32 v7, $0x10;
	v13 =	vshll.u32 v16, $0x10;
	[tilespmem:v1+s25+$0x0] =	vst.idx.add.f32.msk $0xffff, v10  }
0x9c: {  	v25 =	vand.u32 $0xFFFF0000, v7;
	v7 =	vshrl.u32 v15, $0xE;
	v10 =	vmul.f32 v14, v13;
	[tilespmem:v1+s26+$0x0] =	vst.idx.add.f32.msk $0xffff, v9;
	v1 =	vmovc v3  }
0x9d: {  	v14 =	vshll.u32 v21, $0x10;
	v21 =	vand.u32 $0xFFFF0000, v21;
	v9 =	vmul.f32 v25, v13;
	v3 =	vmovc v22;
	v15 =	vld.idx.msk [tilespmem:v11+s3+$0x0], $0xffff  }
0x9e: {  	v11 =	vand.u32 $0xFFFF0000, v6;
	v6 =	vmov v16;
	[tilespmem:v12+s22+$0x0] =	vst.idx.add.f32.msk $0xffff, v10;
	v10 =	vshll.u32 v23, $0x10  }
0x9f: {  	v16 =	vshll.u32 v20, $0x10;
	[tilespmem:v12+s23+$0x0] =	vst.idx.add.f32.msk $0xffff, v9;
	v9 =	vmul.f32 v10, v11;
	v10 =	vand.u32 $0xFFFF0000, v23  }
0xa0: {  	v22 =	vshll.u32 v24, $0x10;
	v23 =	vand.u32 $0xFFFF0000, v24;
	v24 =	vld.idx.msk [tilespmem:v17+s24+$0x0], $0xffff;
	v10 =	vmul.f32 v10, v11  }
0xa1: {  	v17 =	vmul.f32 v22, v14;
	v22 =	vmul.f32 v23, v14;
	[tilespmem:v7+s22+$0x0] =	vst.idx.add.f32.msk $0xffff, v9;
	v9 =	vand.u32 $0xFFFF0000, v20  }
0xa2: {  	[tilespmem:v7+s23+$0x0] =	vst.idx.add.f32.msk $0xffff, v10;
	v10 =	vmul.f32 v16, v5;
	v9 =	vmul.f32 v9, v5;
	v5 =	vmov v4  }
.Ltmp3:
0xa3: {  	v16 =	vshll.u32 v15, $0x10;
	v20 =	vand.u32 $0xFFFF0000, v15;
	v4 =	vmov v21;
	v15 =	vld.idx.msk [tilespmem:v18+s24+$0x0], $0xffff;
	(pc) =	sbr.rel @p0 .LBB2_5-.Ltmp3, $4  }
0xa4: {  	v21 =	vmul.f32 v16, v5;
	v16 =	vmul.f32 v20, v5;
	[tilespmem:v8+s22+$0x0] =	vst.idx.add.f32.msk $0xffff, v17  }
0xa5: {  	[tilespmem:v8+s23+$0x0] =	vst.idx.add.f32.msk $0xffff, v22  }
0xa6: {  	v18 =	vshll.u32 v24, $0x10;
	v17 =	vld.idx.msk [tilespmem:v19+s24+$0x0], $0xffff  }
0xa7: {  	s5 =	sadd.s32 $0x20, s5;
	v18 =	vmul.f32 v18, v13;
	v19 =	vand.u32 $0xFFFF0000, v24;
	[tilespmem:v3+s22+$0x0] =	vst.idx.add.f32.msk $0xffff, v21  }
0xa8: {  	_ =	sdelay $0x2  }
0xa9: {  	v13 =	vmul.f32 v19, v13  }
0xaa: {  	[tilespmem:v12+s25+$0x0] =	vst.idx.add.f32.msk $0xffff, v18  }
0xab: {  	[tilespmem:v12+s26+$0x0] =	vst.idx.add.f32.msk $0xffff, v13;
	v12 =	vshll.u32 v17, $0x10  }
0xac: {  	v13 =	vld [tilespmem:s0+$0x0];
	v17 =	vand.u32 $0xFFFF0000, v17;
	v12 =	vmul.f32 v12, v14  }
0xad: {  	v14 =	vmul.f32 v17, v14  }
0xae: {  	[tilespmem:v8+s25+$0x0] =	vst.idx.add.f32.msk $0xffff, v12  }
0xaf: {  	[tilespmem:v8+s26+$0x0] =	vst.idx.add.f32.msk $0xffff, v14  }
0xb0: {  	v8 =	vld [tilespmem:s0+$0xFFFFFFF0]  }
0xb1: {  	v12 =	vand.u32 $0x3FFF, v13;
	_ =	sdelay $0x3  }
0xb2: {  	v14 =	vand.u32 $0x3FFF, v8  }
0xb3: {  	v17 =	vld.idx.msk [tilespmem:v12+s3+$0x0], $0xffff;
	_ =	sdelay $0x2  }
0xb4: {  	v18 =	vshll.u32 v15, $0x10;
	v13 =	vshrl.u32 v13, $0xE  }
0xb5: {  	v18 =	vmul.f32 v18, v11;
	v19 =	vld.idx.msk [tilespmem:v14+s3+$0x0], $0xffff  }
0xb6: {  	v6 =	vand.u32 $0xFFFF0000, v6;
	[tilespmem:v3+s23+$0x0] =	vst.idx.add.f32.msk $0xffff, v16;
	v20 =	vshll.u32 v17, $0x10  }
0xb7: {  	[tilespmem:v7+s25+$0x0] =	vst.idx.add.f32.msk $0xffff, v18;
	v17 =	vand.u32 $0xFFFF0000, v17;
	v18 =	vmul.f32 v20, v6  }
0xb8: {  	[tilespmem:v1+s25+$0x0] =	vst.idx.add.f32.msk $0xffff, v10;
	v8 =	vshrl.u32 v8, $0xE;
	v16 =	vmul.f32 v17, v6  }
0xb9: {  	[tilespmem:v13+s22+$0x0] =	vst.idx.add.f32.msk $0xffff, v18  }
0xba: {  	[tilespmem:v13+s23+$0x0] =	vst.idx.add.f32.msk $0xffff, v16;
	v16 =	vshll.u32 v19, $0x10  }
0xbb: {  	v2 =	vld.idx.msk [tilespmem:v2+s24+$0x0], $0xffff;
	v17 =	vand.u32 $0xFFFF0000, v19;
	v16 =	vmul.f32 v16, v4  }
0xbc: {  	v12 =	vld.idx.msk [tilespmem:v12+s24+$0x0], $0xffff;
	v17 =	vmul.f32 v17, v4  }
0xbd: {  	[tilespmem:v8+s22+$0x0] =	vst.idx.add.f32.msk $0xffff, v16  }
0xbe: {  	[tilespmem:v8+s23+$0x0] =	vst.idx.add.f32.msk $0xffff, v17  }
0xbf: {  	v15 =	vand.u32 $0xFFFF0000, v15;
	v14 =	vld.idx.msk [tilespmem:v14+s24+$0x0], $0xffff  }
0xc0: {  	[tilespmem:v1+s26+$0x0] =	vst.idx.add.f32.msk $0xffff, v9;
	v11 =	vmul.f32 v15, v11;
	v1 =	vshll.u32 v2, $0x10  }
0xc1: {  	v2 =	vand.u32 $0xFFFF0000, v2;
	v1 =	vmul.f32 v1, v5  }
0xc2: {  	[tilespmem:v7+s26+$0x0] =	vst.idx.add.f32.msk $0xffff, v11;
	v2 =	vmul.f32 v2, v5;
	v7 =	vshll.u32 v12, $0x10  }
0xc3: {  	p0 =	seq.s32 s1, $0x9;
	[tilespmem:v3+s25+$0x0] =	vst.idx.add.f32.msk $0xffff, v1;
	v10 =	vand.u32 $0xFFFF0000, v12;
	v7 =	vmul.f32 v7, v6  }
0xc4: {  	s0 =	smul.u32 @!p0 $0x3E80, s1;
	[tilespmem:v3+s26+$0x0] =	vst.idx.add.f32.msk $0xffff, v2;
	v6 =	vmul.f32 v10, v6;
	v5 =	vshll.u32 v14, $0x10  }
0xc5: {  	[tilespmem:v13+s25+$0x0] =	vst.idx.add.f32.msk $0xffff, v7;
	v1 =	vand.u32 $0xFFFF0000, v14;
	v5 =	vmul.f32 v5, v4  }
0xc6: {  	s0 =	sadd.s32 @!p0 s0, s10;
	[tilespmem:v13+s26+$0x0] =	vst.idx.add.f32.msk $0xffff, v6;
	v1 =	vmul.f32 v1, v4  }
0xc7: {  	s16 =	simm.s32 @!p0 $0x0;
	s5 =	sshrl.u32 @!p0 s0, $0x3;
	[tilespmem:v8+s25+$0x0] =	vst.idx.add.f32.msk $0xffff, v5  }
0xc8: {  	s17 =	simm.s32 @!p0 $0xF000;
	s0 =	sshrl.u32 @!p0 s0, $0x4;
	s5 =	sadd.s32 @!p0 s2, s5;
	[tilespmem:v8+s26+$0x0] =	vst.idx.add.f32.msk $0xffff, v1  }
0xc9: {  	[tilespmem:s17], [sflag:$0x2] =	stream.linear.gather @!p0 [hbm4b:s5+s16], $0x1F40, $0x38;
	[tilespmem:$0x14F00] =	vst v63  }
0xca: {  	s0 =	sadd.s32 @!p0 s4, s0;
	s5 =	simm.s32 @!p0 $0x12F00  }
0xcb: {  	[tilespmem:s5], [sflag:$0x4] =	stream.linear.gather @!p0 [hbm4b:s0+s16], $0xFA0, $0x38;
	[tilespmem:$0x14F00] =	vst v63  }
0xcc: {  	_ =	swait.ge [sflag:s28], $0x1F40  }
0xcd: {  	[sflag:s28] =	ssyncset.done $0x0  }
0xce: {  	[sflag:s28] =	ssyncadd.s32 $0xFFFFE0C0  }
0xcf: {  	_ =	swait.ge [sflag:s29], $0xFA0  }
0xd0: {  	[sflag:s29] =	ssyncset.done $0x0  }
0xd1: {  	s0 =	simm.s32 $0x11F30;
	[sflag:s29] =	ssyncadd.s32 $0xFFFFF060  }
0xd2: {  	v1 =	vld [tilespmem:s0+$0xFFFFF060];
	_ =	sdelay $0x4  }
0xd3: {  	v2 =	vld [tilespmem:s0+$0xFFFFF050];
	v3 =	vand.u32 $0x3FFF, v1;
	_ =	sdelay $0x2  }
0xd4: {  	s17 =	simm.s32 $0x13F10  }
0xd5: {  	v6 =	vld [tilespmem:s17+$0x0]  }
0xd6: {  	v4 =	vand.u32 $0x3FFF, v2;
	v5 =	vld.idx.msk [tilespmem:v3+s3+$0x0], $0xffff;
	_ =	sdelay $0x2  }
0xd7: {  	v1 =	vshrl.u32 v1, $0xE  }
0xd8: {  	v7 =	vld [tilespmem:s17+$0xFFFFFFF0]  }
0xd9: {  	v9 =	vshll.u32 v6, $0x10;
	v8 =	vld.idx.msk [tilespmem:v4+s3+$0x0], $0xffff;
	v10 =	vshll.u32 v5, $0x10  }
0xda: {  	v5 =	vand.u32 $0xFFFF0000, v5;
	v10 =	vmul.f32 v10, v9  }
0xdb: {  	v5 =	vmul.f32 v5, v9  }
0xdc: {  	v2 =	vshrl.u32 v2, $0xE;
	[tilespmem:v1+s22+$0x0] =	vst.idx.add.f32.msk $0xffff, v10  }
0xdd: {  	[tilespmem:v1+s23+$0x0] =	vst.idx.add.f32.msk $0xffff, v5  }
0xde: {  	v10 =	vshll.u32 v7, $0x10;
	v5 =	vshll.u32 v8, $0x10;
	v3 =	vld.idx.msk [tilespmem:v3+s24+$0x0], $0xffff  }
0xdf: {  	v8 =	vand.u32 $0xFFFF0000, v8;
	v5 =	vmul.f32 v5, v10  }
0xe0: {  	v8 =	vmul.f32 v8, v10  }
0xe1: {  	[tilespmem:v2+s22+$0x0] =	vst.idx.add.f32.msk $0xffff, v5  }
0xe2: {  	s16 =	simm.s32 $0x11F50;
	[tilespmem:v2+s23+$0x0] =	vst.idx.add.f32.msk $0xffff, v8  }
0xe3: {  	v8 =	vld [tilespmem:s16+$0xFFFFF060];
	v5 =	vshll.u32 v3, $0x10  }
0xe4: {  	v4 =	vld.idx.msk [tilespmem:v4+s24+$0x0], $0xffff;
	v3 =	vand.u32 $0xFFFF0000, v3;
	v5 =	vmul.f32 v5, v9  }
0xe5: {  	v3 =	vmul.f32 v3, v9  }
0xe6: {  	[tilespmem:v1+s25+$0x0] =	vst.idx.add.f32.msk $0xffff, v5  }
0xe7: {  	[tilespmem:v1+s26+$0x0] =	vst.idx.add.f32.msk $0xffff, v3  }
0xe8: {  	v3 =	vld [tilespmem:s0+$0x0]  }
0xe9: {  	v9 =	vand.u32 $0x3FFF, v8;
	v1 =	vshll.u32 v4, $0x10  }
0xea: {  	s17 =	simm.s32 $0x13F30;
	v5 =	vld [tilespmem:s16+$0xFFFFF050];
	v4 =	vand.u32 $0xFFFF0000, v4;
	v1 =	vmul.f32 v1, v10  }
0xeb: {  	v11 =	vld [tilespmem:s17+$0x0];
	v4 =	vmul.f32 v4, v10  }
0xec: {  	[tilespmem:v2+s25+$0x0] =	vst.idx.add.f32.msk $0xffff, v1  }
0xed: {  	[tilespmem:v2+s26+$0x0] =	vst.idx.add.f32.msk $0xffff, v4;
	v2 =	vand.u32 $0x3FFF, v3  }
0xee: {  	v4 =	vld.idx.msk [tilespmem:v9+s3+$0x0], $0xffff  }
0xef: {  	v10 =	vand.u32 $0x3FFF, v5;
	v1 =	vld [tilespmem:s0+$0xFFFFFFF0];
	_ =	sdelay $0x1  }
0xf0: {  	v8 =	vshrl.u32 v8, $0xE  }
0xf1: {  	v12 =	vld.idx.msk [tilespmem:v2+s3+$0x0], $0xffff  }
0xf2: {  	v15 =	vld [tilespmem:s17+$0xFFFFFFF0];
	v16 =	vshll.u32 v11, $0x10;
	v17 =	vshll.u32 v4, $0x10  }
0xf3: {  	v14 =	vld.idx.msk [tilespmem:v10+s3+$0x0], $0xffff;
	v4 =	vand.u32 $0xFFFF0000, v4;
	v13 =	vand.u32 $0x3FFF, v1;
	v17 =	vmul.f32 v17, v16  }
0xf4: {  	v3 =	vshrl.u32 v3, $0xE;
	v4 =	vmul.f32 v4, v16  }
0xf5: {  	[tilespmem:v8+s22+$0x0] =	vst.idx.add.f32.msk $0xffff, v17  }
0xf6: {  	v6 =	vand.u32 $0xFFFF0000, v6;
	v5 =	vshrl.u32 v5, $0xE;
	[tilespmem:v8+s23+$0x0] =	vst.idx.add.f32.msk $0xffff, v4;
	v17 =	vshll.u32 v12, $0x10  }
0xf7: {  	v9 =	vld.idx.msk [tilespmem:v9+s24+$0x0], $0xffff;
	v12 =	vand.u32 $0xFFFF0000, v12;
	v4 =	vmul.f32 v17, v6  }
0xf8: {  	v19 =	vshll.u32 v14, $0x10;
	v18 =	vld.idx.msk [tilespmem:v13+s3+$0x0], $0xffff;
	v17 =	vshll.u32 v15, $0x10;
	v12 =	vmul.f32 v12, v6  }
0xf9: {  	v19 =	vmul.f32 v19, v17;
	[tilespmem:v3+s22+$0x0] =	vst.idx.add.f32.msk $0xffff, v4  }
0xfa: {  	v14 =	vand.u32 $0xFFFF0000, v14;
	[tilespmem:v3+s23+$0x0] =	vst.idx.add.f32.msk $0xffff, v12  }
0xfb: {  	s0 =	simm.s32 $0x11F70;
	v4 =	vmul.f32 v14, v17;
	[tilespmem:v5+s22+$0x0] =	vst.idx.add.f32.msk $0xffff, v19  }
0xfc: {  	v1 =	vshrl.u32 v1, $0xE;
	v12 =	vld [tilespmem:s0+$0xFFFFF060]  }
0xfd: {  	[tilespmem:v5+s23+$0x0] =	vst.idx.add.f32.msk $0xffff, v4  }
0xfe: {  	v19 =	vand.u32 $0xFFFF0000, v7;
	v4 =	vshll.u32 v18, $0x10;
	v7 =	vld.idx.msk [tilespmem:v10+s24+$0x0], $0xffff  }
0xff: {  	v4 =	vmul.f32 v4, v19;
	v10 =	vshll.u32 v9, $0x10  }
0x100: {  	v2 =	vld.idx.msk [tilespmem:v2+s24+$0x0], $0xffff;
	v9 =	vand.u32 $0xFFFF0000, v9;
	v10 =	vmul.f32 v10, v16  }
0x101: {  	[tilespmem:v1+s22+$0x0] =	vst.idx.add.f32.msk $0xffff, v4;
	v4 =	vmul.f32 v9, v16  }
0x102: {  	[tilespmem:v8+s25+$0x0] =	vst.idx.add.f32.msk $0xffff, v10;
	v10 =	vand.u32 $0x3FFF, v12  }
0x103: {  	[tilespmem:v8+s26+$0x0] =	vst.idx.add.f32.msk $0xffff, v4;
	v4 =	vshll.u32 v7, $0x10  }
0x104: {  	v9 =	vld [tilespmem:s0+$0xFFFFF050];
	v4 =	vmul.f32 v4, v17  }
0x105: {  	v8 =	vld [tilespmem:s16+$0x0];
	v7 =	vand.u32 $0xFFFF0000, v7  }
0x106: {  	v14 =	vshll.u32 v2, $0x10;
	v2 =	vand.u32 $0xFFFF0000, v2;
	v7 =	vmul.f32 v7, v17;
	[tilespmem:v5+s25+$0x0] =	vst.idx.add.f32.msk $0xffff, v4  }
0x107: {  	v2 =	vmul.f32 v2, v6;
	v4 =	vmul.f32 v14, v6;
	v6 =	vld.idx.msk [tilespmem:v10+s3+$0x0], $0xffff  }
0x108: {  	[tilespmem:v5+s26+$0x0] =	vst.idx.add.f32.msk $0xffff, v7  }
0x109: {  	v5 =	vld [tilespmem:s16+$0xFFFFFFF0]  }
0x10a: {  	[tilespmem:v3+s25+$0x0] =	vst.idx.add.f32.msk $0xffff, v4;
	v16 =	vand.u32 $0x3FFF, v8;
	v4 =	vand.u32 $0xFFFF0000, v18;
	s16 =	simm.s32 $0x13F50  }
0x10b: {  	v7 =	vmul.f32 v4, v19;
	v4 =	vld [tilespmem:s16+$0x0]  }
0x10c: {  	v17 =	vand.u32 $0x3FFF, v9;
	[tilespmem:v3+s26+$0x0] =	vst.idx.add.f32.msk $0xffff, v2  }
0x10d: {  	v18 =	vld [tilespmem:s16+$0xFFFFFFF0]  }
0x10e: {  	v12 =	vshrl.u32 v12, $0xE;
	[tilespmem:v1+s23+$0x0] =	vst.idx.add.f32.msk $0xffff, v7  }
0x10f: {  	v2 =	vand.u32 $0x3FFF, v5;
	v3 =	vld.idx.msk [tilespmem:v16+s3+$0x0], $0xffff  }
0x110: {  	v7 =	vshll.u32 v6, $0x10;
	v20 =	vld.idx.msk [tilespmem:v13+s24+$0x0], $0xffff;
	v13 =	vshll.u32 v4, $0x10  }
0x111: {  	v21 =	vld.idx.msk [tilespmem:v17+s3+$0x0], $0xffff;
	v14 =	vmul.f32 v7, v13  }
0x112: {  	v6 =	vand.u32 $0xFFFF0000, v6;
	v7 =	vshrl.u32 v8, $0xE  }
0x113: {  	v6 =	vmul.f32 v6, v13;
	[tilespmem:v12+s22+$0x0] =	vst.idx.add.f32.msk $0xffff, v14  }
0x114: {  	v11 =	vand.u32 $0xFFFF0000, v11;
	v8 =	vshrl.u32 v9, $0xE;
	v22 =	vld.idx.msk [tilespmem:v2+s3+$0x0], $0xffff;
	v14 =	vshll.u32 v3, $0x10  }
0x115: {  	[tilespmem:v12+s23+$0x0] =	vst.idx.add.f32.msk $0xffff, v6;
	v3 =	vand.u32 $0xFFFF0000, v3;
	v6 =	vmul.f32 v14, v11  }
0x116: {  	v23 =	vld.idx.msk [tilespmem:v10+s24+$0x0], $0xffff;
	v9 =	vmul.f32 v3, v11;
	v14 =	vshll.u32 v18, $0x10;
	v10 =	vshll.u32 v21, $0x10  }
0x117: {  	v10 =	vmul.f32 v10, v14;
	[tilespmem:v7+s22+$0x0] =	vst.idx.add.f32.msk $0xffff, v6  }
0x118: {  	v3 =	vshrl.u32 v5, $0xE;
	v6 =	vand.u32 $0xFFFF0000, v21;
	[tilespmem:v7+s23+$0x0] =	vst.idx.add.f32.msk $0xffff, v9  }
0x119: {  	v5 =	vand.u32 $0xFFFF0000, v15;
	v9 =	vmul.f32 v6, v14;
	[tilespmem:v8+s22+$0x0] =	vst.idx.add.f32.msk $0xffff, v10  }
0x11a: {  	v6 =	vand.u32 $0xFFFF0000, v18;
	v15 =	vld.idx.msk [tilespmem:v16+s24+$0x0], $0xffff;
	v16 =	vshll.u32 v20, $0x10;
	v18 =	vshll.u32 v22, $0x10  }
0x11b: {  	v20 =	vand.u32 $0xFFFF0000, v20;
	v10 =	vmul.f32 v16, v19;
	v63 =	vmul.f32 v18, v5;
	[tilespmem:v8+s23+$0x0] =	vst.idx.add.f32.msk $0xffff, v9  }
0x11c: {  	v9 =	vmul.f32 v20, v19;
	v16 =	vand.u32 $0xFFFF0000, v22;
	v18 =	vshll.u32 v23, $0x10;
	v17 =	vld.idx.msk [tilespmem:v17+s24+$0x0], $0xffff  }
0x11d: {  	s5 =	simm.s32 $0x11F90;
	s17 =	simm.s32 $0x4;
	v19 =	vand.u32 $0xFFFF0000, v23;
	v16 =	vmul.f32 v16, v5;
	v18 =	vmul.f32 v18, v13;
	[tilespmem:v3+s22+$0x0] =	vst.idx.add.f32.msk $0xffff, v63  }
.LBB2_7:
0x11e: {  	v20 =	vld [tilespmem:s5+$0xFFFFF060];
	v13 =	vmul.f32 v19, v13  }
0x11f: {  	[tilespmem:v12+s25+$0x0] =	vst.idx.add.f32.msk $0xffff, v18;
	v18 =	vshll.u32 v15, $0x10  }
0x120: {  	[tilespmem:v12+s26+$0x0] =	vst.idx.add.f32.msk $0xffff, v13;
	v12 =	vmul.f32 v18, v11;
	v13 =	vand.u32 $0xFFFF0000, v15  }
0x121: {  	v15 =	vld [tilespmem:s0+$0x0];
	v11 =	vmul.f32 v13, v11  }
0x122: {  	v13 =	vshll.u32 v17, $0x10;
	v17 =	vand.u32 $0xFFFF0000, v17;
	[tilespmem:v7+s25+$0x0] =	vst.idx.add.f32.msk $0xffff, v12  }
0x123: {  	v12 =	vmul.f32 v13, v14;
	v13 =	vmul.f32 v17, v14;
	[tilespmem:v7+s26+$0x0] =	vst.idx.add.f32.msk $0xffff, v11  }
0x124: {  	s17 =	sadd.s32 $0x2, s17;
	v17 =	vand.u32 $0x3FFF, v20;
	v7 =	vld [tilespmem:s5+$0xFFFFF050]  }
0x125: {  	p1 =	slt.u32 s17, $0xF8;
	[tilespmem:v8+s25+$0x0] =	vst.idx.add.f32.msk $0xffff, v12  }
0x126: {  	[tilespmem:v8+s26+$0x0] =	vst.idx.add.f32.msk $0xffff, v13  }
0x127: {  	v18 =	vand.u32 $0x3FFF, v15;
	v11 =	vld [tilespmem:s0+$0xFFFFFFF0];
	s0 =	smov.u32 s5  }
0x128: {  	[tilespmem:v3+s23+$0x0] =	vst.idx.add.f32.msk $0xffff, v16  }
0x129: {  	s16 =	sadd.s32 $0x20, s16;
	v8 =	vshrl.u32 v7, $0xE;
	v19 =	vand.u32 $0x3FFF, v7;
	v7 =	vld.idx.msk [tilespmem:v17+s3+$0x0], $0xffff  }
0x12a: {  	v16 =	vld [tilespmem:s16+$0x0]  }
0x12b: {  	v21 =	vld [tilespmem:s16+$0xFFFFFFF0]  }
0x12c: {  	v22 =	vshrl.u32 v11, $0xE;
	v11 =	vand.u32 $0x3FFF, v11;
	v23 =	vld.idx.msk [tilespmem:v18+s3+$0x0], $0xffff  }
0x12d: {  	v12 =	vshrl.u32 v20, $0xE;
	v20 =	vld.idx.msk [tilespmem:v2+s24+$0x0], $0xffff;
	v2 =	vmov v11  }
0x12e: {  	v24 =	vld.idx.msk [tilespmem:v19+s3+$0x0], $0xffff  }
0x12f: {  	v14 =	vshll.u32 v7, $0x10;
	v13 =	vshll.u32 v16, $0x10;
	[tilespmem:v1+s25+$0x0] =	vst.idx.add.f32.msk $0xffff, v10  }
0x130: {  	v25 =	vand.u32 $0xFFFF0000, v7;
	v7 =	vshrl.u32 v15, $0xE;
	v10 =	vmul.f32 v14, v13;
	[tilespmem:v1+s26+$0x0] =	vst.idx.add.f32.msk $0xffff, v9;
	v1 =	vmovc v3  }
0x131: {  	v14 =	vshll.u32 v21, $0x10;
	v21 =	vand.u32 $0xFFFF0000, v21;
	v9 =	vmul.f32 v25, v13;
	v3 =	vmovc v22;
	v15 =	vld.idx.msk [tilespmem:v11+s3+$0x0], $0xffff  }
0x132: {  	v11 =	vand.u32 $0xFFFF0000, v4;
	v4 =	vmov v16;
	[tilespmem:v12+s22+$0x0] =	vst.idx.add.f32.msk $0xffff, v10;
	v10 =	vshll.u32 v23, $0x10  }
0x133: {  	v16 =	vshll.u32 v20, $0x10;
	[tilespmem:v12+s23+$0x0] =	vst.idx.add.f32.msk $0xffff, v9;
	v9 =	vmul.f32 v10, v11;
	v10 =	vand.u32 $0xFFFF0000, v23  }
0x134: {  	v22 =	vshll.u32 v24, $0x10;
	v23 =	vand.u32 $0xFFFF0000, v24;
	v24 =	vld.idx.msk [tilespmem:v17+s24+$0x0], $0xffff;
	v10 =	vmul.f32 v10, v11  }
0x135: {  	v17 =	vmul.f32 v22, v14;
	v22 =	vmul.f32 v23, v14;
	[tilespmem:v7+s22+$0x0] =	vst.idx.add.f32.msk $0xffff, v9;
	v9 =	vand.u32 $0xFFFF0000, v20  }
0x136: {  	[tilespmem:v7+s23+$0x0] =	vst.idx.add.f32.msk $0xffff, v10;
	v10 =	vmul.f32 v16, v5;
	v9 =	vmul.f32 v9, v5;
	v5 =	vmov v6  }
.Ltmp4:
0x137: {  	v16 =	vshll.u32 v15, $0x10;
	v20 =	vand.u32 $0xFFFF0000, v15;
	v6 =	vmov v21;
	v15 =	vld.idx.msk [tilespmem:v18+s24+$0x0], $0xffff;
	(pc) =	sbr.rel @p1 .LBB2_7-.Ltmp4, $4  }
0x138: {  	v21 =	vmul.f32 v16, v5;
	v16 =	vmul.f32 v20, v5;
	[tilespmem:v8+s22+$0x0] =	vst.idx.add.f32.msk $0xffff, v17  }
0x139: {  	[tilespmem:v8+s23+$0x0] =	vst.idx.add.f32.msk $0xffff, v22  }
0x13a: {  	v18 =	vshll.u32 v24, $0x10;
	v17 =	vld.idx.msk [tilespmem:v19+s24+$0x0], $0xffff  }
0x13b: {  	s5 =	sadd.s32 $0x20, s5;
	v18 =	vmul.f32 v18, v13;
	v19 =	vand.u32 $0xFFFF0000, v24;
	[tilespmem:v3+s22+$0x0] =	vst.idx.add.f32.msk $0xffff, v21  }
0x13c: {  	_ =	sdelay $0x2  }
0x13d: {  	v13 =	vmul.f32 v19, v13  }
0x13e: {  	[tilespmem:v12+s25+$0x0] =	vst.idx.add.f32.msk $0xffff, v18;
	v47 =	vshll.u32 v17, $0x10  }
0x13f: {  	[tilespmem:v12+s26+$0x0] =	vst.idx.add.f32.msk $0xffff, v13;
	v48 =	vand.u32 $0xFFFF0000, v17;
	v12 =	vmul.f32 v47, v14  }
0x140: {  	v13 =	vld [tilespmem:s0+$0x0];
	v49 =	vmul.f32 v48, v14  }
0x141: {  	[tilespmem:v8+s25+$0x0] =	vst.idx.add.f32.msk $0xffff, v12  }
0x142: {  	[tilespmem:v8+s26+$0x0] =	vst.idx.add.f32.msk $0xffff, v49  }
0x143: {  	v8 =	vld [tilespmem:s0+$0xFFFFFFF0];
	_ =	sdelay $0x1  }
0x144: {  	v50 =	vand.u32 $0x3FFF, v13;
	_ =	sdelay $0x2  }
0x145: {  	v51 =	vand.u32 $0x3FFF, v8;
	_ =	sdelay $0x1  }
0x146: {  	v52 =	vld.idx.msk [tilespmem:v50+s3+$0x0], $0xffff;
	_ =	sdelay $0x2  }
0x147: {  	v13 =	vshrl.u32 v13, $0xE;
	v54 =	vld.idx.msk [tilespmem:v51+s3+$0x0], $0xffff;
	_ =	sdelay $0x1  }
0x148: {  	v4 =	vand.u32 $0xFFFF0000, v4;
	[tilespmem:v3+s23+$0x0] =	vst.idx.add.f32.msk $0xffff, v16;
	v20 =	vshll.u32 v52, $0x10  }
0x149: {  	[tilespmem:v1+s25+$0x0] =	vst.idx.add.f32.msk $0xffff, v10;
	v8 =	vshrl.u32 v8, $0xE;
	v17 =	vand.u32 $0xFFFF0000, v52;
	v55 =	vmul.f32 v20, v4  }
0x14a: {  	v2 =	vld.idx.msk [tilespmem:v2+s24+$0x0], $0xffff;
	v56 =	vmul.f32 v17, v4  }
0x14b: {  	[tilespmem:v13+s22+$0x0] =	vst.idx.add.f32.msk $0xffff, v55;
	v57 =	vshll.u32 v54, $0x10  }
0x14c: {  	[tilespmem:v13+s23+$0x0] =	vst.idx.add.f32.msk $0xffff, v56;
	v58 =	vand.u32 $0xFFFF0000, v54;
	v16 =	vmul.f32 v57, v6  }
0x14d: {  	v12 =	vld.idx.msk [tilespmem:v50+s24+$0x0], $0xffff;
	v17 =	vmul.f32 v58, v6  }
0x14e: {  	[tilespmem:v8+s22+$0x0] =	vst.idx.add.f32.msk $0xffff, v16  }
0x14f: {  	v53 =	vshll.u32 v15, $0x10;
	[tilespmem:v8+s23+$0x0] =	vst.idx.add.f32.msk $0xffff, v17  }
0x150: {  	v59 =	vand.u32 $0xFFFF0000, v15;
	v18 =	vmul.f32 v53, v11;
	v14 =	vld.idx.msk [tilespmem:v51+s24+$0x0], $0xffff  }
0x151: {  	v60 =	vmul.f32 v59, v11;
	[tilespmem:v1+s26+$0x0] =	vst.idx.add.f32.msk $0xffff, v9;
	v1 =	vshll.u32 v2, $0x10  }
0x152: {  	[tilespmem:v7+s25+$0x0] =	vst.idx.add.f32.msk $0xffff, v18;
	v1 =	vmul.f32 v1, v5;
	v61 =	vshll.u32 v12, $0x10  }
0x153: {  	[tilespmem:v7+s26+$0x0] =	vst.idx.add.f32.msk $0xffff, v60;
	v62 =	vand.u32 $0xFFFF0000, v12;
	v7 =	vmul.f32 v61, v4  }
0x154: {  	v2 =	vand.u32 $0xFFFF0000, v2;
	[tilespmem:v3+s25+$0x0] =	vst.idx.add.f32.msk $0xffff, v1;
	v4 =	vmul.f32 v62, v4  }
.Ltmp5:
0x155: {  	v2 =	vmul.f32 v2, v5;
	[tilespmem:v13+s25+$0x0] =	vst.idx.add.f32.msk $0xffff, v7;
	v63 =	vshll.u32 v14, $0x10;
	(pc) =	sbr.rel @p0 .LBB2_10-.Ltmp5, $4  }
0x156: {  	[tilespmem:v13+s26+$0x0] =	vst.idx.add.f32.msk $0xffff, v4;
	v1 =	vand.u32 $0xFFFF0000, v14;
	v4 =	vmul.f32 v63, v6  }
0x157: {  	[tilespmem:v3+s26+$0x0] =	vst.idx.add.f32.msk $0xffff, v2;
	v1 =	vmul.f32 v1, v6  }
0x158: {  	[tilespmem:v8+s25+$0x0] =	vst.idx.add.f32.msk $0xffff, v4  }
0x159: {  	[tilespmem:v8+s26+$0x0] =	vst.idx.add.f32.msk $0xffff, v1  }
0x15a: {  	s0 =	smul.u32 $0x3E80, s1;
	_ =	sdelay $0x1  }
0x15b: {  	s0 =	sadd.s32 s0, s11  }
.Ltmp6:
0x15c: {  	s5 =	sshrl.u32 s0, $0x3;
	(pc) =	sbr.rel .LBB2_4-.Ltmp6, $4  }
0x15d: {  	s0 =	sshrl.u32 s0, $0x4;
	s5 =	sadd.s32 s2, s5  }
0x15e: {  	[tilespmem:s18], [sflag:$0x3] =	stream.linear.gather [hbm4b:s5+s3], $0x1F40, $0x38;
	[tilespmem:$0x14F00] =	vst v63  }
0x15f: {  	s1 =	sadd.s32 $0x1, s1;
	s0 =	sadd.s32 s4, s0  }
0x160: {  	[tilespmem:s19], [sflag:$0x5] =	stream.linear.gather [hbm4b:s0+s3], $0xFA0, $0x38;
	[tilespmem:$0x14F00] =	vst v63  }
.LBB2_11:
0x161: {  	_ =	sfence.sel $0x180000  }
0x162: {  	[bflag:$0x0] =	sbarrier.arrive $0xFFFF  }
0x163: {  	_ =	strace $0x9000004A  }
0x164: {  	s0 =	stileid.u32;
	[bflag:$0x2] =	sbarrier.arrive $0xFFFF  }
0x165: {  	p0 =	sne.s32 s0, $0x0;
	s0 =	rddreg [dreg:$0x2]  }
0x166: {  	s0 =	sadd.s32 @!p0 $0x100000, s0  }
0x167: {  	[sflag:s0] =	ssyncadd.tile.s32 @!p0 $0x1;
	_ =	shalt  }
.Lfunc_end2:
_tile_overlayer_lowered:
.L_overlay_start_2:
0x168: {  	(tag) =	ssettag $0x2  }
0x169: {  	s0 =	rddreg [dreg:$0x0];
	s2 =	stileid.u32  }
0x16a: {  	s1 =	rddreg [dreg:$0x1];
	p0 =	sne.s32 s2, $0x0  }
0x16b: {  	s3 =	rddreg [dreg:$0x2];
	[bflag:$0x3] =	sbarrier.arrive $0xFFFF;
	s2 =	simm.s32 @!p0 $0x1C06  }
0x16c: {  	[timem:s3], [sflag:s2] =	dma.local @!p0 [hbm:s0], s1  }
0x16d: {  	s0 =	simm.s32 @!p0 $0x6  }
0x16e: {  	_ =	swait.ge @!p0 [sflag:s0], s1  }
0x16f: {  	s1 =	ssub.s32 @!p0 $0x0, s1;
	[sflag:s0] =	ssyncset.done @!p0 $0x0  }
0x170: {  	[sflag:s0] =	ssyncadd.s32 @!p0 s1  }
0x171: {  	[bflag:$0x3] =	sbarrier.arrive $0xFFFF  }
0x172: {  	_ =	shalt  }

// kernel: kernel.16.cloned.1.call-start
scs
__scs_entry_jumppad:
0x0: {  	(pc) =	sbr.rel $0x88, $3  }
0x1: {  	(tag) =	ssettag $0x0;
	lr =	simm.s32 $0x1  }
0x2: {  	[smem:$0x3F94] =	sst lr;
	_ =	strace $0xD0000000  }
0x3: {  	_ = 	snop  }
0x4: {  	_ = 	snop  }
0x5: {  	_ = 	snop  }
0x6: {  	_ = 	snop  }
0x7: {  	_ = 	snop  }
__scs_overlays_trampoline_lowered:
0x8: {  	[smem:$0x3FA3] =	sst s0  }
0x9: {  	[smem:$0x3FA4] =	sst s1  }
0xa: {  	[smem:$0x3FA5] =	sst s2  }
0xb: {  	[smem:$0x3FA6] =	sst s3  }
0xc: {  	[smem:$0x3FA7] =	sst s4  }
0xd: {  	[smem:$0x3FA8] =	sst s5  }
0xe: {  	[smem:$0x3FA9] =	sst s6  }
0xf: {  	[smem:$0x3FAA] =	sst s7  }
0x10: {  	[smem:$0x3FAB] =	sst s8  }
0x11: {  	[smem:$0x3FAC] =	sst s9;
	s0 =	simm.s32 @!p0 $0x0  }
0x12: {  	s1 =	sld [smem:$0x3F92];
	s0 =	simm.s32 @p0 $0x1  }
0x13: {  	[smem:$0x3FAD] =	sst s0;
	s0 =	simm.s32 @!p1 $0x0  }
0x14: {  	s2 =	sld [smem:$0x3F91];
	s0 =	simm.s32 @p1 $0x1  }
0x15: {  	[smem:$0x3FAE] =	sst s0;
	s0 =	simm.s32 @!p2 $0x0  }
0x16: {  	s3 =	sld [smem:$0x3FDB];
	s0 =	simm.s32 @p2 $0x1  }
0x17: {  	s4 =	simm.s32 $0x1BF5;
	[smem:$0x3FB0] =	sst s0  }
0x18: {  	s0 =	sld [smem:$0x3F93];
	_ =	swait.ge [sflag:s4], $0x0  }
0x19: {  	s7 =	sld [smem:$0x3F94]  }
0x1a: {  	s8 =	sadd.s32 $0xFFFFE003, lr  }
0x1b: {  	s9 =	sadd.s32 $0xFFFFFEF7, lr;
	s5 =	simm.s32 $0xFFFFFFFF;
	p2 =	slt.u32 s8, $0xFFFFF086  }
0x1c: {  	p1 =	slt.u32 s9, $0xF7A;
	s5 =	simm.s32 @!p2 $0x0  }
0x1d: {  	s5 =	simm.s32 @p1 $0x1;
	p0 =	seq.s32 s7, s2  }
0x1e: {  	s7 =	smul.u32 @!p0 $0xF7A, s2;
	p2 =	seq.s32 @!p0 s5, $0x0  }
0x1f: {  	s9 =	smul.u32 $0xF7A, s1;
	s8 =	simm.s32 @!p0 $0x1BF5;
	p2 =	por !p2, p0  }
0x20: {  	[sflag:s8] =	ssyncset.s32 @!p0 $0xFFFFF086;
	s6 =	sadd.s32 @!p0 s3, s7;
	s7 =	simm.s32 @!p0 $0x108  }
0x21: {  	s3 =	sadd.s32 s3, s9;
	s6 =	sadd.s32 @!p0 $0x88, s6;
	s7 =	simm.s32 @p2 $0x1082  }
0x22: {  	[simem:s7], [sflag:s8] =	dma.local @!p0 [hbm:s6], $0xF7A  }
0x23: {  	s9 =	sor.u32 $0xD0000000, s2;
	s6 =	simm.s32 $0x108;
	_ =	swait.ge @!p0 [sflag:s8], $0x0  }
0x24: {  	s3 =	sadd.s32 $0x88, s3;
	s6 =	simm.s32 @!p1 $0x1082;
	[sflag:s4] =	ssyncset.s32 $0xFFFFF086  }
0x25: {  	[simem:s6], [sflag:s4] =	dma.local [hbm:s3], $0xF7A  }
0x26: {  	[smem:$0x3F94] =	sst s1;
	(tag) =	ssettag s2;
	_ =	strace s9  }
0x27: {  	s1 =	sld [smem:$0x3FA4]  }
0x28: {  	s2 =	sld [smem:$0x3FA5]  }
0x29: {  	s4 =	sld [smem:$0x3FA7]  }
0x2a: {  	p0 =	seq.s32 s5, $0x0;
	s5 =	sld [smem:$0x3FA8]  }
0x2b: {  	s6 =	sld [smem:$0x3FA9]  }
0x2c: {  	s7 =	sld [smem:$0x3FAA]  }
0x2d: {  	s3 =	simm.s32 $0x108;
	s8 =	sld [smem:$0x3FAB]  }
0x2e: {  	s3 =	simm.s32 @!p0 $0x1082;
	s9 =	sld [smem:$0x3FAC]  }
0x2f: {  	lr =	sadd.s32 s0, s3;
	s0 =	sld [smem:$0x3FA3]  }
0x30: {  	s3 =	sld [smem:$0x3FA6]  }
0x31: {  	[smem:$0x3FAF] =	sst s10  }
0x32: {  	s10 =	sld [smem:$0x3FAD];
	_ =	sdelay $0x3  }
0x33: {  	p0 =	seq.s32 s10, $0x1;
	s10 =	sld [smem:$0x3FAF];
	_ =	sdelay $0x3  }
0x34: {  	[smem:$0x3FAF] =	sst s10  }
0x35: {  	s10 =	sld [smem:$0x3FAE];
	_ =	sdelay $0x3  }
0x36: {  	p1 =	seq.s32 s10, $0x1;
	s10 =	sld [smem:$0x3FAF];
	_ =	sdelay $0x3  }
0x37: {  	[smem:$0x3FAF] =	sst s10  }
0x38: {  	s10 =	sld [smem:$0x3FB0]  }
0x39: {  	_ = 	snop;
	(pc) =	sbr.ind lr, $3  }
0x3a: {  	_ = 	snop  }
0x3b: {  	_ = 	snop  }
0x3c: {  	p2 =	seq.s32 s10, $0x1;
	s10 =	sld [smem:$0x3FAF]  }
0x3d: {  	_ =	shalt  }
0x3e: {  	_ =	shalt  }
0x3f: {  	_ =	shalt  }
0x40: {  	_ =	shalt  }
0x41: {  	_ =	shalt  }
0x42: {  	_ =	shalt  }
0x43: {  	_ =	shalt  }
0x44: {  	_ =	shalt  }
0x45: {  	_ =	shalt  }
0x46: {  	_ =	shalt  }
0x47: {  	_ =	shalt  }
0x48: {  	_ =	shalt  }
0x49: {  	_ =	shalt  }
0x4a: {  	_ =	shalt  }
0x4b: {  	_ =	shalt  }
0x4c: {  	_ =	shalt  }
0x4d: {  	_ =	shalt  }
0x4e: {  	_ =	shalt  }
0x4f: {  	_ =	shalt  }
0x50: {  	_ =	shalt  }
0x51: {  	_ =	shalt  }
0x52: {  	_ =	shalt  }
0x53: {  	_ =	shalt  }
0x54: {  	_ =	shalt  }
0x55: {  	_ =	shalt  }
0x56: {  	_ =	shalt  }
0x57: {  	_ =	shalt  }
0x58: {  	_ =	shalt  }
0x59: {  	_ =	shalt  }
0x5a: {  	_ =	shalt  }
0x5b: {  	_ =	shalt  }
0x5c: {  	_ =	shalt  }
0x5d: {  	_ =	shalt  }
0x5e: {  	_ =	shalt  }
0x5f: {  	_ =	shalt  }
0x60: {  	_ =	shalt  }
0x61: {  	_ =	shalt  }
0x62: {  	_ =	shalt  }
0x63: {  	_ =	shalt  }
0x64: {  	_ =	shalt  }
0x65: {  	_ =	shalt  }
0x66: {  	_ =	shalt  }
0x67: {  	_ =	shalt  }
0x68: {  	_ =	shalt  }
0x69: {  	_ =	shalt  }
0x6a: {  	_ =	shalt  }
0x6b: {  	_ =	shalt  }
0x6c: {  	_ =	shalt  }
0x6d: {  	_ =	shalt  }
0x6e: {  	_ =	shalt  }
0x6f: {  	_ =	shalt  }
0x70: {  	_ =	shalt  }
0x71: {  	_ =	shalt  }
0x72: {  	_ =	shalt  }
0x73: {  	_ =	shalt  }
0x74: {  	_ =	shalt  }
0x75: {  	_ =	shalt  }
0x76: {  	_ =	shalt  }
0x77: {  	_ =	shalt  }
0x78: {  	_ =	shalt  }
0x79: {  	_ =	shalt  }
0x7a: {  	_ =	shalt  }
0x7b: {  	_ =	shalt  }
0x7c: {  	_ =	shalt  }
0x7d: {  	_ =	shalt  }
0x7e: {  	_ =	shalt  }
0x7f: {  	_ =	shalt  }
0x80: {  	_ =	shalt  }
0x81: {  	_ =	shalt  }
0x82: {  	_ =	shalt  }
0x83: {  	_ =	shalt  }
0x84: {  	_ =	shalt  }
0x85: {  	_ =	shalt  }
0x86: {  	_ =	shalt  }
0x87: {  	_ =	shalt  }
.Lfunc_end0:
.L_simem_size_0:
called_computation.2_lowered:
.L_overlay_start_0:
0x88: {  	s2 =	sld [smem:$0x3FD9]  }
0x89: {  	s3 =	sld [smem:$0x3FFE];
	_ =	sdelay $0x1  }
0x8a: {  	s1 =	srdreg.scid  }
0x8b: {  	s0 =	sand.u32 $0x1, s1  }
0x8c: {  	s17 =	sshll.u32 s0, $0xA;
	s2 =	sadd.s32 s3, s2  }
0x8d: {  	s2 =	sadd.s32 s2, s17  }
0x8e: {  	[smem:$0x3FBB] =	sst s2  }
0x8f: {  	_ = 	snop  }
0x90: {  	s2 =	sld [smem:$0x3FD0];
	(tm) =	ssettm $0x1  }
0x91: {  	s18 =	sld [smem:$0x3FFB];
	_ =	sdelay $0x3  }
0x92: {  	_ =	strace s18  }
0x93: {  	s3 =	sld [smem:$0x3FFC];
	_ =	sdelay $0x3  }
0x94: {  	_ =	strace s3  }
0x95: {  	s3 =	sld [smem:$0x3FFD];
	_ =	sdelay $0x3  }
0x96: {  	_ =	strace s3  }
0x97: {  	_ =	strace $0x8FFFFFFF  }
0x98: {  	s19 =	sld [smem:$0x3FDB];
	_ =	sdelay $0x1  }
0x99: {  	s4 =	simm.s32 $_scs_section_size  }
0x9a: {  	s5 =	simm.s32 $_size__tile_overlayer_lowered;
	s6 =	simm.s32 $_tile_overlayer_lowered  }
0x9b: {  	s22 =	simm.s32 $0x1BFF;
	s21 =	sshll.u32 s6, $0x1;
	s3 =	sadd.s32 s4, s19  }
0x9c: {  	s7 =	simm.s32 $0x0;
	s20 =	sshll.u32 s5, $0x1;
	s5 =	sadd.s32 s21, s3  }
0x9d: {  	[timem:s7], [sflag:s22] =	dma.local [hbm:s5], s20  }
0x9e: {  	_ =	swait.ge [sflag:s22], s20  }
0x9f: {  	s4 =	ssub.s32 $0x0, s20;
	[sflag:s22] =	ssyncset.done $0x0  }
0xa0: {  	[sflag:s22] =	ssyncadd.s32 s4;
	_ =	sdelay $0x1  }
0xa1: {  	s23 =	simm.s32 $0x1B8B  }
0xa2: {  	_ =	swait.ge [sflag:s23], $0x1  }
0xa3: {  	[sflag:s23] =	ssyncset.done $0x0  }
0xa4: {  	s25 =	simm.s32 $0x1B8E;
	s24 =	sld [smem:$0x3FFE];
	[sflag:s23] =	ssyncadd.s32 $0xFFFFFFFF  }
0xa5: {  	s26 =	simm.s32 $execute0_lowered;
	[smem:$0x3FD2] =	sst s25  }
0xa6: {  	s5 =	sshll.u32 s26, $0x1;
	_ =	strace $0x8000004C;
	[dreg:$0x1] =	wrdreg $0xFFFFFFFF  }
0xa7: {  	s28 =	simm.s32 $_size_execute0_lowered;
	s3 =	sadd.s32 s3, s5;
	[dreg:$0x0] =	wrdreg $0x0  }
0xa8: {  	s5 =	sshll.u32 s28, $0x1;
	[dreg:$0x2] =	wrdreg s3  }
0xa9: {  	[dreg:$0x3] =	wrdreg s5  }
0xaa: {  	[dreg:$0x4] =	wrdreg $0xC0  }
0xab: {  	_ =	task [dreg:s7], $0x5FFFF  }
0xac: {  	[dreg:$0x1] =	wrdreg $0xFFFFFFFF  }
0xad: {  	[dreg:$0x0] =	wrdreg $0x60  }
0xae: {  	[dreg:$0x2] =	wrdreg s24  }
0xaf: {  	[dreg:$0x3] =	wrdreg s2  }
0xb0: {  	[dreg:$0x4] =	wrdreg $0x9  }
0xb1: {  	_ =	task.clear_ibuf [dreg:s7], $0x5FFFF;
	_ =	strace $0x9000004C  }
0xb2: {  	s29 =	simm.s32 $0x9;
	_ =	strace $0x8000004E  }
0xb3: {  	_ =	swait.ge [sflag:s29], $0x1  }
0xb4: {  	[sflag:s29] =	ssyncadd.s32 $0xFFFFFFFF  }
0xb5: {  	_ =	strace $0x9000004E  }
0xb6: {  	_ =	sfence  }
0xb7: {  	s30 =	sld [smem:$0x0];
	_ =	sdelay $0x2  }
0xb8: {  	s31 =	sshll.u32 s1, $0xD;
	s1 =	sshrl.u32 s1, $0x2  }
0xb9: {  	s3 =	sand.u32 $0x4000, s31;
	s1 =	sadd.s32 s1, s30  }
0xba: {  	s0 =	sor.u32 s3, s0;
	s1 =	sshll.u32 s1, $0x11  }
0xbb: {  	s0 =	sor.u32 s1, s0  }
0xbc: {  	s0 =	sadd.s32 $0x8F2B, s0  }
0xbd: {  	[sflag:s0] =	ssyncadd.remote.s32 $0x1  }
0xbe: {  	_ =	sfence.sel $0xFFFF  }
0xbf: {  	[dreg:$0x0] =	wrdreg $0xFFFFFFFF;
	(pc) =	sbr.abs _section_cstart, $3  }
0xc0: {  	[dreg:$0x1] =	wrdreg $0xFFFFFFFF  }
0xc1: {  	_ =	task.clear_ibuf [dreg:s7], $0x2FFFF;
	_ =	strace $0x9FFFFFFF  }
0xc2: {  	(tm) =	ssettm $0x7FFFFFFF  }
0xc3: {  	_ =	shalt  }
tec
execute0_lowered:
.L_overlay_start_1:
0x0: {  	(tag) =	ssettag $0x1  }
0x1: {  	s0 =	rddreg [dreg:$0x0]  }
0x2: {  	s2 =	rddreg [dreg:$0x1];
	s1 =	stileid.u32  }
0x3: {  	s4 =	srdreg.scid;
	s3 =	simm.s32 $0x0;
	s15 =	simm.s32 $0x1  }
0x4: {  	s18 =	simm.s32 $0x10F80;
	s19 =	simm.s32 $0x13F00;
	s20 =	simm.s32 $0x2  }
0x5: {  	s21 =	simm.s32 $0x4;
	s28 =	simm.s32 $0x3;
	s29 =	simm.s32 $0x5  }
0x6: {  	s30 =	simm.s32 $0x6;
	s1 =	smul.u32 $0x5000, s1;
	s4 =	sand.u32 $0x1, s4  }
0x7: {  	s31 =	simm.s32 $0x0;
	[smem:$0x7FF] =	sst s3;
	s6 =	smul.u32 $0xA0000, s4  }
0x8: {  	_ =	strace $0x8000004D;
	s22 =	ssub.s32 $0x2, s4;
	s11 =	smul.u32 $0x27100, s4  }
0x9: {  	s4 =	sadd.s32 $0x20E00, s0;
	s5 =	sshrl.u32 s1, $0x3;
	s7 =	sshrl.u32 s22, $0x1  }
0xa: {  	s5 =	sadd.s32 s5, s0;
	s1 =	sadd.s32 s1, s6;
	s23 =	ssub.s32 s22, s7  }
0xb: {  	s24 =	sshrl.u32 s11, $0x3;
	s25 =	sadd.s32 $0x1F40, s11;
	s26 =	sshrl.u32 s11, $0x4  }
0xc: {  	s10 =	sadd.s32 $0x3E80, s11;
	s11 =	sadd.s32 $0x5DC0, s11;
	s22 =	simm.s32 $0x5000  }
0xd: {  	s1 =	sshrl.u32 s1, $0x3;
	s5 =	sadd.s32 $0x3400, s5;
	s6 =	sadd.s32 s2, s24  }
.Ltmp0:
0xe: {  	s8 =	sshrl.u32 s25, $0x3;
	s7 =	sadd.s32 s4, s26;
	(pc) =	sbr.rel .LBB2_1-.Ltmp0, $4  }
0xf: {  	s14 =	smax.u32 s23, $0x1;
	s23 =	simm.s32 $0xA000;
	s24 =	simm.s32 $0x2800  }
0x10: {  	s26 =	simm.s32 $0xC800;
	s0 =	sadd.s32 s1, s0;
	[dreg:$0x3] =	wrdreg s5  }
0x11: {  	s5 =	sshrl.u32 s25, $0x4;
	s8 =	sadd.s32 s2, s8;
	s25 =	simm.s32 $0x7800  }
0x12: {  	v0 =	vimm.f32 $0.0e+00;
	s9 =	sadd.s32 s4, s5;
	s12 =	sadd.s32 $0x25E00, s0;
	s13 =	sadd.s32 $0x2FE00, s0  }
.LBB2_10:
0x13: {  	[hbm4b:s12+s3] =	stream.linear.scatter [tilespmem:s22], [sflag:$0x6], $0x5000, $0x38;
	[tilespmem:$0x14F00] =	vst v63  }
0x14: {  	s31 =	sadd.s32 $0x1, s31;
	_ =	swait.ge [sflag:s30], $0x5000  }
0x15: {  	p0 =	sne.s32 s31, s14;
	[sflag:s30] =	ssyncset.done $0x0  }
.Ltmp1:
0x16: {  	[sflag:s30] =	ssyncadd.s32 $0xFFFFB000;
	(pc) =	sbr.rel @!p0 .LBB2_11-.Ltmp1, $4  }
0x17: {  	[hbm4b:s13+s3] =	stream.linear.scatter [tilespmem:s23], [sflag:$0x6], $0x5000, $0x38;
	[tilespmem:$0x14F00] =	vst v63  }
0x18: {  	_ =	swait.ge [sflag:s30], $0x5000  }
0x19: {  	[sflag:s30] =	ssyncset.done $0x0  }
0x1a: {  	[sflag:s30] =	ssyncadd.s32 $0xFFFFB000  }
.LBB2_1:
0x1b: {  	s0 =	rddreg [dreg:$0x3]  }
0x1c: {  	[tilespmem:s3], [sflag:$0x1] =	stream.linear.gather [hbm4b:s0+s3], $0x5000, $0x38;
	[tilespmem:$0x14F00] =	vst v63  }
0x1d: {  	s0 =	simm.s32 $0x5040  }
0x1e: {  	[tilespmem:s0+$0xFFFFFFC0] =	vst v0  }
0x1f: {  	[tilespmem:s0+$0x30] =	vst v0  }
0x20: {  	[tilespmem:s0+$0x20] =	vst v0  }
0x21: {  	[tilespmem:s0+$0x10] =	vst v0  }
0x22: {  	[tilespmem:s0+$0x0] =	vst v0  }
0x23: {  	[tilespmem:s0+$0xFFFFFFF0] =	vst v0  }
0x24: {  	s1 =	simm.s32 $0x0;
	[tilespmem:s0+$0xFFFFFFE0] =	vst v0  }
.LBB2_2:
0x25: {  	s1 =	sadd.s32 $0x8, s1;
	[tilespmem:s0+$0xFFFFFFD0] =	vst v0;
	s0 =	sadd.s32 $0x80, s0  }
0x26: {  	[tilespmem:s0+$0xFFFFFFC0] =	vst v0;
	p0 =	slt.u32 s1, $0x9F8  }
0x27: {  	[tilespmem:s0+$0x30] =	vst v0  }
.Ltmp2:
0x28: {  	[tilespmem:s0+$0x20] =	vst v0;
	(pc) =	sbr.rel @p0 .LBB2_2-.Ltmp2, $4  }
0x29: {  	[tilespmem:s0+$0x10] =	vst v0  }
0x2a: {  	[tilespmem:s0+$0x0] =	vst v0  }
0x2b: {  	[tilespmem:s0+$0xFFFFFFF0] =	vst v0  }
0x2c: {  	[tilespmem:s0+$0xFFFFFFE0] =	vst v0  }
0x2d: {  	[tilespmem:s0+$0xFFFFFFD0] =	vst v0  }
0x2e: {  	_ =	swait.ge [sflag:s15], $0x5000  }
0x2f: {  	[sflag:s15] =	ssyncset.done $0x0  }
0x30: {  	s1 =	simm.s32 $0x0;
	s16 =	simm.s32 $0xF000;
	[sflag:s15] =	ssyncadd.s32 $0xFFFFB000  }
0x31: {  	[tilespmem:s16], [sflag:$0x2] =	stream.linear.gather [hbm4b:s6+s1], $0x1F40, $0x38;
	[tilespmem:$0x14F00] =	vst v63  }
0x32: {  	s17 =	simm.s32 $0x12F00  }
0x33: {  	[tilespmem:s17], [sflag:$0x4] =	stream.linear.gather [hbm4b:s7+s1], $0xFA0, $0x38;
	[tilespmem:$0x14F00] =	vst v63  }
0x34: {  	_ = 	snop  }
0x35: {  	[tilespmem:s18], [sflag:$0x3] =	stream.linear.gather [hbm4b:s8+s1], $0x1F40, $0x38;
	[tilespmem:$0x14F00] =	vst v63  }
0x36: {  	_ = 	snop  }
0x37: {  	[tilespmem:s19], [sflag:$0x5] =	stream.linear.gather [hbm4b:s9+s1], $0xFA0, $0x38;
	[tilespmem:$0x14F00] =	vst v63  }
.LBB2_4:
0x38: {  	_ =	swait.ge [sflag:s20], $0x1F40  }
0x39: {  	[sflag:s20] =	ssyncset.done $0x0  }
0x3a: {  	[sflag:s20] =	ssyncadd.s32 $0xFFFFE0C0  }
0x3b: {  	_ =	swait.ge [sflag:s21], $0xFA0  }
0x3c: {  	[sflag:s21] =	ssyncset.done $0x0  }
0x3d: {  	s0 =	simm.s32 $0xFFB0;
	[sflag:s21] =	ssyncadd.s32 $0xFFFFF060  }
0x3e: {  	v1 =	vld [tilespmem:s0+$0xFFFFF060];
	_ =	sdelay $0x4  }
0x3f: {  	v2 =	vld [tilespmem:s0+$0xFFFFF050];
	v3 =	vand.u32 $0x3FFF, v1;
	_ =	sdelay $0x2  }
0x40: {  	s5 =	simm.s32 $0x12F10  }
0x41: {  	v6 =	vld [tilespmem:s5+$0x0]  }
0x42: {  	v4 =	vand.u32 $0x3FFF, v2;
	v5 =	vld.idx.msk [tilespmem:v3+s3+$0x0], $0xffff;
	_ =	sdelay $0x2  }
0x43: {  	v1 =	vshrl.u32 v1, $0xE  }
0x44: {  	v7 =	vld [tilespmem:s5+$0xFFFFFFF0]  }
0x45: {  	v9 =	vshll.u32 v6, $0x10;
	v8 =	vld.idx.msk [tilespmem:v4+s3+$0x0], $0xffff;
	v10 =	vshll.u32 v5, $0x10  }
0x46: {  	v5 =	vand.u32 $0xFFFF0000, v5;
	v10 =	vmul.f32 v10, v9  }
0x47: {  	v5 =	vmul.f32 v5, v9  }
0x48: {  	v2 =	vshrl.u32 v2, $0xE;
	[tilespmem:v1+s22+$0x0] =	vst.idx.add.f32.msk $0xffff, v10  }
0x49: {  	[tilespmem:v1+s23+$0x0] =	vst.idx.add.f32.msk $0xffff, v5  }
0x4a: {  	v10 =	vshll.u32 v7, $0x10;
	v5 =	vshll.u32 v8, $0x10;
	v3 =	vld.idx.msk [tilespmem:v3+s24+$0x0], $0xffff  }
0x4b: {  	v8 =	vand.u32 $0xFFFF0000, v8;
	v5 =	vmul.f32 v5, v10  }
0x4c: {  	v8 =	vmul.f32 v8, v10  }
0x4d: {  	[tilespmem:v2+s22+$0x0] =	vst.idx.add.f32.msk $0xffff, v5  }
0x4e: {  	s16 =	simm.s32 $0xFFD0;
	[tilespmem:v2+s23+$0x0] =	vst.idx.add.f32.msk $0xffff, v8  }
0x4f: {  	v8 =	vld [tilespmem:s16+$0xFFFFF060];
	v5 =	vshll.u32 v3, $0x10  }
0x50: {  	v4 =	vld.idx.msk [tilespmem:v4+s24+$0x0], $0xffff;
	v3 =	vand.u32 $0xFFFF0000, v3;
	v5 =	vmul.f32 v5, v9  }
0x51: {  	v3 =	vmul.f32 v3, v9  }
0x52: {  	[tilespmem:v1+s25+$0x0] =	vst.idx.add.f32.msk $0xffff, v5  }
0x53: {  	[tilespmem:v1+s26+$0x0] =	vst.idx.add.f32.msk $0xffff, v3  }
0x54: {  	v3 =	vld [tilespmem:s0+$0x0]  }
0x55: {  	v9 =	vand.u32 $0x3FFF, v8;
	v1 =	vshll.u32 v4, $0x10  }
0x56: {  	s17 =	simm.s32 $0x12F30;
	v5 =	vld [tilespmem:s16+$0xFFFFF050];
	v4 =	vand.u32 $0xFFFF0000, v4;
	v1 =	vmul.f32 v1, v10  }
0x57: {  	v11 =	vld [tilespmem:s17+$0x0];
	v4 =	vmul.f32 v4, v10  }
0x58: {  	[tilespmem:v2+s25+$0x0] =	vst.idx.add.f32.msk $0xffff, v1  }
0x59: {  	[tilespmem:v2+s26+$0x0] =	vst.idx.add.f32.msk $0xffff, v4;
	v2 =	vand.u32 $0x3FFF, v3  }
0x5a: {  	v4 =	vld.idx.msk [tilespmem:v9+s3+$0x0], $0xffff  }
0x5b: {  	v10 =	vand.u32 $0x3FFF, v5;
	v1 =	vld [tilespmem:s0+$0xFFFFFFF0];
	_ =	sdelay $0x1  }
0x5c: {  	v8 =	vshrl.u32 v8, $0xE  }
0x5d: {  	v12 =	vld.idx.msk [tilespmem:v2+s3+$0x0], $0xffff  }
0x5e: {  	v15 =	vld [tilespmem:s17+$0xFFFFFFF0];
	v16 =	vshll.u32 v11, $0x10;
	v17 =	vshll.u32 v4, $0x10  }
0x5f: {  	v14 =	vld.idx.msk [tilespmem:v10+s3+$0x0], $0xffff;
	v4 =	vand.u32 $0xFFFF0000, v4;
	v13 =	vand.u32 $0x3FFF, v1;
	v17 =	vmul.f32 v17, v16  }
0x60: {  	v3 =	vshrl.u32 v3, $0xE;
	v4 =	vmul.f32 v4, v16  }
0x61: {  	[tilespmem:v8+s22+$0x0] =	vst.idx.add.f32.msk $0xffff, v17  }
0x62: {  	v6 =	vand.u32 $0xFFFF0000, v6;
	v5 =	vshrl.u32 v5, $0xE;
	[tilespmem:v8+s23+$0x0] =	vst.idx.add.f32.msk $0xffff, v4;
	v17 =	vshll.u32 v12, $0x10  }
0x63: {  	v9 =	vld.idx.msk [tilespmem:v9+s24+$0x0], $0xffff;
	v12 =	vand.u32 $0xFFFF0000, v12;
	v4 =	vmul.f32 v17, v6  }
0x64: {  	v19 =	vshll.u32 v14, $0x10;
	v18 =	vld.idx.msk [tilespmem:v13+s3+$0x0], $0xffff;
	v17 =	vshll.u32 v15, $0x10;
	v12 =	vmul.f32 v12, v6  }
0x65: {  	v19 =	vmul.f32 v19, v17;
	[tilespmem:v3+s22+$0x0] =	vst.idx.add.f32.msk $0xffff, v4  }
0x66: {  	v14 =	vand.u32 $0xFFFF0000, v14;
	[tilespmem:v3+s23+$0x0] =	vst.idx.add.f32.msk $0xffff, v12  }
0x67: {  	s0 =	simm.s32 $0xFFF0;
	v4 =	vmul.f32 v14, v17;
	[tilespmem:v5+s22+$0x0] =	vst.idx.add.f32.msk $0xffff, v19  }
0x68: {  	v1 =	vshrl.u32 v1, $0xE;
	v12 =	vld [tilespmem:s0+$0xFFFFF060]  }
0x69: {  	[tilespmem:v5+s23+$0x0] =	vst.idx.add.f32.msk $0xffff, v4  }
0x6a: {  	v19 =	vand.u32 $0xFFFF0000, v7;
	v4 =	vshll.u32 v18, $0x10;
	v7 =	vld.idx.msk [tilespmem:v10+s24+$0x0], $0xffff  }
0x6b: {  	v4 =	vmul.f32 v4, v19;
	v10 =	vshll.u32 v9, $0x10  }
0x6c: {  	v2 =	vld.idx.msk [tilespmem:v2+s24+$0x0], $0xffff;
	v9 =	vand.u32 $0xFFFF0000, v9;
	v10 =	vmul.f32 v10, v16  }
0x6d: {  	[tilespmem:v1+s22+$0x0] =	vst.idx.add.f32.msk $0xffff, v4;
	v4 =	vmul.f32 v9, v16  }
0x6e: {  	[tilespmem:v8+s25+$0x0] =	vst.idx.add.f32.msk $0xffff, v10;
	v10 =	vand.u32 $0x3FFF, v12  }
0x6f: {  	[tilespmem:v8+s26+$0x0] =	vst.idx.add.f32.msk $0xffff, v4;
	v4 =	vshll.u32 v7, $0x10  }
0x70: {  	v9 =	vld [tilespmem:s0+$0xFFFFF050];
	v4 =	vmul.f32 v4, v17  }
0x71: {  	v8 =	vld [tilespmem:s16+$0x0];
	v7 =	vand.u32 $0xFFFF0000, v7  }
0x72: {  	v14 =	vshll.u32 v2, $0x10;
	v7 =	vmul.f32 v7, v17;
	[tilespmem:v5+s25+$0x0] =	vst.idx.add.f32.msk $0xffff, v4  }
0x73: {  	v4 =	vmul.f32 v14, v6;
	v14 =	vld.idx.msk [tilespmem:v10+s3+$0x0], $0xffff  }
0x74: {  	[tilespmem:v5+s26+$0x0] =	vst.idx.add.f32.msk $0xffff, v7  }
0x75: {  	v5 =	vld [tilespmem:s16+$0xFFFFFFF0]  }
0x76: {  	v2 =	vand.u32 $0xFFFF0000, v2;
	[tilespmem:v3+s25+$0x0] =	vst.idx.add.f32.msk $0xffff, v4;
	v4 =	vand.u32 $0x3FFF, v8;
	s16 =	simm.s32 $0x12F50  }
0x77: {  	v2 =	vmul.f32 v2, v6;
	v7 =	vand.u32 $0xFFFF0000, v18;
	v6 =	vld [tilespmem:s16+$0x0]  }
0x78: {  	v7 =	vmul.f32 v7, v19  }
0x79: {  	v16 =	vand.u32 $0x3FFF, v9;
	[tilespmem:v3+s26+$0x0] =	vst.idx.add.f32.msk $0xffff, v2  }
0x7a: {  	v12 =	vshrl.u32 v12, $0xE;
	[tilespmem:v1+s23+$0x0] =	vst.idx.add.f32.msk $0xffff, v7  }
0x7b: {  	v2 =	vand.u32 $0x3FFF, v5;
	v3 =	vld.idx.msk [tilespmem:v4+s3+$0x0], $0xffff  }
0x7c: {  	v18 =	vld.idx.msk [tilespmem:v13+s24+$0x0], $0xffff;
	v7 =	vshll.u32 v14, $0x10;
	v13 =	vshll.u32 v6, $0x10  }
0x7d: {  	v17 =	vld [tilespmem:s16+$0xFFFFFFF0];
	v21 =	vmul.f32 v7, v13  }
0x7e: {  	v20 =	vld.idx.msk [tilespmem:v16+s3+$0x0], $0xffff;
	v14 =	vand.u32 $0xFFFF0000, v14;
	v7 =	vshrl.u32 v8, $0xE  }
0x7f: {  	v14 =	vmul.f32 v14, v13;
	[tilespmem:v12+s22+$0x0] =	vst.idx.add.f32.msk $0xffff, v21  }
0x80: {  	v11 =	vand.u32 $0xFFFF0000, v11;
	v22 =	vld.idx.msk [tilespmem:v2+s3+$0x0], $0xffff;
	v62 =	vshll.u32 v3, $0x10  }
0x81: {  	v8 =	vshrl.u32 v9, $0xE;
	[tilespmem:v12+s23+$0x0] =	vst.idx.add.f32.msk $0xffff, v14;
	v3 =	vand.u32 $0xFFFF0000, v3;
	v9 =	vmul.f32 v62, v11  }
0x82: {  	v63 =	vld.idx.msk [tilespmem:v10+s24+$0x0], $0xffff;
	v10 =	vmul.f32 v3, v11  }
0x83: {  	v23 =	vshll.u32 v20, $0x10;
	v14 =	vshll.u32 v17, $0x10;
	[tilespmem:v7+s22+$0x0] =	vst.idx.add.f32.msk $0xffff, v9  }
0x84: {  	v3 =	vshrl.u32 v5, $0xE;
	v9 =	vand.u32 $0xFFFF0000, v20;
	v20 =	vmul.f32 v23, v14;
	[tilespmem:v7+s23+$0x0] =	vst.idx.add.f32.msk $0xffff, v10  }
0x85: {  	v5 =	vand.u32 $0xFFFF0000, v15;
	v9 =	vmul.f32 v9, v14;
	v15 =	vld.idx.msk [tilespmem:v4+s24+$0x0], $0xffff  }
0x86: {  	v10 =	vshll.u32 v18, $0x10;
	v4 =	vand.u32 $0xFFFF0000, v17;
	v17 =	vshll.u32 v22, $0x10;
	[tilespmem:v8+s22+$0x0] =	vst.idx.add.f32.msk $0xffff, v20  }
0x87: {  	v18 =	vand.u32 $0xFFFF0000, v18;
	v10 =	vmul.f32 v10, v19;
	v20 =	vmul.f32 v17, v5;
	[tilespmem:v8+s23+$0x0] =	vst.idx.add.f32.msk $0xffff, v9  }
0x88: {  	v9 =	vmul.f32 v18, v19;
	v18 =	vand.u32 $0xFFFF0000, v22;
	v19 =	vshll.u32 v63, $0x10;
	v17 =	vld.idx.msk [tilespmem:v16+s24+$0x0], $0xffff  }
0x89: {  	s17 =	simm.s32 $0x4;
	s5 =	simm.s32 $0x10010;
	v16 =	vmul.f32 v18, v5;
	v18 =	vmul.f32 v19, v13;
	v19 =	vand.u32 $0xFFFF0000, v63;
	[tilespmem:v3+s22+$0x0] =	vst.idx.add.f32.msk $0xffff, v20  }
.LBB2_5:
0x8a: {  	v20 =	vld [tilespmem:s5+$0xFFFFF060];
	v13 =	vmul.f32 v19, v13  }
0x8b: {  	[tilespmem:v12+s25+$0x0] =	vst.idx.add.f32.msk $0xffff, v18;
	v18 =	vshll.u32 v15, $0x10  }
0x8c: {  	[tilespmem:v12+s26+$0x0] =	vst.idx.add.f32.msk $0xffff, v13;
	v12 =	vmul.f32 v18, v11;
	v13 =	vand.u32 $0xFFFF0000, v15  }
0x8d: {  	v15 =	vld [tilespmem:s0+$0x0];
	v11 =	vmul.f32 v13, v11  }
0x8e: {  	v13 =	vshll.u32 v17, $0x10;
	v17 =	vand.u32 $0xFFFF0000, v17;
	[tilespmem:v7+s25+$0x0] =	vst.idx.add.f32.msk $0xffff, v12  }
0x8f: {  	v12 =	vmul.f32 v13, v14;
	v13 =	vmul.f32 v17, v14;
	[tilespmem:v7+s26+$0x0] =	vst.idx.add.f32.msk $0xffff, v11  }
0x90: {  	s17 =	sadd.s32 $0x2, s17;
	v17 =	vand.u32 $0x3FFF, v20;
	v7 =	vld [tilespmem:s5+$0xFFFFF050]  }
0x91: {  	p0 =	slt.u32 s17, $0xF8;
	[tilespmem:v8+s25+$0x0] =	vst.idx.add.f32.msk $0xffff, v12  }
0x92: {  	[tilespmem:v8+s26+$0x0] =	vst.idx.add.f32.msk $0xffff, v13  }
0x93: {  	v18 =	vand.u32 $0x3FFF, v15;
	v11 =	vld [tilespmem:s0+$0xFFFFFFF0];
	s0 =	smov.u32 s5  }
0x94: {  	[tilespmem:v3+s23+$0x0] =	vst.idx.add.f32.msk $0xffff, v16  }
0x95: {  	s16 =	sadd.s32 $0x20, s16;
	v8 =	vshrl.u32 v7, $0xE;
	v19 =	vand.u32 $0x3FFF, v7;
	v7 =	vld.idx.msk [tilespmem:v17+s3+$0x0], $0xffff  }
0x96: {  	v16 =	vld [tilespmem:s16+$0x0]  }
0x97: {  	v21 =	vld [tilespmem:s16+$0xFFFFFFF0]  }
0x98: {  	v22 =	vshrl.u32 v11, $0xE;
	v11 =	vand.u32 $0x3FFF, v11;
	v23 =	vld.idx.msk [tilespmem:v18+s3+$0x0], $0xffff  }
0x99: {  	v12 =	vshrl.u32 v20, $0xE;
	v20 =	vld.idx.msk [tilespmem:v2+s24+$0x0], $0xffff;
	v2 =	vmov v11  }
0x9a: {  	v24 =	vld.idx.msk [tilespmem:v19+s3+$0x0], $0xffff  }
0x9b: {  	v14 =	vshll.u32 v7, $0x10;
	v13 =	vshll.u32 v16, $0x10;
	[tilespmem:v1+s25+$0x0] =	vst.idx.add.f32.msk $0xffff, v10  }
0x9c: {  	v25 =	vand.u32 $0xFFFF0000, v7;
	v7 =	vshrl.u32 v15, $0xE;
	v10 =	vmul.f32 v14, v13;
	[tilespmem:v1+s26+$0x0] =	vst.idx.add.f32.msk $0xffff, v9;
	v1 =	vmovc v3  }
0x9d: {  	v14 =	vshll.u32 v21, $0x10;
	v21 =	vand.u32 $0xFFFF0000, v21;
	v9 =	vmul.f32 v25, v13;
	v3 =	vmovc v22;
	v15 =	vld.idx.msk [tilespmem:v11+s3+$0x0], $0xffff  }
0x9e: {  	v11 =	vand.u32 $0xFFFF0000, v6;
	v6 =	vmov v16;
	[tilespmem:v12+s22+$0x0] =	vst.idx.add.f32.msk $0xffff, v10;
	v10 =	vshll.u32 v23, $0x10  }
0x9f: {  	v16 =	vshll.u32 v20, $0x10;
	[tilespmem:v12+s23+$0x0] =	vst.idx.add.f32.msk $0xffff, v9;
	v9 =	vmul.f32 v10, v11;
	v10 =	vand.u32 $0xFFFF0000, v23  }
0xa0: {  	v22 =	vshll.u32 v24, $0x10;
	v23 =	vand.u32 $0xFFFF0000, v24;
	v24 =	vld.idx.msk [tilespmem:v17+s24+$0x0], $0xffff;
	v10 =	vmul.f32 v10, v11  }
0xa1: {  	v17 =	vmul.f32 v22, v14;
	v22 =	vmul.f32 v23, v14;
	[tilespmem:v7+s22+$0x0] =	vst.idx.add.f32.msk $0xffff, v9;
	v9 =	vand.u32 $0xFFFF0000, v20  }
0xa2: {  	[tilespmem:v7+s23+$0x0] =	vst.idx.add.f32.msk $0xffff, v10;
	v10 =	vmul.f32 v16, v5;
	v9 =	vmul.f32 v9, v5;
	v5 =	vmov v4  }
.Ltmp3:
0xa3: {  	v16 =	vshll.u32 v15, $0x10;
	v20 =	vand.u32 $0xFFFF0000, v15;
	v4 =	vmov v21;
	v15 =	vld.idx.msk [tilespmem:v18+s24+$0x0], $0xffff;
	(pc) =	sbr.rel @p0 .LBB2_5-.Ltmp3, $4  }
0xa4: {  	v21 =	vmul.f32 v16, v5;
	v16 =	vmul.f32 v20, v5;
	[tilespmem:v8+s22+$0x0] =	vst.idx.add.f32.msk $0xffff, v17  }
0xa5: {  	[tilespmem:v8+s23+$0x0] =	vst.idx.add.f32.msk $0xffff, v22  }
0xa6: {  	v18 =	vshll.u32 v24, $0x10;
	v17 =	vld.idx.msk [tilespmem:v19+s24+$0x0], $0xffff  }
0xa7: {  	s5 =	sadd.s32 $0x20, s5;
	v18 =	vmul.f32 v18, v13;
	v19 =	vand.u32 $0xFFFF0000, v24;
	[tilespmem:v3+s22+$0x0] =	vst.idx.add.f32.msk $0xffff, v21  }
0xa8: {  	_ =	sdelay $0x2  }
0xa9: {  	v13 =	vmul.f32 v19, v13  }
0xaa: {  	[tilespmem:v12+s25+$0x0] =	vst.idx.add.f32.msk $0xffff, v18  }
0xab: {  	[tilespmem:v12+s26+$0x0] =	vst.idx.add.f32.msk $0xffff, v13;
	v12 =	vshll.u32 v17, $0x10  }
0xac: {  	v13 =	vld [tilespmem:s0+$0x0];
	v17 =	vand.u32 $0xFFFF0000, v17;
	v12 =	vmul.f32 v12, v14  }
0xad: {  	v14 =	vmul.f32 v17, v14  }
0xae: {  	[tilespmem:v8+s25+$0x0] =	vst.idx.add.f32.msk $0xffff, v12  }
0xaf: {  	[tilespmem:v8+s26+$0x0] =	vst.idx.add.f32.msk $0xffff, v14  }
0xb0: {  	v8 =	vld [tilespmem:s0+$0xFFFFFFF0]  }
0xb1: {  	v12 =	vand.u32 $0x3FFF, v13;
	_ =	sdelay $0x3  }
0xb2: {  	v14 =	vand.u32 $0x3FFF, v8  }
0xb3: {  	v17 =	vld.idx.msk [tilespmem:v12+s3+$0x0], $0xffff;
	_ =	sdelay $0x2  }
0xb4: {  	v18 =	vshll.u32 v15, $0x10;
	v13 =	vshrl.u32 v13, $0xE  }
0xb5: {  	v18 =	vmul.f32 v18, v11;
	v19 =	vld.idx.msk [tilespmem:v14+s3+$0x0], $0xffff  }
0xb6: {  	v6 =	vand.u32 $0xFFFF0000, v6;
	[tilespmem:v3+s23+$0x0] =	vst.idx.add.f32.msk $0xffff, v16;
	v20 =	vshll.u32 v17, $0x10  }
0xb7: {  	[tilespmem:v7+s25+$0x0] =	vst.idx.add.f32.msk $0xffff, v18;
	v17 =	vand.u32 $0xFFFF0000, v17;
	v18 =	vmul.f32 v20, v6  }
0xb8: {  	[tilespmem:v1+s25+$0x0] =	vst.idx.add.f32.msk $0xffff, v10;
	v8 =	vshrl.u32 v8, $0xE;
	v16 =	vmul.f32 v17, v6  }
0xb9: {  	[tilespmem:v13+s22+$0x0] =	vst.idx.add.f32.msk $0xffff, v18  }
0xba: {  	[tilespmem:v13+s23+$0x0] =	vst.idx.add.f32.msk $0xffff, v16;
	v16 =	vshll.u32 v19, $0x10  }
0xbb: {  	v2 =	vld.idx.msk [tilespmem:v2+s24+$0x0], $0xffff;
	v17 =	vand.u32 $0xFFFF0000, v19;
	v16 =	vmul.f32 v16, v4  }
0xbc: {  	v12 =	vld.idx.msk [tilespmem:v12+s24+$0x0], $0xffff;
	v17 =	vmul.f32 v17, v4  }
0xbd: {  	[tilespmem:v8+s22+$0x0] =	vst.idx.add.f32.msk $0xffff, v16  }
0xbe: {  	[tilespmem:v8+s23+$0x0] =	vst.idx.add.f32.msk $0xffff, v17  }
0xbf: {  	v15 =	vand.u32 $0xFFFF0000, v15;
	v14 =	vld.idx.msk [tilespmem:v14+s24+$0x0], $0xffff  }
0xc0: {  	[tilespmem:v1+s26+$0x0] =	vst.idx.add.f32.msk $0xffff, v9;
	v11 =	vmul.f32 v15, v11;
	v1 =	vshll.u32 v2, $0x10  }
0xc1: {  	v2 =	vand.u32 $0xFFFF0000, v2;
	v1 =	vmul.f32 v1, v5  }
0xc2: {  	[tilespmem:v7+s26+$0x0] =	vst.idx.add.f32.msk $0xffff, v11;
	v2 =	vmul.f32 v2, v5;
	v7 =	vshll.u32 v12, $0x10  }
0xc3: {  	p0 =	seq.s32 s1, $0x9;
	[tilespmem:v3+s25+$0x0] =	vst.idx.add.f32.msk $0xffff, v1;
	v10 =	vand.u32 $0xFFFF0000, v12;
	v7 =	vmul.f32 v7, v6  }
0xc4: {  	s0 =	smul.u32 @!p0 $0x3E80, s1;
	[tilespmem:v3+s26+$0x0] =	vst.idx.add.f32.msk $0xffff, v2;
	v6 =	vmul.f32 v10, v6;
	v5 =	vshll.u32 v14, $0x10  }
0xc5: {  	[tilespmem:v13+s25+$0x0] =	vst.idx.add.f32.msk $0xffff, v7;
	v1 =	vand.u32 $0xFFFF0000, v14;
	v5 =	vmul.f32 v5, v4  }
0xc6: {  	s0 =	sadd.s32 @!p0 s0, s10;
	[tilespmem:v13+s26+$0x0] =	vst.idx.add.f32.msk $0xffff, v6;
	v1 =	vmul.f32 v1, v4  }
0xc7: {  	s16 =	simm.s32 @!p0 $0x0;
	s5 =	sshrl.u32 @!p0 s0, $0x3;
	[tilespmem:v8+s25+$0x0] =	vst.idx.add.f32.msk $0xffff, v5  }
0xc8: {  	s17 =	simm.s32 @!p0 $0xF000;
	s0 =	sshrl.u32 @!p0 s0, $0x4;
	s5 =	sadd.s32 @!p0 s2, s5;
	[tilespmem:v8+s26+$0x0] =	vst.idx.add.f32.msk $0xffff, v1  }
0xc9: {  	[tilespmem:s17], [sflag:$0x2] =	stream.linear.gather @!p0 [hbm4b:s5+s16], $0x1F40, $0x38;
	[tilespmem:$0x14F00] =	vst v63  }
0xca: {  	s0 =	sadd.s32 @!p0 s4, s0;
	s5 =	simm.s32 @!p0 $0x12F00  }
0xcb: {  	[tilespmem:s5], [sflag:$0x4] =	stream.linear.gather @!p0 [hbm4b:s0+s16], $0xFA0, $0x38;
	[tilespmem:$0x14F00] =	vst v63  }
0xcc: {  	_ =	swait.ge [sflag:s28], $0x1F40  }
0xcd: {  	[sflag:s28] =	ssyncset.done $0x0  }
0xce: {  	[sflag:s28] =	ssyncadd.s32 $0xFFFFE0C0  }
0xcf: {  	_ =	swait.ge [sflag:s29], $0xFA0  }
0xd0: {  	[sflag:s29] =	ssyncset.done $0x0  }
0xd1: {  	s0 =	simm.s32 $0x11F30;
	[sflag:s29] =	ssyncadd.s32 $0xFFFFF060  }
0xd2: {  	v1 =	vld [tilespmem:s0+$0xFFFFF060];
	_ =	sdelay $0x4  }
0xd3: {  	v2 =	vld [tilespmem:s0+$0xFFFFF050];
	v3 =	vand.u32 $0x3FFF, v1;
	_ =	sdelay $0x2  }
0xd4: {  	s17 =	simm.s32 $0x13F10  }
0xd5: {  	v6 =	vld [tilespmem:s17+$0x0]  }
0xd6: {  	v4 =	vand.u32 $0x3FFF, v2;
	v5 =	vld.idx.msk [tilespmem:v3+s3+$0x0], $0xffff;
	_ =	sdelay $0x2  }
0xd7: {  	v1 =	vshrl.u32 v1, $0xE  }
0xd8: {  	v7 =	vld [tilespmem:s17+$0xFFFFFFF0]  }
0xd9: {  	v9 =	vshll.u32 v6, $0x10;
	v8 =	vld.idx.msk [tilespmem:v4+s3+$0x0], $0xffff;
	v10 =	vshll.u32 v5, $0x10  }
0xda: {  	v5 =	vand.u32 $0xFFFF0000, v5;
	v10 =	vmul.f32 v10, v9  }
0xdb: {  	v5 =	vmul.f32 v5, v9  }
0xdc: {  	v2 =	vshrl.u32 v2, $0xE;
	[tilespmem:v1+s22+$0x0] =	vst.idx.add.f32.msk $0xffff, v10  }
0xdd: {  	[tilespmem:v1+s23+$0x0] =	vst.idx.add.f32.msk $0xffff, v5  }
0xde: {  	v10 =	vshll.u32 v7, $0x10;
	v5 =	vshll.u32 v8, $0x10;
	v3 =	vld.idx.msk [tilespmem:v3+s24+$0x0], $0xffff  }
0xdf: {  	v8 =	vand.u32 $0xFFFF0000, v8;
	v5 =	vmul.f32 v5, v10  }
0xe0: {  	v8 =	vmul.f32 v8, v10  }
0xe1: {  	[tilespmem:v2+s22+$0x0] =	vst.idx.add.f32.msk $0xffff, v5  }
0xe2: {  	s16 =	simm.s32 $0x11F50;
	[tilespmem:v2+s23+$0x0] =	vst.idx.add.f32.msk $0xffff, v8  }
0xe3: {  	v8 =	vld [tilespmem:s16+$0xFFFFF060];
	v5 =	vshll.u32 v3, $0x10  }
0xe4: {  	v4 =	vld.idx.msk [tilespmem:v4+s24+$0x0], $0xffff;
	v3 =	vand.u32 $0xFFFF0000, v3;
	v5 =	vmul.f32 v5, v9  }
0xe5: {  	v3 =	vmul.f32 v3, v9  }
0xe6: {  	[tilespmem:v1+s25+$0x0] =	vst.idx.add.f32.msk $0xffff, v5  }
0xe7: {  	[tilespmem:v1+s26+$0x0] =	vst.idx.add.f32.msk $0xffff, v3  }
0xe8: {  	v3 =	vld [tilespmem:s0+$0x0]  }
0xe9: {  	v9 =	vand.u32 $0x3FFF, v8;
	v1 =	vshll.u32 v4, $0x10  }
0xea: {  	s17 =	simm.s32 $0x13F30;
	v5 =	vld [tilespmem:s16+$0xFFFFF050];
	v4 =	vand.u32 $0xFFFF0000, v4;
	v1 =	vmul.f32 v1, v10  }
0xeb: {  	v11 =	vld [tilespmem:s17+$0x0];
	v4 =	vmul.f32 v4, v10  }
0xec: {  	[tilespmem:v2+s25+$0x0] =	vst.idx.add.f32.msk $0xffff, v1  }
0xed: {  	[tilespmem:v2+s26+$0x0] =	vst.idx.add.f32.msk $0xffff, v4;
	v2 =	vand.u32 $0x3FFF, v3  }
0xee: {  	v4 =	vld.idx.msk [tilespmem:v9+s3+$0x0], $0xffff  }
0xef: {  	v10 =	vand.u32 $0x3FFF, v5;
	v1 =	vld [tilespmem:s0+$0xFFFFFFF0];
	_ =	sdelay $0x1  }
0xf0: {  	v8 =	vshrl.u32 v8, $0xE  }
0xf1: {  	v12 =	vld.idx.msk [tilespmem:v2+s3+$0x0], $0xffff  }
0xf2: {  	v15 =	vld [tilespmem:s17+$0xFFFFFFF0];
	v16 =	vshll.u32 v11, $0x10;
	v17 =	vshll.u32 v4, $0x10  }
0xf3: {  	v14 =	vld.idx.msk [tilespmem:v10+s3+$0x0], $0xffff;
	v4 =	vand.u32 $0xFFFF0000, v4;
	v13 =	vand.u32 $0x3FFF, v1;
	v17 =	vmul.f32 v17, v16  }
0xf4: {  	v3 =	vshrl.u32 v3, $0xE;
	v4 =	vmul.f32 v4, v16  }
0xf5: {  	[tilespmem:v8+s22+$0x0] =	vst.idx.add.f32.msk $0xffff, v17  }
0xf6: {  	v6 =	vand.u32 $0xFFFF0000, v6;
	v5 =	vshrl.u32 v5, $0xE;
	[tilespmem:v8+s23+$0x0] =	vst.idx.add.f32.msk $0xffff, v4;
	v17 =	vshll.u32 v12, $0x10  }
0xf7: {  	v9 =	vld.idx.msk [tilespmem:v9+s24+$0x0], $0xffff;
	v12 =	vand.u32 $0xFFFF0000, v12;
	v4 =	vmul.f32 v17, v6  }
0xf8: {  	v19 =	vshll.u32 v14, $0x10;
	v18 =	vld.idx.msk [tilespmem:v13+s3+$0x0], $0xffff;
	v17 =	vshll.u32 v15, $0x10;
	v12 =	vmul.f32 v12, v6  }
0xf9: {  	v19 =	vmul.f32 v19, v17;
	[tilespmem:v3+s22+$0x0] =	vst.idx.add.f32.msk $0xffff, v4  }
0xfa: {  	v14 =	vand.u32 $0xFFFF0000, v14;
	[tilespmem:v3+s23+$0x0] =	vst.idx.add.f32.msk $0xffff, v12  }
0xfb: {  	s0 =	simm.s32 $0x11F70;
	v4 =	vmul.f32 v14, v17;
	[tilespmem:v5+s22+$0x0] =	vst.idx.add.f32.msk $0xffff, v19  }
0xfc: {  	v1 =	vshrl.u32 v1, $0xE;
	v12 =	vld [tilespmem:s0+$0xFFFFF060]  }
0xfd: {  	[tilespmem:v5+s23+$0x0] =	vst.idx.add.f32.msk $0xffff, v4  }
0xfe: {  	v19 =	vand.u32 $0xFFFF0000, v7;
	v4 =	vshll.u32 v18, $0x10;
	v7 =	vld.idx.msk [tilespmem:v10+s24+$0x0], $0xffff  }
0xff: {  	v4 =	vmul.f32 v4, v19;
	v10 =	vshll.u32 v9, $0x10  }
0x100: {  	v2 =	vld.idx.msk [tilespmem:v2+s24+$0x0], $0xffff;
	v9 =	vand.u32 $0xFFFF0000, v9;
	v10 =	vmul.f32 v10, v16  }
0x101: {  	[tilespmem:v1+s22+$0x0] =	vst.idx.add.f32.msk $0xffff, v4;
	v4 =	vmul.f32 v9, v16  }
0x102: {  	[tilespmem:v8+s25+$0x0] =	vst.idx.add.f32.msk $0xffff, v10;
	v10 =	vand.u32 $0x3FFF, v12  }
0x103: {  	[tilespmem:v8+s26+$0x0] =	vst.idx.add.f32.msk $0xffff, v4;
	v4 =	vshll.u32 v7, $0x10  }
0x104: {  	v9 =	vld [tilespmem:s0+$0xFFFFF050];
	v4 =	vmul.f32 v4, v17  }
0x105: {  	v8 =	vld [tilespmem:s16+$0x0];
	v7 =	vand.u32 $0xFFFF0000, v7  }
0x106: {  	v14 =	vshll.u32 v2, $0x10;
	v2 =	vand.u32 $0xFFFF0000, v2;
	v7 =	vmul.f32 v7, v17;
	[tilespmem:v5+s25+$0x0] =	vst.idx.add.f32.msk $0xffff, v4  }
0x107: {  	v2 =	vmul.f32 v2, v6;
	v4 =	vmul.f32 v14, v6;
	v6 =	vld.idx.msk [tilespmem:v10+s3+$0x0], $0xffff  }
0x108: {  	[tilespmem:v5+s26+$0x0] =	vst.idx.add.f32.msk $0xffff, v7  }
0x109: {  	v5 =	vld [tilespmem:s16+$0xFFFFFFF0]  }
0x10a: {  	[tilespmem:v3+s25+$0x0] =	vst.idx.add.f32.msk $0xffff, v4;
	v16 =	vand.u32 $0x3FFF, v8;
	v4 =	vand.u32 $0xFFFF0000, v18;
	s16 =	simm.s32 $0x13F50  }
0x10b: {  	v7 =	vmul.f32 v4, v19;
	v4 =	vld [tilespmem:s16+$0x0]  }
0x10c: {  	v17 =	vand.u32 $0x3FFF, v9;
	[tilespmem:v3+s26+$0x0] =	vst.idx.add.f32.msk $0xffff, v2  }
0x10d: {  	v18 =	vld [tilespmem:s16+$0xFFFFFFF0]  }
0x10e: {  	v12 =	vshrl.u32 v12, $0xE;
	[tilespmem:v1+s23+$0x0] =	vst.idx.add.f32.msk $0xffff, v7  }
0x10f: {  	v2 =	vand.u32 $0x3FFF, v5;
	v3 =	vld.idx.msk [tilespmem:v16+s3+$0x0], $0xffff  }
0x110: {  	v7 =	vshll.u32 v6, $0x10;
	v20 =	vld.idx.msk [tilespmem:v13+s24+$0x0], $0xffff;
	v13 =	vshll.u32 v4, $0x10  }
0x111: {  	v21 =	vld.idx.msk [tilespmem:v17+s3+$0x0], $0xffff;
	v14 =	vmul.f32 v7, v13  }
0x112: {  	v6 =	vand.u32 $0xFFFF0000, v6;
	v7 =	vshrl.u32 v8, $0xE  }
0x113: {  	v6 =	vmul.f32 v6, v13;
	[tilespmem:v12+s22+$0x0] =	vst.idx.add.f32.msk $0xffff, v14  }
0x114: {  	v11 =	vand.u32 $0xFFFF0000, v11;
	v8 =	vshrl.u32 v9, $0xE;
	v22 =	vld.idx.msk [tilespmem:v2+s3+$0x0], $0xffff;
	v14 =	vshll.u32 v3, $0x10  }
0x115: {  	[tilespmem:v12+s23+$0x0] =	vst.idx.add.f32.msk $0xffff, v6;
	v3 =	vand.u32 $0xFFFF0000, v3;
	v6 =	vmul.f32 v14, v11  }
0x116: {  	v23 =	vld.idx.msk [tilespmem:v10+s24+$0x0], $0xffff;
	v9 =	vmul.f32 v3, v11;
	v14 =	vshll.u32 v18, $0x10;
	v10 =	vshll.u32 v21, $0x10  }
0x117: {  	v10 =	vmul.f32 v10, v14;
	[tilespmem:v7+s22+$0x0] =	vst.idx.add.f32.msk $0xffff, v6  }
0x118: {  	v3 =	vshrl.u32 v5, $0xE;
	v6 =	vand.u32 $0xFFFF0000, v21;
	[tilespmem:v7+s23+$0x0] =	vst.idx.add.f32.msk $0xffff, v9  }
0x119: {  	v5 =	vand.u32 $0xFFFF0000, v15;
	v9 =	vmul.f32 v6, v14;
	[tilespmem:v8+s22+$0x0] =	vst.idx.add.f32.msk $0xffff, v10  }
0x11a: {  	v6 =	vand.u32 $0xFFFF0000, v18;
	v15 =	vld.idx.msk [tilespmem:v16+s24+$0x0], $0xffff;
	v16 =	vshll.u32 v20, $0x10;
	v18 =	vshll.u32 v22, $0x10  }
0x11b: {  	v20 =	vand.u32 $0xFFFF0000, v20;
	v10 =	vmul.f32 v16, v19;
	v63 =	vmul.f32 v18, v5;
	[tilespmem:v8+s23+$0x0] =	vst.idx.add.f32.msk $0xffff, v9  }
0x11c: {  	v9 =	vmul.f32 v20, v19;
	v16 =	vand.u32 $0xFFFF0000, v22;
	v18 =	vshll.u32 v23, $0x10;
	v17 =	vld.idx.msk [tilespmem:v17+s24+$0x0], $0xffff  }
0x11d: {  	s5 =	simm.s32 $0x11F90;
	s17 =	simm.s32 $0x4;
	v19 =	vand.u32 $0xFFFF0000, v23;
	v16 =	vmul.f32 v16, v5;
	v18 =	vmul.f32 v18, v13;
	[tilespmem:v3+s22+$0x0] =	vst.idx.add.f32.msk $0xffff, v63  }
.LBB2_7:
0x11e: {  	v20 =	vld [tilespmem:s5+$0xFFFFF060];
	v13 =	vmul.f32 v19, v13  }
0x11f: {  	[tilespmem:v12+s25+$0x0] =	vst.idx.add.f32.msk $0xffff, v18;
	v18 =	vshll.u32 v15, $0x10  }
0x120: {  	[tilespmem:v12+s26+$0x0] =	vst.idx.add.f32.msk $0xffff, v13;
	v12 =	vmul.f32 v18, v11;
	v13 =	vand.u32 $0xFFFF0000, v15  }
0x121: {  	v15 =	vld [tilespmem:s0+$0x0];
	v11 =	vmul.f32 v13, v11  }
0x122: {  	v13 =	vshll.u32 v17, $0x10;
	v17 =	vand.u32 $0xFFFF0000, v17;
	[tilespmem:v7+s25+$0x0] =	vst.idx.add.f32.msk $0xffff, v12  }
0x123: {  	v12 =	vmul.f32 v13, v14;
	v13 =	vmul.f32 v17, v14;
	[tilespmem:v7+s26+$0x0] =	vst.idx.add.f32.msk $0xffff, v11  }
0x124: {  	s17 =	sadd.s32 $0x2, s17;
	v17 =	vand.u32 $0x3FFF, v20;
	v7 =	vld [tilespmem:s5+$0xFFFFF050]  }
0x125: {  	p1 =	slt.u32 s17, $0xF8;
	[tilespmem:v8+s25+$0x0] =	vst.idx.add.f32.msk $0xffff, v12  }
0x126: {  	[tilespmem:v8+s26+$0x0] =	vst.idx.add.f32.msk $0xffff, v13  }
0x127: {  	v18 =	vand.u32 $0x3FFF, v15;
	v11 =	vld [tilespmem:s0+$0xFFFFFFF0];
	s0 =	smov.u32 s5  }
0x128: {  	[tilespmem:v3+s23+$0x0] =	vst.idx.add.f32.msk $0xffff, v16  }
0x129: {  	s16 =	sadd.s32 $0x20, s16;
	v8 =	vshrl.u32 v7, $0xE;
	v19 =	vand.u32 $0x3FFF, v7;
	v7 =	vld.idx.msk [tilespmem:v17+s3+$0x0], $0xffff  }
0x12a: {  	v16 =	vld [tilespmem:s16+$0x0]  }
0x12b: {  	v21 =	vld [tilespmem:s16+$0xFFFFFFF0]  }
0x12c: {  	v22 =	vshrl.u32 v11, $0xE;
	v11 =	vand.u32 $0x3FFF, v11;
	v23 =	vld.idx.msk [tilespmem:v18+s3+$0x0], $0xffff  }
0x12d: {  	v12 =	vshrl.u32 v20, $0xE;
	v20 =	vld.idx.msk [tilespmem:v2+s24+$0x0], $0xffff;
	v2 =	vmov v11  }
0x12e: {  	v24 =	vld.idx.msk [tilespmem:v19+s3+$0x0], $0xffff  }
0x12f: {  	v14 =	vshll.u32 v7, $0x10;
	v13 =	vshll.u32 v16, $0x10;
	[tilespmem:v1+s25+$0x0] =	vst.idx.add.f32.msk $0xffff, v10  }
0x130: {  	v25 =	vand.u32 $0xFFFF0000, v7;
	v7 =	vshrl.u32 v15, $0xE;
	v10 =	vmul.f32 v14, v13;
	[tilespmem:v1+s26+$0x0] =	vst.idx.add.f32.msk $0xffff, v9;
	v1 =	vmovc v3  }
0x131: {  	v14 =	vshll.u32 v21, $0x10;
	v21 =	vand.u32 $0xFFFF0000, v21;
	v9 =	vmul.f32 v25, v13;
	v3 =	vmovc v22;
	v15 =	vld.idx.msk [tilespmem:v11+s3+$0x0], $0xffff  }
0x132: {  	v11 =	vand.u32 $0xFFFF0000, v4;
	v4 =	vmov v16;
	[tilespmem:v12+s22+$0x0] =	vst.idx.add.f32.msk $0xffff, v10;
	v10 =	vshll.u32 v23, $0x10  }
0x133: {  	v16 =	vshll.u32 v20, $0x10;
	[tilespmem:v12+s23+$0x0] =	vst.idx.add.f32.msk $0xffff, v9;
	v9 =	vmul.f32 v10, v11;
	v10 =	vand.u32 $0xFFFF0000, v23  }
0x134: {  	v22 =	vshll.u32 v24, $0x10;
	v23 =	vand.u32 $0xFFFF0000, v24;
	v24 =	vld.idx.msk [tilespmem:v17+s24+$0x0], $0xffff;
	v10 =	vmul.f32 v10, v11  }
0x135: {  	v17 =	vmul.f32 v22, v14;
	v22 =	vmul.f32 v23, v14;
	[tilespmem:v7+s22+$0x0] =	vst.idx.add.f32.msk $0xffff, v9;
	v9 =	vand.u32 $0xFFFF0000, v20  }
0x136: {  	[tilespmem:v7+s23+$0x0] =	vst.idx.add.f32.msk $0xffff, v10;
	v10 =	vmul.f32 v16, v5;
	v9 =	vmul.f32 v9, v5;
	v5 =	vmov v6  }
.Ltmp4:
0x137: {  	v16 =	vshll.u32 v15, $0x10;
	v20 =	vand.u32 $0xFFFF0000, v15;
	v6 =	vmov v21;
	v15 =	vld.idx.msk [tilespmem:v18+s24+$0x0], $0xffff;
	(pc) =	sbr.rel @p1 .LBB2_7-.Ltmp4, $4  }
0x138: {  	v21 =	vmul.f32 v16, v5;
	v16 =	vmul.f32 v20, v5;
	[tilespmem:v8+s22+$0x0] =	vst.idx.add.f32.msk $0xffff, v17  }
0x139: {  	[tilespmem:v8+s23+$0x0] =	vst.idx.add.f32.msk $0xffff, v22  }
0x13a: {  	v18 =	vshll.u32 v24, $0x10;
	v17 =	vld.idx.msk [tilespmem:v19+s24+$0x0], $0xffff  }
0x13b: {  	s5 =	sadd.s32 $0x20, s5;
	v18 =	vmul.f32 v18, v13;
	v19 =	vand.u32 $0xFFFF0000, v24;
	[tilespmem:v3+s22+$0x0] =	vst.idx.add.f32.msk $0xffff, v21  }
0x13c: {  	_ =	sdelay $0x2  }
0x13d: {  	v13 =	vmul.f32 v19, v13  }
0x13e: {  	[tilespmem:v12+s25+$0x0] =	vst.idx.add.f32.msk $0xffff, v18;
	v47 =	vshll.u32 v17, $0x10  }
0x13f: {  	[tilespmem:v12+s26+$0x0] =	vst.idx.add.f32.msk $0xffff, v13;
	v48 =	vand.u32 $0xFFFF0000, v17;
	v12 =	vmul.f32 v47, v14  }
0x140: {  	v13 =	vld [tilespmem:s0+$0x0];
	v49 =	vmul.f32 v48, v14  }
0x141: {  	[tilespmem:v8+s25+$0x0] =	vst.idx.add.f32.msk $0xffff, v12  }
0x142: {  	[tilespmem:v8+s26+$0x0] =	vst.idx.add.f32.msk $0xffff, v49  }
0x143: {  	v8 =	vld [tilespmem:s0+$0xFFFFFFF0];
	_ =	sdelay $0x1  }
0x144: {  	v50 =	vand.u32 $0x3FFF, v13;
	_ =	sdelay $0x2  }
0x145: {  	v51 =	vand.u32 $0x3FFF, v8;
	_ =	sdelay $0x1  }
0x146: {  	v52 =	vld.idx.msk [tilespmem:v50+s3+$0x0], $0xffff;
	_ =	sdelay $0x2  }
0x147: {  	v13 =	vshrl.u32 v13, $0xE;
	v54 =	vld.idx.msk [tilespmem:v51+s3+$0x0], $0xffff;
	_ =	sdelay $0x1  }
0x148: {  	v4 =	vand.u32 $0xFFFF0000, v4;
	[tilespmem:v3+s23+$0x0] =	vst.idx.add.f32.msk $0xffff, v16;
	v20 =	vshll.u32 v52, $0x10  }
0x149: {  	[tilespmem:v1+s25+$0x0] =	vst.idx.add.f32.msk $0xffff, v10;
	v8 =	vshrl.u32 v8, $0xE;
	v17 =	vand.u32 $0xFFFF0000, v52;
	v55 =	vmul.f32 v20, v4  }
0x14a: {  	v2 =	vld.idx.msk [tilespmem:v2+s24+$0x0], $0xffff;
	v56 =	vmul.f32 v17, v4  }
0x14b: {  	[tilespmem:v13+s22+$0x0] =	vst.idx.add.f32.msk $0xffff, v55;
	v57 =	vshll.u32 v54, $0x10  }
0x14c: {  	[tilespmem:v13+s23+$0x0] =	vst.idx.add.f32.msk $0xffff, v56;
	v58 =	vand.u32 $0xFFFF0000, v54;
	v16 =	vmul.f32 v57, v6  }
0x14d: {  	v12 =	vld.idx.msk [tilespmem:v50+s24+$0x0], $0xffff;
	v17 =	vmul.f32 v58, v6  }
0x14e: {  	[tilespmem:v8+s22+$0x0] =	vst.idx.add.f32.msk $0xffff, v16  }
0x14f: {  	v53 =	vshll.u32 v15, $0x10;
	[tilespmem:v8+s23+$0x0] =	vst.idx.add.f32.msk $0xffff, v17  }
0x150: {  	v59 =	vand.u32 $0xFFFF0000, v15;
	v18 =	vmul.f32 v53, v11;
	v14 =	vld.idx.msk [tilespmem:v51+s24+$0x0], $0xffff  }
0x151: {  	v60 =	vmul.f32 v59, v11;
	[tilespmem:v1+s26+$0x0] =	vst.idx.add.f32.msk $0xffff, v9;
	v1 =	vshll.u32 v2, $0x10  }
0x152: {  	[tilespmem:v7+s25+$0x0] =	vst.idx.add.f32.msk $0xffff, v18;
	v1 =	vmul.f32 v1, v5;
	v61 =	vshll.u32 v12, $0x10  }
0x153: {  	[tilespmem:v7+s26+$0x0] =	vst.idx.add.f32.msk $0xffff, v60;
	v62 =	vand.u32 $0xFFFF0000, v12;
	v7 =	vmul.f32 v61, v4  }
0x154: {  	v2 =	vand.u32 $0xFFFF0000, v2;
	[tilespmem:v3+s25+$0x0] =	vst.idx.add.f32.msk $0xffff, v1;
	v4 =	vmul.f32 v62, v4  }
.Ltmp5:
0x155: {  	v2 =	vmul.f32 v2, v5;
	[tilespmem:v13+s25+$0x0] =	vst.idx.add.f32.msk $0xffff, v7;
	v63 =	vshll.u32 v14, $0x10;
	(pc) =	sbr.rel @p0 .LBB2_10-.Ltmp5, $4  }
0x156: {  	[tilespmem:v13+s26+$0x0] =	vst.idx.add.f32.msk $0xffff, v4;
	v1 =	vand.u32 $0xFFFF0000, v14;
	v4 =	vmul.f32 v63, v6  }
0x157: {  	[tilespmem:v3+s26+$0x0] =	vst.idx.add.f32.msk $0xffff, v2;
	v1 =	vmul.f32 v1, v6  }
0x158: {  	[tilespmem:v8+s25+$0x0] =	vst.idx.add.f32.msk $0xffff, v4  }
0x159: {  	[tilespmem:v8+s26+$0x0] =	vst.idx.add.f32.msk $0xffff, v1  }
0x15a: {  	s0 =	smul.u32 $0x3E80, s1;
	_ =	sdelay $0x1  }
0x15b: {  	s0 =	sadd.s32 s0, s11  }
.Ltmp6:
0x15c: {  	s5 =	sshrl.u32 s0, $0x3;
	(pc) =	sbr.rel .LBB2_4-.Ltmp6, $4  }
0x15d: {  	s0 =	sshrl.u32 s0, $0x4;
	s5 =	sadd.s32 s2, s5  }
0x15e: {  	[tilespmem:s18], [sflag:$0x3] =	stream.linear.gather [hbm4b:s5+s3], $0x1F40, $0x38;
	[tilespmem:$0x14F00] =	vst v63  }
0x15f: {  	s1 =	sadd.s32 $0x1, s1;
	s0 =	sadd.s32 s4, s0  }
0x160: {  	[tilespmem:s19], [sflag:$0x5] =	stream.linear.gather [hbm4b:s0+s3], $0xFA0, $0x38;
	[tilespmem:$0x14F00] =	vst v63  }
.LBB2_11:
0x161: {  	_ =	sfence.sel $0x180000  }
0x162: {  	[bflag:$0x0] =	sbarrier.arrive $0xFFFF  }
0x163: {  	_ =	strace $0x9000004D  }
0x164: {  	s0 =	stileid.u32;
	[bflag:$0x2] =	sbarrier.arrive $0xFFFF  }
0x165: {  	p0 =	sne.s32 s0, $0x0;
	s0 =	rddreg [dreg:$0x2]  }
0x166: {  	s0 =	sadd.s32 @!p0 $0x100000, s0  }
0x167: {  	[sflag:s0] =	ssyncadd.tile.s32 @!p0 $0x1;
	_ =	shalt  }
.Lfunc_end2:
_tile_overlayer_lowered:
.L_overlay_start_2:
0x168: {  	(tag) =	ssettag $0x2  }
0x169: {  	s0 =	rddreg [dreg:$0x0];
	s2 =	stileid.u32  }
0x16a: {  	s1 =	rddreg [dreg:$0x1];
	p0 =	sne.s32 s2, $0x0  }
0x16b: {  	s3 =	rddreg [dreg:$0x2];
	[bflag:$0x3] =	sbarrier.arrive $0xFFFF;
	s2 =	simm.s32 @!p0 $0x1C06  }
0x16c: {  	[timem:s3], [sflag:s2] =	dma.local @!p0 [hbm:s0], s1  }
0x16d: {  	s0 =	simm.s32 @!p0 $0x6  }
0x16e: {  	_ =	swait.ge @!p0 [sflag:s0], s1  }
0x16f: {  	s1 =	ssub.s32 @!p0 $0x0, s1;
	[sflag:s0] =	ssyncset.done @!p0 $0x0  }
0x170: {  	[sflag:s0] =	ssyncadd.s32 @!p0 s1  }
0x171: {  	[bflag:$0x3] =	sbarrier.arrive $0xFFFF  }
0x172: {  	_ =	shalt  }

// kernel: kernel.19.cloned.1.call-start
scs
__scs_entry_jumppad:
0x0: {  	(pc) =	sbr.rel $0x88, $3  }
0x1: {  	(tag) =	ssettag $0x0;
	lr =	simm.s32 $0x1  }
0x2: {  	[smem:$0x3F94] =	sst lr;
	_ =	strace $0xD0000000  }
0x3: {  	_ = 	snop  }
0x4: {  	_ = 	snop  }
0x5: {  	_ = 	snop  }
0x6: {  	_ = 	snop  }
0x7: {  	_ = 	snop  }
__scs_overlays_trampoline_lowered:
0x8: {  	[smem:$0x3FA3] =	sst s0  }
0x9: {  	[smem:$0x3FA4] =	sst s1  }
0xa: {  	[smem:$0x3FA5] =	sst s2  }
0xb: {  	[smem:$0x3FA6] =	sst s3  }
0xc: {  	[smem:$0x3FA7] =	sst s4  }
0xd: {  	[smem:$0x3FA8] =	sst s5  }
0xe: {  	[smem:$0x3FA9] =	sst s6  }
0xf: {  	[smem:$0x3FAA] =	sst s7  }
0x10: {  	[smem:$0x3FAB] =	sst s8  }
0x11: {  	[smem:$0x3FAC] =	sst s9;
	s0 =	simm.s32 @!p0 $0x0  }
0x12: {  	s1 =	sld [smem:$0x3F92];
	s0 =	simm.s32 @p0 $0x1  }
0x13: {  	[smem:$0x3FAD] =	sst s0;
	s0 =	simm.s32 @!p1 $0x0  }
0x14: {  	s2 =	sld [smem:$0x3F91];
	s0 =	simm.s32 @p1 $0x1  }
0x15: {  	[smem:$0x3FAE] =	sst s0;
	s0 =	simm.s32 @!p2 $0x0  }
0x16: {  	s3 =	sld [smem:$0x3FDB];
	s0 =	simm.s32 @p2 $0x1  }
0x17: {  	s4 =	simm.s32 $0x1BF5;
	[smem:$0x3FB0] =	sst s0  }
0x18: {  	s0 =	sld [smem:$0x3F93];
	_ =	swait.ge [sflag:s4], $0x0  }
0x19: {  	s7 =	sld [smem:$0x3F94]  }
0x1a: {  	s8 =	sadd.s32 $0xFFFFE003, lr  }
0x1b: {  	s9 =	sadd.s32 $0xFFFFFEF7, lr;
	s5 =	simm.s32 $0xFFFFFFFF;
	p2 =	slt.u32 s8, $0xFFFFF086  }
0x1c: {  	p1 =	slt.u32 s9, $0xF7A;
	s5 =	simm.s32 @!p2 $0x0  }
0x1d: {  	s5 =	simm.s32 @p1 $0x1;
	p0 =	seq.s32 s7, s2  }
0x1e: {  	s7 =	smul.u32 @!p0 $0xF7A, s2;
	p2 =	seq.s32 @!p0 s5, $0x0  }
0x1f: {  	s9 =	smul.u32 $0xF7A, s1;
	s8 =	simm.s32 @!p0 $0x1BF5;
	p2 =	por !p2, p0  }
0x20: {  	[sflag:s8] =	ssyncset.s32 @!p0 $0xFFFFF086;
	s6 =	sadd.s32 @!p0 s3, s7;
	s7 =	simm.s32 @!p0 $0x108  }
0x21: {  	s3 =	sadd.s32 s3, s9;
	s6 =	sadd.s32 @!p0 $0x88, s6;
	s7 =	simm.s32 @p2 $0x1082  }
0x22: {  	[simem:s7], [sflag:s8] =	dma.local @!p0 [hbm:s6], $0xF7A  }
0x23: {  	s9 =	sor.u32 $0xD0000000, s2;
	s6 =	simm.s32 $0x108;
	_ =	swait.ge @!p0 [sflag:s8], $0x0  }
0x24: {  	s3 =	sadd.s32 $0x88, s3;
	s6 =	simm.s32 @!p1 $0x1082;
	[sflag:s4] =	ssyncset.s32 $0xFFFFF086  }
0x25: {  	[simem:s6], [sflag:s4] =	dma.local [hbm:s3], $0xF7A  }
0x26: {  	[smem:$0x3F94] =	sst s1;
	(tag) =	ssettag s2;
	_ =	strace s9  }
0x27: {  	s1 =	sld [smem:$0x3FA4]  }
0x28: {  	s2 =	sld [smem:$0x3FA5]  }
0x29: {  	s4 =	sld [smem:$0x3FA7]  }
0x2a: {  	p0 =	seq.s32 s5, $0x0;
	s5 =	sld [smem:$0x3FA8]  }
0x2b: {  	s6 =	sld [smem:$0x3FA9]  }
0x2c: {  	s7 =	sld [smem:$0x3FAA]  }
0x2d: {  	s3 =	simm.s32 $0x108;
	s8 =	sld [smem:$0x3FAB]  }
0x2e: {  	s3 =	simm.s32 @!p0 $0x1082;
	s9 =	sld [smem:$0x3FAC]  }
0x2f: {  	lr =	sadd.s32 s0, s3;
	s0 =	sld [smem:$0x3FA3]  }
0x30: {  	s3 =	sld [smem:$0x3FA6]  }
0x31: {  	[smem:$0x3FAF] =	sst s10  }
0x32: {  	s10 =	sld [smem:$0x3FAD];
	_ =	sdelay $0x3  }
0x33: {  	p0 =	seq.s32 s10, $0x1;
	s10 =	sld [smem:$0x3FAF];
	_ =	sdelay $0x3  }
0x34: {  	[smem:$0x3FAF] =	sst s10  }
0x35: {  	s10 =	sld [smem:$0x3FAE];
	_ =	sdelay $0x3  }
0x36: {  	p1 =	seq.s32 s10, $0x1;
	s10 =	sld [smem:$0x3FAF];
	_ =	sdelay $0x3  }
0x37: {  	[smem:$0x3FAF] =	sst s10  }
0x38: {  	s10 =	sld [smem:$0x3FB0]  }
0x39: {  	_ = 	snop;
	(pc) =	sbr.ind lr, $3  }
0x3a: {  	_ = 	snop  }
0x3b: {  	_ = 	snop  }
0x3c: {  	p2 =	seq.s32 s10, $0x1;
	s10 =	sld [smem:$0x3FAF]  }
0x3d: {  	_ =	shalt  }
0x3e: {  	_ =	shalt  }
0x3f: {  	_ =	shalt  }
0x40: {  	_ =	shalt  }
0x41: {  	_ =	shalt  }
0x42: {  	_ =	shalt  }
0x43: {  	_ =	shalt  }
0x44: {  	_ =	shalt  }
0x45: {  	_ =	shalt  }
0x46: {  	_ =	shalt  }
0x47: {  	_ =	shalt  }
0x48: {  	_ =	shalt  }
0x49: {  	_ =	shalt  }
0x4a: {  	_ =	shalt  }
0x4b: {  	_ =	shalt  }
0x4c: {  	_ =	shalt  }
0x4d: {  	_ =	shalt  }
0x4e: {  	_ =	shalt  }
0x4f: {  	_ =	shalt  }
0x50: {  	_ =	shalt  }
0x51: {  	_ =	shalt  }
0x52: {  	_ =	shalt  }
0x53: {  	_ =	shalt  }
0x54: {  	_ =	shalt  }
0x55: {  	_ =	shalt  }
0x56: {  	_ =	shalt  }
0x57: {  	_ =	shalt  }
0x58: {  	_ =	shalt  }
0x59: {  	_ =	shalt  }
0x5a: {  	_ =	shalt  }
0x5b: {  	_ =	shalt  }
0x5c: {  	_ =	shalt  }
0x5d: {  	_ =	shalt  }
0x5e: {  	_ =	shalt  }
0x5f: {  	_ =	shalt  }
0x60: {  	_ =	shalt  }
0x61: {  	_ =	shalt  }
0x62: {  	_ =	shalt  }
0x63: {  	_ =	shalt  }
0x64: {  	_ =	shalt  }
0x65: {  	_ =	shalt  }
0x66: {  	_ =	shalt  }
0x67: {  	_ =	shalt  }
0x68: {  	_ =	shalt  }
0x69: {  	_ =	shalt  }
0x6a: {  	_ =	shalt  }
0x6b: {  	_ =	shalt  }
0x6c: {  	_ =	shalt  }
0x6d: {  	_ =	shalt  }
0x6e: {  	_ =	shalt  }
0x6f: {  	_ =	shalt  }
0x70: {  	_ =	shalt  }
0x71: {  	_ =	shalt  }
0x72: {  	_ =	shalt  }
0x73: {  	_ =	shalt  }
0x74: {  	_ =	shalt  }
0x75: {  	_ =	shalt  }
0x76: {  	_ =	shalt  }
0x77: {  	_ =	shalt  }
0x78: {  	_ =	shalt  }
0x79: {  	_ =	shalt  }
0x7a: {  	_ =	shalt  }
0x7b: {  	_ =	shalt  }
0x7c: {  	_ =	shalt  }
0x7d: {  	_ =	shalt  }
0x7e: {  	_ =	shalt  }
0x7f: {  	_ =	shalt  }
0x80: {  	_ =	shalt  }
0x81: {  	_ =	shalt  }
0x82: {  	_ =	shalt  }
0x83: {  	_ =	shalt  }
0x84: {  	_ =	shalt  }
0x85: {  	_ =	shalt  }
0x86: {  	_ =	shalt  }
0x87: {  	_ =	shalt  }
.Lfunc_end0:
.L_simem_size_0:
called_computation.3_lowered:
.L_overlay_start_0:
0x88: {  	s2 =	sld [smem:$0x3FD9]  }
0x89: {  	s3 =	sld [smem:$0x3FFE];
	_ =	sdelay $0x1  }
0x8a: {  	s1 =	srdreg.scid  }
0x8b: {  	s0 =	sand.u32 $0x1, s1  }
0x8c: {  	s17 =	sshll.u32 s0, $0xA;
	s2 =	sadd.s32 s3, s2  }
0x8d: {  	s2 =	sadd.s32 s2, s17  }
0x8e: {  	[smem:$0x3FBB] =	sst s2  }
0x8f: {  	_ = 	snop  }
0x90: {  	s2 =	sld [smem:$0x3FD0];
	(tm) =	ssettm $0x1  }
0x91: {  	s18 =	sld [smem:$0x3FFB];
	_ =	sdelay $0x3  }
0x92: {  	_ =	strace s18  }
0x93: {  	s3 =	sld [smem:$0x3FFC];
	_ =	sdelay $0x3  }
0x94: {  	_ =	strace s3  }
0x95: {  	s3 =	sld [smem:$0x3FFD];
	_ =	sdelay $0x3  }
0x96: {  	_ =	strace s3  }
0x97: {  	_ =	strace $0x8FFFFFFF  }
0x98: {  	s19 =	sld [smem:$0x3FDB];
	_ =	sdelay $0x1  }
0x99: {  	s4 =	simm.s32 $_scs_section_size  }
0x9a: {  	s5 =	simm.s32 $_size__tile_overlayer_lowered;
	s6 =	simm.s32 $_tile_overlayer_lowered  }
0x9b: {  	s22 =	simm.s32 $0x1BFF;
	s21 =	sshll.u32 s6, $0x1;
	s3 =	sadd.s32 s4, s19  }
0x9c: {  	s7 =	simm.s32 $0x0;
	s20 =	sshll.u32 s5, $0x1;
	s5 =	sadd.s32 s21, s3  }
0x9d: {  	[timem:s7], [sflag:s22] =	dma.local [hbm:s5], s20  }
0x9e: {  	_ =	swait.ge [sflag:s22], s20  }
0x9f: {  	s4 =	ssub.s32 $0x0, s20;
	[sflag:s22] =	ssyncset.done $0x0  }
0xa0: {  	[sflag:s22] =	ssyncadd.s32 s4;
	_ =	sdelay $0x1  }
0xa1: {  	s23 =	simm.s32 $0x1B8B  }
0xa2: {  	_ =	swait.ge [sflag:s23], $0x1  }
0xa3: {  	[sflag:s23] =	ssyncset.done $0x0  }
0xa4: {  	s25 =	simm.s32 $0x1B8E;
	s24 =	sld [smem:$0x3FFE];
	[sflag:s23] =	ssyncadd.s32 $0xFFFFFFFF  }
0xa5: {  	s26 =	simm.s32 $execute0_lowered;
	[smem:$0x3FD2] =	sst s25  }
0xa6: {  	s5 =	sshll.u32 s26, $0x1;
	_ =	strace $0x8000004F;
	[dreg:$0x1] =	wrdreg $0xFFFFFFFF  }
0xa7: {  	s28 =	simm.s32 $_size_execute0_lowered;
	s3 =	sadd.s32 s3, s5;
	[dreg:$0x0] =	wrdreg $0x0  }
0xa8: {  	s5 =	sshll.u32 s28, $0x1;
	[dreg:$0x2] =	wrdreg s3  }
0xa9: {  	[dreg:$0x3] =	wrdreg s5  }
0xaa: {  	[dreg:$0x4] =	wrdreg $0xC0  }
0xab: {  	_ =	task [dreg:s7], $0x5FFFF  }
0xac: {  	[dreg:$0x1] =	wrdreg $0xFFFFFFFF  }
0xad: {  	[dreg:$0x0] =	wrdreg $0x60  }
0xae: {  	[dreg:$0x2] =	wrdreg s24  }
0xaf: {  	[dreg:$0x3] =	wrdreg s2  }
0xb0: {  	[dreg:$0x4] =	wrdreg $0x9  }
0xb1: {  	_ =	task.clear_ibuf [dreg:s7], $0x5FFFF;
	_ =	strace $0x9000004F  }
0xb2: {  	s29 =	simm.s32 $0x9;
	_ =	strace $0x80000051  }
0xb3: {  	_ =	swait.ge [sflag:s29], $0x1  }
0xb4: {  	[sflag:s29] =	ssyncadd.s32 $0xFFFFFFFF  }
0xb5: {  	_ =	strace $0x90000051  }
0xb6: {  	_ =	sfence  }
0xb7: {  	s30 =	sld [smem:$0x0];
	_ =	sdelay $0x2  }
0xb8: {  	s31 =	sshll.u32 s1, $0xD;
	s1 =	sshrl.u32 s1, $0x2  }
0xb9: {  	s3 =	sand.u32 $0x4000, s31;
	s1 =	sadd.s32 s1, s30  }
0xba: {  	s0 =	sor.u32 s3, s0;
	s1 =	sshll.u32 s1, $0x11  }
0xbb: {  	s0 =	sor.u32 s1, s0  }
0xbc: {  	s0 =	sadd.s32 $0x8F2B, s0  }
0xbd: {  	[sflag:s0] =	ssyncadd.remote.s32 $0x1  }
0xbe: {  	_ =	sfence.sel $0xFFFF  }
0xbf: {  	[dreg:$0x0] =	wrdreg $0xFFFFFFFF;
	(pc) =	sbr.abs _section_cstart, $3  }
0xc0: {  	[dreg:$0x1] =	wrdreg $0xFFFFFFFF  }
0xc1: {  	_ =	task.clear_ibuf [dreg:s7], $0x2FFFF;
	_ =	strace $0x9FFFFFFF  }
0xc2: {  	(tm) =	ssettm $0x7FFFFFFF  }
0xc3: {  	_ =	shalt  }
tec
execute0_lowered:
.L_overlay_start_1:
0x0: {  	(tag) =	ssettag $0x1  }
0x1: {  	s0 =	rddreg [dreg:$0x0]  }
0x2: {  	s2 =	rddreg [dreg:$0x1];
	s12 =	stileid.u32  }
0x3: {  	s1 =	srdreg.scid;
	s3 =	simm.s32 $0x0;
	s15 =	simm.s32 $0x1  }
0x4: {  	s18 =	simm.s32 $0x10F80;
	s28 =	simm.s32 $0x3;
	s29 =	simm.s32 $0x5  }
0x5: {  	s30 =	simm.s32 $0x6;
	s31 =	simm.s32 $0x0;
	s4 =	sshrl.u32 s12, $0x1  }
0x6: {  	s1 =	sand.u32 $0x1, s1;
	s6 =	sand.u32 $0x1, s12;
	[smem:$0x7FF] =	sst s3  }
0x7: {  	s23 =	sand.u32 $0xE, s12;
	s5 =	smul.u32 $0x5000, s4;
	s19 =	sshll.u32 s1, $0x1  }
0x8: {  	_ =	strace $0x80000050;
	s4 =	sadd.s32 $0x20E00, s0;
	s1 =	ssub.s32 $0x2, s1  }
0x9: {  	s13 =	smul.u32 $0x2800, s23;
	s23 =	simm.s32 $0xA000;
	s7 =	sor.u32 s6, s19  }
0xa: {  	s8 =	sshrl.u32 s1, $0x1;
	s19 =	simm.s32 $0x13F00;
	s11 =	smul.u32 $0x13880, s7  }
0xb: {  	s20 =	sshrl.u32 s5, $0x3;
	s1 =	ssub.s32 s1, s8;
	s10 =	smul.u32 $0x50000, s7  }
0xc: {  	s21 =	sadd.s32 s20, s0;
	s0 =	sadd.s32 $0x25E00, s0;
	s14 =	smax.u32 s1, $0x1  }
0xd: {  	s20 =	simm.s32 $0x2;
	s9 =	sshrl.u32 s11, $0x3;
	s6 =	sadd.s32 $0x3400, s21  }
0xe: {  	s22 =	sadd.s32 $0x1F40, s11;
	s24 =	sshrl.u32 s11, $0x4;
	s5 =	sadd.s32 s5, s10  }
0xf: {  	s26 =	sadd.s32 s10, s13;
	s10 =	sadd.s32 $0x3E80, s11;
	s11 =	sadd.s32 $0x5DC0, s11  }
0x10: {  	s21 =	simm.s32 $0x4;
	[dreg:$0x3] =	wrdreg s6;
	s6 =	sadd.s32 s2, s9  }
.Ltmp0:
0x11: {  	s25 =	sshrl.u32 s22, $0x3;
	s7 =	sadd.s32 s4, s24;
	(pc) =	sbr.rel .LBB2_1-.Ltmp0, $4  }
0x12: {  	s9 =	sshrl.u32 s22, $0x4;
	s5 =	sshrl.u32 s5, $0x3;
	s13 =	sshrl.u32 s26, $0x3  }
0x13: {  	s22 =	simm.s32 $0x5000;
	s24 =	simm.s32 $0x2800;
	s26 =	simm.s32 $0xC800  }
0x14: {  	s8 =	sadd.s32 s2, s25;
	s12 =	sadd.s32 s0, s5;
	s0 =	sadd.s32 s0, s13  }
0x15: {  	v0 =	vimm.f32 $0.0e+00;
	s9 =	sadd.s32 s4, s9;
	s25 =	simm.s32 $0x7800;
	s13 =	sadd.s32 $0x5000, s0  }
.LBB2_10:
0x16: {  	[hbm4b:s12+s3] =	stream.linear.scatter [tilespmem:s22], [sflag:$0x6], $0x5000, $0x38;
	[tilespmem:$0x14F00] =	vst v63  }
0x17: {  	s31 =	sadd.s32 $0x1, s31;
	_ =	swait.ge [sflag:s30], $0x5000  }
0x18: {  	p0 =	sne.s32 s31, s14;
	[sflag:s30] =	ssyncset.done $0x0  }
.Ltmp1:
0x19: {  	[sflag:s30] =	ssyncadd.s32 $0xFFFFB000;
	(pc) =	sbr.rel @!p0 .LBB2_11-.Ltmp1, $4  }
0x1a: {  	[hbm4b:s13+s3] =	stream.linear.scatter [tilespmem:s23], [sflag:$0x6], $0x5000, $0x38;
	[tilespmem:$0x14F00] =	vst v63  }
0x1b: {  	_ =	swait.ge [sflag:s30], $0x5000  }
0x1c: {  	[sflag:s30] =	ssyncset.done $0x0  }
0x1d: {  	[sflag:s30] =	ssyncadd.s32 $0xFFFFB000  }
.LBB2_1:
0x1e: {  	s0 =	rddreg [dreg:$0x3]  }
0x1f: {  	[tilespmem:s3], [sflag:$0x1] =	stream.linear.gather [hbm4b:s0+s3], $0x5000, $0x38;
	[tilespmem:$0x14F00] =	vst v63  }
0x20: {  	s0 =	simm.s32 $0x5040  }
0x21: {  	[tilespmem:s0+$0xFFFFFFC0] =	vst v0  }
0x22: {  	[tilespmem:s0+$0x30] =	vst v0  }
0x23: {  	[tilespmem:s0+$0x20] =	vst v0  }
0x24: {  	[tilespmem:s0+$0x10] =	vst v0  }
0x25: {  	[tilespmem:s0+$0x0] =	vst v0  }
0x26: {  	[tilespmem:s0+$0xFFFFFFF0] =	vst v0  }
0x27: {  	s1 =	simm.s32 $0x0;
	[tilespmem:s0+$0xFFFFFFE0] =	vst v0  }
.LBB2_2:
0x28: {  	s1 =	sadd.s32 $0x8, s1;
	[tilespmem:s0+$0xFFFFFFD0] =	vst v0;
	s0 =	sadd.s32 $0x80, s0  }
0x29: {  	[tilespmem:s0+$0xFFFFFFC0] =	vst v0;
	p0 =	slt.u32 s1, $0x9F8  }
0x2a: {  	[tilespmem:s0+$0x30] =	vst v0  }
.Ltmp2:
0x2b: {  	[tilespmem:s0+$0x20] =	vst v0;
	(pc) =	sbr.rel @p0 .LBB2_2-.Ltmp2, $4  }
0x2c: {  	[tilespmem:s0+$0x10] =	vst v0  }
0x2d: {  	[tilespmem:s0+$0x0] =	vst v0  }
0x2e: {  	[tilespmem:s0+$0xFFFFFFF0] =	vst v0  }
0x2f: {  	[tilespmem:s0+$0xFFFFFFE0] =	vst v0  }
0x30: {  	[tilespmem:s0+$0xFFFFFFD0] =	vst v0  }
0x31: {  	_ =	swait.ge [sflag:s15], $0x5000  }
0x32: {  	[sflag:s15] =	ssyncset.done $0x0  }
0x33: {  	s0 =	simm.s32 $0x0;
	s1 =	simm.s32 $0xF000;
	[sflag:s15] =	ssyncadd.s32 $0xFFFFB000  }
0x34: {  	[tilespmem:s1], [sflag:$0x2] =	stream.linear.gather [hbm4b:s6+s0], $0x1F40, $0x38;
	[tilespmem:$0x14F00] =	vst v63  }
0x35: {  	s17 =	simm.s32 $0x12F00  }
0x36: {  	[tilespmem:s17], [sflag:$0x4] =	stream.linear.gather [hbm4b:s7+s0], $0xFA0, $0x38;
	[tilespmem:$0x14F00] =	vst v63  }
0x37: {  	_ = 	snop  }
0x38: {  	[tilespmem:s18], [sflag:$0x3] =	stream.linear.gather [hbm4b:s8+s0], $0x1F40, $0x38;
	[tilespmem:$0x14F00] =	vst v63  }
0x39: {  	_ = 	snop  }
0x3a: {  	[tilespmem:s19], [sflag:$0x5] =	stream.linear.gather [hbm4b:s9+s0], $0xFA0, $0x38;
	[tilespmem:$0x14F00] =	vst v63  }
.LBB2_4:
0x3b: {  	_ =	swait.ge [sflag:s20], $0x1F40  }
0x3c: {  	[sflag:s20] =	ssyncset.done $0x0  }
0x3d: {  	[sflag:s20] =	ssyncadd.s32 $0xFFFFE0C0  }
0x3e: {  	_ =	swait.ge [sflag:s21], $0xFA0  }
0x3f: {  	[sflag:s21] =	ssyncset.done $0x0  }
0x40: {  	s1 =	simm.s32 $0xFFB0;
	[sflag:s21] =	ssyncadd.s32 $0xFFFFF060  }
0x41: {  	v1 =	vld [tilespmem:s1+$0xFFFFF060];
	_ =	sdelay $0x4  }
0x42: {  	v2 =	vld [tilespmem:s1+$0xFFFFF050];
	v3 =	vand.u32 $0x3FFF, v1;
	_ =	sdelay $0x2  }
0x43: {  	s5 =	simm.s32 $0x12F10  }
0x44: {  	v6 =	vld [tilespmem:s5+$0x0]  }
0x45: {  	v4 =	vand.u32 $0x3FFF, v2;
	v5 =	vld.idx.msk [tilespmem:v3+s3+$0x0], $0xffff;
	_ =	sdelay $0x2  }
0x46: {  	v1 =	vshrl.u32 v1, $0xE  }
0x47: {  	v7 =	vld [tilespmem:s5+$0xFFFFFFF0]  }
0x48: {  	v9 =	vshll.u32 v6, $0x10;
	v8 =	vld.idx.msk [tilespmem:v4+s3+$0x0], $0xffff;
	v10 =	vshll.u32 v5, $0x10  }
0x49: {  	v5 =	vand.u32 $0xFFFF0000, v5;
	v10 =	vmul.f32 v10, v9  }
0x4a: {  	v5 =	vmul.f32 v5, v9  }
0x4b: {  	v2 =	vshrl.u32 v2, $0xE;
	[tilespmem:v1+s22+$0x0] =	vst.idx.add.f32.msk $0xffff, v10  }
0x4c: {  	[tilespmem:v1+s23+$0x0] =	vst.idx.add.f32.msk $0xffff, v5  }
0x4d: {  	v10 =	vshll.u32 v7, $0x10;
	v5 =	vshll.u32 v8, $0x10;
	v3 =	vld.idx.msk [tilespmem:v3+s24+$0x0], $0xffff  }
0x4e: {  	v8 =	vand.u32 $0xFFFF0000, v8;
	v5 =	vmul.f32 v5, v10  }
0x4f: {  	v8 =	vmul.f32 v8, v10  }
0x50: {  	[tilespmem:v2+s22+$0x0] =	vst.idx.add.f32.msk $0xffff, v5  }
0x51: {  	s16 =	simm.s32 $0xFFD0;
	[tilespmem:v2+s23+$0x0] =	vst.idx.add.f32.msk $0xffff, v8  }
0x52: {  	v8 =	vld [tilespmem:s16+$0xFFFFF060];
	v5 =	vshll.u32 v3, $0x10  }
0x53: {  	v4 =	vld.idx.msk [tilespmem:v4+s24+$0x0], $0xffff;
	v3 =	vand.u32 $0xFFFF0000, v3;
	v5 =	vmul.f32 v5, v9  }
0x54: {  	v3 =	vmul.f32 v3, v9  }
0x55: {  	[tilespmem:v1+s25+$0x0] =	vst.idx.add.f32.msk $0xffff, v5  }
0x56: {  	[tilespmem:v1+s26+$0x0] =	vst.idx.add.f32.msk $0xffff, v3  }
0x57: {  	v3 =	vld [tilespmem:s1+$0x0]  }
0x58: {  	v9 =	vand.u32 $0x3FFF, v8;
	v1 =	vshll.u32 v4, $0x10  }
0x59: {  	s17 =	simm.s32 $0x12F30;
	v5 =	vld [tilespmem:s16+$0xFFFFF050];
	v4 =	vand.u32 $0xFFFF0000, v4;
	v1 =	vmul.f32 v1, v10  }
0x5a: {  	v11 =	vld [tilespmem:s17+$0x0];
	v4 =	vmul.f32 v4, v10  }
0x5b: {  	[tilespmem:v2+s25+$0x0] =	vst.idx.add.f32.msk $0xffff, v1  }
0x5c: {  	[tilespmem:v2+s26+$0x0] =	vst.idx.add.f32.msk $0xffff, v4;
	v2 =	vand.u32 $0x3FFF, v3  }
0x5d: {  	v4 =	vld.idx.msk [tilespmem:v9+s3+$0x0], $0xffff  }
0x5e: {  	v10 =	vand.u32 $0x3FFF, v5;
	v1 =	vld [tilespmem:s1+$0xFFFFFFF0];
	_ =	sdelay $0x1  }
0x5f: {  	v8 =	vshrl.u32 v8, $0xE  }
0x60: {  	v12 =	vld.idx.msk [tilespmem:v2+s3+$0x0], $0xffff  }
0x61: {  	v15 =	vld [tilespmem:s17+$0xFFFFFFF0];
	v16 =	vshll.u32 v11, $0x10;
	v17 =	vshll.u32 v4, $0x10  }
0x62: {  	v14 =	vld.idx.msk [tilespmem:v10+s3+$0x0], $0xffff;
	v4 =	vand.u32 $0xFFFF0000, v4;
	v13 =	vand.u32 $0x3FFF, v1;
	v17 =	vmul.f32 v17, v16  }
0x63: {  	v3 =	vshrl.u32 v3, $0xE;
	v4 =	vmul.f32 v4, v16  }
0x64: {  	[tilespmem:v8+s22+$0x0] =	vst.idx.add.f32.msk $0xffff, v17  }
0x65: {  	v6 =	vand.u32 $0xFFFF0000, v6;
	v5 =	vshrl.u32 v5, $0xE;
	[tilespmem:v8+s23+$0x0] =	vst.idx.add.f32.msk $0xffff, v4;
	v17 =	vshll.u32 v12, $0x10  }
0x66: {  	v9 =	vld.idx.msk [tilespmem:v9+s24+$0x0], $0xffff;
	v12 =	vand.u32 $0xFFFF0000, v12;
	v4 =	vmul.f32 v17, v6  }
0x67: {  	v19 =	vshll.u32 v14, $0x10;
	v18 =	vld.idx.msk [tilespmem:v13+s3+$0x0], $0xffff;
	v17 =	vshll.u32 v15, $0x10;
	v12 =	vmul.f32 v12, v6  }
0x68: {  	v19 =	vmul.f32 v19, v17;
	[tilespmem:v3+s22+$0x0] =	vst.idx.add.f32.msk $0xffff, v4  }
0x69: {  	v14 =	vand.u32 $0xFFFF0000, v14;
	[tilespmem:v3+s23+$0x0] =	vst.idx.add.f32.msk $0xffff, v12  }
0x6a: {  	s1 =	simm.s32 $0xFFF0;
	v4 =	vmul.f32 v14, v17;
	[tilespmem:v5+s22+$0x0] =	vst.idx.add.f32.msk $0xffff, v19  }
0x6b: {  	v1 =	vshrl.u32 v1, $0xE;
	v12 =	vld [tilespmem:s1+$0xFFFFF060]  }
0x6c: {  	[tilespmem:v5+s23+$0x0] =	vst.idx.add.f32.msk $0xffff, v4  }
0x6d: {  	v19 =	vand.u32 $0xFFFF0000, v7;
	v4 =	vshll.u32 v18, $0x10;
	v7 =	vld.idx.msk [tilespmem:v10+s24+$0x0], $0xffff  }
0x6e: {  	v4 =	vmul.f32 v4, v19;
	v10 =	vshll.u32 v9, $0x10  }
0x6f: {  	v2 =	vld.idx.msk [tilespmem:v2+s24+$0x0], $0xffff;
	v9 =	vand.u32 $0xFFFF0000, v9;
	v10 =	vmul.f32 v10, v16  }
0x70: {  	[tilespmem:v1+s22+$0x0] =	vst.idx.add.f32.msk $0xffff, v4;
	v4 =	vmul.f32 v9, v16  }
0x71: {  	[tilespmem:v8+s25+$0x0] =	vst.idx.add.f32.msk $0xffff, v10;
	v10 =	vand.u32 $0x3FFF, v12  }
0x72: {  	[tilespmem:v8+s26+$0x0] =	vst.idx.add.f32.msk $0xffff, v4;
	v4 =	vshll.u32 v7, $0x10  }
0x73: {  	v9 =	vld [tilespmem:s1+$0xFFFFF050];
	v4 =	vmul.f32 v4, v17  }
0x74: {  	v8 =	vld [tilespmem:s16+$0x0];
	v7 =	vand.u32 $0xFFFF0000, v7  }
0x75: {  	v14 =	vshll.u32 v2, $0x10;
	v7 =	vmul.f32 v7, v17;
	[tilespmem:v5+s25+$0x0] =	vst.idx.add.f32.msk $0xffff, v4  }
0x76: {  	v4 =	vmul.f32 v14, v6;
	v14 =	vld.idx.msk [tilespmem:v10+s3+$0x0], $0xffff  }
0x77: {  	[tilespmem:v5+s26+$0x0] =	vst.idx.add.f32.msk $0xffff, v7  }
0x78: {  	v5 =	vld [tilespmem:s16+$0xFFFFFFF0]  }
0x79: {  	v2 =	vand.u32 $0xFFFF0000, v2;
	[tilespmem:v3+s25+$0x0] =	vst.idx.add.f32.msk $0xffff, v4;
	v4 =	vand.u32 $0x3FFF, v8;
	s16 =	simm.s32 $0x12F50  }
0x7a: {  	v2 =	vmul.f32 v2, v6;
	v7 =	vand.u32 $0xFFFF0000, v18;
	v6 =	vld [tilespmem:s16+$0x0]  }
0x7b: {  	v7 =	vmul.f32 v7, v19  }
0x7c: {  	v16 =	vand.u32 $0x3FFF, v9;
	[tilespmem:v3+s26+$0x0] =	vst.idx.add.f32.msk $0xffff, v2  }
0x7d: {  	v12 =	vshrl.u32 v12, $0xE;
	[tilespmem:v1+s23+$0x0] =	vst.idx.add.f32.msk $0xffff, v7  }
0x7e: {  	v2 =	vand.u32 $0x3FFF, v5;
	v3 =	vld.idx.msk [tilespmem:v4+s3+$0x0], $0xffff  }
0x7f: {  	v18 =	vld.idx.msk [tilespmem:v13+s24+$0x0], $0xffff;
	v7 =	vshll.u32 v14, $0x10;
	v13 =	vshll.u32 v6, $0x10  }
0x80: {  	v17 =	vld [tilespmem:s16+$0xFFFFFFF0];
	v21 =	vmul.f32 v7, v13  }
0x81: {  	v20 =	vld.idx.msk [tilespmem:v16+s3+$0x0], $0xffff;
	v14 =	vand.u32 $0xFFFF0000, v14;
	v7 =	vshrl.u32 v8, $0xE  }
0x82: {  	v14 =	vmul.f32 v14, v13;
	[tilespmem:v12+s22+$0x0] =	vst.idx.add.f32.msk $0xffff, v21  }
0x83: {  	v11 =	vand.u32 $0xFFFF0000, v11;
	v22 =	vld.idx.msk [tilespmem:v2+s3+$0x0], $0xffff;
	v62 =	vshll.u32 v3, $0x10  }
0x84: {  	v8 =	vshrl.u32 v9, $0xE;
	[tilespmem:v12+s23+$0x0] =	vst.idx.add.f32.msk $0xffff, v14;
	v3 =	vand.u32 $0xFFFF0000, v3;
	v9 =	vmul.f32 v62, v11  }
0x85: {  	v63 =	vld.idx.msk [tilespmem:v10+s24+$0x0], $0xffff;
	v10 =	vmul.f32 v3, v11  }
0x86: {  	v23 =	vshll.u32 v20, $0x10;
	v14 =	vshll.u32 v17, $0x10;
	[tilespmem:v7+s22+$0x0] =	vst.idx.add.f32.msk $0xffff, v9  }
0x87: {  	v3 =	vshrl.u32 v5, $0xE;
	v9 =	vand.u32 $0xFFFF0000, v20;
	v20 =	vmul.f32 v23, v14;
	[tilespmem:v7+s23+$0x0] =	vst.idx.add.f32.msk $0xffff, v10  }
0x88: {  	v5 =	vand.u32 $0xFFFF0000, v15;
	v9 =	vmul.f32 v9, v14;
	v15 =	vld.idx.msk [tilespmem:v4+s24+$0x0], $0xffff  }
0x89: {  	v10 =	vshll.u32 v18, $0x10;
	v4 =	vand.u32 $0xFFFF0000, v17;
	v17 =	vshll.u32 v22, $0x10;
	[tilespmem:v8+s22+$0x0] =	vst.idx.add.f32.msk $0xffff, v20  }
0x8a: {  	v18 =	vand.u32 $0xFFFF0000, v18;
	v10 =	vmul.f32 v10, v19;
	v20 =	vmul.f32 v17, v5;
	[tilespmem:v8+s23+$0x0] =	vst.idx.add.f32.msk $0xffff, v9  }
0x8b: {  	v9 =	vmul.f32 v18, v19;
	v18 =	vand.u32 $0xFFFF0000, v22;
	v19 =	vshll.u32 v63, $0x10;
	v17 =	vld.idx.msk [tilespmem:v16+s24+$0x0], $0xffff  }
0x8c: {  	s17 =	simm.s32 $0x4;
	s5 =	simm.s32 $0x10010;
	v16 =	vmul.f32 v18, v5;
	v18 =	vmul.f32 v19, v13;
	v19 =	vand.u32 $0xFFFF0000, v63;
	[tilespmem:v3+s22+$0x0] =	vst.idx.add.f32.msk $0xffff, v20  }
.LBB2_5:
0x8d: {  	v20 =	vld [tilespmem:s5+$0xFFFFF060];
	v13 =	vmul.f32 v19, v13  }
0x8e: {  	[tilespmem:v12+s25+$0x0] =	vst.idx.add.f32.msk $0xffff, v18;
	v18 =	vshll.u32 v15, $0x10  }
0x8f: {  	[tilespmem:v12+s26+$0x0] =	vst.idx.add.f32.msk $0xffff, v13;
	v12 =	vmul.f32 v18, v11;
	v13 =	vand.u32 $0xFFFF0000, v15  }
0x90: {  	v15 =	vld [tilespmem:s1+$0x0];
	v11 =	vmul.f32 v13, v11  }
0x91: {  	v13 =	vshll.u32 v17, $0x10;
	v17 =	vand.u32 $0xFFFF0000, v17;
	[tilespmem:v7+s25+$0x0] =	vst.idx.add.f32.msk $0xffff, v12  }
0x92: {  	v12 =	vmul.f32 v13, v14;
	v13 =	vmul.f32 v17, v14;
	[tilespmem:v7+s26+$0x0] =	vst.idx.add.f32.msk $0xffff, v11  }
0x93: {  	s17 =	sadd.s32 $0x2, s17;
	v17 =	vand.u32 $0x3FFF, v20;
	v7 =	vld [tilespmem:s5+$0xFFFFF050]  }
0x94: {  	p0 =	slt.u32 s17, $0xF8;
	[tilespmem:v8+s25+$0x0] =	vst.idx.add.f32.msk $0xffff, v12  }
0x95: {  	[tilespmem:v8+s26+$0x0] =	vst.idx.add.f32.msk $0xffff, v13  }
0x96: {  	v18 =	vand.u32 $0x3FFF, v15;
	v11 =	vld [tilespmem:s1+$0xFFFFFFF0];
	s1 =	smov.u32 s5  }
0x97: {  	[tilespmem:v3+s23+$0x0] =	vst.idx.add.f32.msk $0xffff, v16  }
0x98: {  	s16 =	sadd.s32 $0x20, s16;
	v8 =	vshrl.u32 v7, $0xE;
	v19 =	vand.u32 $0x3FFF, v7;
	v7 =	vld.idx.msk [tilespmem:v17+s3+$0x0], $0xffff  }
0x99: {  	v16 =	vld [tilespmem:s16+$0x0]  }
0x9a: {  	v21 =	vld [tilespmem:s16+$0xFFFFFFF0]  }
0x9b: {  	v22 =	vshrl.u32 v11, $0xE;
	v11 =	vand.u32 $0x3FFF, v11;
	v23 =	vld.idx.msk [tilespmem:v18+s3+$0x0], $0xffff  }
0x9c: {  	v12 =	vshrl.u32 v20, $0xE;
	v20 =	vld.idx.msk [tilespmem:v2+s24+$0x0], $0xffff;
	v2 =	vmov v11  }
0x9d: {  	v24 =	vld.idx.msk [tilespmem:v19+s3+$0x0], $0xffff  }
0x9e: {  	v14 =	vshll.u32 v7, $0x10;
	v13 =	vshll.u32 v16, $0x10;
	[tilespmem:v1+s25+$0x0] =	vst.idx.add.f32.msk $0xffff, v10  }
0x9f: {  	v25 =	vand.u32 $0xFFFF0000, v7;
	v7 =	vshrl.u32 v15, $0xE;
	v10 =	vmul.f32 v14, v13;
	[tilespmem:v1+s26+$0x0] =	vst.idx.add.f32.msk $0xffff, v9;
	v1 =	vmovc v3  }
0xa0: {  	v14 =	vshll.u32 v21, $0x10;
	v21 =	vand.u32 $0xFFFF0000, v21;
	v9 =	vmul.f32 v25, v13;
	v3 =	vmovc v22;
	v15 =	vld.idx.msk [tilespmem:v11+s3+$0x0], $0xffff  }
0xa1: {  	v11 =	vand.u32 $0xFFFF0000, v6;
	v6 =	vmov v16;
	[tilespmem:v12+s22+$0x0] =	vst.idx.add.f32.msk $0xffff, v10;
	v10 =	vshll.u32 v23, $0x10  }
0xa2: {  	v16 =	vshll.u32 v20, $0x10;
	[tilespmem:v12+s23+$0x0] =	vst.idx.add.f32.msk $0xffff, v9;
	v9 =	vmul.f32 v10, v11;
	v10 =	vand.u32 $0xFFFF0000, v23  }
0xa3: {  	v22 =	vshll.u32 v24, $0x10;
	v23 =	vand.u32 $0xFFFF0000, v24;
	v24 =	vld.idx.msk [tilespmem:v17+s24+$0x0], $0xffff;
	v10 =	vmul.f32 v10, v11  }
0xa4: {  	v17 =	vmul.f32 v22, v14;
	v22 =	vmul.f32 v23, v14;
	[tilespmem:v7+s22+$0x0] =	vst.idx.add.f32.msk $0xffff, v9;
	v9 =	vand.u32 $0xFFFF0000, v20  }
0xa5: {  	[tilespmem:v7+s23+$0x0] =	vst.idx.add.f32.msk $0xffff, v10;
	v10 =	vmul.f32 v16, v5;
	v9 =	vmul.f32 v9, v5;
	v5 =	vmov v4  }
.Ltmp3:
0xa6: {  	v16 =	vshll.u32 v15, $0x10;
	v20 =	vand.u32 $0xFFFF0000, v15;
	v4 =	vmov v21;
	v15 =	vld.idx.msk [tilespmem:v18+s24+$0x0], $0xffff;
	(pc) =	sbr.rel @p0 .LBB2_5-.Ltmp3, $4  }
0xa7: {  	v21 =	vmul.f32 v16, v5;
	v16 =	vmul.f32 v20, v5;
	[tilespmem:v8+s22+$0x0] =	vst.idx.add.f32.msk $0xffff, v17  }
0xa8: {  	[tilespmem:v8+s23+$0x0] =	vst.idx.add.f32.msk $0xffff, v22  }
0xa9: {  	v18 =	vshll.u32 v24, $0x10;
	v17 =	vld.idx.msk [tilespmem:v19+s24+$0x0], $0xffff  }
0xaa: {  	s5 =	sadd.s32 $0x20, s5;
	v18 =	vmul.f32 v18, v13;
	v19 =	vand.u32 $0xFFFF0000, v24;
	[tilespmem:v3+s22+$0x0] =	vst.idx.add.f32.msk $0xffff, v21  }
0xab: {  	_ =	sdelay $0x2  }
0xac: {  	v13 =	vmul.f32 v19, v13  }
0xad: {  	[tilespmem:v12+s25+$0x0] =	vst.idx.add.f32.msk $0xffff, v18  }
0xae: {  	[tilespmem:v12+s26+$0x0] =	vst.idx.add.f32.msk $0xffff, v13;
	v12 =	vshll.u32 v17, $0x10  }
0xaf: {  	v13 =	vld [tilespmem:s1+$0x0];
	v17 =	vand.u32 $0xFFFF0000, v17;
	v12 =	vmul.f32 v12, v14  }
0xb0: {  	v14 =	vmul.f32 v17, v14  }
0xb1: {  	[tilespmem:v8+s25+$0x0] =	vst.idx.add.f32.msk $0xffff, v12  }
0xb2: {  	[tilespmem:v8+s26+$0x0] =	vst.idx.add.f32.msk $0xffff, v14  }
0xb3: {  	v8 =	vld [tilespmem:s1+$0xFFFFFFF0]  }
0xb4: {  	v12 =	vand.u32 $0x3FFF, v13;
	_ =	sdelay $0x3  }
0xb5: {  	v14 =	vand.u32 $0x3FFF, v8  }
0xb6: {  	v17 =	vld.idx.msk [tilespmem:v12+s3+$0x0], $0xffff;
	_ =	sdelay $0x2  }
0xb7: {  	v18 =	vshll.u32 v15, $0x10;
	v13 =	vshrl.u32 v13, $0xE  }
0xb8: {  	v18 =	vmul.f32 v18, v11;
	v19 =	vld.idx.msk [tilespmem:v14+s3+$0x0], $0xffff  }
0xb9: {  	v6 =	vand.u32 $0xFFFF0000, v6;
	[tilespmem:v3+s23+$0x0] =	vst.idx.add.f32.msk $0xffff, v16;
	v20 =	vshll.u32 v17, $0x10  }
0xba: {  	[tilespmem:v7+s25+$0x0] =	vst.idx.add.f32.msk $0xffff, v18;
	v17 =	vand.u32 $0xFFFF0000, v17;
	v18 =	vmul.f32 v20, v6  }
0xbb: {  	[tilespmem:v1+s25+$0x0] =	vst.idx.add.f32.msk $0xffff, v10;
	v8 =	vshrl.u32 v8, $0xE;
	v16 =	vmul.f32 v17, v6  }
0xbc: {  	[tilespmem:v13+s22+$0x0] =	vst.idx.add.f32.msk $0xffff, v18  }
0xbd: {  	[tilespmem:v13+s23+$0x0] =	vst.idx.add.f32.msk $0xffff, v16;
	v16 =	vshll.u32 v19, $0x10  }
0xbe: {  	v2 =	vld.idx.msk [tilespmem:v2+s24+$0x0], $0xffff;
	v17 =	vand.u32 $0xFFFF0000, v19;
	v16 =	vmul.f32 v16, v4  }
0xbf: {  	v12 =	vld.idx.msk [tilespmem:v12+s24+$0x0], $0xffff;
	v17 =	vmul.f32 v17, v4  }
0xc0: {  	[tilespmem:v8+s22+$0x0] =	vst.idx.add.f32.msk $0xffff, v16  }
0xc1: {  	[tilespmem:v8+s23+$0x0] =	vst.idx.add.f32.msk $0xffff, v17  }
0xc2: {  	v15 =	vand.u32 $0xFFFF0000, v15;
	v14 =	vld.idx.msk [tilespmem:v14+s24+$0x0], $0xffff  }
0xc3: {  	[tilespmem:v1+s26+$0x0] =	vst.idx.add.f32.msk $0xffff, v9;
	v11 =	vmul.f32 v15, v11;
	v1 =	vshll.u32 v2, $0x10  }
0xc4: {  	v2 =	vand.u32 $0xFFFF0000, v2;
	v1 =	vmul.f32 v1, v5  }
0xc5: {  	[tilespmem:v7+s26+$0x0] =	vst.idx.add.f32.msk $0xffff, v11;
	v2 =	vmul.f32 v2, v5;
	v7 =	vshll.u32 v12, $0x10  }
0xc6: {  	p0 =	seq.s32 s0, $0x4;
	[tilespmem:v3+s25+$0x0] =	vst.idx.add.f32.msk $0xffff, v1;
	v10 =	vand.u32 $0xFFFF0000, v12;
	v7 =	vmul.f32 v7, v6  }
0xc7: {  	s1 =	smul.u32 @!p0 $0x3E80, s0;
	[tilespmem:v3+s26+$0x0] =	vst.idx.add.f32.msk $0xffff, v2;
	v6 =	vmul.f32 v10, v6;
	v5 =	vshll.u32 v14, $0x10  }
0xc8: {  	[tilespmem:v13+s25+$0x0] =	vst.idx.add.f32.msk $0xffff, v7;
	v1 =	vand.u32 $0xFFFF0000, v14;
	v5 =	vmul.f32 v5, v4  }
0xc9: {  	s1 =	sadd.s32 @!p0 s1, s10;
	[tilespmem:v13+s26+$0x0] =	vst.idx.add.f32.msk $0xffff, v6;
	v1 =	vmul.f32 v1, v4  }
0xca: {  	s16 =	simm.s32 @!p0 $0x0;
	s5 =	sshrl.u32 @!p0 s1, $0x3;
	[tilespmem:v8+s25+$0x0] =	vst.idx.add.f32.msk $0xffff, v5  }
0xcb: {  	s17 =	simm.s32 @!p0 $0xF000;
	s1 =	sshrl.u32 @!p0 s1, $0x4;
	s5 =	sadd.s32 @!p0 s2, s5;
	[tilespmem:v8+s26+$0x0] =	vst.idx.add.f32.msk $0xffff, v1  }
0xcc: {  	[tilespmem:s17], [sflag:$0x2] =	stream.linear.gather @!p0 [hbm4b:s5+s16], $0x1F40, $0x38;
	[tilespmem:$0x14F00] =	vst v63  }
0xcd: {  	s1 =	sadd.s32 @!p0 s4, s1;
	s5 =	simm.s32 @!p0 $0x12F00  }
0xce: {  	[tilespmem:s5], [sflag:$0x4] =	stream.linear.gather @!p0 [hbm4b:s1+s16], $0xFA0, $0x38;
	[tilespmem:$0x14F00] =	vst v63  }
0xcf: {  	_ =	swait.ge [sflag:s28], $0x1F40  }
0xd0: {  	[sflag:s28] =	ssyncset.done $0x0  }
0xd1: {  	[sflag:s28] =	ssyncadd.s32 $0xFFFFE0C0  }
0xd2: {  	_ =	swait.ge [sflag:s29], $0xFA0  }
0xd3: {  	[sflag:s29] =	ssyncset.done $0x0  }
0xd4: {  	s1 =	simm.s32 $0x11F30;
	[sflag:s29] =	ssyncadd.s32 $0xFFFFF060  }
0xd5: {  	v1 =	vld [tilespmem:s1+$0xFFFFF060];
	_ =	sdelay $0x4  }
0xd6: {  	v2 =	vld [tilespmem:s1+$0xFFFFF050];
	v3 =	vand.u32 $0x3FFF, v1;
	_ =	sdelay $0x2  }
0xd7: {  	s17 =	simm.s32 $0x13F10  }
0xd8: {  	v6 =	vld [tilespmem:s17+$0x0]  }
0xd9: {  	v4 =	vand.u32 $0x3FFF, v2;
	v5 =	vld.idx.msk [tilespmem:v3+s3+$0x0], $0xffff;
	_ =	sdelay $0x2  }
0xda: {  	v1 =	vshrl.u32 v1, $0xE  }
0xdb: {  	v7 =	vld [tilespmem:s17+$0xFFFFFFF0]  }
0xdc: {  	v9 =	vshll.u32 v6, $0x10;
	v8 =	vld.idx.msk [tilespmem:v4+s3+$0x0], $0xffff;
	v10 =	vshll.u32 v5, $0x10  }
0xdd: {  	v5 =	vand.u32 $0xFFFF0000, v5;
	v10 =	vmul.f32 v10, v9  }
0xde: {  	v5 =	vmul.f32 v5, v9  }
0xdf: {  	v2 =	vshrl.u32 v2, $0xE;
	[tilespmem:v1+s22+$0x0] =	vst.idx.add.f32.msk $0xffff, v10  }
0xe0: {  	[tilespmem:v1+s23+$0x0] =	vst.idx.add.f32.msk $0xffff, v5  }
0xe1: {  	v10 =	vshll.u32 v7, $0x10;
	v5 =	vshll.u32 v8, $0x10;
	v3 =	vld.idx.msk [tilespmem:v3+s24+$0x0], $0xffff  }
0xe2: {  	v8 =	vand.u32 $0xFFFF0000, v8;
	v5 =	vmul.f32 v5, v10  }
0xe3: {  	v8 =	vmul.f32 v8, v10  }
0xe4: {  	[tilespmem:v2+s22+$0x0] =	vst.idx.add.f32.msk $0xffff, v5  }
0xe5: {  	s16 =	simm.s32 $0x11F50;
	[tilespmem:v2+s23+$0x0] =	vst.idx.add.f32.msk $0xffff, v8  }
0xe6: {  	v8 =	vld [tilespmem:s16+$0xFFFFF060];
	v5 =	vshll.u32 v3, $0x10  }
0xe7: {  	v4 =	vld.idx.msk [tilespmem:v4+s24+$0x0], $0xffff;
	v3 =	vand.u32 $0xFFFF0000, v3;
	v5 =	vmul.f32 v5, v9  }
0xe8: {  	v3 =	vmul.f32 v3, v9  }
0xe9: {  	[tilespmem:v1+s25+$0x0] =	vst.idx.add.f32.msk $0xffff, v5  }
0xea: {  	[tilespmem:v1+s26+$0x0] =	vst.idx.add.f32.msk $0xffff, v3  }
0xeb: {  	v3 =	vld [tilespmem:s1+$0x0]  }
0xec: {  	v9 =	vand.u32 $0x3FFF, v8;
	v1 =	vshll.u32 v4, $0x10  }
0xed: {  	s17 =	simm.s32 $0x13F30;
	v5 =	vld [tilespmem:s16+$0xFFFFF050];
	v4 =	vand.u32 $0xFFFF0000, v4;
	v1 =	vmul.f32 v1, v10  }
0xee: {  	v11 =	vld [tilespmem:s17+$0x0];
	v4 =	vmul.f32 v4, v10  }
0xef: {  	[tilespmem:v2+s25+$0x0] =	vst.idx.add.f32.msk $0xffff, v1  }
0xf0: {  	[tilespmem:v2+s26+$0x0] =	vst.idx.add.f32.msk $0xffff, v4;
	v2 =	vand.u32 $0x3FFF, v3  }
0xf1: {  	v4 =	vld.idx.msk [tilespmem:v9+s3+$0x0], $0xffff  }
0xf2: {  	v10 =	vand.u32 $0x3FFF, v5;
	v1 =	vld [tilespmem:s1+$0xFFFFFFF0];
	_ =	sdelay $0x1  }
0xf3: {  	v8 =	vshrl.u32 v8, $0xE  }
0xf4: {  	v12 =	vld.idx.msk [tilespmem:v2+s3+$0x0], $0xffff  }
0xf5: {  	v15 =	vld [tilespmem:s17+$0xFFFFFFF0];
	v16 =	vshll.u32 v11, $0x10;
	v17 =	vshll.u32 v4, $0x10  }
0xf6: {  	v14 =	vld.idx.msk [tilespmem:v10+s3+$0x0], $0xffff;
	v4 =	vand.u32 $0xFFFF0000, v4;
	v13 =	vand.u32 $0x3FFF, v1;
	v17 =	vmul.f32 v17, v16  }
0xf7: {  	v3 =	vshrl.u32 v3, $0xE;
	v4 =	vmul.f32 v4, v16  }
0xf8: {  	[tilespmem:v8+s22+$0x0] =	vst.idx.add.f32.msk $0xffff, v17  }
0xf9: {  	v6 =	vand.u32 $0xFFFF0000, v6;
	v5 =	vshrl.u32 v5, $0xE;
	[tilespmem:v8+s23+$0x0] =	vst.idx.add.f32.msk $0xffff, v4;
	v17 =	vshll.u32 v12, $0x10  }
0xfa: {  	v9 =	vld.idx.msk [tilespmem:v9+s24+$0x0], $0xffff;
	v12 =	vand.u32 $0xFFFF0000, v12;
	v4 =	vmul.f32 v17, v6  }
0xfb: {  	v19 =	vshll.u32 v14, $0x10;
	v18 =	vld.idx.msk [tilespmem:v13+s3+$0x0], $0xffff;
	v17 =	vshll.u32 v15, $0x10;
	v12 =	vmul.f32 v12, v6  }
0xfc: {  	v19 =	vmul.f32 v19, v17;
	[tilespmem:v3+s22+$0x0] =	vst.idx.add.f32.msk $0xffff, v4  }
0xfd: {  	v14 =	vand.u32 $0xFFFF0000, v14;
	[tilespmem:v3+s23+$0x0] =	vst.idx.add.f32.msk $0xffff, v12  }
0xfe: {  	s1 =	simm.s32 $0x11F70;
	v4 =	vmul.f32 v14, v17;
	[tilespmem:v5+s22+$0x0] =	vst.idx.add.f32.msk $0xffff, v19  }
0xff: {  	v1 =	vshrl.u32 v1, $0xE;
	v12 =	vld [tilespmem:s1+$0xFFFFF060]  }
0x100: {  	[tilespmem:v5+s23+$0x0] =	vst.idx.add.f32.msk $0xffff, v4  }
0x101: {  	v19 =	vand.u32 $0xFFFF0000, v7;
	v4 =	vshll.u32 v18, $0x10;
	v7 =	vld.idx.msk [tilespmem:v10+s24+$0x0], $0xffff  }
0x102: {  	v4 =	vmul.f32 v4, v19;
	v10 =	vshll.u32 v9, $0x10  }
0x103: {  	v2 =	vld.idx.msk [tilespmem:v2+s24+$0x0], $0xffff;
	v9 =	vand.u32 $0xFFFF0000, v9;
	v10 =	vmul.f32 v10, v16  }
0x104: {  	[tilespmem:v1+s22+$0x0] =	vst.idx.add.f32.msk $0xffff, v4;
	v4 =	vmul.f32 v9, v16  }
0x105: {  	[tilespmem:v8+s25+$0x0] =	vst.idx.add.f32.msk $0xffff, v10;
	v10 =	vand.u32 $0x3FFF, v12  }
0x106: {  	[tilespmem:v8+s26+$0x0] =	vst.idx.add.f32.msk $0xffff, v4;
	v4 =	vshll.u32 v7, $0x10  }
0x107: {  	v9 =	vld [tilespmem:s1+$0xFFFFF050];
	v4 =	vmul.f32 v4, v17  }
0x108: {  	v8 =	vld [tilespmem:s16+$0x0];
	v7 =	vand.u32 $0xFFFF0000, v7  }
0x109: {  	v14 =	vshll.u32 v2, $0x10;
	v2 =	vand.u32 $0xFFFF0000, v2;
	v7 =	vmul.f32 v7, v17;
	[tilespmem:v5+s25+$0x0] =	vst.idx.add.f32.msk $0xffff, v4  }
0x10a: {  	v2 =	vmul.f32 v2, v6;
	v4 =	vmul.f32 v14, v6;
	v6 =	vld.idx.msk [tilespmem:v10+s3+$0x0], $0xffff  }
0x10b: {  	[tilespmem:v5+s26+$0x0] =	vst.idx.add.f32.msk $0xffff, v7  }
0x10c: {  	v5 =	vld [tilespmem:s16+$0xFFFFFFF0]  }
0x10d: {  	[tilespmem:v3+s25+$0x0] =	vst.idx.add.f32.msk $0xffff, v4;
	v16 =	vand.u32 $0x3FFF, v8;
	v4 =	vand.u32 $0xFFFF0000, v18;
	s16 =	simm.s32 $0x13F50  }
0x10e: {  	v7 =	vmul.f32 v4, v19;
	v4 =	vld [tilespmem:s16+$0x0]  }
0x10f: {  	v17 =	vand.u32 $0x3FFF, v9;
	[tilespmem:v3+s26+$0x0] =	vst.idx.add.f32.msk $0xffff, v2  }
0x110: {  	v18 =	vld [tilespmem:s16+$0xFFFFFFF0]  }
0x111: {  	v12 =	vshrl.u32 v12, $0xE;
	[tilespmem:v1+s23+$0x0] =	vst.idx.add.f32.msk $0xffff, v7  }
0x112: {  	v2 =	vand.u32 $0x3FFF, v5;
	v3 =	vld.idx.msk [tilespmem:v16+s3+$0x0], $0xffff  }
0x113: {  	v7 =	vshll.u32 v6, $0x10;
	v20 =	vld.idx.msk [tilespmem:v13+s24+$0x0], $0xffff;
	v13 =	vshll.u32 v4, $0x10  }
0x114: {  	v21 =	vld.idx.msk [tilespmem:v17+s3+$0x0], $0xffff;
	v14 =	vmul.f32 v7, v13  }
0x115: {  	v6 =	vand.u32 $0xFFFF0000, v6;
	v7 =	vshrl.u32 v8, $0xE  }
0x116: {  	v6 =	vmul.f32 v6, v13;
	[tilespmem:v12+s22+$0x0] =	vst.idx.add.f32.msk $0xffff, v14  }
0x117: {  	v11 =	vand.u32 $0xFFFF0000, v11;
	v8 =	vshrl.u32 v9, $0xE;
	v22 =	vld.idx.msk [tilespmem:v2+s3+$0x0], $0xffff;
	v14 =	vshll.u32 v3, $0x10  }
0x118: {  	[tilespmem:v12+s23+$0x0] =	vst.idx.add.f32.msk $0xffff, v6;
	v3 =	vand.u32 $0xFFFF0000, v3;
	v6 =	vmul.f32 v14, v11  }
0x119: {  	v23 =	vld.idx.msk [tilespmem:v10+s24+$0x0], $0xffff;
	v9 =	vmul.f32 v3, v11;
	v14 =	vshll.u32 v18, $0x10;
	v10 =	vshll.u32 v21, $0x10  }
0x11a: {  	v10 =	vmul.f32 v10, v14;
	[tilespmem:v7+s22+$0x0] =	vst.idx.add.f32.msk $0xffff, v6  }
0x11b: {  	v3 =	vshrl.u32 v5, $0xE;
	v6 =	vand.u32 $0xFFFF0000, v21;
	[tilespmem:v7+s23+$0x0] =	vst.idx.add.f32.msk $0xffff, v9  }
0x11c: {  	v5 =	vand.u32 $0xFFFF0000, v15;
	v9 =	vmul.f32 v6, v14;
	[tilespmem:v8+s22+$0x0] =	vst.idx.add.f32.msk $0xffff, v10  }
0x11d: {  	v6 =	vand.u32 $0xFFFF0000, v18;
	v15 =	vld.idx.msk [tilespmem:v16+s24+$0x0], $0xffff;
	v16 =	vshll.u32 v20, $0x10;
	v18 =	vshll.u32 v22, $0x10  }
0x11e: {  	v20 =	vand.u32 $0xFFFF0000, v20;
	v10 =	vmul.f32 v16, v19;
	v63 =	vmul.f32 v18, v5;
	[tilespmem:v8+s23+$0x0] =	vst.idx.add.f32.msk $0xffff, v9  }
0x11f: {  	v9 =	vmul.f32 v20, v19;
	v16 =	vand.u32 $0xFFFF0000, v22;
	v18 =	vshll.u32 v23, $0x10;
	v17 =	vld.idx.msk [tilespmem:v17+s24+$0x0], $0xffff  }
0x120: {  	s5 =	simm.s32 $0x11F90;
	s17 =	simm.s32 $0x4;
	v19 =	vand.u32 $0xFFFF0000, v23;
	v16 =	vmul.f32 v16, v5;
	v18 =	vmul.f32 v18, v13;
	[tilespmem:v3+s22+$0x0] =	vst.idx.add.f32.msk $0xffff, v63  }
.LBB2_7:
0x121: {  	v20 =	vld [tilespmem:s5+$0xFFFFF060];
	v13 =	vmul.f32 v19, v13  }
0x122: {  	[tilespmem:v12+s25+$0x0] =	vst.idx.add.f32.msk $0xffff, v18;
	v18 =	vshll.u32 v15, $0x10  }
0x123: {  	[tilespmem:v12+s26+$0x0] =	vst.idx.add.f32.msk $0xffff, v13;
	v12 =	vmul.f32 v18, v11;
	v13 =	vand.u32 $0xFFFF0000, v15  }
0x124: {  	v15 =	vld [tilespmem:s1+$0x0];
	v11 =	vmul.f32 v13, v11  }
0x125: {  	v13 =	vshll.u32 v17, $0x10;
	v17 =	vand.u32 $0xFFFF0000, v17;
	[tilespmem:v7+s25+$0x0] =	vst.idx.add.f32.msk $0xffff, v12  }
0x126: {  	v12 =	vmul.f32 v13, v14;
	v13 =	vmul.f32 v17, v14;
	[tilespmem:v7+s26+$0x0] =	vst.idx.add.f32.msk $0xffff, v11  }
0x127: {  	s17 =	sadd.s32 $0x2, s17;
	v17 =	vand.u32 $0x3FFF, v20;
	v7 =	vld [tilespmem:s5+$0xFFFFF050]  }
0x128: {  	p1 =	slt.u32 s17, $0xF8;
	[tilespmem:v8+s25+$0x0] =	vst.idx.add.f32.msk $0xffff, v12  }
0x129: {  	[tilespmem:v8+s26+$0x0] =	vst.idx.add.f32.msk $0xffff, v13  }
0x12a: {  	v18 =	vand.u32 $0x3FFF, v15;
	v11 =	vld [tilespmem:s1+$0xFFFFFFF0];
	s1 =	smov.u32 s5  }
0x12b: {  	[tilespmem:v3+s23+$0x0] =	vst.idx.add.f32.msk $0xffff, v16  }
0x12c: {  	s16 =	sadd.s32 $0x20, s16;
	v8 =	vshrl.u32 v7, $0xE;
	v19 =	vand.u32 $0x3FFF, v7;
	v7 =	vld.idx.msk [tilespmem:v17+s3+$0x0], $0xffff  }
0x12d: {  	v16 =	vld [tilespmem:s16+$0x0]  }
0x12e: {  	v21 =	vld [tilespmem:s16+$0xFFFFFFF0]  }
0x12f: {  	v22 =	vshrl.u32 v11, $0xE;
	v11 =	vand.u32 $0x3FFF, v11;
	v23 =	vld.idx.msk [tilespmem:v18+s3+$0x0], $0xffff  }
0x130: {  	v12 =	vshrl.u32 v20, $0xE;
	v20 =	vld.idx.msk [tilespmem:v2+s24+$0x0], $0xffff;
	v2 =	vmov v11  }
0x131: {  	v24 =	vld.idx.msk [tilespmem:v19+s3+$0x0], $0xffff  }
0x132: {  	v14 =	vshll.u32 v7, $0x10;
	v13 =	vshll.u32 v16, $0x10;
	[tilespmem:v1+s25+$0x0] =	vst.idx.add.f32.msk $0xffff, v10  }
0x133: {  	v25 =	vand.u32 $0xFFFF0000, v7;
	v7 =	vshrl.u32 v15, $0xE;
	v10 =	vmul.f32 v14, v13;
	[tilespmem:v1+s26+$0x0] =	vst.idx.add.f32.msk $0xffff, v9;
	v1 =	vmovc v3  }
0x134: {  	v14 =	vshll.u32 v21, $0x10;
	v21 =	vand.u32 $0xFFFF0000, v21;
	v9 =	vmul.f32 v25, v13;
	v3 =	vmovc v22;
	v15 =	vld.idx.msk [tilespmem:v11+s3+$0x0], $0xffff  }
0x135: {  	v11 =	vand.u32 $0xFFFF0000, v4;
	v4 =	vmov v16;
	[tilespmem:v12+s22+$0x0] =	vst.idx.add.f32.msk $0xffff, v10;
	v10 =	vshll.u32 v23, $0x10  }
0x136: {  	v16 =	vshll.u32 v20, $0x10;
	[tilespmem:v12+s23+$0x0] =	vst.idx.add.f32.msk $0xffff, v9;
	v9 =	vmul.f32 v10, v11;
	v10 =	vand.u32 $0xFFFF0000, v23  }
0x137: {  	v22 =	vshll.u32 v24, $0x10;
	v23 =	vand.u32 $0xFFFF0000, v24;
	v24 =	vld.idx.msk [tilespmem:v17+s24+$0x0], $0xffff;
	v10 =	vmul.f32 v10, v11  }
0x138: {  	v17 =	vmul.f32 v22, v14;
	v22 =	vmul.f32 v23, v14;
	[tilespmem:v7+s22+$0x0] =	vst.idx.add.f32.msk $0xffff, v9;
	v9 =	vand.u32 $0xFFFF0000, v20  }
0x139: {  	[tilespmem:v7+s23+$0x0] =	vst.idx.add.f32.msk $0xffff, v10;
	v10 =	vmul.f32 v16, v5;
	v9 =	vmul.f32 v9, v5;
	v5 =	vmov v6  }
.Ltmp4:
0x13a: {  	v16 =	vshll.u32 v15, $0x10;
	v20 =	vand.u32 $0xFFFF0000, v15;
	v6 =	vmov v21;
	v15 =	vld.idx.msk [tilespmem:v18+s24+$0x0], $0xffff;
	(pc) =	sbr.rel @p1 .LBB2_7-.Ltmp4, $4  }
0x13b: {  	v21 =	vmul.f32 v16, v5;
	v16 =	vmul.f32 v20, v5;
	[tilespmem:v8+s22+$0x0] =	vst.idx.add.f32.msk $0xffff, v17  }
0x13c: {  	[tilespmem:v8+s23+$0x0] =	vst.idx.add.f32.msk $0xffff, v22  }
0x13d: {  	v18 =	vshll.u32 v24, $0x10;
	v17 =	vld.idx.msk [tilespmem:v19+s24+$0x0], $0xffff  }
0x13e: {  	s5 =	sadd.s32 $0x20, s5;
	v18 =	vmul.f32 v18, v13;
	v19 =	vand.u32 $0xFFFF0000, v24;
	[tilespmem:v3+s22+$0x0] =	vst.idx.add.f32.msk $0xffff, v21  }
0x13f: {  	_ =	sdelay $0x2  }
0x140: {  	v13 =	vmul.f32 v19, v13  }
0x141: {  	[tilespmem:v12+s25+$0x0] =	vst.idx.add.f32.msk $0xffff, v18;
	v47 =	vshll.u32 v17, $0x10  }
0x142: {  	[tilespmem:v12+s26+$0x0] =	vst.idx.add.f32.msk $0xffff, v13;
	v48 =	vand.u32 $0xFFFF0000, v17;
	v12 =	vmul.f32 v47, v14  }
0x143: {  	v13 =	vld [tilespmem:s1+$0x0];
	v49 =	vmul.f32 v48, v14  }
0x144: {  	[tilespmem:v8+s25+$0x0] =	vst.idx.add.f32.msk $0xffff, v12  }
0x145: {  	[tilespmem:v8+s26+$0x0] =	vst.idx.add.f32.msk $0xffff, v49  }
0x146: {  	v8 =	vld [tilespmem:s1+$0xFFFFFFF0];
	_ =	sdelay $0x1  }
0x147: {  	v50 =	vand.u32 $0x3FFF, v13;
	_ =	sdelay $0x2  }
0x148: {  	v51 =	vand.u32 $0x3FFF, v8;
	_ =	sdelay $0x1  }
0x149: {  	v52 =	vld.idx.msk [tilespmem:v50+s3+$0x0], $0xffff;
	_ =	sdelay $0x2  }
0x14a: {  	v13 =	vshrl.u32 v13, $0xE;
	v54 =	vld.idx.msk [tilespmem:v51+s3+$0x0], $0xffff;
	_ =	sdelay $0x1  }
0x14b: {  	v4 =	vand.u32 $0xFFFF0000, v4;
	[tilespmem:v3+s23+$0x0] =	vst.idx.add.f32.msk $0xffff, v16;
	v20 =	vshll.u32 v52, $0x10  }
0x14c: {  	[tilespmem:v1+s25+$0x0] =	vst.idx.add.f32.msk $0xffff, v10;
	v8 =	vshrl.u32 v8, $0xE;
	v17 =	vand.u32 $0xFFFF0000, v52;
	v55 =	vmul.f32 v20, v4  }
0x14d: {  	v2 =	vld.idx.msk [tilespmem:v2+s24+$0x0], $0xffff;
	v56 =	vmul.f32 v17, v4  }
0x14e: {  	[tilespmem:v13+s22+$0x0] =	vst.idx.add.f32.msk $0xffff, v55;
	v57 =	vshll.u32 v54, $0x10  }
0x14f: {  	[tilespmem:v13+s23+$0x0] =	vst.idx.add.f32.msk $0xffff, v56;
	v58 =	vand.u32 $0xFFFF0000, v54;
	v16 =	vmul.f32 v57, v6  }
0x150: {  	v12 =	vld.idx.msk [tilespmem:v50+s24+$0x0], $0xffff;
	v17 =	vmul.f32 v58, v6  }
0x151: {  	[tilespmem:v8+s22+$0x0] =	vst.idx.add.f32.msk $0xffff, v16  }
0x152: {  	v53 =	vshll.u32 v15, $0x10;
	[tilespmem:v8+s23+$0x0] =	vst.idx.add.f32.msk $0xffff, v17  }
0x153: {  	v59 =	vand.u32 $0xFFFF0000, v15;
	v18 =	vmul.f32 v53, v11;
	v14 =	vld.idx.msk [tilespmem:v51+s24+$0x0], $0xffff  }
0x154: {  	v60 =	vmul.f32 v59, v11;
	[tilespmem:v1+s26+$0x0] =	vst.idx.add.f32.msk $0xffff, v9;
	v1 =	vshll.u32 v2, $0x10  }
0x155: {  	[tilespmem:v7+s25+$0x0] =	vst.idx.add.f32.msk $0xffff, v18;
	v1 =	vmul.f32 v1, v5;
	v61 =	vshll.u32 v12, $0x10  }
0x156: {  	[tilespmem:v7+s26+$0x0] =	vst.idx.add.f32.msk $0xffff, v60;
	v62 =	vand.u32 $0xFFFF0000, v12;
	v7 =	vmul.f32 v61, v4  }
0x157: {  	v2 =	vand.u32 $0xFFFF0000, v2;
	[tilespmem:v3+s25+$0x0] =	vst.idx.add.f32.msk $0xffff, v1;
	v4 =	vmul.f32 v62, v4  }
.Ltmp5:
0x158: {  	v2 =	vmul.f32 v2, v5;
	[tilespmem:v13+s25+$0x0] =	vst.idx.add.f32.msk $0xffff, v7;
	v63 =	vshll.u32 v14, $0x10;
	(pc) =	sbr.rel @p0 .LBB2_10-.Ltmp5, $4  }
0x159: {  	[tilespmem:v13+s26+$0x0] =	vst.idx.add.f32.msk $0xffff, v4;
	v1 =	vand.u32 $0xFFFF0000, v14;
	v4 =	vmul.f32 v63, v6  }
0x15a: {  	[tilespmem:v3+s26+$0x0] =	vst.idx.add.f32.msk $0xffff, v2;
	v1 =	vmul.f32 v1, v6  }
0x15b: {  	[tilespmem:v8+s25+$0x0] =	vst.idx.add.f32.msk $0xffff, v4  }
0x15c: {  	[tilespmem:v8+s26+$0x0] =	vst.idx.add.f32.msk $0xffff, v1  }
0x15d: {  	s1 =	smul.u32 $0x3E80, s0;
	_ =	sdelay $0x1  }
0x15e: {  	s1 =	sadd.s32 s1, s11  }
.Ltmp6:
0x15f: {  	s5 =	sshrl.u32 s1, $0x3;
	(pc) =	sbr.rel .LBB2_4-.Ltmp6, $4  }
0x160: {  	s1 =	sshrl.u32 s1, $0x4;
	s5 =	sadd.s32 s2, s5  }
0x161: {  	[tilespmem:s18], [sflag:$0x3] =	stream.linear.gather [hbm4b:s5+s3], $0x1F40, $0x38;
	[tilespmem:$0x14F00] =	vst v63  }
0x162: {  	s0 =	sadd.s32 $0x1, s0;
	s1 =	sadd.s32 s4, s1  }
0x163: {  	[tilespmem:s19], [sflag:$0x5] =	stream.linear.gather [hbm4b:s1+s3], $0xFA0, $0x38;
	[tilespmem:$0x14F00] =	vst v63  }
.LBB2_11:
0x164: {  	_ =	sfence.sel $0x180000  }
0x165: {  	[bflag:$0x0] =	sbarrier.arrive $0xFFFF  }
0x166: {  	_ =	strace $0x90000050  }
0x167: {  	s0 =	stileid.u32;
	[bflag:$0x2] =	sbarrier.arrive $0xFFFF  }
0x168: {  	p0 =	sne.s32 s0, $0x0;
	s0 =	rddreg [dreg:$0x2]  }
0x169: {  	s0 =	sadd.s32 @!p0 $0x100000, s0  }
0x16a: {  	[sflag:s0] =	ssyncadd.tile.s32 @!p0 $0x1;
	_ =	shalt  }
.Lfunc_end2:
_tile_overlayer_lowered:
.L_overlay_start_2:
0x16b: {  	(tag) =	ssettag $0x2  }
0x16c: {  	s0 =	rddreg [dreg:$0x0];
	s2 =	stileid.u32  }
0x16d: {  	s1 =	rddreg [dreg:$0x1];
	p0 =	sne.s32 s2, $0x0  }
0x16e: {  	s3 =	rddreg [dreg:$0x2];
	[bflag:$0x3] =	sbarrier.arrive $0xFFFF;
	s2 =	simm.s32 @!p0 $0x1C06  }
0x16f: {  	[timem:s3], [sflag:s2] =	dma.local @!p0 [hbm:s0], s1  }
0x170: {  	s0 =	simm.s32 @!p0 $0x6  }
0x171: {  	_ =	swait.ge @!p0 [sflag:s0], s1  }
0x172: {  	s1 =	ssub.s32 @!p0 $0x0, s1;
	[sflag:s0] =	ssyncset.done @!p0 $0x0  }
0x173: {  	[sflag:s0] =	ssyncadd.s32 @!p0 s1  }
0x174: {  	[bflag:$0x3] =	sbarrier.arrive $0xFFFF  }
0x175: {  	_ =	shalt  }

</sc_bundles>
